<compile_context>
chip_gen: v7x
topology: tpu7x:2x2x1
jax: 0.10.2.dev20260603
libtpu: 0.0.44.dev20260713+nightly
codegen_flags: <defaults>
</compile_context>

<pallas_src>
import functools

import jax
import jax.numpy as jnp
import numpy as np
from jax import lax
from jax.experimental import pallas as pl
from jax.experimental.pallas import tpu as pltpu
from jax.experimental.pallas import tpu_sc as plsc

N = 10000
E = 320000
C = 128
H = C // 2
T = 2
NS = 16
NC = 2
B = 128
EPT = 20480
NB = EPT // B
E_PAD = NS * EPT
ROWS = 20096
RPT = ROWS // NS
XROWS = 10240
XPT = XROWS // NS


NPH = 32
PB = NB // NPH
CB = 2 * B


def _sc_segment_sum(xr, gix_r, six_r):
    mesh = plsc.VectorSubcoreMesh(core_axis_name="c", subcore_axis_name="s",
                                  num_cores=NC, num_subcores=NS)

    @functools.partial(
        pl.kernel,
        mesh=mesh,
        out_type=jax.ShapeDtypeStruct((NC, ROWS, H), jnp.float32),
        scratch_types=[
            pltpu.VMEM((PB, B), jnp.int32),
            pltpu.VMEM((PB, B), jnp.int32),
            pltpu.VMEM((B, H), jnp.float32),
            pltpu.VMEM_SHARED((ROWS, H), jnp.float32),
            pltpu.VMEM_SHARED((XROWS, H), jnp.float32),
            pltpu.SemaphoreType.DMA,
        ],
        compiler_params=pltpu.CompilerParams(use_tc_tiling_on_sc=False),
    )
    def body(xr_h, gix_h, six_h, out_h, gix_v, six_v, f2,
             agg_s, xs_s, sem_g):
        c = lax.axis_index("c")
        s = lax.axis_index("s")

        def xbody(k, _):
            start = jnp.minimum(s * XPT + k * B, N - B)
            pltpu.sync_copy(xr_h.at[pl.ds(c * N + start, B)], f2)
            pltpu.sync_copy(f2, xs_s.at[pl.ds(start, B)])
            return 0

        lax.fori_loop(0, XPT // B, xbody, 0)

        z16 = jnp.zeros((16,), jnp.float32)

        def zvbody(i, _):
            for l in range(H // 16):
                f2[i, pl.ds(l * 16, 16)] = z16
            return 0

        lax.fori_loop(0, B, zvbody, 0)

        zbase = s * RPT

        def zdbody(k, _):
            start = zbase + jnp.minimum(k * B, RPT - B)
            pltpu.sync_copy(f2, agg_s.at[pl.ds(start, B)])
            return 0

        lax.fori_loop(0, (RPT + B - 1) // B, zdbody, 0)

        plsc.subcore_barrier()

        def mainbody(j, _):
            pltpu.async_copy(xs_s.at[gix_v.at[j]], f2, sem_g).wait()
            pltpu.sync_copy(f2, agg_s.at[six_v.at[j]], add=True)
            return 0

        for ph in range(NPH):
            pltpu.sync_copy(gix_h.at[s, pl.ds(ph * PB, PB)], gix_v)
            pltpu.sync_copy(six_h.at[s, pl.ds(ph * PB, PB)], six_v)
            lax.fori_loop(0, PB, mainbody, 0)

        plsc.subcore_barrier()

        def obody(k, _):
            start = zbase + jnp.minimum(k * CB, RPT - CB)
            pltpu.sync_copy(agg_s.at[pl.ds(start, CB)],
                            out_h.at[c, pl.ds(start, CB)])
            return 0

        lax.fori_loop(0, (RPT + CB - 1) // CB, obody, 0)

    return body(xr, gix_r, six_r)


def _tc_dense(x, agg, weight, rw, bias):
    BLK = 1000
    nbk = N // BLK

    def body(x_b, a00, a01, a10, a11, w, rw_b, b_b, o):
        acc = jnp.dot(x_b[...], rw_b[...], preferred_element_type=jnp.float32)
        acc += jnp.dot(a00[0], w[0, :H, :], preferred_element_type=jnp.float32)
        acc += jnp.dot(a10[0], w[0, H:, :], preferred_element_type=jnp.float32)
        acc += jnp.dot(a01[0], w[1, :H, :], preferred_element_type=jnp.float32)
        acc += jnp.dot(a11[0], w[1, H:, :], preferred_element_type=jnp.float32)
        o[...] = acc + b_b[...]

    def agg_spec(t, h):
        return pl.BlockSpec((1, BLK, H),
                            lambda i, _t=t, _h=h: (_h, i + _t * nbk, 0))

    return pl.pallas_call(
        body,
        grid=(nbk,),
        in_specs=[
            pl.BlockSpec((BLK, C), lambda i: (i, 0)),
            agg_spec(0, 0),
            agg_spec(1, 0),
            agg_spec(0, 1),
            agg_spec(1, 1),
            pl.BlockSpec((T, C, C), lambda i: (0, 0, 0)),
            pl.BlockSpec((C, C), lambda i: (0, 0)),
            pl.BlockSpec((1, C), lambda i: (0, 0)),
        ],
        out_specs=pl.BlockSpec((BLK, C), lambda i: (i, 0)),
        out_shape=jax.ShapeDtypeStruct((N, C), jnp.float32),
    )(x, agg, agg, agg, agg, weight, rw, bias)


@jax.jit
def kernel(x, edge_index, edge_type, weight, root_w, root_b):
    src = edge_index[0]
    dst = edge_index[1]

    xr = jnp.concatenate([x[:, :H], x[:, H:]], axis=0)
    pad = E_PAD - E
    gix_r = jnp.concatenate([src, jnp.zeros((pad,), jnp.int32)]).reshape(
        NS, NB, B)
    six = edge_type * N + dst
    trash = T * N + jnp.arange(pad, dtype=jnp.int32) % (ROWS - T * N)
    six_r = jnp.concatenate([six, trash]).reshape(NS, NB, B)

    agg = _sc_segment_sum(xr, gix_r, six_r)
    return _tc_dense(x, agg, weight, root_w.T, root_b.reshape(1, C))

# --- scband reference (transcript-rebuilt; emitter-appended) ---
"""Pipeline reference for scband-sheaf-conv-14336600834347 (READ-ONLY COPY).

The authoritative reference and input builder live on the scoring server;
editing this copy changes nothing except your own understanding.
"""

import jax, jax.numpy as jnp
import numpy as np

N = 10000
E = 320000
C_IN = 128
C_OUT = 128
T = 2


def setup_inputs(seed: int = 0) -> dict:
    key = jax.random.key(seed)
    k1, k2, k3, k4, k5, k6 = jax.random.split(key, 6)
    x = jax.random.normal(k1, (N, C_IN), dtype=jnp.float32)
    edge_index = jax.random.randint(k2, (2, E), 0, N, dtype=jnp.int32)
    edge_type = jax.random.randint(k3, (E,), 0, T, dtype=jnp.int32)
    # xavier_uniform on [T, C_IN, C_OUT]: torch fan_in = C_IN*C_OUT, fan_out = T*C_OUT
    fan_in = C_IN * C_OUT
    fan_out = T * C_OUT
    limit = float(np.sqrt(6.0 / (fan_in + fan_out)))
    weight = jax.random.uniform(k4, (T, C_IN, C_OUT), dtype=jnp.float32, minval=-limit, maxval=limit)
    # nn.Linear default init
    bound = float(1.0 / np.sqrt(C_IN))
    root_w = jax.random.uniform(k5, (C_OUT, C_IN), dtype=jnp.float32, minval=-bound, maxval=bound)
    root_b = jax.random.uniform(k6, (C_OUT,), dtype=jnp.float32, minval=-bound, maxval=bound)
    return {"x": x, "edge_index": edge_index, "edge_type": edge_type,
            "weight": weight, "root_w": root_w, "root_b": root_b}


def reference(x, edge_index, edge_type, weight, root_w, root_b):
    num_nodes = x.shape[0]
    src = edge_index[0]
    dst = edge_index[1]
    x_src = jnp.take(x, src, axis=0)  # gather [E, C_IN]
    # messages[e] = x_src[e] @ weight[edge_type[e]]
    # computed as per-type matmul + one-hot select, mathematically identical to
    # gathering W[edge_type] ([E, C_IN, C_OUT]) and bmm, but avoids the 21GB
    # intermediate so it runs on CPU.
    msgs_t = jnp.einsum('ei,tio->teo', x_src, weight)  # [T, E, C_OUT]
    onehot = jax.nn.one_hot(edge_type, weight.shape[0], dtype=x.dtype)  # [E, T]
    messages = jnp.einsum('et,teo->eo', onehot, msgs_t)  # [E, C_OUT]
    out = jnp.zeros((num_nodes, weight.shape[2]), dtype=x.dtype).at[dst].add(messages)
    out = out + x @ root_w.T + root_b
    return out

if __name__ == "__main__":
    import jax
    _d = setup_inputs()
    print(jax.jit(kernel)(*tuple(_d.values())))

</pallas_src>

<mosaic_0001>
#map = affine_map<(d0, d1) -> (0, 0)>
#map1 = affine_map<(d0, d1) -> (0, 0, 0)>
module attributes {stable_mosaic.version = 14 : i64} {
  func.func @body(%arg0: i32, %arg1: i32, %arg2: memref<20000x64xf32, #tpu.memory_space<hbm>>, %arg3: memref<16x160x128xi32, #tpu.memory_space<hbm>>, %arg4: memref<16x160x128xi32, #tpu.memory_space<hbm>>, %arg5: memref<2x20096x64xf32, #tpu.memory_space<hbm>>, %arg6: memref<5x128xi32, #tpu.memory_space<vmem>>, %arg7: memref<5x128xi32, #tpu.memory_space<vmem>>, %arg8: memref<128x64xf32, #tpu.memory_space<vmem>>, %arg9: memref<20096x64xf32, #tpu.memory_space<vmem_shared>>, %arg10: memref<10240x64xf32, #tpu.memory_space<vmem_shared>>, %arg11: memref<!tpu.dma_semaphore, #tpu.memory_space<semaphore_mem>>) attributes {dimension_semantics = [#tpu.dimension_semantics<core_parallel>, #tpu.dimension_semantics<subcore_parallel>], iteration_bounds = array<i64: 2, 16>, scalar_prefetch = 0 : i64, scratch_operands = 6 : i64, tpu.core_type = #tpu.core_type<sc_vector_subcore>, window_params = [{transform_indices = #map}, {transform_indices = #map1}, {transform_indices = #map1}, {transform_indices = #map1}]} {
    %scan3A = arith.constant 0 : i32
    %scan3A_0 = arith.constant 0 : i32
    %scan3A_1 = arith.constant 5 : i32
    %scan3A_2 = arith.addi %scan3A_0, %scan3A_1 : i32
    %scan3A_3 = arith.constant 1 : i32
    %scan3A_4 = scf.for %scan3A_254 = %scan3A_0 to %scan3A_2 step %scan3A_3 iter_args(%scan3A_255 = %scan3A) -> (i32)  : i32 {
      %mul3A_256 = arith.constant 640 : i32
      %mul3A_257 = arith.muli %arg1, %mul3A_256 : i32
      %mul3A_258 = arith.constant 128 : i32
      %mul3A_259 = arith.muli %scan3A_254, %mul3A_258 : i32
      %add3A = arith.addi %mul3A_257, %mul3A_259 : i32
      %min3A = arith.constant 9872 : i32
      %min3A_260 = arith.minsi %add3A, %min3A : i32
      %mul3A_261 = arith.constant 10000 : i32
      %mul3A_262 = arith.muli %arg0, %mul3A_261 : i32
      %add3A_263 = arith.addi %mul3A_262, %min3A_260 : i32
      "tpu.region"() ({
        %run_scoped3A = tpu.sem_alloc : memref<!tpu.dma_semaphore, #tpu.memory_space<semaphore_mem>>
        %dma_start3A = arith.constant 0 : i32
        %dma_start3A_265 = tpu.memref_slice %arg2[%add3A_263, %dma_start3A] : memref<20000x64xf32, #tpu.memory_space<hbm>> -> memref<128x64xf32, #tpu.memory_space<hbm>>
        %dma_start3A_266 = arith.constant 0 : i32
        %dma_start3A_267 = tpu.memref_slice %arg2[%add3A_263, %dma_start3A_266] : memref<20000x64xf32, #tpu.memory_space<hbm>> -> memref<128x64xf32, #tpu.memory_space<hbm>>
        tpu.enqueue_dma source(%dma_start3A_267 : memref<128x64xf32, #tpu.memory_space<hbm>>) target(%arg8 : memref<128x64xf32, #tpu.memory_space<vmem>>) target_semaphore(%run_scoped3A : memref<!tpu.dma_semaphore, #tpu.memory_space<semaphore_mem>>)
        %dma_wait3A = arith.constant 0 : i32
        %dma_wait3A_268 = tpu.memref_slice %arg2[%add3A_263, %dma_wait3A] : memref<20000x64xf32, #tpu.memory_space<hbm>> -> memref<128x64xf32, #tpu.memory_space<hbm>>
        %dma_wait3A_269 = arith.constant 0 : i32
        %dma_wait3A_270 = tpu.memref_slice %arg2[%add3A_263, %dma_wait3A_269] : memref<20000x64xf32, #tpu.memory_space<hbm>> -> memref<128x64xf32, #tpu.memory_space<hbm>>
        tpu.wait_dma2 semaphore(%run_scoped3A : memref<!tpu.dma_semaphore, #tpu.memory_space<semaphore_mem>>) src(%dma_wait3A_270 : memref<128x64xf32, #tpu.memory_space<hbm>>) dst(%arg8 : memref<128x64xf32, #tpu.memory_space<vmem>>)
        tpu.yield
      }) : () -> ()
      "tpu.region"() ({
        %run_scoped3A = tpu.sem_alloc : memref<!tpu.dma_semaphore, #tpu.memory_space<semaphore_mem>>
        %dma_start3A = arith.constant 0 : i32
        %dma_start3A_265 = tpu.memref_slice %arg10[%min3A_260, %dma_start3A] : memref<10240x64xf32, #tpu.memory_space<vmem_shared>> -> memref<128x64xf32, #tpu.memory_space<vmem_shared>>
        %dma_start3A_266 = arith.constant 0 : i32
        %dma_start3A_267 = tpu.memref_slice %arg10[%min3A_260, %dma_start3A_266] : memref<10240x64xf32, #tpu.memory_space<vmem_shared>> -> memref<128x64xf32, #tpu.memory_space<vmem_shared>>
        tpu.enqueue_dma source(%arg8 : memref<128x64xf32, #tpu.memory_space<vmem>>) target(%dma_start3A_267 : memref<128x64xf32, #tpu.memory_space<vmem_shared>>) target_semaphore(%run_scoped3A : memref<!tpu.dma_semaphore, #tpu.memory_space<semaphore_mem>>)
        %dma_wait3A = arith.constant 0 : i32
        %dma_wait3A_268 = tpu.memref_slice %arg10[%min3A_260, %dma_wait3A] : memref<10240x64xf32, #tpu.memory_space<vmem_shared>> -> memref<128x64xf32, #tpu.memory_space<vmem_shared>>
        %dma_wait3A_269 = arith.constant 0 : i32
        %dma_wait3A_270 = tpu.memref_slice %arg10[%min3A_260, %dma_wait3A_269] : memref<10240x64xf32, #tpu.memory_space<vmem_shared>> -> memref<128x64xf32, #tpu.memory_space<vmem_shared>>
        tpu.wait_dma2 semaphore(%run_scoped3A : memref<!tpu.dma_semaphore, #tpu.memory_space<semaphore_mem>>) src(%arg8 : memref<128x64xf32, #tpu.memory_space<vmem>>) dst(%dma_wait3A_270 : memref<128x64xf32, #tpu.memory_space<vmem_shared>>)
        tpu.yield
      }) : () -> ()
      %scan3A_264 = arith.constant 0 : i32
      scf.yield %scan3A_264 : i32
    }
    %scan3A_5 = arith.constant 5 : i32
    %broadcast_in_dim3A = arith.constant 0.000000e+00 : f32
    %broadcast_in_dim3A_6 = vector.broadcast %broadcast_in_dim3A : f32 to vector<16xf32>
    %scan3A_7 = arith.constant 0 : i32
    %scan3A_8 = arith.constant 0 : i32
    %scan3A_9 = arith.constant 128 : i32
    %scan3A_10 = arith.addi %scan3A_8, %scan3A_9 : i32
    %scan3A_11 = arith.constant 1 : i32
    %scan3A_12 = scf.for %scan3A_254 = %scan3A_8 to %scan3A_10 step %scan3A_11 iter_args(%scan3A_255 = %scan3A_7) -> (i32)  : i32 {
      %swap3A = arith.index_cast %scan3A_254 : i32 to index
      %swap3A_256 = arith.constant 0 : index
      %swap3A_257 = tpu.vector_load %arg8[%swap3A, %swap3A_256] {strides = array<i32>} : memref<128x64xf32, #tpu.memory_space<vmem>>, vector<1x16xf32>,
      %swap3A_258 = vector.shape_cast %swap3A_257 : vector<1x16xf32> to vector<16xf32>
      %swap3A_259 = vector.shape_cast %broadcast_in_dim3A_6 : vector<16xf32> to vector<1x16xf32>
      tpu.vector_store %arg8[%swap3A, %swap3A_256], %swap3A_259 {strides = array<i32>} : memref<128x64xf32, #tpu.memory_space<vmem>>, vector<1x16xf32>,
      %swap3A_260 = arith.index_cast %scan3A_254 : i32 to index
      %swap3A_261 = arith.constant 16 : index
      %swap3A_262 = tpu.vector_load %arg8[%swap3A_260, %swap3A_261] {strides = array<i32>} : memref<128x64xf32, #tpu.memory_space<vmem>>, vector<1x16xf32>,
      %swap3A_263 = vector.shape_cast %swap3A_262 : vector<1x16xf32> to vector<16xf32>
      %swap3A_264 = vector.shape_cast %broadcast_in_dim3A_6 : vector<16xf32> to vector<1x16xf32>
      tpu.vector_store %arg8[%swap3A_260, %swap3A_261], %swap3A_264 {strides = array<i32>} : memref<128x64xf32, #tpu.memory_space<vmem>>, vector<1x16xf32>,
      %swap3A_265 = arith.index_cast %scan3A_254 : i32 to index
      %swap3A_266 = arith.constant 32 : index
      %swap3A_267 = tpu.vector_load %arg8[%swap3A_265, %swap3A_266] {strides = array<i32>} : memref<128x64xf32, #tpu.memory_space<vmem>>, vector<1x16xf32>,
      %swap3A_268 = vector.shape_cast %swap3A_267 : vector<1x16xf32> to vector<16xf32>
      %swap3A_269 = vector.shape_cast %broadcast_in_dim3A_6 : vector<16xf32> to vector<1x16xf32>
      tpu.vector_store %arg8[%swap3A_265, %swap3A_266], %swap3A_269 {strides = array<i32>} : memref<128x64xf32, #tpu.memory_space<vmem>>, vector<1x16xf32>,
      %swap3A_270 = arith.index_cast %scan3A_254 : i32 to index
      %swap3A_271 = arith.constant 48 : index
      %swap3A_272 = tpu.vector_load %arg8[%swap3A_270, %swap3A_271] {strides = array<i32>} : memref<128x64xf32, #tpu.memory_space<vmem>>, vector<1x16xf32>,
      %swap3A_273 = vector.shape_cast %swap3A_272 : vector<1x16xf32> to vector<16xf32>
      %swap3A_274 = vector.shape_cast %broadcast_in_dim3A_6 : vector<16xf32> to vector<1x16xf32>
      tpu.vector_store %arg8[%swap3A_270, %swap3A_271], %swap3A_274 {strides = array<i32>} : memref<128x64xf32, #tpu.memory_space<vmem>>, vector<1x16xf32>,
      %scan3A_275 = arith.constant 0 : i32
      scf.yield %scan3A_275 : i32
    }
    %scan3A_13 = arith.constant 128 : i32
    %mul3A = arith.constant 1256 : i32
    %mul3A_14 = arith.muli %arg1, %mul3A : i32
    %scan3A_15 = arith.constant 0 : i32
    %scan3A_16 = arith.constant 0 : i32
    %scan3A_17 = arith.constant 10 : i32
    %scan3A_18 = arith.addi %scan3A_16, %scan3A_17 : i32
    %scan3A_19 = arith.constant 1 : i32
    %scan3A_20 = scf.for %scan3A_254 = %scan3A_16 to %scan3A_18 step %scan3A_19 iter_args(%scan3A_255 = %scan3A_15) -> (i32)  : i32 {
      %mul3A_256 = arith.constant 128 : i32
      %mul3A_257 = arith.muli %scan3A_254, %mul3A_256 : i32
      %min3A = arith.constant 1128 : i32
      %min3A_258 = arith.minsi %mul3A_257, %min3A : i32
      %add3A = arith.addi %mul3A_14, %min3A_258 : i32
      "tpu.region"() ({
        %run_scoped3A = tpu.sem_alloc : memref<!tpu.dma_semaphore, #tpu.memory_space<semaphore_mem>>
        %dma_start3A = arith.constant 0 : i32
        %dma_start3A_260 = tpu.memref_slice %arg9[%add3A, %dma_start3A] : memref<20096x64xf32, #tpu.memory_space<vmem_shared>> -> memref<128x64xf32, #tpu.memory_space<vmem_shared>>
        %dma_start3A_261 = arith.constant 0 : i32
        %dma_start3A_262 = tpu.memref_slice %arg9[%add3A, %dma_start3A_261] : memref<20096x64xf32, #tpu.memory_space<vmem_shared>> -> memref<128x64xf32, #tpu.memory_space<vmem_shared>>
        tpu.enqueue_dma source(%arg8 : memref<128x64xf32, #tpu.memory_space<vmem>>) target(%dma_start3A_262 : memref<128x64xf32, #tpu.memory_space<vmem_shared>>) target_semaphore(%run_scoped3A : memref<!tpu.dma_semaphore, #tpu.memory_space<semaphore_mem>>)
        %dma_wait3A = arith.constant 0 : i32
        %dma_wait3A_263 = tpu.memref_slice %arg9[%add3A, %dma_wait3A] : memref<20096x64xf32, #tpu.memory_space<vmem_shared>> -> memref<128x64xf32, #tpu.memory_space<vmem_shared>>
        %dma_wait3A_264 = arith.constant 0 : i32
        %dma_wait3A_265 = tpu.memref_slice %arg9[%add3A, %dma_wait3A_264] : memref<20096x64xf32, #tpu.memory_space<vmem_shared>> -> memref<128x64xf32, #tpu.memory_space<vmem_shared>>
        tpu.wait_dma2 semaphore(%run_scoped3A : memref<!tpu.dma_semaphore, #tpu.memory_space<semaphore_mem>>) src(%arg8 : memref<128x64xf32, #tpu.memory_space<vmem>>) dst(%dma_wait3A_265 : memref<128x64xf32, #tpu.memory_space<vmem_shared>>)
        tpu.yield
      }) : () -> ()
      %scan3A_259 = arith.constant 0 : i32
      scf.yield %scan3A_259 : i32
    }
    %scan3A_21 = arith.constant 10 : i32
    %barrier3A = arith.constant 0 : index
    tpu.barrier barrier_id(%barrier3A)
    "tpu.region"() ({
      %run_scoped3A = tpu.sem_alloc : memref<!tpu.dma_semaphore, #tpu.memory_space<semaphore_mem>>
      %dma_start3A = arith.constant 0 : i32
      %dma_start3A_254 = arith.constant 0 : i32
      %dma_start3A_255 = tpu.memref_slice %arg3[%arg1, %dma_start3A, %dma_start3A_254] : memref<16x160x128xi32, #tpu.memory_space<hbm>> -> memref<1x5x128xi32, #tpu.memory_space<hbm>>
      %dma_start3A_256 = tpu.memref_squeeze %dma_start3A_255 : memref<1x5x128xi32, #tpu.memory_space<hbm>> -> memref<5x128xi32, #tpu.memory_space<hbm>>
      %dma_start3A_257 = arith.constant 0 : i32
      %dma_start3A_258 = arith.constant 0 : i32
      %dma_start3A_259 = tpu.memref_slice %arg3[%arg1, %dma_start3A_257, %dma_start3A_258] : memref<16x160x128xi32, #tpu.memory_space<hbm>> -> memref<1x5x128xi32, #tpu.memory_space<hbm>>
      %dma_start3A_260 = tpu.memref_squeeze %dma_start3A_259 : memref<1x5x128xi32, #tpu.memory_space<hbm>> -> memref<5x128xi32, #tpu.memory_space<hbm>>
      tpu.enqueue_dma source(%dma_start3A_260 : memref<5x128xi32, #tpu.memory_space<hbm>>) target(%arg6 : memref<5x128xi32, #tpu.memory_space<vmem>>) target_semaphore(%run_scoped3A : memref<!tpu.dma_semaphore, #tpu.memory_space<semaphore_mem>>)
      %dma_wait3A = arith.constant 0 : i32
      %dma_wait3A_261 = arith.constant 0 : i32
      %dma_wait3A_262 = tpu.memref_slice %arg3[%arg1, %dma_wait3A, %dma_wait3A_261] : memref<16x160x128xi32, #tpu.memory_space<hbm>> -> memref<1x5x128xi32, #tpu.memory_space<hbm>>
      %dma_wait3A_263 = tpu.memref_squeeze %dma_wait3A_262 : memref<1x5x128xi32, #tpu.memory_space<hbm>> -> memref<5x128xi32, #tpu.memory_space<hbm>>
      %dma_wait3A_264 = arith.constant 0 : i32
      %dma_wait3A_265 = arith.constant 0 : i32
      %dma_wait3A_266 = tpu.memref_slice %arg3[%arg1, %dma_wait3A_264, %dma_wait3A_265] : memref<16x160x128xi32, #tpu.memory_space<hbm>> -> memref<1x5x128xi32, #tpu.memory_space<hbm>>
      %dma_wait3A_267 = tpu.memref_squeeze %dma_wait3A_266 : memref<1x5x128xi32, #tpu.memory_space<hbm>> -> memref<5x128xi32, #tpu.memory_space<hbm>>
      tpu.wait_dma2 semaphore(%run_scoped3A : memref<!tpu.dma_semaphore, #tpu.memory_space<semaphore_mem>>) src(%dma_wait3A_267 : memref<5x128xi32, #tpu.memory_space<hbm>>) dst(%arg6 : memref<5x128xi32, #tpu.memory_space<vmem>>)
      tpu.yield
    }) : () -> ()
    "tpu.region"() ({
      %run_scoped3A = tpu.sem_alloc : memref<!tpu.dma_semaphore, #tpu.memory_space<semaphore_mem>>
      %dma_start3A = arith.constant 0 : i32
      %dma_start3A_254 = arith.constant 0 : i32
      %dma_start3A_255 = tpu.memref_slice %arg4[%arg1, %dma_start3A, %dma_start3A_254] : memref<16x160x128xi32, #tpu.memory_space<hbm>> -> memref<1x5x128xi32, #tpu.memory_space<hbm>>
      %dma_start3A_256 = tpu.memref_squeeze %dma_start3A_255 : memref<1x5x128xi32, #tpu.memory_space<hbm>> -> memref<5x128xi32, #tpu.memory_space<hbm>>
      %dma_start3A_257 = arith.constant 0 : i32
      %dma_start3A_258 = arith.constant 0 : i32
      %dma_start3A_259 = tpu.memref_slice %arg4[%arg1, %dma_start3A_257, %dma_start3A_258] : memref<16x160x128xi32, #tpu.memory_space<hbm>> -> memref<1x5x128xi32, #tpu.memory_space<hbm>>
      %dma_start3A_260 = tpu.memref_squeeze %dma_start3A_259 : memref<1x5x128xi32, #tpu.memory_space<hbm>> -> memref<5x128xi32, #tpu.memory_space<hbm>>
      tpu.enqueue_dma source(%dma_start3A_260 : memref<5x128xi32, #tpu.memory_space<hbm>>) target(%arg7 : memref<5x128xi32, #tpu.memory_space<vmem>>) target_semaphore(%run_scoped3A : memref<!tpu.dma_semaphore, #tpu.memory_space<semaphore_mem>>)
      %dma_wait3A = arith.constant 0 : i32
      %dma_wait3A_261 = arith.constant 0 : i32
      %dma_wait3A_262 = tpu.memref_slice %arg4[%arg1, %dma_wait3A, %dma_wait3A_261] : memref<16x160x128xi32, #tpu.memory_space<hbm>> -> memref<1x5x128xi32, #tpu.memory_space<hbm>>
      %dma_wait3A_263 = tpu.memref_squeeze %dma_wait3A_262 : memref<1x5x128xi32, #tpu.memory_space<hbm>> -> memref<5x128xi32, #tpu.memory_space<hbm>>
      %dma_wait3A_264 = arith.constant 0 : i32
      %dma_wait3A_265 = arith.constant 0 : i32
      %dma_wait3A_266 = tpu.memref_slice %arg4[%arg1, %dma_wait3A_264, %dma_wait3A_265] : memref<16x160x128xi32, #tpu.memory_space<hbm>> -> memref<1x5x128xi32, #tpu.memory_space<hbm>>
      %dma_wait3A_267 = tpu.memref_squeeze %dma_wait3A_266 : memref<1x5x128xi32, #tpu.memory_space<hbm>> -> memref<5x128xi32, #tpu.memory_space<hbm>>
      tpu.wait_dma2 semaphore(%run_scoped3A : memref<!tpu.dma_semaphore, #tpu.memory_space<semaphore_mem>>) src(%dma_wait3A_267 : memref<5x128xi32, #tpu.memory_space<hbm>>) dst(%arg7 : memref<5x128xi32, #tpu.memory_space<vmem>>)
      tpu.yield
    }) : () -> ()
    %scan3A_22 = arith.constant 0 : i32
    %scan3A_23 = arith.constant 0 : i32
    %scan3A_24 = arith.constant 5 : i32
    %scan3A_25 = arith.addi %scan3A_23, %scan3A_24 : i32
    %scan3A_26 = arith.constant 1 : i32
    %scan3A_27 = scf.for %scan3A_254 = %scan3A_23 to %scan3A_25 step %scan3A_26 iter_args(%scan3A_255 = %scan3A_22) -> (i32)  : i32 {
      %dma_start3A = arith.constant 0 : i32
      %dma_start3A_256 = tpu.memref_slice %arg6[%scan3A_254, %dma_start3A] : memref<5x128xi32, #tpu.memory_space<vmem>> -> memref<1x128xi32, #tpu.memory_space<vmem>>
      %dma_start3A_257 = tpu.memref_squeeze %dma_start3A_256 : memref<1x128xi32, #tpu.memory_space<vmem>> -> memref<128xi32, #tpu.memory_space<vmem>>
      %dma_start3A_258 = arith.constant 0 : i32
      %dma_start3A_259 = arith.constant 0 : i32
      %dma_start3A_260 = tpu.memref_slice %arg10[%dma_start3A_258, %dma_start3A_259] : memref<10240x64xf32, #tpu.memory_space<vmem_shared>> -> memref<10240x64xf32, #tpu.memory_space<vmem_shared>>
      tpu.enqueue_indirect_dma source(%dma_start3A_260 : memref<10240x64xf32, #tpu.memory_space<vmem_shared>>) target(%arg8 : memref<128x64xf32, #tpu.memory_space<vmem>>) offsets(%dma_start3A_257 : memref<128xi32, #tpu.memory_space<vmem>>) semaphore(%arg11 : memref<!tpu.dma_semaphore, #tpu.memory_space<semaphore_mem>>)
      %dma_wait3A = arith.constant 0 : i32
      %dma_wait3A_261 = tpu.memref_slice %arg6[%scan3A_254, %dma_wait3A] : memref<5x128xi32, #tpu.memory_space<vmem>> -> memref<1x128xi32, #tpu.memory_space<vmem>>
      %dma_wait3A_262 = tpu.memref_squeeze %dma_wait3A_261 : memref<1x128xi32, #tpu.memory_space<vmem>> -> memref<128xi32, #tpu.memory_space<vmem>>
      %dma_wait3A_263 = arith.constant 0 : i32
      %dma_wait3A_264 = arith.constant 0 : i32
      %dma_wait3A_265 = tpu.memref_slice %arg10[%dma_wait3A_263, %dma_wait3A_264] : memref<10240x64xf32, #tpu.memory_space<vmem_shared>> -> memref<10240x64xf32, #tpu.memory_space<vmem_shared>>
      tpu.wait_indirect_dma semaphore(%arg11 : memref<!tpu.dma_semaphore, #tpu.memory_space<semaphore_mem>>) src(%dma_wait3A_265 : memref<10240x64xf32, #tpu.memory_space<vmem_shared>>) dst(%arg8 : memref<128x64xf32, #tpu.memory_space<vmem>>)
      "tpu.region"() ({
        %run_scoped3A = tpu.sem_alloc : memref<!tpu.dma_semaphore, #tpu.memory_space<semaphore_mem>>
        %dma_start3A_267 = arith.constant 0 : i32
        %dma_start3A_268 = tpu.memref_slice %arg7[%scan3A_254, %dma_start3A_267] : memref<5x128xi32, #tpu.memory_space<vmem>> -> memref<1x128xi32, #tpu.memory_space<vmem>>
        %dma_start3A_269 = tpu.memref_squeeze %dma_start3A_268 : memref<1x128xi32, #tpu.memory_space<vmem>> -> memref<128xi32, #tpu.memory_space<vmem>>
        %dma_start3A_270 = arith.constant 0 : i32
        %dma_start3A_271 = arith.constant 0 : i32
        %dma_start3A_272 = tpu.memref_slice %arg9[%dma_start3A_270, %dma_start3A_271] : memref<20096x64xf32, #tpu.memory_space<vmem_shared>> -> memref<20096x64xf32, #tpu.memory_space<vmem_shared>>
        tpu.enqueue_indirect_dma source(%arg8 : memref<128x64xf32, #tpu.memory_space<vmem>>) target(%dma_start3A_272 : memref<20096x64xf32, #tpu.memory_space<vmem_shared>>) offsets(%dma_start3A_269 : memref<128xi32, #tpu.memory_space<vmem>>) semaphore(%run_scoped3A : memref<!tpu.dma_semaphore, #tpu.memory_space<semaphore_mem>>) {add = true}
        %dma_wait3A_273 = arith.constant 0 : i32
        %dma_wait3A_274 = tpu.memref_slice %arg7[%scan3A_254, %dma_wait3A_273] : memref<5x128xi32, #tpu.memory_space<vmem>> -> memref<1x128xi32, #tpu.memory_space<vmem>>
        %dma_wait3A_275 = tpu.memref_squeeze %dma_wait3A_274 : memref<1x128xi32, #tpu.memory_space<vmem>> -> memref<128xi32, #tpu.memory_space<vmem>>
        %dma_wait3A_276 = arith.constant 0 : i32
        %dma_wait3A_277 = arith.constant 0 : i32
        %dma_wait3A_278 = tpu.memref_slice %arg9[%dma_wait3A_276, %dma_wait3A_277] : memref<20096x64xf32, #tpu.memory_space<vmem_shared>> -> memref<20096x64xf32, #tpu.memory_space<vmem_shared>>
        tpu.wait_indirect_dma semaphore(%run_scoped3A : memref<!tpu.dma_semaphore, #tpu.memory_space<semaphore_mem>>) src(%arg8 : memref<128x64xf32, #tpu.memory_space<vmem>>) dst(%dma_wait3A_278 : memref<20096x64xf32, #tpu.memory_space<vmem_shared>>)
        tpu.yield
      }) : () -> ()
      %scan3A_266 = arith.constant 0 : i32
      scf.yield %scan3A_266 : i32
    }
    %scan3A_28 = arith.constant 5 : i32
    "tpu.region"() ({
      %run_scoped3A = tpu.sem_alloc : memref<!tpu.dma_semaphore, #tpu.memory_space<semaphore_mem>>
      %dma_start3A = arith.constant 5 : i32
      %dma_start3A_254 = arith.constant 0 : i32
      %dma_start3A_255 = tpu.memref_slice %arg3[%arg1, %dma_start3A, %dma_start3A_254] : memref<16x160x128xi32, #tpu.memory_space<hbm>> -> memref<1x5x128xi32, #tpu.memory_space<hbm>>
      %dma_start3A_256 = tpu.memref_squeeze %dma_start3A_255 : memref<1x5x128xi32, #tpu.memory_space<hbm>> -> memref<5x128xi32, #tpu.memory_space<hbm>>
      %dma_start3A_257 = arith.constant 5 : i32
      %dma_start3A_258 = arith.constant 0 : i32
      %dma_start3A_259 = tpu.memref_slice %arg3[%arg1, %dma_start3A_257, %dma_start3A_258] : memref<16x160x128xi32, #tpu.memory_space<hbm>> -> memref<1x5x128xi32, #tpu.memory_space<hbm>>
      %dma_start3A_260 = tpu.memref_squeeze %dma_start3A_259 : memref<1x5x128xi32, #tpu.memory_space<hbm>> -> memref<5x128xi32, #tpu.memory_space<hbm>>
      tpu.enqueue_dma source(%dma_start3A_260 : memref<5x128xi32, #tpu.memory_space<hbm>>) target(%arg6 : memref<5x128xi32, #tpu.memory_space<vmem>>) target_semaphore(%run_scoped3A : memref<!tpu.dma_semaphore, #tpu.memory_space<semaphore_mem>>)
      %dma_wait3A = arith.constant 5 : i32
      %dma_wait3A_261 = arith.constant 0 : i32
      %dma_wait3A_262 = tpu.memref_slice %arg3[%arg1, %dma_wait3A, %dma_wait3A_261] : memref<16x160x128xi32, #tpu.memory_space<hbm>> -> memref<1x5x128xi32, #tpu.memory_space<hbm>>
      %dma_wait3A_263 = tpu.memref_squeeze %dma_wait3A_262 : memref<1x5x128xi32, #tpu.memory_space<hbm>> -> memref<5x128xi32, #tpu.memory_space<hbm>>
      %dma_wait3A_264 = arith.constant 5 : i32
      %dma_wait3A_265 = arith.constant 0 : i32
      %dma_wait3A_266 = tpu.memref_slice %arg3[%arg1, %dma_wait3A_264, %dma_wait3A_265] : memref<16x160x128xi32, #tpu.memory_space<hbm>> -> memref<1x5x128xi32, #tpu.memory_space<hbm>>
      %dma_wait3A_267 = tpu.memref_squeeze %dma_wait3A_266 : memref<1x5x128xi32, #tpu.memory_space<hbm>> -> memref<5x128xi32, #tpu.memory_space<hbm>>
      tpu.wait_dma2 semaphore(%run_scoped3A : memref<!tpu.dma_semaphore, #tpu.memory_space<semaphore_mem>>) src(%dma_wait3A_267 : memref<5x128xi32, #tpu.memory_space<hbm>>) dst(%arg6 : memref<5x128xi32, #tpu.memory_space<vmem>>)
      tpu.yield
    }) : () -> ()
    "tpu.region"() ({
      %run_scoped3A = tpu.sem_alloc : memref<!tpu.dma_semaphore, #tpu.memory_space<semaphore_mem>>
      %dma_start3A = arith.constant 5 : i32
      %dma_start3A_254 = arith.constant 0 : i32
      %dma_start3A_255 = tpu.memref_slice %arg4[%arg1, %dma_start3A, %dma_start3A_254] : memref<16x160x128xi32, #tpu.memory_space<hbm>> -> memref<1x5x128xi32, #tpu.memory_space<hbm>>
      %dma_start3A_256 = tpu.memref_squeeze %dma_start3A_255 : memref<1x5x128xi32, #tpu.memory_space<hbm>> -> memref<5x128xi32, #tpu.memory_space<hbm>>
      %dma_start3A_257 = arith.constant 5 : i32
      %dma_start3A_258 = arith.constant 0 : i32
      %dma_start3A_259 = tpu.memref_slice %arg4[%arg1, %dma_start3A_257, %dma_start3A_258] : memref<16x160x128xi32, #tpu.memory_space<hbm>> -> memref<1x5x128xi32, #tpu.memory_space<hbm>>
      %dma_start3A_260 = tpu.memref_squeeze %dma_start3A_259 : memref<1x5x128xi32, #tpu.memory_space<hbm>> -> memref<5x128xi32, #tpu.memory_space<hbm>>
      tpu.enqueue_dma source(%dma_start3A_260 : memref<5x128xi32, #tpu.memory_space<hbm>>) target(%arg7 : memref<5x128xi32, #tpu.memory_space<vmem>>) target_semaphore(%run_scoped3A : memref<!tpu.dma_semaphore, #tpu.memory_space<semaphore_mem>>)
      %dma_wait3A = arith.constant 5 : i32
      %dma_wait3A_261 = arith.constant 0 : i32
      %dma_wait3A_262 = tpu.memref_slice %arg4[%arg1, %dma_wait3A, %dma_wait3A_261] : memref<16x160x128xi32, #tpu.memory_space<hbm>> -> memref<1x5x128xi32, #tpu.memory_space<hbm>>
      %dma_wait3A_263 = tpu.memref_squeeze %dma_wait3A_262 : memref<1x5x128xi32, #tpu.memory_space<hbm>> -> memref<5x128xi32, #tpu.memory_space<hbm>>
      %dma_wait3A_264 = arith.constant 5 : i32
      %dma_wait3A_265 = arith.constant 0 : i32
      %dma_wait3A_266 = tpu.memref_slice %arg4[%arg1, %dma_wait3A_264, %dma_wait3A_265] : memref<16x160x128xi32, #tpu.memory_space<hbm>> -> memref<1x5x128xi32, #tpu.memory_space<hbm>>
      %dma_wait3A_267 = tpu.memref_squeeze %dma_wait3A_266 : memref<1x5x128xi32, #tpu.memory_space<hbm>> -> memref<5x128xi32, #tpu.memory_space<hbm>>
      tpu.wait_dma2 semaphore(%run_scoped3A : memref<!tpu.dma_semaphore, #tpu.memory_space<semaphore_mem>>) src(%dma_wait3A_267 : memref<5x128xi32, #tpu.memory_space<hbm>>) dst(%arg7 : memref<5x128xi32, #tpu.memory_space<vmem>>)
      tpu.yield
    }) : () -> ()
    %scan3A_29 = arith.constant 0 : i32
    %scan3A_30 = arith.constant 0 : i32
    %scan3A_31 = arith.constant 5 : i32
    %scan3A_32 = arith.addi %scan3A_30, %scan3A_31 : i32
    %scan3A_33 = arith.constant 1 : i32
    %scan3A_34 = scf.for %scan3A_254 = %scan3A_30 to %scan3A_32 step %scan3A_33 iter_args(%scan3A_255 = %scan3A_29) -> (i32)  : i32 {
      %dma_start3A = arith.constant 0 : i32
      %dma_start3A_256 = tpu.memref_slice %arg6[%scan3A_254, %dma_start3A] : memref<5x128xi32, #tpu.memory_space<vmem>> -> memref<1x128xi32, #tpu.memory_space<vmem>>
      %dma_start3A_257 = tpu.memref_squeeze %dma_start3A_256 : memref<1x128xi32, #tpu.memory_space<vmem>> -> memref<128xi32, #tpu.memory_space<vmem>>
      %dma_start3A_258 = arith.constant 0 : i32
      %dma_start3A_259 = arith.constant 0 : i32
      %dma_start3A_260 = tpu.memref_slice %arg10[%dma_start3A_258, %dma_start3A_259] : memref<10240x64xf32, #tpu.memory_space<vmem_shared>> -> memref<10240x64xf32, #tpu.memory_space<vmem_shared>>
      tpu.enqueue_indirect_dma source(%dma_start3A_260 : memref<10240x64xf32, #tpu.memory_space<vmem_shared>>) target(%arg8 : memref<128x64xf32, #tpu.memory_space<vmem>>) offsets(%dma_start3A_257 : memref<128xi32, #tpu.memory_space<vmem>>) semaphore(%arg11 : memref<!tpu.dma_semaphore, #tpu.memory_space<semaphore_mem>>)
      %dma_wait3A = arith.constant 0 : i32
      %dma_wait3A_261 = tpu.memref_slice %arg6[%scan3A_254, %dma_wait3A] : memref<5x128xi32, #tpu.memory_space<vmem>> -> memref<1x128xi32, #tpu.memory_space<vmem>>
      %dma_wait3A_262 = tpu.memref_squeeze %dma_wait3A_261 : memref<1x128xi32, #tpu.memory_space<vmem>> -> memref<128xi32, #tpu.memory_space<vmem>>
      %dma_wait3A_263 = arith.constant 0 : i32
      %dma_wait3A_264 = arith.constant 0 : i32
      %dma_wait3A_265 = tpu.memref_slice %arg10[%dma_wait3A_263, %dma_wait3A_264] : memref<10240x64xf32, #tpu.memory_space<vmem_shared>> -> memref<10240x64xf32, #tpu.memory_space<vmem_shared>>
      tpu.wait_indirect_dma semaphore(%arg11 : memref<!tpu.dma_semaphore, #tpu.memory_space<semaphore_mem>>) src(%dma_wait3A_265 : memref<10240x64xf32, #tpu.memory_space<vmem_shared>>) dst(%arg8 : memref<128x64xf32, #tpu.memory_space<vmem>>)
      "tpu.region"() ({
        %run_scoped3A = tpu.sem_alloc : memref<!tpu.dma_semaphore, #tpu.memory_space<semaphore_mem>>
        %dma_start3A_267 = arith.constant 0 : i32
        %dma_start3A_268 = tpu.memref_slice %arg7[%scan3A_254, %dma_start3A_267] : memref<5x128xi32, #tpu.memory_space<vmem>> -> memref<1x128xi32, #tpu.memory_space<vmem>>
        %dma_start3A_269 = tpu.memref_squeeze %dma_start3A_268 : memref<1x128xi32, #tpu.memory_space<vmem>> -> memref<128xi32, #tpu.memory_space<vmem>>
        %dma_start3A_270 = arith.constant 0 : i32
        %dma_start3A_271 = arith.constant 0 : i32
        %dma_start3A_272 = tpu.memref_slice %arg9[%dma_start3A_270, %dma_start3A_271] : memref<20096x64xf32, #tpu.memory_space<vmem_shared>> -> memref<20096x64xf32, #tpu.memory_space<vmem_shared>>
        tpu.enqueue_indirect_dma source(%arg8 : memref<128x64xf32, #tpu.memory_space<vmem>>) target(%dma_start3A_272 : memref<20096x64xf32, #tpu.memory_space<vmem_shared>>) offsets(%dma_start3A_269 : memref<128xi32, #tpu.memory_space<vmem>>) semaphore(%run_scoped3A : memref<!tpu.dma_semaphore, #tpu.memory_space<semaphore_mem>>) {add = true}
        %dma_wait3A_273 = arith.constant 0 : i32
        %dma_wait3A_274 = tpu.memref_slice %arg7[%scan3A_254, %dma_wait3A_273] : memref<5x128xi32, #tpu.memory_space<vmem>> -> memref<1x128xi32, #tpu.memory_space<vmem>>
        %dma_wait3A_275 = tpu.memref_squeeze %dma_wait3A_274 : memref<1x128xi32, #tpu.memory_space<vmem>> -> memref<128xi32, #tpu.memory_space<vmem>>
        %dma_wait3A_276 = arith.constant 0 : i32
        %dma_wait3A_277 = arith.constant 0 : i32
        %dma_wait3A_278 = tpu.memref_slice %arg9[%dma_wait3A_276, %dma_wait3A_277] : memref<20096x64xf32, #tpu.memory_space<vmem_shared>> -> memref<20096x64xf32, #tpu.memory_space<vmem_shared>>
        tpu.wait_indirect_dma semaphore(%run_scoped3A : memref<!tpu.dma_semaphore, #tpu.memory_space<semaphore_mem>>) src(%arg8 : memref<128x64xf32, #tpu.memory_space<vmem>>) dst(%dma_wait3A_278 : memref<20096x64xf32, #tpu.memory_space<vmem_shared>>)
        tpu.yield
      }) : () -> ()
      %scan3A_266 = arith.constant 0 : i32
      scf.yield %scan3A_266 : i32
    }
    %scan3A_35 = arith.constant 5 : i32
    "tpu.region"() ({
      %run_scoped3A = tpu.sem_alloc : memref<!tpu.dma_semaphore, #tpu.memory_space<semaphore_mem>>
      %dma_start3A = arith.constant 10 : i32
      %dma_start3A_254 = arith.constant 0 : i32
      %dma_start3A_255 = tpu.memref_slice %arg3[%arg1, %dma_start3A, %dma_start3A_254] : memref<16x160x128xi32, #tpu.memory_space<hbm>> -> memref<1x5x128xi32, #tpu.memory_space<hbm>>
      %dma_start3A_256 = tpu.memref_squeeze %dma_start3A_255 : memref<1x5x128xi32, #tpu.memory_space<hbm>> -> memref<5x128xi32, #tpu.memory_space<hbm>>
      %dma_start3A_257 = arith.constant 10 : i32
      %dma_start3A_258 = arith.constant 0 : i32
      %dma_start3A_259 = tpu.memref_slice %arg3[%arg1, %dma_start3A_257, %dma_start3A_258] : memref<16x160x128xi32, #tpu.memory_space<hbm>> -> memref<1x5x128xi32, #tpu.memory_space<hbm>>
      %dma_start3A_260 = tpu.memref_squeeze %dma_start3A_259 : memref<1x5x128xi32, #tpu.memory_space<hbm>> -> memref<5x128xi32, #tpu.memory_space<hbm>>
      tpu.enqueue_dma source(%dma_start3A_260 : memref<5x128xi32, #tpu.memory_space<hbm>>) target(%arg6 : memref<5x128xi32, #tpu.memory_space<vmem>>) target_semaphore(%run_scoped3A : memref<!tpu.dma_semaphore, #tpu.memory_space<semaphore_mem>>)
      %dma_wait3A = arith.constant 10 : i32
      %dma_wait3A_261 = arith.constant 0 : i32
      %dma_wait3A_262 = tpu.memref_slice %arg3[%arg1, %dma_wait3A, %dma_wait3A_261] : memref<16x160x128xi32, #tpu.memory_space<hbm>> -> memref<1x5x128xi32, #tpu.memory_space<hbm>>
      %dma_wait3A_263 = tpu.memref_squeeze %dma_wait3A_262 : memref<1x5x128xi32, #tpu.memory_space<hbm>> -> memref<5x128xi32, #tpu.memory_space<hbm>>
      %dma_wait3A_264 = arith.constant 10 : i32
      %dma_wait3A_265 = arith.constant 0 : i32
      %dma_wait3A_266 = tpu.memref_slice %arg3[%arg1, %dma_wait3A_264, %dma_wait3A_265] : memref<16x160x128xi32, #tpu.memory_space<hbm>> -> memref<1x5x128xi32, #tpu.memory_space<hbm>>
      %dma_wait3A_267 = tpu.memref_squeeze %dma_wait3A_266 : memref<1x5x128xi32, #tpu.memory_space<hbm>> -> memref<5x128xi32, #tpu.memory_space<hbm>>
      tpu.wait_dma2 semaphore(%run_scoped3A : memref<!tpu.dma_semaphore, #tpu.memory_space<semaphore_mem>>) src(%dma_wait3A_267 : memref<5x128xi32, #tpu.memory_space<hbm>>) dst(%arg6 : memref<5x128xi32, #tpu.memory_space<vmem>>)
      tpu.yield
    }) : () -> ()
    "tpu.region"() ({
      %run_scoped3A = tpu.sem_alloc : memref<!tpu.dma_semaphore, #tpu.memory_space<semaphore_mem>>
      %dma_start3A = arith.constant 10 : i32
      %dma_start3A_254 = arith.constant 0 : i32
      %dma_start3A_255 = tpu.memref_slice %arg4[%arg1, %dma_start3A, %dma_start3A_254] : memref<16x160x128xi32, #tpu.memory_space<hbm>> -> memref<1x5x128xi32, #tpu.memory_space<hbm>>
      %dma_start3A_256 = tpu.memref_squeeze %dma_start3A_255 : memref<1x5x128xi32, #tpu.memory_space<hbm>> -> memref<5x128xi32, #tpu.memory_space<hbm>>
      %dma_start3A_257 = arith.constant 10 : i32
      %dma_start3A_258 = arith.constant 0 : i32
      %dma_start3A_259 = tpu.memref_slice %arg4[%arg1, %dma_start3A_257, %dma_start3A_258] : memref<16x160x128xi32, #tpu.memory_space<hbm>> -> memref<1x5x128xi32, #tpu.memory_space<hbm>>
      %dma_start3A_260 = tpu.memref_squeeze %dma_start3A_259 : memref<1x5x128xi32, #tpu.memory_space<hbm>> -> memref<5x128xi32, #tpu.memory_space<hbm>>
      tpu.enqueue_dma source(%dma_start3A_260 : memref<5x128xi32, #tpu.memory_space<hbm>>) target(%arg7 : memref<5x128xi32, #tpu.memory_space<vmem>>) target_semaphore(%run_scoped3A : memref<!tpu.dma_semaphore, #tpu.memory_space<semaphore_mem>>)
      %dma_wait3A = arith.constant 10 : i32
      %dma_wait3A_261 = arith.constant 0 : i32
      %dma_wait3A_262 = tpu.memref_slice %arg4[%arg1, %dma_wait3A, %dma_wait3A_261] : memref<16x160x128xi32, #tpu.memory_space<hbm>> -> memref<1x5x128xi32, #tpu.memory_space<hbm>>
      %dma_wait3A_263 = tpu.memref_squeeze %dma_wait3A_262 : memref<1x5x128xi32, #tpu.memory_space<hbm>> -> memref<5x128xi32, #tpu.memory_space<hbm>>
      %dma_wait3A_264 = arith.constant 10 : i32
      %dma_wait3A_265 = arith.constant 0 : i32
      %dma_wait3A_266 = tpu.memref_slice %arg4[%arg1, %dma_wait3A_264, %dma_wait3A_265] : memref<16x160x128xi32, #tpu.memory_space<hbm>> -> memref<1x5x128xi32, #tpu.memory_space<hbm>>
      %dma_wait3A_267 = tpu.memref_squeeze %dma_wait3A_266 : memref<1x5x128xi32, #tpu.memory_space<hbm>> -> memref<5x128xi32, #tpu.memory_space<hbm>>
      tpu.wait_dma2 semaphore(%run_scoped3A : memref<!tpu.dma_semaphore, #tpu.memory_space<semaphore_mem>>) src(%dma_wait3A_267 : memref<5x128xi32, #tpu.memory_space<hbm>>) dst(%arg7 : memref<5x128xi32, #tpu.memory_space<vmem>>)
      tpu.yield
    }) : () -> ()
    %scan3A_36 = arith.constant 0 : i32
    %scan3A_37 = arith.constant 0 : i32
    %scan3A_38 = arith.constant 5 : i32
    %scan3A_39 = arith.addi %scan3A_37, %scan3A_38 : i32
    %scan3A_40 = arith.constant 1 : i32
    %scan3A_41 = scf.for %scan3A_254 = %scan3A_37 to %scan3A_39 step %scan3A_40 iter_args(%scan3A_255 = %scan3A_36) -> (i32)  : i32 {
      %dma_start3A = arith.constant 0 : i32
      %dma_start3A_256 = tpu.memref_slice %arg6[%scan3A_254, %dma_start3A] : memref<5x128xi32, #tpu.memory_space<vmem>> -> memref<1x128xi32, #tpu.memory_space<vmem>>
      %dma_start3A_257 = tpu.memref_squeeze %dma_start3A_256 : memref<1x128xi32, #tpu.memory_space<vmem>> -> memref<128xi32, #tpu.memory_space<vmem>>
      %dma_start3A_258 = arith.constant 0 : i32
      %dma_start3A_259 = arith.constant 0 : i32
      %dma_start3A_260 = tpu.memref_slice %arg10[%dma_start3A_258, %dma_start3A_259] : memref<10240x64xf32, #tpu.memory_space<vmem_shared>> -> memref<10240x64xf32, #tpu.memory_space<vmem_shared>>
      tpu.enqueue_indirect_dma source(%dma_start3A_260 : memref<10240x64xf32, #tpu.memory_space<vmem_shared>>) target(%arg8 : memref<128x64xf32, #tpu.memory_space<vmem>>) offsets(%dma_start3A_257 : memref<128xi32, #tpu.memory_space<vmem>>) semaphore(%arg11 : memref<!tpu.dma_semaphore, #tpu.memory_space<semaphore_mem>>)
      %dma_wait3A = arith.constant 0 : i32
      %dma_wait3A_261 = tpu.memref_slice %arg6[%scan3A_254, %dma_wait3A] : memref<5x128xi32, #tpu.memory_space<vmem>> -> memref<1x128xi32, #tpu.memory_space<vmem>>
      %dma_wait3A_262 = tpu.memref_squeeze %dma_wait3A_261 : memref<1x128xi32, #tpu.memory_space<vmem>> -> memref<128xi32, #tpu.memory_space<vmem>>
      %dma_wait3A_263 = arith.constant 0 : i32
      %dma_wait3A_264 = arith.constant 0 : i32
      %dma_wait3A_265 = tpu.memref_slice %arg10[%dma_wait3A_263, %dma_wait3A_264] : memref<10240x64xf32, #tpu.memory_space<vmem_shared>> -> memref<10240x64xf32, #tpu.memory_space<vmem_shared>>
      tpu.wait_indirect_dma semaphore(%arg11 : memref<!tpu.dma_semaphore, #tpu.memory_space<semaphore_mem>>) src(%dma_wait3A_265 : memref<10240x64xf32, #tpu.memory_space<vmem_shared>>) dst(%arg8 : memref<128x64xf32, #tpu.memory_space<vmem>>)
      "tpu.region"() ({
        %run_scoped3A = tpu.sem_alloc : memref<!tpu.dma_semaphore, #tpu.memory_space<semaphore_mem>>
        %dma_start3A_267 = arith.constant 0 : i32
        %dma_start3A_268 = tpu.memref_slice %arg7[%scan3A_254, %dma_start3A_267] : memref<5x128xi32, #tpu.memory_space<vmem>> -> memref<1x128xi32, #tpu.memory_space<vmem>>
        %dma_start3A_269 = tpu.memref_squeeze %dma_start3A_268 : memref<1x128xi32, #tpu.memory_space<vmem>> -> memref<128xi32, #tpu.memory_space<vmem>>
        %dma_start3A_270 = arith.constant 0 : i32
        %dma_start3A_271 = arith.constant 0 : i32
        %dma_start3A_272 = tpu.memref_slice %arg9[%dma_start3A_270, %dma_start3A_271] : memref<20096x64xf32, #tpu.memory_space<vmem_shared>> -> memref<20096x64xf32, #tpu.memory_space<vmem_shared>>
        tpu.enqueue_indirect_dma source(%arg8 : memref<128x64xf32, #tpu.memory_space<vmem>>) target(%dma_start3A_272 : memref<20096x64xf32, #tpu.memory_space<vmem_shared>>) offsets(%dma_start3A_269 : memref<128xi32, #tpu.memory_space<vmem>>) semaphore(%run_scoped3A : memref<!tpu.dma_semaphore, #tpu.memory_space<semaphore_mem>>) {add = true}
        %dma_wait3A_273 = arith.constant 0 : i32
        %dma_wait3A_274 = tpu.memref_slice %arg7[%scan3A_254, %dma_wait3A_273] : memref<5x128xi32, #tpu.memory_space<vmem>> -> memref<1x128xi32, #tpu.memory_space<vmem>>
        %dma_wait3A_275 = tpu.memref_squeeze %dma_wait3A_274 : memref<1x128xi32, #tpu.memory_space<vmem>> -> memref<128xi32, #tpu.memory_space<vmem>>
        %dma_wait3A_276 = arith.constant 0 : i32
        %dma_wait3A_277 = arith.constant 0 : i32
        %dma_wait3A_278 = tpu.memref_slice %arg9[%dma_wait3A_276, %dma_wait3A_277] : memref<20096x64xf32, #tpu.memory_space<vmem_shared>> -> memref<20096x64xf32, #tpu.memory_space<vmem_shared>>
        tpu.wait_indirect_dma semaphore(%run_scoped3A : memref<!tpu.dma_semaphore, #tpu.memory_space<semaphore_mem>>) src(%arg8 : memref<128x64xf32, #tpu.memory_space<vmem>>) dst(%dma_wait3A_278 : memref<20096x64xf32, #tpu.memory_space<vmem_shared>>)
        tpu.yield
      }) : () -> ()
      %scan3A_266 = arith.constant 0 : i32
      scf.yield %scan3A_266 : i32
    }
    %scan3A_42 = arith.constant 5 : i32
    "tpu.region"() ({
      %run_scoped3A = tpu.sem_alloc : memref<!tpu.dma_semaphore, #tpu.memory_space<semaphore_mem>>
      %dma_start3A = arith.constant 15 : i32
      %dma_start3A_254 = arith.constant 0 : i32
      %dma_start3A_255 = tpu.memref_slice %arg3[%arg1, %dma_start3A, %dma_start3A_254] : memref<16x160x128xi32, #tpu.memory_space<hbm>> -> memref<1x5x128xi32, #tpu.memory_space<hbm>>
      %dma_start3A_256 = tpu.memref_squeeze %dma_start3A_255 : memref<1x5x128xi32, #tpu.memory_space<hbm>> -> memref<5x128xi32, #tpu.memory_space<hbm>>
      %dma_start3A_257 = arith.constant 15 : i32
      %dma_start3A_258 = arith.constant 0 : i32
      %dma_start3A_259 = tpu.memref_slice %arg3[%arg1, %dma_start3A_257, %dma_start3A_258] : memref<16x160x128xi32, #tpu.memory_space<hbm>> -> memref<1x5x128xi32, #tpu.memory_space<hbm>>
      %dma_start3A_260 = tpu.memref_squeeze %dma_start3A_259 : memref<1x5x128xi32, #tpu.memory_space<hbm>> -> memref<5x128xi32, #tpu.memory_space<hbm>>
      tpu.enqueue_dma source(%dma_start3A_260 : memref<5x128xi32, #tpu.memory_space<hbm>>) target(%arg6 : memref<5x128xi32, #tpu.memory_space<vmem>>) target_semaphore(%run_scoped3A : memref<!tpu.dma_semaphore, #tpu.memory_space<semaphore_mem>>)
      %dma_wait3A = arith.constant 15 : i32
      %dma_wait3A_261 = arith.constant 0 : i32
      %dma_wait3A_262 = tpu.memref_slice %arg3[%arg1, %dma_wait3A, %dma_wait3A_261] : memref<16x160x128xi32, #tpu.memory_space<hbm>> -> memref<1x5x128xi32, #tpu.memory_space<hbm>>
      %dma_wait3A_263 = tpu.memref_squeeze %dma_wait3A_262 : memref<1x5x128xi32, #tpu.memory_space<hbm>> -> memref<5x128xi32, #tpu.memory_space<hbm>>
      %dma_wait3A_264 = arith.constant 15 : i32
      %dma_wait3A_265 = arith.constant 0 : i32
      %dma_wait3A_266 = tpu.memref_slice %arg3[%arg1, %dma_wait3A_264, %dma_wait3A_265] : memref<16x160x128xi32, #tpu.memory_space<hbm>> -> memref<1x5x128xi32, #tpu.memory_space<hbm>>
      %dma_wait3A_267 = tpu.memref_squeeze %dma_wait3A_266 : memref<1x5x128xi32, #tpu.memory_space<hbm>> -> memref<5x128xi32, #tpu.memory_space<hbm>>
      tpu.wait_dma2 semaphore(%run_scoped3A : memref<!tpu.dma_semaphore, #tpu.memory_space<semaphore_mem>>) src(%dma_wait3A_267 : memref<5x128xi32, #tpu.memory_space<hbm>>) dst(%arg6 : memref<5x128xi32, #tpu.memory_space<vmem>>)
      tpu.yield
    }) : () -> ()
    "tpu.region"() ({
      %run_scoped3A = tpu.sem_alloc : memref<!tpu.dma_semaphore, #tpu.memory_space<semaphore_mem>>
      %dma_start3A = arith.constant 15 : i32
      %dma_start3A_254 = arith.constant 0 : i32
      %dma_start3A_255 = tpu.memref_slice %arg4[%arg1, %dma_start3A, %dma_start3A_254] : memref<16x160x128xi32, #tpu.memory_space<hbm>> -> memref<1x5x128xi32, #tpu.memory_space<hbm>>
      %dma_start3A_256 = tpu.memref_squeeze %dma_start3A_255 : memref<1x5x128xi32, #tpu.memory_space<hbm>> -> memref<5x128xi32, #tpu.memory_space<hbm>>
      %dma_start3A_257 = arith.constant 15 : i32
      %dma_start3A_258 = arith.constant 0 : i32
      %dma_start3A_259 = tpu.memref_slice %arg4[%arg1, %dma_start3A_257, %dma_start3A_258] : memref<16x160x128xi32, #tpu.memory_space<hbm>> -> memref<1x5x128xi32, #tpu.memory_space<hbm>>
      %dma_start3A_260 = tpu.memref_squeeze %dma_start3A_259 : memref<1x5x128xi32, #tpu.memory_space<hbm>> -> memref<5x128xi32, #tpu.memory_space<hbm>>
      tpu.enqueue_dma source(%dma_start3A_260 : memref<5x128xi32, #tpu.memory_space<hbm>>) target(%arg7 : memref<5x128xi32, #tpu.memory_space<vmem>>) target_semaphore(%run_scoped3A : memref<!tpu.dma_semaphore, #tpu.memory_space<semaphore_mem>>)
      %dma_wait3A = arith.constant 15 : i32
      %dma_wait3A_261 = arith.constant 0 : i32
      %dma_wait3A_262 = tpu.memref_slice %arg4[%arg1, %dma_wait3A, %dma_wait3A_261] : memref<16x160x128xi32, #tpu.memory_space<hbm>> -> memref<1x5x128xi32, #tpu.memory_space<hbm>>
      %dma_wait3A_263 = tpu.memref_squeeze %dma_wait3A_262 : memref<1x5x128xi32, #tpu.memory_space<hbm>> -> memref<5x128xi32, #tpu.memory_space<hbm>>
      %dma_wait3A_264 = arith.constant 15 : i32
      %dma_wait3A_265 = arith.constant 0 : i32
      %dma_wait3A_266 = tpu.memref_slice %arg4[%arg1, %dma_wait3A_264, %dma_wait3A_265] : memref<16x160x128xi32, #tpu.memory_space<hbm>> -> memref<1x5x128xi32, #tpu.memory_space<hbm>>
      %dma_wait3A_267 = tpu.memref_squeeze %dma_wait3A_266 : memref<1x5x128xi32, #tpu.memory_space<hbm>> -> memref<5x128xi32, #tpu.memory_space<hbm>>
      tpu.wait_dma2 semaphore(%run_scoped3A : memref<!tpu.dma_semaphore, #tpu.memory_space<semaphore_mem>>) src(%dma_wait3A_267 : memref<5x128xi32, #tpu.memory_space<hbm>>) dst(%arg7 : memref<5x128xi32, #tpu.memory_space<vmem>>)
      tpu.yield
    }) : () -> ()
    %scan3A_43 = arith.constant 0 : i32
    %scan3A_44 = arith.constant 0 : i32
    %scan3A_45 = arith.constant 5 : i32
    %scan3A_46 = arith.addi %scan3A_44, %scan3A_45 : i32
    %scan3A_47 = arith.constant 1 : i32
    %scan3A_48 = scf.for %scan3A_254 = %scan3A_44 to %scan3A_46 step %scan3A_47 iter_args(%scan3A_255 = %scan3A_43) -> (i32)  : i32 {
      %dma_start3A = arith.constant 0 : i32
      %dma_start3A_256 = tpu.memref_slice %arg6[%scan3A_254, %dma_start3A] : memref<5x128xi32, #tpu.memory_space<vmem>> -> memref<1x128xi32, #tpu.memory_space<vmem>>
      %dma_start3A_257 = tpu.memref_squeeze %dma_start3A_256 : memref<1x128xi32, #tpu.memory_space<vmem>> -> memref<128xi32, #tpu.memory_space<vmem>>
      %dma_start3A_258 = arith.constant 0 : i32
      %dma_start3A_259 = arith.constant 0 : i32
      %dma_start3A_260 = tpu.memref_slice %arg10[%dma_start3A_258, %dma_start3A_259] : memref<10240x64xf32, #tpu.memory_space<vmem_shared>> -> memref<10240x64xf32, #tpu.memory_space<vmem_shared>>
      tpu.enqueue_indirect_dma source(%dma_start3A_260 : memref<10240x64xf32, #tpu.memory_space<vmem_shared>>) target(%arg8 : memref<128x64xf32, #tpu.memory_space<vmem>>) offsets(%dma_start3A_257 : memref<128xi32, #tpu.memory_space<vmem>>) semaphore(%arg11 : memref<!tpu.dma_semaphore, #tpu.memory_space<semaphore_mem>>)
      %dma_wait3A = arith.constant 0 : i32
      %dma_wait3A_261 = tpu.memref_slice %arg6[%scan3A_254, %dma_wait3A] : memref<5x128xi32, #tpu.memory_space<vmem>> -> memref<1x128xi32, #tpu.memory_space<vmem>>
      %dma_wait3A_262 = tpu.memref_squeeze %dma_wait3A_261 : memref<1x128xi32, #tpu.memory_space<vmem>> -> memref<128xi32, #tpu.memory_space<vmem>>
      %dma_wait3A_263 = arith.constant 0 : i32
      %dma_wait3A_264 = arith.constant 0 : i32
      %dma_wait3A_265 = tpu.memref_slice %arg10[%dma_wait3A_263, %dma_wait3A_264] : memref<10240x64xf32, #tpu.memory_space<vmem_shared>> -> memref<10240x64xf32, #tpu.memory_space<vmem_shared>>
      tpu.wait_indirect_dma semaphore(%arg11 : memref<!tpu.dma_semaphore, #tpu.memory_space<semaphore_mem>>) src(%dma_wait3A_265 : memref<10240x64xf32, #tpu.memory_space<vmem_shared>>) dst(%arg8 : memref<128x64xf32, #tpu.memory_space<vmem>>)
      "tpu.region"() ({
        %run_scoped3A = tpu.sem_alloc : memref<!tpu.dma_semaphore, #tpu.memory_space<semaphore_mem>>
        %dma_start3A_267 = arith.constant 0 : i32
        %dma_start3A_268 = tpu.memref_slice %arg7[%scan3A_254, %dma_start3A_267] : memref<5x128xi32, #tpu.memory_space<vmem>> -> memref<1x128xi32, #tpu.memory_space<vmem>>
        %dma_start3A_269 = tpu.memref_squeeze %dma_start3A_268 : memref<1x128xi32, #tpu.memory_space<vmem>> -> memref<128xi32, #tpu.memory_space<vmem>>
        %dma_start3A_270 = arith.constant 0 : i32
        %dma_start3A_271 = arith.constant 0 : i32
        %dma_start3A_272 = tpu.memref_slice %arg9[%dma_start3A_270, %dma_start3A_271] : memref<20096x64xf32, #tpu.memory_space<vmem_shared>> -> memref<20096x64xf32, #tpu.memory_space<vmem_shared>>
        tpu.enqueue_indirect_dma source(%arg8 : memref<128x64xf32, #tpu.memory_space<vmem>>) target(%dma_start3A_272 : memref<20096x64xf32, #tpu.memory_space<vmem_shared>>) offsets(%dma_start3A_269 : memref<128xi32, #tpu.memory_space<vmem>>) semaphore(%run_scoped3A : memref<!tpu.dma_semaphore, #tpu.memory_space<semaphore_mem>>) {add = true}
        %dma_wait3A_273 = arith.constant 0 : i32
        %dma_wait3A_274 = tpu.memref_slice %arg7[%scan3A_254, %dma_wait3A_273] : memref<5x128xi32, #tpu.memory_space<vmem>> -> memref<1x128xi32, #tpu.memory_space<vmem>>
        %dma_wait3A_275 = tpu.memref_squeeze %dma_wait3A_274 : memref<1x128xi32, #tpu.memory_space<vmem>> -> memref<128xi32, #tpu.memory_space<vmem>>
        %dma_wait3A_276 = arith.constant 0 : i32
        %dma_wait3A_277 = arith.constant 0 : i32
        %dma_wait3A_278 = tpu.memref_slice %arg9[%dma_wait3A_276, %dma_wait3A_277] : memref<20096x64xf32, #tpu.memory_space<vmem_shared>> -> memref<20096x64xf32, #tpu.memory_space<vmem_shared>>
        tpu.wait_indirect_dma semaphore(%run_scoped3A : memref<!tpu.dma_semaphore, #tpu.memory_space<semaphore_mem>>) src(%arg8 : memref<128x64xf32, #tpu.memory_space<vmem>>) dst(%dma_wait3A_278 : memref<20096x64xf32, #tpu.memory_space<vmem_shared>>)
        tpu.yield
      }) : () -> ()
      %scan3A_266 = arith.constant 0 : i32
      scf.yield %scan3A_266 : i32
    }
    %scan3A_49 = arith.constant 5 : i32
    "tpu.region"() ({
      %run_scoped3A = tpu.sem_alloc : memref<!tpu.dma_semaphore, #tpu.memory_space<semaphore_mem>>
      %dma_start3A = arith.constant 20 : i32
      %dma_start3A_254 = arith.constant 0 : i32
      %dma_start3A_255 = tpu.memref_slice %arg3[%arg1, %dma_start3A, %dma_start3A_254] : memref<16x160x128xi32, #tpu.memory_space<hbm>> -> memref<1x5x128xi32, #tpu.memory_space<hbm>>
      %dma_start3A_256 = tpu.memref_squeeze %dma_start3A_255 : memref<1x5x128xi32, #tpu.memory_space<hbm>> -> memref<5x128xi32, #tpu.memory_space<hbm>>
      %dma_start3A_257 = arith.constant 20 : i32
      %dma_start3A_258 = arith.constant 0 : i32
      %dma_start3A_259 = tpu.memref_slice %arg3[%arg1, %dma_start3A_257, %dma_start3A_258] : memref<16x160x128xi32, #tpu.memory_space<hbm>> -> memref<1x5x128xi32, #tpu.memory_space<hbm>>
      %dma_start3A_260 = tpu.memref_squeeze %dma_start3A_259 : memref<1x5x128xi32, #tpu.memory_space<hbm>> -> memref<5x128xi32, #tpu.memory_space<hbm>>
      tpu.enqueue_dma source(%dma_start3A_260 : memref<5x128xi32, #tpu.memory_space<hbm>>) target(%arg6 : memref<5x128xi32, #tpu.memory_space<vmem>>) target_semaphore(%run_scoped3A : memref<!tpu.dma_semaphore, #tpu.memory_space<semaphore_mem>>)
      %dma_wait3A = arith.constant 20 : i32
      %dma_wait3A_261 = arith.constant 0 : i32
      %dma_wait3A_262 = tpu.memref_slice %arg3[%arg1, %dma_wait3A, %dma_wait3A_261] : memref<16x160x128xi32, #tpu.memory_space<hbm>> -> memref<1x5x128xi32, #tpu.memory_space<hbm>>
      %dma_wait3A_263 = tpu.memref_squeeze %dma_wait3A_262 : memref<1x5x128xi32, #tpu.memory_space<hbm>> -> memref<5x128xi32, #tpu.memory_space<hbm>>
      %dma_wait3A_264 = arith.constant 20 : i32
      %dma_wait3A_265 = arith.constant 0 : i32
      %dma_wait3A_266 = tpu.memref_slice %arg3[%arg1, %dma_wait3A_264, %dma_wait3A_265] : memref<16x160x128xi32, #tpu.memory_space<hbm>> -> memref<1x5x128xi32, #tpu.memory_space<hbm>>
      %dma_wait3A_267 = tpu.memref_squeeze %dma_wait3A_266 : memref<1x5x128xi32, #tpu.memory_space<hbm>> -> memref<5x128xi32, #tpu.memory_space<hbm>>
      tpu.wait_dma2 semaphore(%run_scoped3A : memref<!tpu.dma_semaphore, #tpu.memory_space<semaphore_mem>>) src(%dma_wait3A_267 : memref<5x128xi32, #tpu.memory_space<hbm>>) dst(%arg6 : memref<5x128xi32, #tpu.memory_space<vmem>>)
      tpu.yield
    }) : () -> ()
    "tpu.region"() ({
      %run_scoped3A = tpu.sem_alloc : memref<!tpu.dma_semaphore, #tpu.memory_space<semaphore_mem>>
      %dma_start3A = arith.constant 20 : i32
      %dma_start3A_254 = arith.constant 0 : i32
      %dma_start3A_255 = tpu.memref_slice %arg4[%arg1, %dma_start3A, %dma_start3A_254] : memref<16x160x128xi32, #tpu.memory_space<hbm>> -> memref<1x5x128xi32, #tpu.memory_space<hbm>>
      %dma_start3A_256 = tpu.memref_squeeze %dma_start3A_255 : memref<1x5x128xi32, #tpu.memory_space<hbm>> -> memref<5x128xi32, #tpu.memory_space<hbm>>
      %dma_start3A_257 = arith.constant 20 : i32
      %dma_start3A_258 = arith.constant 0 : i32
      %dma_start3A_259 = tpu.memref_slice %arg4[%arg1, %dma_start3A_257, %dma_start3A_258] : memref<16x160x128xi32, #tpu.memory_space<hbm>> -> memref<1x5x128xi32, #tpu.memory_space<hbm>>
      %dma_start3A_260 = tpu.memref_squeeze %dma_start3A_259 : memref<1x5x128xi32, #tpu.memory_space<hbm>> -> memref<5x128xi32, #tpu.memory_space<hbm>>
      tpu.enqueue_dma source(%dma_start3A_260 : memref<5x128xi32, #tpu.memory_space<hbm>>) target(%arg7 : memref<5x128xi32, #tpu.memory_space<vmem>>) target_semaphore(%run_scoped3A : memref<!tpu.dma_semaphore, #tpu.memory_space<semaphore_mem>>)
      %dma_wait3A = arith.constant 20 : i32
      %dma_wait3A_261 = arith.constant 0 : i32
      %dma_wait3A_262 = tpu.memref_slice %arg4[%arg1, %dma_wait3A, %dma_wait3A_261] : memref<16x160x128xi32, #tpu.memory_space<hbm>> -> memref<1x5x128xi32, #tpu.memory_space<hbm>>
      %dma_wait3A_263 = tpu.memref_squeeze %dma_wait3A_262 : memref<1x5x128xi32, #tpu.memory_space<hbm>> -> memref<5x128xi32, #tpu.memory_space<hbm>>
      %dma_wait3A_264 = arith.constant 20 : i32
      %dma_wait3A_265 = arith.constant 0 : i32
      %dma_wait3A_266 = tpu.memref_slice %arg4[%arg1, %dma_wait3A_264, %dma_wait3A_265] : memref<16x160x128xi32, #tpu.memory_space<hbm>> -> memref<1x5x128xi32, #tpu.memory_space<hbm>>
      %dma_wait3A_267 = tpu.memref_squeeze %dma_wait3A_266 : memref<1x5x128xi32, #tpu.memory_space<hbm>> -> memref<5x128xi32, #tpu.memory_space<hbm>>
      tpu.wait_dma2 semaphore(%run_scoped3A : memref<!tpu.dma_semaphore, #tpu.memory_space<semaphore_mem>>) src(%dma_wait3A_267 : memref<5x128xi32, #tpu.memory_space<hbm>>) dst(%arg7 : memref<5x128xi32, #tpu.memory_space<vmem>>)
      tpu.yield
    }) : () -> ()
    %scan3A_50 = arith.constant 0 : i32
    %scan3A_51 = arith.constant 0 : i32
    %scan3A_52 = arith.constant 5 : i32
    %scan3A_53 = arith.addi %scan3A_51, %scan3A_52 : i32
    %scan3A_54 = arith.constant 1 : i32
    %scan3A_55 = scf.for %scan3A_254 = %scan3A_51 to %scan3A_53 step %scan3A_54 iter_args(%scan3A_255 = %scan3A_50) -> (i32)  : i32 {
      %dma_start3A = arith.constant 0 : i32
      %dma_start3A_256 = tpu.memref_slice %arg6[%scan3A_254, %dma_start3A] : memref<5x128xi32, #tpu.memory_space<vmem>> -> memref<1x128xi32, #tpu.memory_space<vmem>>
      %dma_start3A_257 = tpu.memref_squeeze %dma_start3A_256 : memref<1x128xi32, #tpu.memory_space<vmem>> -> memref<128xi32, #tpu.memory_space<vmem>>
      %dma_start3A_258 = arith.constant 0 : i32
      %dma_start3A_259 = arith.constant 0 : i32
      %dma_start3A_260 = tpu.memref_slice %arg10[%dma_start3A_258, %dma_start3A_259] : memref<10240x64xf32, #tpu.memory_space<vmem_shared>> -> memref<10240x64xf32, #tpu.memory_space<vmem_shared>>
      tpu.enqueue_indirect_dma source(%dma_start3A_260 : memref<10240x64xf32, #tpu.memory_space<vmem_shared>>) target(%arg8 : memref<128x64xf32, #tpu.memory_space<vmem>>) offsets(%dma_start3A_257 : memref<128xi32, #tpu.memory_space<vmem>>) semaphore(%arg11 : memref<!tpu.dma_semaphore, #tpu.memory_space<semaphore_mem>>)
      %dma_wait3A = arith.constant 0 : i32
      %dma_wait3A_261 = tpu.memref_slice %arg6[%scan3A_254, %dma_wait3A] : memref<5x128xi32, #tpu.memory_space<vmem>> -> memref<1x128xi32, #tpu.memory_space<vmem>>
      %dma_wait3A_262 = tpu.memref_squeeze %dma_wait3A_261 : memref<1x128xi32, #tpu.memory_space<vmem>> -> memref<128xi32, #tpu.memory_space<vmem>>
      %dma_wait3A_263 = arith.constant 0 : i32
      %dma_wait3A_264 = arith.constant 0 : i32
      %dma_wait3A_265 = tpu.memref_slice %arg10[%dma_wait3A_263, %dma_wait3A_264] : memref<10240x64xf32, #tpu.memory_space<vmem_shared>> -> memref<10240x64xf32, #tpu.memory_space<vmem_shared>>
      tpu.wait_indirect_dma semaphore(%arg11 : memref<!tpu.dma_semaphore, #tpu.memory_space<semaphore_mem>>) src(%dma_wait3A_265 : memref<10240x64xf32, #tpu.memory_space<vmem_shared>>) dst(%arg8 : memref<128x64xf32, #tpu.memory_space<vmem>>)
      "tpu.region"() ({
        %run_scoped3A = tpu.sem_alloc : memref<!tpu.dma_semaphore, #tpu.memory_space<semaphore_mem>>
        %dma_start3A_267 = arith.constant 0 : i32
        %dma_start3A_268 = tpu.memref_slice %arg7[%scan3A_254, %dma_start3A_267] : memref<5x128xi32, #tpu.memory_space<vmem>> -> memref<1x128xi32, #tpu.memory_space<vmem>>
        %dma_start3A_269 = tpu.memref_squeeze %dma_start3A_268 : memref<1x128xi32, #tpu.memory_space<vmem>> -> memref<128xi32, #tpu.memory_space<vmem>>
        %dma_start3A_270 = arith.constant 0 : i32
        %dma_start3A_271 = arith.constant 0 : i32
        %dma_start3A_272 = tpu.memref_slice %arg9[%dma_start3A_270, %dma_start3A_271] : memref<20096x64xf32, #tpu.memory_space<vmem_shared>> -> memref<20096x64xf32, #tpu.memory_space<vmem_shared>>
        tpu.enqueue_indirect_dma source(%arg8 : memref<128x64xf32, #tpu.memory_space<vmem>>) target(%dma_start3A_272 : memref<20096x64xf32, #tpu.memory_space<vmem_shared>>) offsets(%dma_start3A_269 : memref<128xi32, #tpu.memory_space<vmem>>) semaphore(%run_scoped3A : memref<!tpu.dma_semaphore, #tpu.memory_space<semaphore_mem>>) {add = true}
        %dma_wait3A_273 = arith.constant 0 : i32
        %dma_wait3A_274 = tpu.memref_slice %arg7[%scan3A_254, %dma_wait3A_273] : memref<5x128xi32, #tpu.memory_space<vmem>> -> memref<1x128xi32, #tpu.memory_space<vmem>>
        %dma_wait3A_275 = tpu.memref_squeeze %dma_wait3A_274 : memref<1x128xi32, #tpu.memory_space<vmem>> -> memref<128xi32, #tpu.memory_space<vmem>>
        %dma_wait3A_276 = arith.constant 0 : i32
        %dma_wait3A_277 = arith.constant 0 : i32
        %dma_wait3A_278 = tpu.memref_slice %arg9[%dma_wait3A_276, %dma_wait3A_277] : memref<20096x64xf32, #tpu.memory_space<vmem_shared>> -> memref<20096x64xf32, #tpu.memory_space<vmem_shared>>
        tpu.wait_indirect_dma semaphore(%run_scoped3A : memref<!tpu.dma_semaphore, #tpu.memory_space<semaphore_mem>>) src(%arg8 : memref<128x64xf32, #tpu.memory_space<vmem>>) dst(%dma_wait3A_278 : memref<20096x64xf32, #tpu.memory_space<vmem_shared>>)
        tpu.yield
      }) : () -> ()
      %scan3A_266 = arith.constant 0 : i32
      scf.yield %scan3A_266 : i32
    }
    %scan3A_56 = arith.constant 5 : i32
    "tpu.region"() ({
      %run_scoped3A = tpu.sem_alloc : memref<!tpu.dma_semaphore, #tpu.memory_space<semaphore_mem>>
      %dma_start3A = arith.constant 25 : i32
      %dma_start3A_254 = arith.constant 0 : i32
      %dma_start3A_255 = tpu.memref_slice %arg3[%arg1, %dma_start3A, %dma_start3A_254] : memref<16x160x128xi32, #tpu.memory_space<hbm>> -> memref<1x5x128xi32, #tpu.memory_space<hbm>>
      %dma_start3A_256 = tpu.memref_squeeze %dma_start3A_255 : memref<1x5x128xi32, #tpu.memory_space<hbm>> -> memref<5x128xi32, #tpu.memory_space<hbm>>
      %dma_start3A_257 = arith.constant 25 : i32
      %dma_start3A_258 = arith.constant 0 : i32
      %dma_start3A_259 = tpu.memref_slice %arg3[%arg1, %dma_start3A_257, %dma_start3A_258] : memref<16x160x128xi32, #tpu.memory_space<hbm>> -> memref<1x5x128xi32, #tpu.memory_space<hbm>>
      %dma_start3A_260 = tpu.memref_squeeze %dma_start3A_259 : memref<1x5x128xi32, #tpu.memory_space<hbm>> -> memref<5x128xi32, #tpu.memory_space<hbm>>
      tpu.enqueue_dma source(%dma_start3A_260 : memref<5x128xi32, #tpu.memory_space<hbm>>) target(%arg6 : memref<5x128xi32, #tpu.memory_space<vmem>>) target_semaphore(%run_scoped3A : memref<!tpu.dma_semaphore, #tpu.memory_space<semaphore_mem>>)
      %dma_wait3A = arith.constant 25 : i32
      %dma_wait3A_261 = arith.constant 0 : i32
      %dma_wait3A_262 = tpu.memref_slice %arg3[%arg1, %dma_wait3A, %dma_wait3A_261] : memref<16x160x128xi32, #tpu.memory_space<hbm>> -> memref<1x5x128xi32, #tpu.memory_space<hbm>>
      %dma_wait3A_263 = tpu.memref_squeeze %dma_wait3A_262 : memref<1x5x128xi32, #tpu.memory_space<hbm>> -> memref<5x128xi32, #tpu.memory_space<hbm>>
      %dma_wait3A_264 = arith.constant 25 : i32
      %dma_wait3A_265 = arith.constant 0 : i32
      %dma_wait3A_266 = tpu.memref_slice %arg3[%arg1, %dma_wait3A_264, %dma_wait3A_265] : memref<16x160x128xi32, #tpu.memory_space<hbm>> -> memref<1x5x128xi32, #tpu.memory_space<hbm>>
      %dma_wait3A_267 = tpu.memref_squeeze %dma_wait3A_266 : memref<1x5x128xi32, #tpu.memory_space<hbm>> -> memref<5x128xi32, #tpu.memory_space<hbm>>
      tpu.wait_dma2 semaphore(%run_scoped3A : memref<!tpu.dma_semaphore, #tpu.memory_space<semaphore_mem>>) src(%dma_wait3A_267 : memref<5x128xi32, #tpu.memory_space<hbm>>) dst(%arg6 : memref<5x128xi32, #tpu.memory_space<vmem>>)
      tpu.yield
    }) : () -> ()
    "tpu.region"() ({
      %run_scoped3A = tpu.sem_alloc : memref<!tpu.dma_semaphore, #tpu.memory_space<semaphore_mem>>
      %dma_start3A = arith.constant 25 : i32
      %dma_start3A_254 = arith.constant 0 : i32
      %dma_start3A_255 = tpu.memref_slice %arg4[%arg1, %dma_start3A, %dma_start3A_254] : memref<16x160x128xi32, #tpu.memory_space<hbm>> -> memref<1x5x128xi32, #tpu.memory_space<hbm>>
      %dma_start3A_256 = tpu.memref_squeeze %dma_start3A_255 : memref<1x5x128xi32, #tpu.memory_space<hbm>> -> memref<5x128xi32, #tpu.memory_space<hbm>>
      %dma_start3A_257 = arith.constant 25 : i32
      %dma_start3A_258 = arith.constant 0 : i32
      %dma_start3A_259 = tpu.memref_slice %arg4[%arg1, %dma_start3A_257, %dma_start3A_258] : memref<16x160x128xi32, #tpu.memory_space<hbm>> -> memref<1x5x128xi32, #tpu.memory_space<hbm>>
      %dma_start3A_260 = tpu.memref_squeeze %dma_start3A_259 : memref<1x5x128xi32, #tpu.memory_space<hbm>> -> memref<5x128xi32, #tpu.memory_space<hbm>>
      tpu.enqueue_dma source(%dma_start3A_260 : memref<5x128xi32, #tpu.memory_space<hbm>>) target(%arg7 : memref<5x128xi32, #tpu.memory_space<vmem>>) target_semaphore(%run_scoped3A : memref<!tpu.dma_semaphore, #tpu.memory_space<semaphore_mem>>)
      %dma_wait3A = arith.constant 25 : i32
      %dma_wait3A_261 = arith.constant 0 : i32
      %dma_wait3A_262 = tpu.memref_slice %arg4[%arg1, %dma_wait3A, %dma_wait3A_261] : memref<16x160x128xi32, #tpu.memory_space<hbm>> -> memref<1x5x128xi32, #tpu.memory_space<hbm>>
      %dma_wait3A_263 = tpu.memref_squeeze %dma_wait3A_262 : memref<1x5x128xi32, #tpu.memory_space<hbm>> -> memref<5x128xi32, #tpu.memory_space<hbm>>
      %dma_wait3A_264 = arith.constant 25 : i32
      %dma_wait3A_265 = arith.constant 0 : i32
      %dma_wait3A_266 = tpu.memref_slice %arg4[%arg1, %dma_wait3A_264, %dma_wait3A_265] : memref<16x160x128xi32, #tpu.memory_space<hbm>> -> memref<1x5x128xi32, #tpu.memory_space<hbm>>
      %dma_wait3A_267 = tpu.memref_squeeze %dma_wait3A_266 : memref<1x5x128xi32, #tpu.memory_space<hbm>> -> memref<5x128xi32, #tpu.memory_space<hbm>>
      tpu.wait_dma2 semaphore(%run_scoped3A : memref<!tpu.dma_semaphore, #tpu.memory_space<semaphore_mem>>) src(%dma_wait3A_267 : memref<5x128xi32, #tpu.memory_space<hbm>>) dst(%arg7 : memref<5x128xi32, #tpu.memory_space<vmem>>)
      tpu.yield
    }) : () -> ()
    %scan3A_57 = arith.constant 0 : i32
    %scan3A_58 = arith.constant 0 : i32
    %scan3A_59 = arith.constant 5 : i32
    %scan3A_60 = arith.addi %scan3A_58, %scan3A_59 : i32
    %scan3A_61 = arith.constant 1 : i32
    %scan3A_62 = scf.for %scan3A_254 = %scan3A_58 to %scan3A_60 step %scan3A_61 iter_args(%scan3A_255 = %scan3A_57) -> (i32)  : i32 {
      %dma_start3A = arith.constant 0 : i32
      %dma_start3A_256 = tpu.memref_slice %arg6[%scan3A_254, %dma_start3A] : memref<5x128xi32, #tpu.memory_space<vmem>> -> memref<1x128xi32, #tpu.memory_space<vmem>>
      %dma_start3A_257 = tpu.memref_squeeze %dma_start3A_256 : memref<1x128xi32, #tpu.memory_space<vmem>> -> memref<128xi32, #tpu.memory_space<vmem>>
      %dma_start3A_258 = arith.constant 0 : i32
      %dma_start3A_259 = arith.constant 0 : i32
      %dma_start3A_260 = tpu.memref_slice %arg10[%dma_start3A_258, %dma_start3A_259] : memref<10240x64xf32, #tpu.memory_space<vmem_shared>> -> memref<10240x64xf32, #tpu.memory_space<vmem_shared>>
      tpu.enqueue_indirect_dma source(%dma_start3A_260 : memref<10240x64xf32, #tpu.memory_space<vmem_shared>>) target(%arg8 : memref<128x64xf32, #tpu.memory_space<vmem>>) offsets(%dma_start3A_257 : memref<128xi32, #tpu.memory_space<vmem>>) semaphore(%arg11 : memref<!tpu.dma_semaphore, #tpu.memory_space<semaphore_mem>>)
      %dma_wait3A = arith.constant 0 : i32
      %dma_wait3A_261 = tpu.memref_slice %arg6[%scan3A_254, %dma_wait3A] : memref<5x128xi32, #tpu.memory_space<vmem>> -> memref<1x128xi32, #tpu.memory_space<vmem>>
      %dma_wait3A_262 = tpu.memref_squeeze %dma_wait3A_261 : memref<1x128xi32, #tpu.memory_space<vmem>> -> memref<128xi32, #tpu.memory_space<vmem>>
      %dma_wait3A_263 = arith.constant 0 : i32
      %dma_wait3A_264 = arith.constant 0 : i32
      %dma_wait3A_265 = tpu.memref_slice %arg10[%dma_wait3A_263, %dma_wait3A_264] : memref<10240x64xf32, #tpu.memory_space<vmem_shared>> -> memref<10240x64xf32, #tpu.memory_space<vmem_shared>>
      tpu.wait_indirect_dma semaphore(%arg11 : memref<!tpu.dma_semaphore, #tpu.memory_space<semaphore_mem>>) src(%dma_wait3A_265 : memref<10240x64xf32, #tpu.memory_space<vmem_shared>>) dst(%arg8 : memref<128x64xf32, #tpu.memory_space<vmem>>)
      "tpu.region"() ({
        %run_scoped3A = tpu.sem_alloc : memref<!tpu.dma_semaphore, #tpu.memory_space<semaphore_mem>>
        %dma_start3A_267 = arith.constant 0 : i32
        %dma_start3A_268 = tpu.memref_slice %arg7[%scan3A_254, %dma_start3A_267] : memref<5x128xi32, #tpu.memory_space<vmem>> -> memref<1x128xi32, #tpu.memory_space<vmem>>
        %dma_start3A_269 = tpu.memref_squeeze %dma_start3A_268 : memref<1x128xi32, #tpu.memory_space<vmem>> -> memref<128xi32, #tpu.memory_space<vmem>>
        %dma_start3A_270 = arith.constant 0 : i32
        %dma_start3A_271 = arith.constant 0 : i32
        %dma_start3A_272 = tpu.memref_slice %arg9[%dma_start3A_270, %dma_start3A_271] : memref<20096x64xf32, #tpu.memory_space<vmem_shared>> -> memref<20096x64xf32, #tpu.memory_space<vmem_shared>>
        tpu.enqueue_indirect_dma source(%arg8 : memref<128x64xf32, #tpu.memory_space<vmem>>) target(%dma_start3A_272 : memref<20096x64xf32, #tpu.memory_space<vmem_shared>>) offsets(%dma_start3A_269 : memref<128xi32, #tpu.memory_space<vmem>>) semaphore(%run_scoped3A : memref<!tpu.dma_semaphore, #tpu.memory_space<semaphore_mem>>) {add = true}
        %dma_wait3A_273 = arith.constant 0 : i32
        %dma_wait3A_274 = tpu.memref_slice %arg7[%scan3A_254, %dma_wait3A_273] : memref<5x128xi32, #tpu.memory_space<vmem>> -> memref<1x128xi32, #tpu.memory_space<vmem>>
        %dma_wait3A_275 = tpu.memref_squeeze %dma_wait3A_274 : memref<1x128xi32, #tpu.memory_space<vmem>> -> memref<128xi32, #tpu.memory_space<vmem>>
        %dma_wait3A_276 = arith.constant 0 : i32
        %dma_wait3A_277 = arith.constant 0 : i32
        %dma_wait3A_278 = tpu.memref_slice %arg9[%dma_wait3A_276, %dma_wait3A_277] : memref<20096x64xf32, #tpu.memory_space<vmem_shared>> -> memref<20096x64xf32, #tpu.memory_space<vmem_shared>>
        tpu.wait_indirect_dma semaphore(%run_scoped3A : memref<!tpu.dma_semaphore, #tpu.memory_space<semaphore_mem>>) src(%arg8 : memref<128x64xf32, #tpu.memory_space<vmem>>) dst(%dma_wait3A_278 : memref<20096x64xf32, #tpu.memory_space<vmem_shared>>)
        tpu.yield
      }) : () -> ()
      %scan3A_266 = arith.constant 0 : i32
      scf.yield %scan3A_266 : i32
    }
    %scan3A_63 = arith.constant 5 : i32
    "tpu.region"() ({
      %run_scoped3A = tpu.sem_alloc : memref<!tpu.dma_semaphore, #tpu.memory_space<semaphore_mem>>
      %dma_start3A = arith.constant 30 : i32
      %dma_start3A_254 = arith.constant 0 : i32
      %dma_start3A_255 = tpu.memref_slice %arg3[%arg1, %dma_start3A, %dma_start3A_254] : memref<16x160x128xi32, #tpu.memory_space<hbm>> -> memref<1x5x128xi32, #tpu.memory_space<hbm>>
      %dma_start3A_256 = tpu.memref_squeeze %dma_start3A_255 : memref<1x5x128xi32, #tpu.memory_space<hbm>> -> memref<5x128xi32, #tpu.memory_space<hbm>>
      %dma_start3A_257 = arith.constant 30 : i32
      %dma_start3A_258 = arith.constant 0 : i32
      %dma_start3A_259 = tpu.memref_slice %arg3[%arg1, %dma_start3A_257, %dma_start3A_258] : memref<16x160x128xi32, #tpu.memory_space<hbm>> -> memref<1x5x128xi32, #tpu.memory_space<hbm>>
      %dma_start3A_260 = tpu.memref_squeeze %dma_start3A_259 : memref<1x5x128xi32, #tpu.memory_space<hbm>> -> memref<5x128xi32, #tpu.memory_space<hbm>>
      tpu.enqueue_dma source(%dma_start3A_260 : memref<5x128xi32, #tpu.memory_space<hbm>>) target(%arg6 : memref<5x128xi32, #tpu.memory_space<vmem>>) target_semaphore(%run_scoped3A : memref<!tpu.dma_semaphore, #tpu.memory_space<semaphore_mem>>)
      %dma_wait3A = arith.constant 30 : i32
      %dma_wait3A_261 = arith.constant 0 : i32
      %dma_wait3A_262 = tpu.memref_slice %arg3[%arg1, %dma_wait3A, %dma_wait3A_261] : memref<16x160x128xi32, #tpu.memory_space<hbm>> -> memref<1x5x128xi32, #tpu.memory_space<hbm>>
      %dma_wait3A_263 = tpu.memref_squeeze %dma_wait3A_262 : memref<1x5x128xi32, #tpu.memory_space<hbm>> -> memref<5x128xi32, #tpu.memory_space<hbm>>
      %dma_wait3A_264 = arith.constant 30 : i32
      %dma_wait3A_265 = arith.constant 0 : i32
      %dma_wait3A_266 = tpu.memref_slice %arg3[%arg1, %dma_wait3A_264, %dma_wait3A_265] : memref<16x160x128xi32, #tpu.memory_space<hbm>> -> memref<1x5x128xi32, #tpu.memory_space<hbm>>
      %dma_wait3A_267 = tpu.memref_squeeze %dma_wait3A_266 : memref<1x5x128xi32, #tpu.memory_space<hbm>> -> memref<5x128xi32, #tpu.memory_space<hbm>>
      tpu.wait_dma2 semaphore(%run_scoped3A : memref<!tpu.dma_semaphore, #tpu.memory_space<semaphore_mem>>) src(%dma_wait3A_267 : memref<5x128xi32, #tpu.memory_space<hbm>>) dst(%arg6 : memref<5x128xi32, #tpu.memory_space<vmem>>)
      tpu.yield
    }) : () -> ()
    "tpu.region"() ({
      %run_scoped3A = tpu.sem_alloc : memref<!tpu.dma_semaphore, #tpu.memory_space<semaphore_mem>>
      %dma_start3A = arith.constant 30 : i32
      %dma_start3A_254 = arith.constant 0 : i32
      %dma_start3A_255 = tpu.memref_slice %arg4[%arg1, %dma_start3A, %dma_start3A_254] : memref<16x160x128xi32, #tpu.memory_space<hbm>> -> memref<1x5x128xi32, #tpu.memory_space<hbm>>
      %dma_start3A_256 = tpu.memref_squeeze %dma_start3A_255 : memref<1x5x128xi32, #tpu.memory_space<hbm>> -> memref<5x128xi32, #tpu.memory_space<hbm>>
      %dma_start3A_257 = arith.constant 30 : i32
      %dma_start3A_258 = arith.constant 0 : i32
      %dma_start3A_259 = tpu.memref_slice %arg4[%arg1, %dma_start3A_257, %dma_start3A_258] : memref<16x160x128xi32, #tpu.memory_space<hbm>> -> memref<1x5x128xi32, #tpu.memory_space<hbm>>
      %dma_start3A_260 = tpu.memref_squeeze %dma_start3A_259 : memref<1x5x128xi32, #tpu.memory_space<hbm>> -> memref<5x128xi32, #tpu.memory_space<hbm>>
      tpu.enqueue_dma source(%dma_start3A_260 : memref<5x128xi32, #tpu.memory_space<hbm>>) target(%arg7 : memref<5x128xi32, #tpu.memory_space<vmem>>) target_semaphore(%run_scoped3A : memref<!tpu.dma_semaphore, #tpu.memory_space<semaphore_mem>>)
      %dma_wait3A = arith.constant 30 : i32
      %dma_wait3A_261 = arith.constant 0 : i32
      %dma_wait3A_262 = tpu.memref_slice %arg4[%arg1, %dma_wait3A, %dma_wait3A_261] : memref<16x160x128xi32, #tpu.memory_space<hbm>> -> memref<1x5x128xi32, #tpu.memory_space<hbm>>
      %dma_wait3A_263 = tpu.memref_squeeze %dma_wait3A_262 : memref<1x5x128xi32, #tpu.memory_space<hbm>> -> memref<5x128xi32, #tpu.memory_space<hbm>>
      %dma_wait3A_264 = arith.constant 30 : i32
      %dma_wait3A_265 = arith.constant 0 : i32
      %dma_wait3A_266 = tpu.memref_slice %arg4[%arg1, %dma_wait3A_264, %dma_wait3A_265] : memref<16x160x128xi32, #tpu.memory_space<hbm>> -> memref<1x5x128xi32, #tpu.memory_space<hbm>>
      %dma_wait3A_267 = tpu.memref_squeeze %dma_wait3A_266 : memref<1x5x128xi32, #tpu.memory_space<hbm>> -> memref<5x128xi32, #tpu.memory_space<hbm>>
      tpu.wait_dma2 semaphore(%run_scoped3A : memref<!tpu.dma_semaphore, #tpu.memory_space<semaphore_mem>>) src(%dma_wait3A_267 : memref<5x128xi32, #tpu.memory_space<hbm>>) dst(%arg7 : memref<5x128xi32, #tpu.memory_space<vmem>>)
      tpu.yield
    }) : () -> ()
    %scan3A_64 = arith.constant 0 : i32
    %scan3A_65 = arith.constant 0 : i32
    %scan3A_66 = arith.constant 5 : i32
    %scan3A_67 = arith.addi %scan3A_65, %scan3A_66 : i32
    %scan3A_68 = arith.constant 1 : i32
    %scan3A_69 = scf.for %scan3A_254 = %scan3A_65 to %scan3A_67 step %scan3A_68 iter_args(%scan3A_255 = %scan3A_64) -> (i32)  : i32 {
      %dma_start3A = arith.constant 0 : i32
      %dma_start3A_256 = tpu.memref_slice %arg6[%scan3A_254, %dma_start3A] : memref<5x128xi32, #tpu.memory_space<vmem>> -> memref<1x128xi32, #tpu.memory_space<vmem>>
      %dma_start3A_257 = tpu.memref_squeeze %dma_start3A_256 : memref<1x128xi32, #tpu.memory_space<vmem>> -> memref<128xi32, #tpu.memory_space<vmem>>
      %dma_start3A_258 = arith.constant 0 : i32
      %dma_start3A_259 = arith.constant 0 : i32
      %dma_start3A_260 = tpu.memref_slice %arg10[%dma_start3A_258, %dma_start3A_259] : memref<10240x64xf32, #tpu.memory_space<vmem_shared>> -> memref<10240x64xf32, #tpu.memory_space<vmem_shared>>
      tpu.enqueue_indirect_dma source(%dma_start3A_260 : memref<10240x64xf32, #tpu.memory_space<vmem_shared>>) target(%arg8 : memref<128x64xf32, #tpu.memory_space<vmem>>) offsets(%dma_start3A_257 : memref<128xi32, #tpu.memory_space<vmem>>) semaphore(%arg11 : memref<!tpu.dma_semaphore, #tpu.memory_space<semaphore_mem>>)
      %dma_wait3A = arith.constant 0 : i32
      %dma_wait3A_261 = tpu.memref_slice %arg6[%scan3A_254, %dma_wait3A] : memref<5x128xi32, #tpu.memory_space<vmem>> -> memref<1x128xi32, #tpu.memory_space<vmem>>
      %dma_wait3A_262 = tpu.memref_squeeze %dma_wait3A_261 : memref<1x128xi32, #tpu.memory_space<vmem>> -> memref<128xi32, #tpu.memory_space<vmem>>
      %dma_wait3A_263 = arith.constant 0 : i32
      %dma_wait3A_264 = arith.constant 0 : i32
      %dma_wait3A_265 = tpu.memref_slice %arg10[%dma_wait3A_263, %dma_wait3A_264] : memref<10240x64xf32, #tpu.memory_space<vmem_shared>> -> memref<10240x64xf32, #tpu.memory_space<vmem_shared>>
      tpu.wait_indirect_dma semaphore(%arg11 : memref<!tpu.dma_semaphore, #tpu.memory_space<semaphore_mem>>) src(%dma_wait3A_265 : memref<10240x64xf32, #tpu.memory_space<vmem_shared>>) dst(%arg8 : memref<128x64xf32, #tpu.memory_space<vmem>>)
      "tpu.region"() ({
        %run_scoped3A = tpu.sem_alloc : memref<!tpu.dma_semaphore, #tpu.memory_space<semaphore_mem>>
        %dma_start3A_267 = arith.constant 0 : i32
        %dma_start3A_268 = tpu.memref_slice %arg7[%scan3A_254, %dma_start3A_267] : memref<5x128xi32, #tpu.memory_space<vmem>> -> memref<1x128xi32, #tpu.memory_space<vmem>>
        %dma_start3A_269 = tpu.memref_squeeze %dma_start3A_268 : memref<1x128xi32, #tpu.memory_space<vmem>> -> memref<128xi32, #tpu.memory_space<vmem>>
        %dma_start3A_270 = arith.constant 0 : i32
        %dma_start3A_271 = arith.constant 0 : i32
        %dma_start3A_272 = tpu.memref_slice %arg9[%dma_start3A_270, %dma_start3A_271] : memref<20096x64xf32, #tpu.memory_space<vmem_shared>> -> memref<20096x64xf32, #tpu.memory_space<vmem_shared>>
        tpu.enqueue_indirect_dma source(%arg8 : memref<128x64xf32, #tpu.memory_space<vmem>>) target(%dma_start3A_272 : memref<20096x64xf32, #tpu.memory_space<vmem_shared>>) offsets(%dma_start3A_269 : memref<128xi32, #tpu.memory_space<vmem>>) semaphore(%run_scoped3A : memref<!tpu.dma_semaphore, #tpu.memory_space<semaphore_mem>>) {add = true}
        %dma_wait3A_273 = arith.constant 0 : i32
        %dma_wait3A_274 = tpu.memref_slice %arg7[%scan3A_254, %dma_wait3A_273] : memref<5x128xi32, #tpu.memory_space<vmem>> -> memref<1x128xi32, #tpu.memory_space<vmem>>
        %dma_wait3A_275 = tpu.memref_squeeze %dma_wait3A_274 : memref<1x128xi32, #tpu.memory_space<vmem>> -> memref<128xi32, #tpu.memory_space<vmem>>
        %dma_wait3A_276 = arith.constant 0 : i32
        %dma_wait3A_277 = arith.constant 0 : i32
        %dma_wait3A_278 = tpu.memref_slice %arg9[%dma_wait3A_276, %dma_wait3A_277] : memref<20096x64xf32, #tpu.memory_space<vmem_shared>> -> memref<20096x64xf32, #tpu.memory_space<vmem_shared>>
        tpu.wait_indirect_dma semaphore(%run_scoped3A : memref<!tpu.dma_semaphore, #tpu.memory_space<semaphore_mem>>) src(%arg8 : memref<128x64xf32, #tpu.memory_space<vmem>>) dst(%dma_wait3A_278 : memref<20096x64xf32, #tpu.memory_space<vmem_shared>>)
        tpu.yield
      }) : () -> ()
      %scan3A_266 = arith.constant 0 : i32
      scf.yield %scan3A_266 : i32
    }
    %scan3A_70 = arith.constant 5 : i32
    "tpu.region"() ({
      %run_scoped3A = tpu.sem_alloc : memref<!tpu.dma_semaphore, #tpu.memory_space<semaphore_mem>>
      %dma_start3A = arith.constant 35 : i32
      %dma_start3A_254 = arith.constant 0 : i32
      %dma_start3A_255 = tpu.memref_slice %arg3[%arg1, %dma_start3A, %dma_start3A_254] : memref<16x160x128xi32, #tpu.memory_space<hbm>> -> memref<1x5x128xi32, #tpu.memory_space<hbm>>
      %dma_start3A_256 = tpu.memref_squeeze %dma_start3A_255 : memref<1x5x128xi32, #tpu.memory_space<hbm>> -> memref<5x128xi32, #tpu.memory_space<hbm>>
      %dma_start3A_257 = arith.constant 35 : i32
      %dma_start3A_258 = arith.constant 0 : i32
      %dma_start3A_259 = tpu.memref_slice %arg3[%arg1, %dma_start3A_257, %dma_start3A_258] : memref<16x160x128xi32, #tpu.memory_space<hbm>> -> memref<1x5x128xi32, #tpu.memory_space<hbm>>
      %dma_start3A_260 = tpu.memref_squeeze %dma_start3A_259 : memref<1x5x128xi32, #tpu.memory_space<hbm>> -> memref<5x128xi32, #tpu.memory_space<hbm>>
      tpu.enqueue_dma source(%dma_start3A_260 : memref<5x128xi32, #tpu.memory_space<hbm>>) target(%arg6 : memref<5x128xi32, #tpu.memory_space<vmem>>) target_semaphore(%run_scoped3A : memref<!tpu.dma_semaphore, #tpu.memory_space<semaphore_mem>>)
      %dma_wait3A = arith.constant 35 : i32
      %dma_wait3A_261 = arith.constant 0 : i32
      %dma_wait3A_262 = tpu.memref_slice %arg3[%arg1, %dma_wait3A, %dma_wait3A_261] : memref<16x160x128xi32, #tpu.memory_space<hbm>> -> memref<1x5x128xi32, #tpu.memory_space<hbm>>
      %dma_wait3A_263 = tpu.memref_squeeze %dma_wait3A_262 : memref<1x5x128xi32, #tpu.memory_space<hbm>> -> memref<5x128xi32, #tpu.memory_space<hbm>>
      %dma_wait3A_264 = arith.constant 35 : i32
      %dma_wait3A_265 = arith.constant 0 : i32
      %dma_wait3A_266 = tpu.memref_slice %arg3[%arg1, %dma_wait3A_264, %dma_wait3A_265] : memref<16x160x128xi32, #tpu.memory_space<hbm>> -> memref<1x5x128xi32, #tpu.memory_space<hbm>>
      %dma_wait3A_267 = tpu.memref_squeeze %dma_wait3A_266 : memref<1x5x128xi32, #tpu.memory_space<hbm>> -> memref<5x128xi32, #tpu.memory_space<hbm>>
      tpu.wait_dma2 semaphore(%run_scoped3A : memref<!tpu.dma_semaphore, #tpu.memory_space<semaphore_mem>>) src(%dma_wait3A_267 : memref<5x128xi32, #tpu.memory_space<hbm>>) dst(%arg6 : memref<5x128xi32, #tpu.memory_space<vmem>>)
      tpu.yield
    }) : () -> ()
    "tpu.region"() ({
      %run_scoped3A = tpu.sem_alloc : memref<!tpu.dma_semaphore, #tpu.memory_space<semaphore_mem>>
      %dma_start3A = arith.constant 35 : i32
      %dma_start3A_254 = arith.constant 0 : i32
      %dma_start3A_255 = tpu.memref_slice %arg4[%arg1, %dma_start3A, %dma_start3A_254] : memref<16x160x128xi32, #tpu.memory_space<hbm>> -> memref<1x5x128xi32, #tpu.memory_space<hbm>>
      %dma_start3A_256 = tpu.memref_squeeze %dma_start3A_255 : memref<1x5x128xi32, #tpu.memory_space<hbm>> -> memref<5x128xi32, #tpu.memory_space<hbm>>
      %dma_start3A_257 = arith.constant 35 : i32
      %dma_start3A_258 = arith.constant 0 : i32
      %dma_start3A_259 = tpu.memref_slice %arg4[%arg1, %dma_start3A_257, %dma_start3A_258] : memref<16x160x128xi32, #tpu.memory_space<hbm>> -> memref<1x5x128xi32, #tpu.memory_space<hbm>>
      %dma_start3A_260 = tpu.memref_squeeze %dma_start3A_259 : memref<1x5x128xi32, #tpu.memory_space<hbm>> -> memref<5x128xi32, #tpu.memory_space<hbm>>
      tpu.enqueue_dma source(%dma_start3A_260 : memref<5x128xi32, #tpu.memory_space<hbm>>) target(%arg7 : memref<5x128xi32, #tpu.memory_space<vmem>>) target_semaphore(%run_scoped3A : memref<!tpu.dma_semaphore, #tpu.memory_space<semaphore_mem>>)
      %dma_wait3A = arith.constant 35 : i32
      %dma_wait3A_261 = arith.constant 0 : i32
      %dma_wait3A_262 = tpu.memref_slice %arg4[%arg1, %dma_wait3A, %dma_wait3A_261] : memref<16x160x128xi32, #tpu.memory_space<hbm>> -> memref<1x5x128xi32, #tpu.memory_space<hbm>>
      %dma_wait3A_263 = tpu.memref_squeeze %dma_wait3A_262 : memref<1x5x128xi32, #tpu.memory_space<hbm>> -> memref<5x128xi32, #tpu.memory_space<hbm>>
      %dma_wait3A_264 = arith.constant 35 : i32
      %dma_wait3A_265 = arith.constant 0 : i32
      %dma_wait3A_266 = tpu.memref_slice %arg4[%arg1, %dma_wait3A_264, %dma_wait3A_265] : memref<16x160x128xi32, #tpu.memory_space<hbm>> -> memref<1x5x128xi32, #tpu.memory_space<hbm>>
      %dma_wait3A_267 = tpu.memref_squeeze %dma_wait3A_266 : memref<1x5x128xi32, #tpu.memory_space<hbm>> -> memref<5x128xi32, #tpu.memory_space<hbm>>
      tpu.wait_dma2 semaphore(%run_scoped3A : memref<!tpu.dma_semaphore, #tpu.memory_space<semaphore_mem>>) src(%dma_wait3A_267 : memref<5x128xi32, #tpu.memory_space<hbm>>) dst(%arg7 : memref<5x128xi32, #tpu.memory_space<vmem>>)
      tpu.yield
    }) : () -> ()
    %scan3A_71 = arith.constant 0 : i32
    %scan3A_72 = arith.constant 0 : i32
    %scan3A_73 = arith.constant 5 : i32
    %scan3A_74 = arith.addi %scan3A_72, %scan3A_73 : i32
    %scan3A_75 = arith.constant 1 : i32
    %scan3A_76 = scf.for %scan3A_254 = %scan3A_72 to %scan3A_74 step %scan3A_75 iter_args(%scan3A_255 = %scan3A_71) -> (i32)  : i32 {
      %dma_start3A = arith.constant 0 : i32
      %dma_start3A_256 = tpu.memref_slice %arg6[%scan3A_254, %dma_start3A] : memref<5x128xi32, #tpu.memory_space<vmem>> -> memref<1x128xi32, #tpu.memory_space<vmem>>
      %dma_start3A_257 = tpu.memref_squeeze %dma_start3A_256 : memref<1x128xi32, #tpu.memory_space<vmem>> -> memref<128xi32, #tpu.memory_space<vmem>>
      %dma_start3A_258 = arith.constant 0 : i32
      %dma_start3A_259 = arith.constant 0 : i32
      %dma_start3A_260 = tpu.memref_slice %arg10[%dma_start3A_258, %dma_start3A_259] : memref<10240x64xf32, #tpu.memory_space<vmem_shared>> -> memref<10240x64xf32, #tpu.memory_space<vmem_shared>>
      tpu.enqueue_indirect_dma source(%dma_start3A_260 : memref<10240x64xf32, #tpu.memory_space<vmem_shared>>) target(%arg8 : memref<128x64xf32, #tpu.memory_space<vmem>>) offsets(%dma_start3A_257 : memref<128xi32, #tpu.memory_space<vmem>>) semaphore(%arg11 : memref<!tpu.dma_semaphore, #tpu.memory_space<semaphore_mem>>)
      %dma_wait3A = arith.constant 0 : i32
      %dma_wait3A_261 = tpu.memref_slice %arg6[%scan3A_254, %dma_wait3A] : memref<5x128xi32, #tpu.memory_space<vmem>> -> memref<1x128xi32, #tpu.memory_space<vmem>>
      %dma_wait3A_262 = tpu.memref_squeeze %dma_wait3A_261 : memref<1x128xi32, #tpu.memory_space<vmem>> -> memref<128xi32, #tpu.memory_space<vmem>>
      %dma_wait3A_263 = arith.constant 0 : i32
      %dma_wait3A_264 = arith.constant 0 : i32
      %dma_wait3A_265 = tpu.memref_slice %arg10[%dma_wait3A_263, %dma_wait3A_264] : memref<10240x64xf32, #tpu.memory_space<vmem_shared>> -> memref<10240x64xf32, #tpu.memory_space<vmem_shared>>
      tpu.wait_indirect_dma semaphore(%arg11 : memref<!tpu.dma_semaphore, #tpu.memory_space<semaphore_mem>>) src(%dma_wait3A_265 : memref<10240x64xf32, #tpu.memory_space<vmem_shared>>) dst(%arg8 : memref<128x64xf32, #tpu.memory_space<vmem>>)
      "tpu.region"() ({
        %run_scoped3A = tpu.sem_alloc : memref<!tpu.dma_semaphore, #tpu.memory_space<semaphore_mem>>
        %dma_start3A_267 = arith.constant 0 : i32
        %dma_start3A_268 = tpu.memref_slice %arg7[%scan3A_254, %dma_start3A_267] : memref<5x128xi32, #tpu.memory_space<vmem>> -> memref<1x128xi32, #tpu.memory_space<vmem>>
        %dma_start3A_269 = tpu.memref_squeeze %dma_start3A_268 : memref<1x128xi32, #tpu.memory_space<vmem>> -> memref<128xi32, #tpu.memory_space<vmem>>
        %dma_start3A_270 = arith.constant 0 : i32
        %dma_start3A_271 = arith.constant 0 : i32
        %dma_start3A_272 = tpu.memref_slice %arg9[%dma_start3A_270, %dma_start3A_271] : memref<20096x64xf32, #tpu.memory_space<vmem_shared>> -> memref<20096x64xf32, #tpu.memory_space<vmem_shared>>
        tpu.enqueue_indirect_dma source(%arg8 : memref<128x64xf32, #tpu.memory_space<vmem>>) target(%dma_start3A_272 : memref<20096x64xf32, #tpu.memory_space<vmem_shared>>) offsets(%dma_start3A_269 : memref<128xi32, #tpu.memory_space<vmem>>) semaphore(%run_scoped3A : memref<!tpu.dma_semaphore, #tpu.memory_space<semaphore_mem>>) {add = true}
        %dma_wait3A_273 = arith.constant 0 : i32
        %dma_wait3A_274 = tpu.memref_slice %arg7[%scan3A_254, %dma_wait3A_273] : memref<5x128xi32, #tpu.memory_space<vmem>> -> memref<1x128xi32, #tpu.memory_space<vmem>>
        %dma_wait3A_275 = tpu.memref_squeeze %dma_wait3A_274 : memref<1x128xi32, #tpu.memory_space<vmem>> -> memref<128xi32, #tpu.memory_space<vmem>>
        %dma_wait3A_276 = arith.constant 0 : i32
        %dma_wait3A_277 = arith.constant 0 : i32
        %dma_wait3A_278 = tpu.memref_slice %arg9[%dma_wait3A_276, %dma_wait3A_277] : memref<20096x64xf32, #tpu.memory_space<vmem_shared>> -> memref<20096x64xf32, #tpu.memory_space<vmem_shared>>
        tpu.wait_indirect_dma semaphore(%run_scoped3A : memref<!tpu.dma_semaphore, #tpu.memory_space<semaphore_mem>>) src(%arg8 : memref<128x64xf32, #tpu.memory_space<vmem>>) dst(%dma_wait3A_278 : memref<20096x64xf32, #tpu.memory_space<vmem_shared>>)
        tpu.yield
      }) : () -> ()
      %scan3A_266 = arith.constant 0 : i32
      scf.yield %scan3A_266 : i32
    }
    %scan3A_77 = arith.constant 5 : i32
    "tpu.region"() ({
      %run_scoped3A = tpu.sem_alloc : memref<!tpu.dma_semaphore, #tpu.memory_space<semaphore_mem>>
      %dma_start3A = arith.constant 40 : i32
      %dma_start3A_254 = arith.constant 0 : i32
      %dma_start3A_255 = tpu.memref_slice %arg3[%arg1, %dma_start3A, %dma_start3A_254] : memref<16x160x128xi32, #tpu.memory_space<hbm>> -> memref<1x5x128xi32, #tpu.memory_space<hbm>>
      %dma_start3A_256 = tpu.memref_squeeze %dma_start3A_255 : memref<1x5x128xi32, #tpu.memory_space<hbm>> -> memref<5x128xi32, #tpu.memory_space<hbm>>
      %dma_start3A_257 = arith.constant 40 : i32
      %dma_start3A_258 = arith.constant 0 : i32
      %dma_start3A_259 = tpu.memref_slice %arg3[%arg1, %dma_start3A_257, %dma_start3A_258] : memref<16x160x128xi32, #tpu.memory_space<hbm>> -> memref<1x5x128xi32, #tpu.memory_space<hbm>>
      %dma_start3A_260 = tpu.memref_squeeze %dma_start3A_259 : memref<1x5x128xi32, #tpu.memory_space<hbm>> -> memref<5x128xi32, #tpu.memory_space<hbm>>
      tpu.enqueue_dma source(%dma_start3A_260 : memref<5x128xi32, #tpu.memory_space<hbm>>) target(%arg6 : memref<5x128xi32, #tpu.memory_space<vmem>>) target_semaphore(%run_scoped3A : memref<!tpu.dma_semaphore, #tpu.memory_space<semaphore_mem>>)
      %dma_wait3A = arith.constant 40 : i32
      %dma_wait3A_261 = arith.constant 0 : i32
      %dma_wait3A_262 = tpu.memref_slice %arg3[%arg1, %dma_wait3A, %dma_wait3A_261] : memref<16x160x128xi32, #tpu.memory_space<hbm>> -> memref<1x5x128xi32, #tpu.memory_space<hbm>>
      %dma_wait3A_263 = tpu.memref_squeeze %dma_wait3A_262 : memref<1x5x128xi32, #tpu.memory_space<hbm>> -> memref<5x128xi32, #tpu.memory_space<hbm>>
      %dma_wait3A_264 = arith.constant 40 : i32
      %dma_wait3A_265 = arith.constant 0 : i32
      %dma_wait3A_266 = tpu.memref_slice %arg3[%arg1, %dma_wait3A_264, %dma_wait3A_265] : memref<16x160x128xi32, #tpu.memory_space<hbm>> -> memref<1x5x128xi32, #tpu.memory_space<hbm>>
      %dma_wait3A_267 = tpu.memref_squeeze %dma_wait3A_266 : memref<1x5x128xi32, #tpu.memory_space<hbm>> -> memref<5x128xi32, #tpu.memory_space<hbm>>
      tpu.wait_dma2 semaphore(%run_scoped3A : memref<!tpu.dma_semaphore, #tpu.memory_space<semaphore_mem>>) src(%dma_wait3A_267 : memref<5x128xi32, #tpu.memory_space<hbm>>) dst(%arg6 : memref<5x128xi32, #tpu.memory_space<vmem>>)
      tpu.yield
    }) : () -> ()
    "tpu.region"() ({
      %run_scoped3A = tpu.sem_alloc : memref<!tpu.dma_semaphore, #tpu.memory_space<semaphore_mem>>
      %dma_start3A = arith.constant 40 : i32
      %dma_start3A_254 = arith.constant 0 : i32
      %dma_start3A_255 = tpu.memref_slice %arg4[%arg1, %dma_start3A, %dma_start3A_254] : memref<16x160x128xi32, #tpu.memory_space<hbm>> -> memref<1x5x128xi32, #tpu.memory_space<hbm>>
      %dma_start3A_256 = tpu.memref_squeeze %dma_start3A_255 : memref<1x5x128xi32, #tpu.memory_space<hbm>> -> memref<5x128xi32, #tpu.memory_space<hbm>>
      %dma_start3A_257 = arith.constant 40 : i32
      %dma_start3A_258 = arith.constant 0 : i32
      %dma_start3A_259 = tpu.memref_slice %arg4[%arg1, %dma_start3A_257, %dma_start3A_258] : memref<16x160x128xi32, #tpu.memory_space<hbm>> -> memref<1x5x128xi32, #tpu.memory_space<hbm>>
      %dma_start3A_260 = tpu.memref_squeeze %dma_start3A_259 : memref<1x5x128xi32, #tpu.memory_space<hbm>> -> memref<5x128xi32, #tpu.memory_space<hbm>>
      tpu.enqueue_dma source(%dma_start3A_260 : memref<5x128xi32, #tpu.memory_space<hbm>>) target(%arg7 : memref<5x128xi32, #tpu.memory_space<vmem>>) target_semaphore(%run_scoped3A : memref<!tpu.dma_semaphore, #tpu.memory_space<semaphore_mem>>)
      %dma_wait3A = arith.constant 40 : i32
      %dma_wait3A_261 = arith.constant 0 : i32
      %dma_wait3A_262 = tpu.memref_slice %arg4[%arg1, %dma_wait3A, %dma_wait3A_261] : memref<16x160x128xi32, #tpu.memory_space<hbm>> -> memref<1x5x128xi32, #tpu.memory_space<hbm>>
      %dma_wait3A_263 = tpu.memref_squeeze %dma_wait3A_262 : memref<1x5x128xi32, #tpu.memory_space<hbm>> -> memref<5x128xi32, #tpu.memory_space<hbm>>
      %dma_wait3A_264 = arith.constant 40 : i32
      %dma_wait3A_265 = arith.constant 0 : i32
      %dma_wait3A_266 = tpu.memref_slice %arg4[%arg1, %dma_wait3A_264, %dma_wait3A_265] : memref<16x160x128xi32, #tpu.memory_space<hbm>> -> memref<1x5x128xi32, #tpu.memory_space<hbm>>
      %dma_wait3A_267 = tpu.memref_squeeze %dma_wait3A_266 : memref<1x5x128xi32, #tpu.memory_space<hbm>> -> memref<5x128xi32, #tpu.memory_space<hbm>>
      tpu.wait_dma2 semaphore(%run_scoped3A : memref<!tpu.dma_semaphore, #tpu.memory_space<semaphore_mem>>) src(%dma_wait3A_267 : memref<5x128xi32, #tpu.memory_space<hbm>>) dst(%arg7 : memref<5x128xi32, #tpu.memory_space<vmem>>)
      tpu.yield
    }) : () -> ()
    %scan3A_78 = arith.constant 0 : i32
    %scan3A_79 = arith.constant 0 : i32
    %scan3A_80 = arith.constant 5 : i32
    %scan3A_81 = arith.addi %scan3A_79, %scan3A_80 : i32
    %scan3A_82 = arith.constant 1 : i32
    %scan3A_83 = scf.for %scan3A_254 = %scan3A_79 to %scan3A_81 step %scan3A_82 iter_args(%scan3A_255 = %scan3A_78) -> (i32)  : i32 {
      %dma_start3A = arith.constant 0 : i32
      %dma_start3A_256 = tpu.memref_slice %arg6[%scan3A_254, %dma_start3A] : memref<5x128xi32, #tpu.memory_space<vmem>> -> memref<1x128xi32, #tpu.memory_space<vmem>>
      %dma_start3A_257 = tpu.memref_squeeze %dma_start3A_256 : memref<1x128xi32, #tpu.memory_space<vmem>> -> memref<128xi32, #tpu.memory_space<vmem>>
      %dma_start3A_258 = arith.constant 0 : i32
      %dma_start3A_259 = arith.constant 0 : i32
      %dma_start3A_260 = tpu.memref_slice %arg10[%dma_start3A_258, %dma_start3A_259] : memref<10240x64xf32, #tpu.memory_space<vmem_shared>> -> memref<10240x64xf32, #tpu.memory_space<vmem_shared>>
      tpu.enqueue_indirect_dma source(%dma_start3A_260 : memref<10240x64xf32, #tpu.memory_space<vmem_shared>>) target(%arg8 : memref<128x64xf32, #tpu.memory_space<vmem>>) offsets(%dma_start3A_257 : memref<128xi32, #tpu.memory_space<vmem>>) semaphore(%arg11 : memref<!tpu.dma_semaphore, #tpu.memory_space<semaphore_mem>>)
      %dma_wait3A = arith.constant 0 : i32
      %dma_wait3A_261 = tpu.memref_slice %arg6[%scan3A_254, %dma_wait3A] : memref<5x128xi32, #tpu.memory_space<vmem>> -> memref<1x128xi32, #tpu.memory_space<vmem>>
      %dma_wait3A_262 = tpu.memref_squeeze %dma_wait3A_261 : memref<1x128xi32, #tpu.memory_space<vmem>> -> memref<128xi32, #tpu.memory_space<vmem>>
      %dma_wait3A_263 = arith.constant 0 : i32
      %dma_wait3A_264 = arith.constant 0 : i32
      %dma_wait3A_265 = tpu.memref_slice %arg10[%dma_wait3A_263, %dma_wait3A_264] : memref<10240x64xf32, #tpu.memory_space<vmem_shared>> -> memref<10240x64xf32, #tpu.memory_space<vmem_shared>>
      tpu.wait_indirect_dma semaphore(%arg11 : memref<!tpu.dma_semaphore, #tpu.memory_space<semaphore_mem>>) src(%dma_wait3A_265 : memref<10240x64xf32, #tpu.memory_space<vmem_shared>>) dst(%arg8 : memref<128x64xf32, #tpu.memory_space<vmem>>)
      "tpu.region"() ({
        %run_scoped3A = tpu.sem_alloc : memref<!tpu.dma_semaphore, #tpu.memory_space<semaphore_mem>>
        %dma_start3A_267 = arith.constant 0 : i32
        %dma_start3A_268 = tpu.memref_slice %arg7[%scan3A_254, %dma_start3A_267] : memref<5x128xi32, #tpu.memory_space<vmem>> -> memref<1x128xi32, #tpu.memory_space<vmem>>
        %dma_start3A_269 = tpu.memref_squeeze %dma_start3A_268 : memref<1x128xi32, #tpu.memory_space<vmem>> -> memref<128xi32, #tpu.memory_space<vmem>>
        %dma_start3A_270 = arith.constant 0 : i32
        %dma_start3A_271 = arith.constant 0 : i32
        %dma_start3A_272 = tpu.memref_slice %arg9[%dma_start3A_270, %dma_start3A_271] : memref<20096x64xf32, #tpu.memory_space<vmem_shared>> -> memref<20096x64xf32, #tpu.memory_space<vmem_shared>>
        tpu.enqueue_indirect_dma source(%arg8 : memref<128x64xf32, #tpu.memory_space<vmem>>) target(%dma_start3A_272 : memref<20096x64xf32, #tpu.memory_space<vmem_shared>>) offsets(%dma_start3A_269 : memref<128xi32, #tpu.memory_space<vmem>>) semaphore(%run_scoped3A : memref<!tpu.dma_semaphore, #tpu.memory_space<semaphore_mem>>) {add = true}
        %dma_wait3A_273 = arith.constant 0 : i32
        %dma_wait3A_274 = tpu.memref_slice %arg7[%scan3A_254, %dma_wait3A_273] : memref<5x128xi32, #tpu.memory_space<vmem>> -> memref<1x128xi32, #tpu.memory_space<vmem>>
        %dma_wait3A_275 = tpu.memref_squeeze %dma_wait3A_274 : memref<1x128xi32, #tpu.memory_space<vmem>> -> memref<128xi32, #tpu.memory_space<vmem>>
        %dma_wait3A_276 = arith.constant 0 : i32
        %dma_wait3A_277 = arith.constant 0 : i32
        %dma_wait3A_278 = tpu.memref_slice %arg9[%dma_wait3A_276, %dma_wait3A_277] : memref<20096x64xf32, #tpu.memory_space<vmem_shared>> -> memref<20096x64xf32, #tpu.memory_space<vmem_shared>>
        tpu.wait_indirect_dma semaphore(%run_scoped3A : memref<!tpu.dma_semaphore, #tpu.memory_space<semaphore_mem>>) src(%arg8 : memref<128x64xf32, #tpu.memory_space<vmem>>) dst(%dma_wait3A_278 : memref<20096x64xf32, #tpu.memory_space<vmem_shared>>)
        tpu.yield
      }) : () -> ()
      %scan3A_266 = arith.constant 0 : i32
      scf.yield %scan3A_266 : i32
    }
    %scan3A_84 = arith.constant 5 : i32
    "tpu.region"() ({
      %run_scoped3A = tpu.sem_alloc : memref<!tpu.dma_semaphore, #tpu.memory_space<semaphore_mem>>
      %dma_start3A = arith.constant 45 : i32
      %dma_start3A_254 = arith.constant 0 : i32
      %dma_start3A_255 = tpu.memref_slice %arg3[%arg1, %dma_start3A, %dma_start3A_254] : memref<16x160x128xi32, #tpu.memory_space<hbm>> -> memref<1x5x128xi32, #tpu.memory_space<hbm>>
      %dma_start3A_256 = tpu.memref_squeeze %dma_start3A_255 : memref<1x5x128xi32, #tpu.memory_space<hbm>> -> memref<5x128xi32, #tpu.memory_space<hbm>>
      %dma_start3A_257 = arith.constant 45 : i32
      %dma_start3A_258 = arith.constant 0 : i32
      %dma_start3A_259 = tpu.memref_slice %arg3[%arg1, %dma_start3A_257, %dma_start3A_258] : memref<16x160x128xi32, #tpu.memory_space<hbm>> -> memref<1x5x128xi32, #tpu.memory_space<hbm>>
      %dma_start3A_260 = tpu.memref_squeeze %dma_start3A_259 : memref<1x5x128xi32, #tpu.memory_space<hbm>> -> memref<5x128xi32, #tpu.memory_space<hbm>>
      tpu.enqueue_dma source(%dma_start3A_260 : memref<5x128xi32, #tpu.memory_space<hbm>>) target(%arg6 : memref<5x128xi32, #tpu.memory_space<vmem>>) target_semaphore(%run_scoped3A : memref<!tpu.dma_semaphore, #tpu.memory_space<semaphore_mem>>)
      %dma_wait3A = arith.constant 45 : i32
      %dma_wait3A_261 = arith.constant 0 : i32
      %dma_wait3A_262 = tpu.memref_slice %arg3[%arg1, %dma_wait3A, %dma_wait3A_261] : memref<16x160x128xi32, #tpu.memory_space<hbm>> -> memref<1x5x128xi32, #tpu.memory_space<hbm>>
      %dma_wait3A_263 = tpu.memref_squeeze %dma_wait3A_262 : memref<1x5x128xi32, #tpu.memory_space<hbm>> -> memref<5x128xi32, #tpu.memory_space<hbm>>
      %dma_wait3A_264 = arith.constant 45 : i32
      %dma_wait3A_265 = arith.constant 0 : i32
      %dma_wait3A_266 = tpu.memref_slice %arg3[%arg1, %dma_wait3A_264, %dma_wait3A_265] : memref<16x160x128xi32, #tpu.memory_space<hbm>> -> memref<1x5x128xi32, #tpu.memory_space<hbm>>
      %dma_wait3A_267 = tpu.memref_squeeze %dma_wait3A_266 : memref<1x5x128xi32, #tpu.memory_space<hbm>> -> memref<5x128xi32, #tpu.memory_space<hbm>>
      tpu.wait_dma2 semaphore(%run_scoped3A : memref<!tpu.dma_semaphore, #tpu.memory_space<semaphore_mem>>) src(%dma_wait3A_267 : memref<5x128xi32, #tpu.memory_space<hbm>>) dst(%arg6 : memref<5x128xi32, #tpu.memory_space<vmem>>)
      tpu.yield
    }) : () -> ()
    "tpu.region"() ({
      %run_scoped3A = tpu.sem_alloc : memref<!tpu.dma_semaphore, #tpu.memory_space<semaphore_mem>>
      %dma_start3A = arith.constant 45 : i32
      %dma_start3A_254 = arith.constant 0 : i32
      %dma_start3A_255 = tpu.memref_slice %arg4[%arg1, %dma_start3A, %dma_start3A_254] : memref<16x160x128xi32, #tpu.memory_space<hbm>> -> memref<1x5x128xi32, #tpu.memory_space<hbm>>
      %dma_start3A_256 = tpu.memref_squeeze %dma_start3A_255 : memref<1x5x128xi32, #tpu.memory_space<hbm>> -> memref<5x128xi32, #tpu.memory_space<hbm>>
      %dma_start3A_257 = arith.constant 45 : i32
      %dma_start3A_258 = arith.constant 0 : i32
      %dma_start3A_259 = tpu.memref_slice %arg4[%arg1, %dma_start3A_257, %dma_start3A_258] : memref<16x160x128xi32, #tpu.memory_space<hbm>> -> memref<1x5x128xi32, #tpu.memory_space<hbm>>
      %dma_start3A_260 = tpu.memref_squeeze %dma_start3A_259 : memref<1x5x128xi32, #tpu.memory_space<hbm>> -> memref<5x128xi32, #tpu.memory_space<hbm>>
      tpu.enqueue_dma source(%dma_start3A_260 : memref<5x128xi32, #tpu.memory_space<hbm>>) target(%arg7 : memref<5x128xi32, #tpu.memory_space<vmem>>) target_semaphore(%run_scoped3A : memref<!tpu.dma_semaphore, #tpu.memory_space<semaphore_mem>>)
      %dma_wait3A = arith.constant 45 : i32
      %dma_wait3A_261 = arith.constant 0 : i32
      %dma_wait3A_262 = tpu.memref_slice %arg4[%arg1, %dma_wait3A, %dma_wait3A_261] : memref<16x160x128xi32, #tpu.memory_space<hbm>> -> memref<1x5x128xi32, #tpu.memory_space<hbm>>
      %dma_wait3A_263 = tpu.memref_squeeze %dma_wait3A_262 : memref<1x5x128xi32, #tpu.memory_space<hbm>> -> memref<5x128xi32, #tpu.memory_space<hbm>>
      %dma_wait3A_264 = arith.constant 45 : i32
      %dma_wait3A_265 = arith.constant 0 : i32
      %dma_wait3A_266 = tpu.memref_slice %arg4[%arg1, %dma_wait3A_264, %dma_wait3A_265] : memref<16x160x128xi32, #tpu.memory_space<hbm>> -> memref<1x5x128xi32, #tpu.memory_space<hbm>>
      %dma_wait3A_267 = tpu.memref_squeeze %dma_wait3A_266 : memref<1x5x128xi32, #tpu.memory_space<hbm>> -> memref<5x128xi32, #tpu.memory_space<hbm>>
      tpu.wait_dma2 semaphore(%run_scoped3A : memref<!tpu.dma_semaphore, #tpu.memory_space<semaphore_mem>>) src(%dma_wait3A_267 : memref<5x128xi32, #tpu.memory_space<hbm>>) dst(%arg7 : memref<5x128xi32, #tpu.memory_space<vmem>>)
      tpu.yield
    }) : () -> ()
    %scan3A_85 = arith.constant 0 : i32
    %scan3A_86 = arith.constant 0 : i32
    %scan3A_87 = arith.constant 5 : i32
    %scan3A_88 = arith.addi %scan3A_86, %scan3A_87 : i32
    %scan3A_89 = arith.constant 1 : i32
    %scan3A_90 = scf.for %scan3A_254 = %scan3A_86 to %scan3A_88 step %scan3A_89 iter_args(%scan3A_255 = %scan3A_85) -> (i32)  : i32 {
      %dma_start3A = arith.constant 0 : i32
      %dma_start3A_256 = tpu.memref_slice %arg6[%scan3A_254, %dma_start3A] : memref<5x128xi32, #tpu.memory_space<vmem>> -> memref<1x128xi32, #tpu.memory_space<vmem>>
      %dma_start3A_257 = tpu.memref_squeeze %dma_start3A_256 : memref<1x128xi32, #tpu.memory_space<vmem>> -> memref<128xi32, #tpu.memory_space<vmem>>
      %dma_start3A_258 = arith.constant 0 : i32
      %dma_start3A_259 = arith.constant 0 : i32
      %dma_start3A_260 = tpu.memref_slice %arg10[%dma_start3A_258, %dma_start3A_259] : memref<10240x64xf32, #tpu.memory_space<vmem_shared>> -> memref<10240x64xf32, #tpu.memory_space<vmem_shared>>
      tpu.enqueue_indirect_dma source(%dma_start3A_260 : memref<10240x64xf32, #tpu.memory_space<vmem_shared>>) target(%arg8 : memref<128x64xf32, #tpu.memory_space<vmem>>) offsets(%dma_start3A_257 : memref<128xi32, #tpu.memory_space<vmem>>) semaphore(%arg11 : memref<!tpu.dma_semaphore, #tpu.memory_space<semaphore_mem>>)
      %dma_wait3A = arith.constant 0 : i32
      %dma_wait3A_261 = tpu.memref_slice %arg6[%scan3A_254, %dma_wait3A] : memref<5x128xi32, #tpu.memory_space<vmem>> -> memref<1x128xi32, #tpu.memory_space<vmem>>
      %dma_wait3A_262 = tpu.memref_squeeze %dma_wait3A_261 : memref<1x128xi32, #tpu.memory_space<vmem>> -> memref<128xi32, #tpu.memory_space<vmem>>
      %dma_wait3A_263 = arith.constant 0 : i32
      %dma_wait3A_264 = arith.constant 0 : i32
      %dma_wait3A_265 = tpu.memref_slice %arg10[%dma_wait3A_263, %dma_wait3A_264] : memref<10240x64xf32, #tpu.memory_space<vmem_shared>> -> memref<10240x64xf32, #tpu.memory_space<vmem_shared>>
      tpu.wait_indirect_dma semaphore(%arg11 : memref<!tpu.dma_semaphore, #tpu.memory_space<semaphore_mem>>) src(%dma_wait3A_265 : memref<10240x64xf32, #tpu.memory_space<vmem_shared>>) dst(%arg8 : memref<128x64xf32, #tpu.memory_space<vmem>>)
      "tpu.region"() ({
        %run_scoped3A = tpu.sem_alloc : memref<!tpu.dma_semaphore, #tpu.memory_space<semaphore_mem>>
        %dma_start3A_267 = arith.constant 0 : i32
        %dma_start3A_268 = tpu.memref_slice %arg7[%scan3A_254, %dma_start3A_267] : memref<5x128xi32, #tpu.memory_space<vmem>> -> memref<1x128xi32, #tpu.memory_space<vmem>>
        %dma_start3A_269 = tpu.memref_squeeze %dma_start3A_268 : memref<1x128xi32, #tpu.memory_space<vmem>> -> memref<128xi32, #tpu.memory_space<vmem>>
        %dma_start3A_270 = arith.constant 0 : i32
        %dma_start3A_271 = arith.constant 0 : i32
        %dma_start3A_272 = tpu.memref_slice %arg9[%dma_start3A_270, %dma_start3A_271] : memref<20096x64xf32, #tpu.memory_space<vmem_shared>> -> memref<20096x64xf32, #tpu.memory_space<vmem_shared>>
        tpu.enqueue_indirect_dma source(%arg8 : memref<128x64xf32, #tpu.memory_space<vmem>>) target(%dma_start3A_272 : memref<20096x64xf32, #tpu.memory_space<vmem_shared>>) offsets(%dma_start3A_269 : memref<128xi32, #tpu.memory_space<vmem>>) semaphore(%run_scoped3A : memref<!tpu.dma_semaphore, #tpu.memory_space<semaphore_mem>>) {add = true}
        %dma_wait3A_273 = arith.constant 0 : i32
        %dma_wait3A_274 = tpu.memref_slice %arg7[%scan3A_254, %dma_wait3A_273] : memref<5x128xi32, #tpu.memory_space<vmem>> -> memref<1x128xi32, #tpu.memory_space<vmem>>
        %dma_wait3A_275 = tpu.memref_squeeze %dma_wait3A_274 : memref<1x128xi32, #tpu.memory_space<vmem>> -> memref<128xi32, #tpu.memory_space<vmem>>
        %dma_wait3A_276 = arith.constant 0 : i32
        %dma_wait3A_277 = arith.constant 0 : i32
        %dma_wait3A_278 = tpu.memref_slice %arg9[%dma_wait3A_276, %dma_wait3A_277] : memref<20096x64xf32, #tpu.memory_space<vmem_shared>> -> memref<20096x64xf32, #tpu.memory_space<vmem_shared>>
        tpu.wait_indirect_dma semaphore(%run_scoped3A : memref<!tpu.dma_semaphore, #tpu.memory_space<semaphore_mem>>) src(%arg8 : memref<128x64xf32, #tpu.memory_space<vmem>>) dst(%dma_wait3A_278 : memref<20096x64xf32, #tpu.memory_space<vmem_shared>>)
        tpu.yield
      }) : () -> ()
      %scan3A_266 = arith.constant 0 : i32
      scf.yield %scan3A_266 : i32
    }
    %scan3A_91 = arith.constant 5 : i32
    "tpu.region"() ({
      %run_scoped3A = tpu.sem_alloc : memref<!tpu.dma_semaphore, #tpu.memory_space<semaphore_mem>>
      %dma_start3A = arith.constant 50 : i32
      %dma_start3A_254 = arith.constant 0 : i32
      %dma_start3A_255 = tpu.memref_slice %arg3[%arg1, %dma_start3A, %dma_start3A_254] : memref<16x160x128xi32, #tpu.memory_space<hbm>> -> memref<1x5x128xi32, #tpu.memory_space<hbm>>
      %dma_start3A_256 = tpu.memref_squeeze %dma_start3A_255 : memref<1x5x128xi32, #tpu.memory_space<hbm>> -> memref<5x128xi32, #tpu.memory_space<hbm>>
      %dma_start3A_257 = arith.constant 50 : i32
      %dma_start3A_258 = arith.constant 0 : i32
      %dma_start3A_259 = tpu.memref_slice %arg3[%arg1, %dma_start3A_257, %dma_start3A_258] : memref<16x160x128xi32, #tpu.memory_space<hbm>> -> memref<1x5x128xi32, #tpu.memory_space<hbm>>
      %dma_start3A_260 = tpu.memref_squeeze %dma_start3A_259 : memref<1x5x128xi32, #tpu.memory_space<hbm>> -> memref<5x128xi32, #tpu.memory_space<hbm>>
      tpu.enqueue_dma source(%dma_start3A_260 : memref<5x128xi32, #tpu.memory_space<hbm>>) target(%arg6 : memref<5x128xi32, #tpu.memory_space<vmem>>) target_semaphore(%run_scoped3A : memref<!tpu.dma_semaphore, #tpu.memory_space<semaphore_mem>>)
      %dma_wait3A = arith.constant 50 : i32
      %dma_wait3A_261 = arith.constant 0 : i32
      %dma_wait3A_262 = tpu.memref_slice %arg3[%arg1, %dma_wait3A, %dma_wait3A_261] : memref<16x160x128xi32, #tpu.memory_space<hbm>> -> memref<1x5x128xi32, #tpu.memory_space<hbm>>
      %dma_wait3A_263 = tpu.memref_squeeze %dma_wait3A_262 : memref<1x5x128xi32, #tpu.memory_space<hbm>> -> memref<5x128xi32, #tpu.memory_space<hbm>>
      %dma_wait3A_264 = arith.constant 50 : i32
      %dma_wait3A_265 = arith.constant 0 : i32
      %dma_wait3A_266 = tpu.memref_slice %arg3[%arg1, %dma_wait3A_264, %dma_wait3A_265] : memref<16x160x128xi32, #tpu.memory_space<hbm>> -> memref<1x5x128xi32, #tpu.memory_space<hbm>>
      %dma_wait3A_267 = tpu.memref_squeeze %dma_wait3A_266 : memref<1x5x128xi32, #tpu.memory_space<hbm>> -> memref<5x128xi32, #tpu.memory_space<hbm>>
      tpu.wait_dma2 semaphore(%run_scoped3A : memref<!tpu.dma_semaphore, #tpu.memory_space<semaphore_mem>>) src(%dma_wait3A_267 : memref<5x128xi32, #tpu.memory_space<hbm>>) dst(%arg6 : memref<5x128xi32, #tpu.memory_space<vmem>>)
      tpu.yield
    }) : () -> ()
    "tpu.region"() ({
      %run_scoped3A = tpu.sem_alloc : memref<!tpu.dma_semaphore, #tpu.memory_space<semaphore_mem>>
      %dma_start3A = arith.constant 50 : i32
      %dma_start3A_254 = arith.constant 0 : i32
      %dma_start3A_255 = tpu.memref_slice %arg4[%arg1, %dma_start3A, %dma_start3A_254] : memref<16x160x128xi32, #tpu.memory_space<hbm>> -> memref<1x5x128xi32, #tpu.memory_space<hbm>>
      %dma_start3A_256 = tpu.memref_squeeze %dma_start3A_255 : memref<1x5x128xi32, #tpu.memory_space<hbm>> -> memref<5x128xi32, #tpu.memory_space<hbm>>
      %dma_start3A_257 = arith.constant 50 : i32
      %dma_start3A_258 = arith.constant 0 : i32
      %dma_start3A_259 = tpu.memref_slice %arg4[%arg1, %dma_start3A_257, %dma_start3A_258] : memref<16x160x128xi32, #tpu.memory_space<hbm>> -> memref<1x5x128xi32, #tpu.memory_space<hbm>>
      %dma_start3A_260 = tpu.memref_squeeze %dma_start3A_259 : memref<1x5x128xi32, #tpu.memory_space<hbm>> -> memref<5x128xi32, #tpu.memory_space<hbm>>
      tpu.enqueue_dma source(%dma_start3A_260 : memref<5x128xi32, #tpu.memory_space<hbm>>) target(%arg7 : memref<5x128xi32, #tpu.memory_space<vmem>>) target_semaphore(%run_scoped3A : memref<!tpu.dma_semaphore, #tpu.memory_space<semaphore_mem>>)
      %dma_wait3A = arith.constant 50 : i32
      %dma_wait3A_261 = arith.constant 0 : i32
      %dma_wait3A_262 = tpu.memref_slice %arg4[%arg1, %dma_wait3A, %dma_wait3A_261] : memref<16x160x128xi32, #tpu.memory_space<hbm>> -> memref<1x5x128xi32, #tpu.memory_space<hbm>>
      %dma_wait3A_263 = tpu.memref_squeeze %dma_wait3A_262 : memref<1x5x128xi32, #tpu.memory_space<hbm>> -> memref<5x128xi32, #tpu.memory_space<hbm>>
      %dma_wait3A_264 = arith.constant 50 : i32
      %dma_wait3A_265 = arith.constant 0 : i32
      %dma_wait3A_266 = tpu.memref_slice %arg4[%arg1, %dma_wait3A_264, %dma_wait3A_265] : memref<16x160x128xi32, #tpu.memory_space<hbm>> -> memref<1x5x128xi32, #tpu.memory_space<hbm>>
      %dma_wait3A_267 = tpu.memref_squeeze %dma_wait3A_266 : memref<1x5x128xi32, #tpu.memory_space<hbm>> -> memref<5x128xi32, #tpu.memory_space<hbm>>
      tpu.wait_dma2 semaphore(%run_scoped3A : memref<!tpu.dma_semaphore, #tpu.memory_space<semaphore_mem>>) src(%dma_wait3A_267 : memref<5x128xi32, #tpu.memory_space<hbm>>) dst(%arg7 : memref<5x128xi32, #tpu.memory_space<vmem>>)
      tpu.yield
    }) : () -> ()
    %scan3A_92 = arith.constant 0 : i32
    %scan3A_93 = arith.constant 0 : i32
    %scan3A_94 = arith.constant 5 : i32
    %scan3A_95 = arith.addi %scan3A_93, %scan3A_94 : i32
    %scan3A_96 = arith.constant 1 : i32
    %scan3A_97 = scf.for %scan3A_254 = %scan3A_93 to %scan3A_95 step %scan3A_96 iter_args(%scan3A_255 = %scan3A_92) -> (i32)  : i32 {
      %dma_start3A = arith.constant 0 : i32
      %dma_start3A_256 = tpu.memref_slice %arg6[%scan3A_254, %dma_start3A] : memref<5x128xi32, #tpu.memory_space<vmem>> -> memref<1x128xi32, #tpu.memory_space<vmem>>
      %dma_start3A_257 = tpu.memref_squeeze %dma_start3A_256 : memref<1x128xi32, #tpu.memory_space<vmem>> -> memref<128xi32, #tpu.memory_space<vmem>>
      %dma_start3A_258 = arith.constant 0 : i32
      %dma_start3A_259 = arith.constant 0 : i32
      %dma_start3A_260 = tpu.memref_slice %arg10[%dma_start3A_258, %dma_start3A_259] : memref<10240x64xf32, #tpu.memory_space<vmem_shared>> -> memref<10240x64xf32, #tpu.memory_space<vmem_shared>>
      tpu.enqueue_indirect_dma source(%dma_start3A_260 : memref<10240x64xf32, #tpu.memory_space<vmem_shared>>) target(%arg8 : memref<128x64xf32, #tpu.memory_space<vmem>>) offsets(%dma_start3A_257 : memref<128xi32, #tpu.memory_space<vmem>>) semaphore(%arg11 : memref<!tpu.dma_semaphore, #tpu.memory_space<semaphore_mem>>)
      %dma_wait3A = arith.constant 0 : i32
      %dma_wait3A_261 = tpu.memref_slice %arg6[%scan3A_254, %dma_wait3A] : memref<5x128xi32, #tpu.memory_space<vmem>> -> memref<1x128xi32, #tpu.memory_space<vmem>>
      %dma_wait3A_262 = tpu.memref_squeeze %dma_wait3A_261 : memref<1x128xi32, #tpu.memory_space<vmem>> -> memref<128xi32, #tpu.memory_space<vmem>>
      %dma_wait3A_263 = arith.constant 0 : i32
      %dma_wait3A_264 = arith.constant 0 : i32
      %dma_wait3A_265 = tpu.memref_slice %arg10[%dma_wait3A_263, %dma_wait3A_264] : memref<10240x64xf32, #tpu.memory_space<vmem_shared>> -> memref<10240x64xf32, #tpu.memory_space<vmem_shared>>
      tpu.wait_indirect_dma semaphore(%arg11 : memref<!tpu.dma_semaphore, #tpu.memory_space<semaphore_mem>>) src(%dma_wait3A_265 : memref<10240x64xf32, #tpu.memory_space<vmem_shared>>) dst(%arg8 : memref<128x64xf32, #tpu.memory_space<vmem>>)
      "tpu.region"() ({
        %run_scoped3A = tpu.sem_alloc : memref<!tpu.dma_semaphore, #tpu.memory_space<semaphore_mem>>
        %dma_start3A_267 = arith.constant 0 : i32
        %dma_start3A_268 = tpu.memref_slice %arg7[%scan3A_254, %dma_start3A_267] : memref<5x128xi32, #tpu.memory_space<vmem>> -> memref<1x128xi32, #tpu.memory_space<vmem>>
        %dma_start3A_269 = tpu.memref_squeeze %dma_start3A_268 : memref<1x128xi32, #tpu.memory_space<vmem>> -> memref<128xi32, #tpu.memory_space<vmem>>
        %dma_start3A_270 = arith.constant 0 : i32
        %dma_start3A_271 = arith.constant 0 : i32
        %dma_start3A_272 = tpu.memref_slice %arg9[%dma_start3A_270, %dma_start3A_271] : memref<20096x64xf32, #tpu.memory_space<vmem_shared>> -> memref<20096x64xf32, #tpu.memory_space<vmem_shared>>
        tpu.enqueue_indirect_dma source(%arg8 : memref<128x64xf32, #tpu.memory_space<vmem>>) target(%dma_start3A_272 : memref<20096x64xf32, #tpu.memory_space<vmem_shared>>) offsets(%dma_start3A_269 : memref<128xi32, #tpu.memory_space<vmem>>) semaphore(%run_scoped3A : memref<!tpu.dma_semaphore, #tpu.memory_space<semaphore_mem>>) {add = true}
        %dma_wait3A_273 = arith.constant 0 : i32
        %dma_wait3A_274 = tpu.memref_slice %arg7[%scan3A_254, %dma_wait3A_273] : memref<5x128xi32, #tpu.memory_space<vmem>> -> memref<1x128xi32, #tpu.memory_space<vmem>>
        %dma_wait3A_275 = tpu.memref_squeeze %dma_wait3A_274 : memref<1x128xi32, #tpu.memory_space<vmem>> -> memref<128xi32, #tpu.memory_space<vmem>>
        %dma_wait3A_276 = arith.constant 0 : i32
        %dma_wait3A_277 = arith.constant 0 : i32
        %dma_wait3A_278 = tpu.memref_slice %arg9[%dma_wait3A_276, %dma_wait3A_277] : memref<20096x64xf32, #tpu.memory_space<vmem_shared>> -> memref<20096x64xf32, #tpu.memory_space<vmem_shared>>
        tpu.wait_indirect_dma semaphore(%run_scoped3A : memref<!tpu.dma_semaphore, #tpu.memory_space<semaphore_mem>>) src(%arg8 : memref<128x64xf32, #tpu.memory_space<vmem>>) dst(%dma_wait3A_278 : memref<20096x64xf32, #tpu.memory_space<vmem_shared>>)
        tpu.yield
      }) : () -> ()
      %scan3A_266 = arith.constant 0 : i32
      scf.yield %scan3A_266 : i32
    }
    %scan3A_98 = arith.constant 5 : i32
    "tpu.region"() ({
      %run_scoped3A = tpu.sem_alloc : memref<!tpu.dma_semaphore, #tpu.memory_space<semaphore_mem>>
      %dma_start3A = arith.constant 55 : i32
      %dma_start3A_254 = arith.constant 0 : i32
      %dma_start3A_255 = tpu.memref_slice %arg3[%arg1, %dma_start3A, %dma_start3A_254] : memref<16x160x128xi32, #tpu.memory_space<hbm>> -> memref<1x5x128xi32, #tpu.memory_space<hbm>>
      %dma_start3A_256 = tpu.memref_squeeze %dma_start3A_255 : memref<1x5x128xi32, #tpu.memory_space<hbm>> -> memref<5x128xi32, #tpu.memory_space<hbm>>
      %dma_start3A_257 = arith.constant 55 : i32
      %dma_start3A_258 = arith.constant 0 : i32
      %dma_start3A_259 = tpu.memref_slice %arg3[%arg1, %dma_start3A_257, %dma_start3A_258] : memref<16x160x128xi32, #tpu.memory_space<hbm>> -> memref<1x5x128xi32, #tpu.memory_space<hbm>>
      %dma_start3A_260 = tpu.memref_squeeze %dma_start3A_259 : memref<1x5x128xi32, #tpu.memory_space<hbm>> -> memref<5x128xi32, #tpu.memory_space<hbm>>
      tpu.enqueue_dma source(%dma_start3A_260 : memref<5x128xi32, #tpu.memory_space<hbm>>) target(%arg6 : memref<5x128xi32, #tpu.memory_space<vmem>>) target_semaphore(%run_scoped3A : memref<!tpu.dma_semaphore, #tpu.memory_space<semaphore_mem>>)
      %dma_wait3A = arith.constant 55 : i32
      %dma_wait3A_261 = arith.constant 0 : i32
      %dma_wait3A_262 = tpu.memref_slice %arg3[%arg1, %dma_wait3A, %dma_wait3A_261] : memref<16x160x128xi32, #tpu.memory_space<hbm>> -> memref<1x5x128xi32, #tpu.memory_space<hbm>>
      %dma_wait3A_263 = tpu.memref_squeeze %dma_wait3A_262 : memref<1x5x128xi32, #tpu.memory_space<hbm>> -> memref<5x128xi32, #tpu.memory_space<hbm>>
      %dma_wait3A_264 = arith.constant 55 : i32
      %dma_wait3A_265 = arith.constant 0 : i32
      %dma_wait3A_266 = tpu.memref_slice %arg3[%arg1, %dma_wait3A_264, %dma_wait3A_265] : memref<16x160x128xi32, #tpu.memory_space<hbm>> -> memref<1x5x128xi32, #tpu.memory_space<hbm>>
      %dma_wait3A_267 = tpu.memref_squeeze %dma_wait3A_266 : memref<1x5x128xi32, #tpu.memory_space<hbm>> -> memref<5x128xi32, #tpu.memory_space<hbm>>
      tpu.wait_dma2 semaphore(%run_scoped3A : memref<!tpu.dma_semaphore, #tpu.memory_space<semaphore_mem>>) src(%dma_wait3A_267 : memref<5x128xi32, #tpu.memory_space<hbm>>) dst(%arg6 : memref<5x128xi32, #tpu.memory_space<vmem>>)
      tpu.yield
    }) : () -> ()
    "tpu.region"() ({
      %run_scoped3A = tpu.sem_alloc : memref<!tpu.dma_semaphore, #tpu.memory_space<semaphore_mem>>
      %dma_start3A = arith.constant 55 : i32
      %dma_start3A_254 = arith.constant 0 : i32
      %dma_start3A_255 = tpu.memref_slice %arg4[%arg1, %dma_start3A, %dma_start3A_254] : memref<16x160x128xi32, #tpu.memory_space<hbm>> -> memref<1x5x128xi32, #tpu.memory_space<hbm>>
      %dma_start3A_256 = tpu.memref_squeeze %dma_start3A_255 : memref<1x5x128xi32, #tpu.memory_space<hbm>> -> memref<5x128xi32, #tpu.memory_space<hbm>>
      %dma_start3A_257 = arith.constant 55 : i32
      %dma_start3A_258 = arith.constant 0 : i32
      %dma_start3A_259 = tpu.memref_slice %arg4[%arg1, %dma_start3A_257, %dma_start3A_258] : memref<16x160x128xi32, #tpu.memory_space<hbm>> -> memref<1x5x128xi32, #tpu.memory_space<hbm>>
      %dma_start3A_260 = tpu.memref_squeeze %dma_start3A_259 : memref<1x5x128xi32, #tpu.memory_space<hbm>> -> memref<5x128xi32, #tpu.memory_space<hbm>>
      tpu.enqueue_dma source(%dma_start3A_260 : memref<5x128xi32, #tpu.memory_space<hbm>>) target(%arg7 : memref<5x128xi32, #tpu.memory_space<vmem>>) target_semaphore(%run_scoped3A : memref<!tpu.dma_semaphore, #tpu.memory_space<semaphore_mem>>)
      %dma_wait3A = arith.constant 55 : i32
      %dma_wait3A_261 = arith.constant 0 : i32
      %dma_wait3A_262 = tpu.memref_slice %arg4[%arg1, %dma_wait3A, %dma_wait3A_261] : memref<16x160x128xi32, #tpu.memory_space<hbm>> -> memref<1x5x128xi32, #tpu.memory_space<hbm>>
      %dma_wait3A_263 = tpu.memref_squeeze %dma_wait3A_262 : memref<1x5x128xi32, #tpu.memory_space<hbm>> -> memref<5x128xi32, #tpu.memory_space<hbm>>
      %dma_wait3A_264 = arith.constant 55 : i32
      %dma_wait3A_265 = arith.constant 0 : i32
      %dma_wait3A_266 = tpu.memref_slice %arg4[%arg1, %dma_wait3A_264, %dma_wait3A_265] : memref<16x160x128xi32, #tpu.memory_space<hbm>> -> memref<1x5x128xi32, #tpu.memory_space<hbm>>
      %dma_wait3A_267 = tpu.memref_squeeze %dma_wait3A_266 : memref<1x5x128xi32, #tpu.memory_space<hbm>> -> memref<5x128xi32, #tpu.memory_space<hbm>>
      tpu.wait_dma2 semaphore(%run_scoped3A : memref<!tpu.dma_semaphore, #tpu.memory_space<semaphore_mem>>) src(%dma_wait3A_267 : memref<5x128xi32, #tpu.memory_space<hbm>>) dst(%arg7 : memref<5x128xi32, #tpu.memory_space<vmem>>)
      tpu.yield
    }) : () -> ()
    %scan3A_99 = arith.constant 0 : i32
    %scan3A_100 = arith.constant 0 : i32
    %scan3A_101 = arith.constant 5 : i32
    %scan3A_102 = arith.addi %scan3A_100, %scan3A_101 : i32
    %scan3A_103 = arith.constant 1 : i32
    %scan3A_104 = scf.for %scan3A_254 = %scan3A_100 to %scan3A_102 step %scan3A_103 iter_args(%scan3A_255 = %scan3A_99) -> (i32)  : i32 {
      %dma_start3A = arith.constant 0 : i32
      %dma_start3A_256 = tpu.memref_slice %arg6[%scan3A_254, %dma_start3A] : memref<5x128xi32, #tpu.memory_space<vmem>> -> memref<1x128xi32, #tpu.memory_space<vmem>>
      %dma_start3A_257 = tpu.memref_squeeze %dma_start3A_256 : memref<1x128xi32, #tpu.memory_space<vmem>> -> memref<128xi32, #tpu.memory_space<vmem>>
      %dma_start3A_258 = arith.constant 0 : i32
      %dma_start3A_259 = arith.constant 0 : i32
      %dma_start3A_260 = tpu.memref_slice %arg10[%dma_start3A_258, %dma_start3A_259] : memref<10240x64xf32, #tpu.memory_space<vmem_shared>> -> memref<10240x64xf32, #tpu.memory_space<vmem_shared>>
      tpu.enqueue_indirect_dma source(%dma_start3A_260 : memref<10240x64xf32, #tpu.memory_space<vmem_shared>>) target(%arg8 : memref<128x64xf32, #tpu.memory_space<vmem>>) offsets(%dma_start3A_257 : memref<128xi32, #tpu.memory_space<vmem>>) semaphore(%arg11 : memref<!tpu.dma_semaphore, #tpu.memory_space<semaphore_mem>>)
      %dma_wait3A = arith.constant 0 : i32
      %dma_wait3A_261 = tpu.memref_slice %arg6[%scan3A_254, %dma_wait3A] : memref<5x128xi32, #tpu.memory_space<vmem>> -> memref<1x128xi32, #tpu.memory_space<vmem>>
      %dma_wait3A_262 = tpu.memref_squeeze %dma_wait3A_261 : memref<1x128xi32, #tpu.memory_space<vmem>> -> memref<128xi32, #tpu.memory_space<vmem>>
      %dma_wait3A_263 = arith.constant 0 : i32
      %dma_wait3A_264 = arith.constant 0 : i32
      %dma_wait3A_265 = tpu.memref_slice %arg10[%dma_wait3A_263, %dma_wait3A_264] : memref<10240x64xf32, #tpu.memory_space<vmem_shared>> -> memref<10240x64xf32, #tpu.memory_space<vmem_shared>>
      tpu.wait_indirect_dma semaphore(%arg11 : memref<!tpu.dma_semaphore, #tpu.memory_space<semaphore_mem>>) src(%dma_wait3A_265 : memref<10240x64xf32, #tpu.memory_space<vmem_shared>>) dst(%arg8 : memref<128x64xf32, #tpu.memory_space<vmem>>)
      "tpu.region"() ({
        %run_scoped3A = tpu.sem_alloc : memref<!tpu.dma_semaphore, #tpu.memory_space<semaphore_mem>>
        %dma_start3A_267 = arith.constant 0 : i32
        %dma_start3A_268 = tpu.memref_slice %arg7[%scan3A_254, %dma_start3A_267] : memref<5x128xi32, #tpu.memory_space<vmem>> -> memref<1x128xi32, #tpu.memory_space<vmem>>
        %dma_start3A_269 = tpu.memref_squeeze %dma_start3A_268 : memref<1x128xi32, #tpu.memory_space<vmem>> -> memref<128xi32, #tpu.memory_space<vmem>>
        %dma_start3A_270 = arith.constant 0 : i32
        %dma_start3A_271 = arith.constant 0 : i32
        %dma_start3A_272 = tpu.memref_slice %arg9[%dma_start3A_270, %dma_start3A_271] : memref<20096x64xf32, #tpu.memory_space<vmem_shared>> -> memref<20096x64xf32, #tpu.memory_space<vmem_shared>>
        tpu.enqueue_indirect_dma source(%arg8 : memref<128x64xf32, #tpu.memory_space<vmem>>) target(%dma_start3A_272 : memref<20096x64xf32, #tpu.memory_space<vmem_shared>>) offsets(%dma_start3A_269 : memref<128xi32, #tpu.memory_space<vmem>>) semaphore(%run_scoped3A : memref<!tpu.dma_semaphore, #tpu.memory_space<semaphore_mem>>) {add = true}
        %dma_wait3A_273 = arith.constant 0 : i32
        %dma_wait3A_274 = tpu.memref_slice %arg7[%scan3A_254, %dma_wait3A_273] : memref<5x128xi32, #tpu.memory_space<vmem>> -> memref<1x128xi32, #tpu.memory_space<vmem>>
        %dma_wait3A_275 = tpu.memref_squeeze %dma_wait3A_274 : memref<1x128xi32, #tpu.memory_space<vmem>> -> memref<128xi32, #tpu.memory_space<vmem>>
        %dma_wait3A_276 = arith.constant 0 : i32
        %dma_wait3A_277 = arith.constant 0 : i32
        %dma_wait3A_278 = tpu.memref_slice %arg9[%dma_wait3A_276, %dma_wait3A_277] : memref<20096x64xf32, #tpu.memory_space<vmem_shared>> -> memref<20096x64xf32, #tpu.memory_space<vmem_shared>>
        tpu.wait_indirect_dma semaphore(%run_scoped3A : memref<!tpu.dma_semaphore, #tpu.memory_space<semaphore_mem>>) src(%arg8 : memref<128x64xf32, #tpu.memory_space<vmem>>) dst(%dma_wait3A_278 : memref<20096x64xf32, #tpu.memory_space<vmem_shared>>)
        tpu.yield
      }) : () -> ()
      %scan3A_266 = arith.constant 0 : i32
      scf.yield %scan3A_266 : i32
    }
    %scan3A_105 = arith.constant 5 : i32
    "tpu.region"() ({
      %run_scoped3A = tpu.sem_alloc : memref<!tpu.dma_semaphore, #tpu.memory_space<semaphore_mem>>
      %dma_start3A = arith.constant 60 : i32
      %dma_start3A_254 = arith.constant 0 : i32
      %dma_start3A_255 = tpu.memref_slice %arg3[%arg1, %dma_start3A, %dma_start3A_254] : memref<16x160x128xi32, #tpu.memory_space<hbm>> -> memref<1x5x128xi32, #tpu.memory_space<hbm>>
      %dma_start3A_256 = tpu.memref_squeeze %dma_start3A_255 : memref<1x5x128xi32, #tpu.memory_space<hbm>> -> memref<5x128xi32, #tpu.memory_space<hbm>>
      %dma_start3A_257 = arith.constant 60 : i32
      %dma_start3A_258 = arith.constant 0 : i32
      %dma_start3A_259 = tpu.memref_slice %arg3[%arg1, %dma_start3A_257, %dma_start3A_258] : memref<16x160x128xi32, #tpu.memory_space<hbm>> -> memref<1x5x128xi32, #tpu.memory_space<hbm>>
      %dma_start3A_260 = tpu.memref_squeeze %dma_start3A_259 : memref<1x5x128xi32, #tpu.memory_space<hbm>> -> memref<5x128xi32, #tpu.memory_space<hbm>>
      tpu.enqueue_dma source(%dma_start3A_260 : memref<5x128xi32, #tpu.memory_space<hbm>>) target(%arg6 : memref<5x128xi32, #tpu.memory_space<vmem>>) target_semaphore(%run_scoped3A : memref<!tpu.dma_semaphore, #tpu.memory_space<semaphore_mem>>)
      %dma_wait3A = arith.constant 60 : i32
      %dma_wait3A_261 = arith.constant 0 : i32
      %dma_wait3A_262 = tpu.memref_slice %arg3[%arg1, %dma_wait3A, %dma_wait3A_261] : memref<16x160x128xi32, #tpu.memory_space<hbm>> -> memref<1x5x128xi32, #tpu.memory_space<hbm>>
      %dma_wait3A_263 = tpu.memref_squeeze %dma_wait3A_262 : memref<1x5x128xi32, #tpu.memory_space<hbm>> -> memref<5x128xi32, #tpu.memory_space<hbm>>
      %dma_wait3A_264 = arith.constant 60 : i32
      %dma_wait3A_265 = arith.constant 0 : i32
      %dma_wait3A_266 = tpu.memref_slice %arg3[%arg1, %dma_wait3A_264, %dma_wait3A_265] : memref<16x160x128xi32, #tpu.memory_space<hbm>> -> memref<1x5x128xi32, #tpu.memory_space<hbm>>
      %dma_wait3A_267 = tpu.memref_squeeze %dma_wait3A_266 : memref<1x5x128xi32, #tpu.memory_space<hbm>> -> memref<5x128xi32, #tpu.memory_space<hbm>>
      tpu.wait_dma2 semaphore(%run_scoped3A : memref<!tpu.dma_semaphore, #tpu.memory_space<semaphore_mem>>) src(%dma_wait3A_267 : memref<5x128xi32, #tpu.memory_space<hbm>>) dst(%arg6 : memref<5x128xi32, #tpu.memory_space<vmem>>)
      tpu.yield
    }) : () -> ()
    "tpu.region"() ({
      %run_scoped3A = tpu.sem_alloc : memref<!tpu.dma_semaphore, #tpu.memory_space<semaphore_mem>>
      %dma_start3A = arith.constant 60 : i32
      %dma_start3A_254 = arith.constant 0 : i32
      %dma_start3A_255 = tpu.memref_slice %arg4[%arg1, %dma_start3A, %dma_start3A_254] : memref<16x160x128xi32, #tpu.memory_space<hbm>> -> memref<1x5x128xi32, #tpu.memory_space<hbm>>
      %dma_start3A_256 = tpu.memref_squeeze %dma_start3A_255 : memref<1x5x128xi32, #tpu.memory_space<hbm>> -> memref<5x128xi32, #tpu.memory_space<hbm>>
      %dma_start3A_257 = arith.constant 60 : i32
      %dma_start3A_258 = arith.constant 0 : i32
      %dma_start3A_259 = tpu.memref_slice %arg4[%arg1, %dma_start3A_257, %dma_start3A_258] : memref<16x160x128xi32, #tpu.memory_space<hbm>> -> memref<1x5x128xi32, #tpu.memory_space<hbm>>
      %dma_start3A_260 = tpu.memref_squeeze %dma_start3A_259 : memref<1x5x128xi32, #tpu.memory_space<hbm>> -> memref<5x128xi32, #tpu.memory_space<hbm>>
      tpu.enqueue_dma source(%dma_start3A_260 : memref<5x128xi32, #tpu.memory_space<hbm>>) target(%arg7 : memref<5x128xi32, #tpu.memory_space<vmem>>) target_semaphore(%run_scoped3A : memref<!tpu.dma_semaphore, #tpu.memory_space<semaphore_mem>>)
      %dma_wait3A = arith.constant 60 : i32
      %dma_wait3A_261 = arith.constant 0 : i32
      %dma_wait3A_262 = tpu.memref_slice %arg4[%arg1, %dma_wait3A, %dma_wait3A_261] : memref<16x160x128xi32, #tpu.memory_space<hbm>> -> memref<1x5x128xi32, #tpu.memory_space<hbm>>
      %dma_wait3A_263 = tpu.memref_squeeze %dma_wait3A_262 : memref<1x5x128xi32, #tpu.memory_space<hbm>> -> memref<5x128xi32, #tpu.memory_space<hbm>>
      %dma_wait3A_264 = arith.constant 60 : i32
      %dma_wait3A_265 = arith.constant 0 : i32
      %dma_wait3A_266 = tpu.memref_slice %arg4[%arg1, %dma_wait3A_264, %dma_wait3A_265] : memref<16x160x128xi32, #tpu.memory_space<hbm>> -> memref<1x5x128xi32, #tpu.memory_space<hbm>>
      %dma_wait3A_267 = tpu.memref_squeeze %dma_wait3A_266 : memref<1x5x128xi32, #tpu.memory_space<hbm>> -> memref<5x128xi32, #tpu.memory_space<hbm>>
      tpu.wait_dma2 semaphore(%run_scoped3A : memref<!tpu.dma_semaphore, #tpu.memory_space<semaphore_mem>>) src(%dma_wait3A_267 : memref<5x128xi32, #tpu.memory_space<hbm>>) dst(%arg7 : memref<5x128xi32, #tpu.memory_space<vmem>>)
      tpu.yield
    }) : () -> ()
    %scan3A_106 = arith.constant 0 : i32
    %scan3A_107 = arith.constant 0 : i32
    %scan3A_108 = arith.constant 5 : i32
    %scan3A_109 = arith.addi %scan3A_107, %scan3A_108 : i32
    %scan3A_110 = arith.constant 1 : i32
    %scan3A_111 = scf.for %scan3A_254 = %scan3A_107 to %scan3A_109 step %scan3A_110 iter_args(%scan3A_255 = %scan3A_106) -> (i32)  : i32 {
      %dma_start3A = arith.constant 0 : i32
      %dma_start3A_256 = tpu.memref_slice %arg6[%scan3A_254, %dma_start3A] : memref<5x128xi32, #tpu.memory_space<vmem>> -> memref<1x128xi32, #tpu.memory_space<vmem>>
      %dma_start3A_257 = tpu.memref_squeeze %dma_start3A_256 : memref<1x128xi32, #tpu.memory_space<vmem>> -> memref<128xi32, #tpu.memory_space<vmem>>
      %dma_start3A_258 = arith.constant 0 : i32
      %dma_start3A_259 = arith.constant 0 : i32
      %dma_start3A_260 = tpu.memref_slice %arg10[%dma_start3A_258, %dma_start3A_259] : memref<10240x64xf32, #tpu.memory_space<vmem_shared>> -> memref<10240x64xf32, #tpu.memory_space<vmem_shared>>
      tpu.enqueue_indirect_dma source(%dma_start3A_260 : memref<10240x64xf32, #tpu.memory_space<vmem_shared>>) target(%arg8 : memref<128x64xf32, #tpu.memory_space<vmem>>) offsets(%dma_start3A_257 : memref<128xi32, #tpu.memory_space<vmem>>) semaphore(%arg11 : memref<!tpu.dma_semaphore, #tpu.memory_space<semaphore_mem>>)
      %dma_wait3A = arith.constant 0 : i32
      %dma_wait3A_261 = tpu.memref_slice %arg6[%scan3A_254, %dma_wait3A] : memref<5x128xi32, #tpu.memory_space<vmem>> -> memref<1x128xi32, #tpu.memory_space<vmem>>
      %dma_wait3A_262 = tpu.memref_squeeze %dma_wait3A_261 : memref<1x128xi32, #tpu.memory_space<vmem>> -> memref<128xi32, #tpu.memory_space<vmem>>
      %dma_wait3A_263 = arith.constant 0 : i32
      %dma_wait3A_264 = arith.constant 0 : i32
      %dma_wait3A_265 = tpu.memref_slice %arg10[%dma_wait3A_263, %dma_wait3A_264] : memref<10240x64xf32, #tpu.memory_space<vmem_shared>> -> memref<10240x64xf32, #tpu.memory_space<vmem_shared>>
      tpu.wait_indirect_dma semaphore(%arg11 : memref<!tpu.dma_semaphore, #tpu.memory_space<semaphore_mem>>) src(%dma_wait3A_265 : memref<10240x64xf32, #tpu.memory_space<vmem_shared>>) dst(%arg8 : memref<128x64xf32, #tpu.memory_space<vmem>>)
      "tpu.region"() ({
        %run_scoped3A = tpu.sem_alloc : memref<!tpu.dma_semaphore, #tpu.memory_space<semaphore_mem>>
        %dma_start3A_267 = arith.constant 0 : i32
        %dma_start3A_268 = tpu.memref_slice %arg7[%scan3A_254, %dma_start3A_267] : memref<5x128xi32, #tpu.memory_space<vmem>> -> memref<1x128xi32, #tpu.memory_space<vmem>>
        %dma_start3A_269 = tpu.memref_squeeze %dma_start3A_268 : memref<1x128xi32, #tpu.memory_space<vmem>> -> memref<128xi32, #tpu.memory_space<vmem>>
        %dma_start3A_270 = arith.constant 0 : i32
        %dma_start3A_271 = arith.constant 0 : i32
        %dma_start3A_272 = tpu.memref_slice %arg9[%dma_start3A_270, %dma_start3A_271] : memref<20096x64xf32, #tpu.memory_space<vmem_shared>> -> memref<20096x64xf32, #tpu.memory_space<vmem_shared>>
        tpu.enqueue_indirect_dma source(%arg8 : memref<128x64xf32, #tpu.memory_space<vmem>>) target(%dma_start3A_272 : memref<20096x64xf32, #tpu.memory_space<vmem_shared>>) offsets(%dma_start3A_269 : memref<128xi32, #tpu.memory_space<vmem>>) semaphore(%run_scoped3A : memref<!tpu.dma_semaphore, #tpu.memory_space<semaphore_mem>>) {add = true}
        %dma_wait3A_273 = arith.constant 0 : i32
        %dma_wait3A_274 = tpu.memref_slice %arg7[%scan3A_254, %dma_wait3A_273] : memref<5x128xi32, #tpu.memory_space<vmem>> -> memref<1x128xi32, #tpu.memory_space<vmem>>
        %dma_wait3A_275 = tpu.memref_squeeze %dma_wait3A_274 : memref<1x128xi32, #tpu.memory_space<vmem>> -> memref<128xi32, #tpu.memory_space<vmem>>
        %dma_wait3A_276 = arith.constant 0 : i32
        %dma_wait3A_277 = arith.constant 0 : i32
        %dma_wait3A_278 = tpu.memref_slice %arg9[%dma_wait3A_276, %dma_wait3A_277] : memref<20096x64xf32, #tpu.memory_space<vmem_shared>> -> memref<20096x64xf32, #tpu.memory_space<vmem_shared>>
        tpu.wait_indirect_dma semaphore(%run_scoped3A : memref<!tpu.dma_semaphore, #tpu.memory_space<semaphore_mem>>) src(%arg8 : memref<128x64xf32, #tpu.memory_space<vmem>>) dst(%dma_wait3A_278 : memref<20096x64xf32, #tpu.memory_space<vmem_shared>>)
        tpu.yield
      }) : () -> ()
      %scan3A_266 = arith.constant 0 : i32
      scf.yield %scan3A_266 : i32
    }
    %scan3A_112 = arith.constant 5 : i32
    "tpu.region"() ({
      %run_scoped3A = tpu.sem_alloc : memref<!tpu.dma_semaphore, #tpu.memory_space<semaphore_mem>>
      %dma_start3A = arith.constant 65 : i32
      %dma_start3A_254 = arith.constant 0 : i32
      %dma_start3A_255 = tpu.memref_slice %arg3[%arg1, %dma_start3A, %dma_start3A_254] : memref<16x160x128xi32, #tpu.memory_space<hbm>> -> memref<1x5x128xi32, #tpu.memory_space<hbm>>
      %dma_start3A_256 = tpu.memref_squeeze %dma_start3A_255 : memref<1x5x128xi32, #tpu.memory_space<hbm>> -> memref<5x128xi32, #tpu.memory_space<hbm>>
      %dma_start3A_257 = arith.constant 65 : i32
      %dma_start3A_258 = arith.constant 0 : i32
      %dma_start3A_259 = tpu.memref_slice %arg3[%arg1, %dma_start3A_257, %dma_start3A_258] : memref<16x160x128xi32, #tpu.memory_space<hbm>> -> memref<1x5x128xi32, #tpu.memory_space<hbm>>
      %dma_start3A_260 = tpu.memref_squeeze %dma_start3A_259 : memref<1x5x128xi32, #tpu.memory_space<hbm>> -> memref<5x128xi32, #tpu.memory_space<hbm>>
      tpu.enqueue_dma source(%dma_start3A_260 : memref<5x128xi32, #tpu.memory_space<hbm>>) target(%arg6 : memref<5x128xi32, #tpu.memory_space<vmem>>) target_semaphore(%run_scoped3A : memref<!tpu.dma_semaphore, #tpu.memory_space<semaphore_mem>>)
      %dma_wait3A = arith.constant 65 : i32
      %dma_wait3A_261 = arith.constant 0 : i32
      %dma_wait3A_262 = tpu.memref_slice %arg3[%arg1, %dma_wait3A, %dma_wait3A_261] : memref<16x160x128xi32, #tpu.memory_space<hbm>> -> memref<1x5x128xi32, #tpu.memory_space<hbm>>
      %dma_wait3A_263 = tpu.memref_squeeze %dma_wait3A_262 : memref<1x5x128xi32, #tpu.memory_space<hbm>> -> memref<5x128xi32, #tpu.memory_space<hbm>>
      %dma_wait3A_264 = arith.constant 65 : i32
      %dma_wait3A_265 = arith.constant 0 : i32
      %dma_wait3A_266 = tpu.memref_slice %arg3[%arg1, %dma_wait3A_264, %dma_wait3A_265] : memref<16x160x128xi32, #tpu.memory_space<hbm>> -> memref<1x5x128xi32, #tpu.memory_space<hbm>>
      %dma_wait3A_267 = tpu.memref_squeeze %dma_wait3A_266 : memref<1x5x128xi32, #tpu.memory_space<hbm>> -> memref<5x128xi32, #tpu.memory_space<hbm>>
      tpu.wait_dma2 semaphore(%run_scoped3A : memref<!tpu.dma_semaphore, #tpu.memory_space<semaphore_mem>>) src(%dma_wait3A_267 : memref<5x128xi32, #tpu.memory_space<hbm>>) dst(%arg6 : memref<5x128xi32, #tpu.memory_space<vmem>>)
      tpu.yield
    }) : () -> ()
    "tpu.region"() ({
      %run_scoped3A = tpu.sem_alloc : memref<!tpu.dma_semaphore, #tpu.memory_space<semaphore_mem>>
      %dma_start3A = arith.constant 65 : i32
      %dma_start3A_254 = arith.constant 0 : i32
      %dma_start3A_255 = tpu.memref_slice %arg4[%arg1, %dma_start3A, %dma_start3A_254] : memref<16x160x128xi32, #tpu.memory_space<hbm>> -> memref<1x5x128xi32, #tpu.memory_space<hbm>>
      %dma_start3A_256 = tpu.memref_squeeze %dma_start3A_255 : memref<1x5x128xi32, #tpu.memory_space<hbm>> -> memref<5x128xi32, #tpu.memory_space<hbm>>
      %dma_start3A_257 = arith.constant 65 : i32
      %dma_start3A_258 = arith.constant 0 : i32
      %dma_start3A_259 = tpu.memref_slice %arg4[%arg1, %dma_start3A_257, %dma_start3A_258] : memref<16x160x128xi32, #tpu.memory_space<hbm>> -> memref<1x5x128xi32, #tpu.memory_space<hbm>>
      %dma_start3A_260 = tpu.memref_squeeze %dma_start3A_259 : memref<1x5x128xi32, #tpu.memory_space<hbm>> -> memref<5x128xi32, #tpu.memory_space<hbm>>
      tpu.enqueue_dma source(%dma_start3A_260 : memref<5x128xi32, #tpu.memory_space<hbm>>) target(%arg7 : memref<5x128xi32, #tpu.memory_space<vmem>>) target_semaphore(%run_scoped3A : memref<!tpu.dma_semaphore, #tpu.memory_space<semaphore_mem>>)
      %dma_wait3A = arith.constant 65 : i32
      %dma_wait3A_261 = arith.constant 0 : i32
      %dma_wait3A_262 = tpu.memref_slice %arg4[%arg1, %dma_wait3A, %dma_wait3A_261] : memref<16x160x128xi32, #tpu.memory_space<hbm>> -> memref<1x5x128xi32, #tpu.memory_space<hbm>>
      %dma_wait3A_263 = tpu.memref_squeeze %dma_wait3A_262 : memref<1x5x128xi32, #tpu.memory_space<hbm>> -> memref<5x128xi32, #tpu.memory_space<hbm>>
      %dma_wait3A_264 = arith.constant 65 : i32
      %dma_wait3A_265 = arith.constant 0 : i32
      %dma_wait3A_266 = tpu.memref_slice %arg4[%arg1, %dma_wait3A_264, %dma_wait3A_265] : memref<16x160x128xi32, #tpu.memory_space<hbm>> -> memref<1x5x128xi32, #tpu.memory_space<hbm>>
      %dma_wait3A_267 = tpu.memref_squeeze %dma_wait3A_266 : memref<1x5x128xi32, #tpu.memory_space<hbm>> -> memref<5x128xi32, #tpu.memory_space<hbm>>
      tpu.wait_dma2 semaphore(%run_scoped3A : memref<!tpu.dma_semaphore, #tpu.memory_space<semaphore_mem>>) src(%dma_wait3A_267 : memref<5x128xi32, #tpu.memory_space<hbm>>) dst(%arg7 : memref<5x128xi32, #tpu.memory_space<vmem>>)
      tpu.yield
    }) : () -> ()
    %scan3A_113 = arith.constant 0 : i32
    %scan3A_114 = arith.constant 0 : i32
    %scan3A_115 = arith.constant 5 : i32
    %scan3A_116 = arith.addi %scan3A_114, %scan3A_115 : i32
    %scan3A_117 = arith.constant 1 : i32
    %scan3A_118 = scf.for %scan3A_254 = %scan3A_114 to %scan3A_116 step %scan3A_117 iter_args(%scan3A_255 = %scan3A_113) -> (i32)  : i32 {
      %dma_start3A = arith.constant 0 : i32
      %dma_start3A_256 = tpu.memref_slice %arg6[%scan3A_254, %dma_start3A] : memref<5x128xi32, #tpu.memory_space<vmem>> -> memref<1x128xi32, #tpu.memory_space<vmem>>
      %dma_start3A_257 = tpu.memref_squeeze %dma_start3A_256 : memref<1x128xi32, #tpu.memory_space<vmem>> -> memref<128xi32, #tpu.memory_space<vmem>>
      %dma_start3A_258 = arith.constant 0 : i32
      %dma_start3A_259 = arith.constant 0 : i32
      %dma_start3A_260 = tpu.memref_slice %arg10[%dma_start3A_258, %dma_start3A_259] : memref<10240x64xf32, #tpu.memory_space<vmem_shared>> -> memref<10240x64xf32, #tpu.memory_space<vmem_shared>>
      tpu.enqueue_indirect_dma source(%dma_start3A_260 : memref<10240x64xf32, #tpu.memory_space<vmem_shared>>) target(%arg8 : memref<128x64xf32, #tpu.memory_space<vmem>>) offsets(%dma_start3A_257 : memref<128xi32, #tpu.memory_space<vmem>>) semaphore(%arg11 : memref<!tpu.dma_semaphore, #tpu.memory_space<semaphore_mem>>)
      %dma_wait3A = arith.constant 0 : i32
      %dma_wait3A_261 = tpu.memref_slice %arg6[%scan3A_254, %dma_wait3A] : memref<5x128xi32, #tpu.memory_space<vmem>> -> memref<1x128xi32, #tpu.memory_space<vmem>>
      %dma_wait3A_262 = tpu.memref_squeeze %dma_wait3A_261 : memref<1x128xi32, #tpu.memory_space<vmem>> -> memref<128xi32, #tpu.memory_space<vmem>>
      %dma_wait3A_263 = arith.constant 0 : i32
      %dma_wait3A_264 = arith.constant 0 : i32
      %dma_wait3A_265 = tpu.memref_slice %arg10[%dma_wait3A_263, %dma_wait3A_264] : memref<10240x64xf32, #tpu.memory_space<vmem_shared>> -> memref<10240x64xf32, #tpu.memory_space<vmem_shared>>
      tpu.wait_indirect_dma semaphore(%arg11 : memref<!tpu.dma_semaphore, #tpu.memory_space<semaphore_mem>>) src(%dma_wait3A_265 : memref<10240x64xf32, #tpu.memory_space<vmem_shared>>) dst(%arg8 : memref<128x64xf32, #tpu.memory_space<vmem>>)
      "tpu.region"() ({
        %run_scoped3A = tpu.sem_alloc : memref<!tpu.dma_semaphore, #tpu.memory_space<semaphore_mem>>
        %dma_start3A_267 = arith.constant 0 : i32
        %dma_start3A_268 = tpu.memref_slice %arg7[%scan3A_254, %dma_start3A_267] : memref<5x128xi32, #tpu.memory_space<vmem>> -> memref<1x128xi32, #tpu.memory_space<vmem>>
        %dma_start3A_269 = tpu.memref_squeeze %dma_start3A_268 : memref<1x128xi32, #tpu.memory_space<vmem>> -> memref<128xi32, #tpu.memory_space<vmem>>
        %dma_start3A_270 = arith.constant 0 : i32
        %dma_start3A_271 = arith.constant 0 : i32
        %dma_start3A_272 = tpu.memref_slice %arg9[%dma_start3A_270, %dma_start3A_271] : memref<20096x64xf32, #tpu.memory_space<vmem_shared>> -> memref<20096x64xf32, #tpu.memory_space<vmem_shared>>
        tpu.enqueue_indirect_dma source(%arg8 : memref<128x64xf32, #tpu.memory_space<vmem>>) target(%dma_start3A_272 : memref<20096x64xf32, #tpu.memory_space<vmem_shared>>) offsets(%dma_start3A_269 : memref<128xi32, #tpu.memory_space<vmem>>) semaphore(%run_scoped3A : memref<!tpu.dma_semaphore, #tpu.memory_space<semaphore_mem>>) {add = true}
        %dma_wait3A_273 = arith.constant 0 : i32
        %dma_wait3A_274 = tpu.memref_slice %arg7[%scan3A_254, %dma_wait3A_273] : memref<5x128xi32, #tpu.memory_space<vmem>> -> memref<1x128xi32, #tpu.memory_space<vmem>>
        %dma_wait3A_275 = tpu.memref_squeeze %dma_wait3A_274 : memref<1x128xi32, #tpu.memory_space<vmem>> -> memref<128xi32, #tpu.memory_space<vmem>>
        %dma_wait3A_276 = arith.constant 0 : i32
        %dma_wait3A_277 = arith.constant 0 : i32
        %dma_wait3A_278 = tpu.memref_slice %arg9[%dma_wait3A_276, %dma_wait3A_277] : memref<20096x64xf32, #tpu.memory_space<vmem_shared>> -> memref<20096x64xf32, #tpu.memory_space<vmem_shared>>
        tpu.wait_indirect_dma semaphore(%run_scoped3A : memref<!tpu.dma_semaphore, #tpu.memory_space<semaphore_mem>>) src(%arg8 : memref<128x64xf32, #tpu.memory_space<vmem>>) dst(%dma_wait3A_278 : memref<20096x64xf32, #tpu.memory_space<vmem_shared>>)
        tpu.yield
      }) : () -> ()
      %scan3A_266 = arith.constant 0 : i32
      scf.yield %scan3A_266 : i32
    }
    %scan3A_119 = arith.constant 5 : i32
    "tpu.region"() ({
      %run_scoped3A = tpu.sem_alloc : memref<!tpu.dma_semaphore, #tpu.memory_space<semaphore_mem>>
      %dma_start3A = arith.constant 70 : i32
      %dma_start3A_254 = arith.constant 0 : i32
      %dma_start3A_255 = tpu.memref_slice %arg3[%arg1, %dma_start3A, %dma_start3A_254] : memref<16x160x128xi32, #tpu.memory_space<hbm>> -> memref<1x5x128xi32, #tpu.memory_space<hbm>>
      %dma_start3A_256 = tpu.memref_squeeze %dma_start3A_255 : memref<1x5x128xi32, #tpu.memory_space<hbm>> -> memref<5x128xi32, #tpu.memory_space<hbm>>
      %dma_start3A_257 = arith.constant 70 : i32
      %dma_start3A_258 = arith.constant 0 : i32
      %dma_start3A_259 = tpu.memref_slice %arg3[%arg1, %dma_start3A_257, %dma_start3A_258] : memref<16x160x128xi32, #tpu.memory_space<hbm>> -> memref<1x5x128xi32, #tpu.memory_space<hbm>>
      %dma_start3A_260 = tpu.memref_squeeze %dma_start3A_259 : memref<1x5x128xi32, #tpu.memory_space<hbm>> -> memref<5x128xi32, #tpu.memory_space<hbm>>
      tpu.enqueue_dma source(%dma_start3A_260 : memref<5x128xi32, #tpu.memory_space<hbm>>) target(%arg6 : memref<5x128xi32, #tpu.memory_space<vmem>>) target_semaphore(%run_scoped3A : memref<!tpu.dma_semaphore, #tpu.memory_space<semaphore_mem>>)
      %dma_wait3A = arith.constant 70 : i32
      %dma_wait3A_261 = arith.constant 0 : i32
      %dma_wait3A_262 = tpu.memref_slice %arg3[%arg1, %dma_wait3A, %dma_wait3A_261] : memref<16x160x128xi32, #tpu.memory_space<hbm>> -> memref<1x5x128xi32, #tpu.memory_space<hbm>>
      %dma_wait3A_263 = tpu.memref_squeeze %dma_wait3A_262 : memref<1x5x128xi32, #tpu.memory_space<hbm>> -> memref<5x128xi32, #tpu.memory_space<hbm>>
      %dma_wait3A_264 = arith.constant 70 : i32
      %dma_wait3A_265 = arith.constant 0 : i32
      %dma_wait3A_266 = tpu.memref_slice %arg3[%arg1, %dma_wait3A_264, %dma_wait3A_265] : memref<16x160x128xi32, #tpu.memory_space<hbm>> -> memref<1x5x128xi32, #tpu.memory_space<hbm>>
      %dma_wait3A_267 = tpu.memref_squeeze %dma_wait3A_266 : memref<1x5x128xi32, #tpu.memory_space<hbm>> -> memref<5x128xi32, #tpu.memory_space<hbm>>
      tpu.wait_dma2 semaphore(%run_scoped3A : memref<!tpu.dma_semaphore, #tpu.memory_space<semaphore_mem>>) src(%dma_wait3A_267 : memref<5x128xi32, #tpu.memory_space<hbm>>) dst(%arg6 : memref<5x128xi32, #tpu.memory_space<vmem>>)
      tpu.yield
    }) : () -> ()
    "tpu.region"() ({
      %run_scoped3A = tpu.sem_alloc : memref<!tpu.dma_semaphore, #tpu.memory_space<semaphore_mem>>
      %dma_start3A = arith.constant 70 : i32
      %dma_start3A_254 = arith.constant 0 : i32
      %dma_start3A_255 = tpu.memref_slice %arg4[%arg1, %dma_start3A, %dma_start3A_254] : memref<16x160x128xi32, #tpu.memory_space<hbm>> -> memref<1x5x128xi32, #tpu.memory_space<hbm>>
      %dma_start3A_256 = tpu.memref_squeeze %dma_start3A_255 : memref<1x5x128xi32, #tpu.memory_space<hbm>> -> memref<5x128xi32, #tpu.memory_space<hbm>>
      %dma_start3A_257 = arith.constant 70 : i32
      %dma_start3A_258 = arith.constant 0 : i32
      %dma_start3A_259 = tpu.memref_slice %arg4[%arg1, %dma_start3A_257, %dma_start3A_258] : memref<16x160x128xi32, #tpu.memory_space<hbm>> -> memref<1x5x128xi32, #tpu.memory_space<hbm>>
      %dma_start3A_260 = tpu.memref_squeeze %dma_start3A_259 : memref<1x5x128xi32, #tpu.memory_space<hbm>> -> memref<5x128xi32, #tpu.memory_space<hbm>>
      tpu.enqueue_dma source(%dma_start3A_260 : memref<5x128xi32, #tpu.memory_space<hbm>>) target(%arg7 : memref<5x128xi32, #tpu.memory_space<vmem>>) target_semaphore(%run_scoped3A : memref<!tpu.dma_semaphore, #tpu.memory_space<semaphore_mem>>)
      %dma_wait3A = arith.constant 70 : i32
      %dma_wait3A_261 = arith.constant 0 : i32
      %dma_wait3A_262 = tpu.memref_slice %arg4[%arg1, %dma_wait3A, %dma_wait3A_261] : memref<16x160x128xi32, #tpu.memory_space<hbm>> -> memref<1x5x128xi32, #tpu.memory_space<hbm>>
      %dma_wait3A_263 = tpu.memref_squeeze %dma_wait3A_262 : memref<1x5x128xi32, #tpu.memory_space<hbm>> -> memref<5x128xi32, #tpu.memory_space<hbm>>
      %dma_wait3A_264 = arith.constant 70 : i32
      %dma_wait3A_265 = arith.constant 0 : i32
      %dma_wait3A_266 = tpu.memref_slice %arg4[%arg1, %dma_wait3A_264, %dma_wait3A_265] : memref<16x160x128xi32, #tpu.memory_space<hbm>> -> memref<1x5x128xi32, #tpu.memory_space<hbm>>
      %dma_wait3A_267 = tpu.memref_squeeze %dma_wait3A_266 : memref<1x5x128xi32, #tpu.memory_space<hbm>> -> memref<5x128xi32, #tpu.memory_space<hbm>>
      tpu.wait_dma2 semaphore(%run_scoped3A : memref<!tpu.dma_semaphore, #tpu.memory_space<semaphore_mem>>) src(%dma_wait3A_267 : memref<5x128xi32, #tpu.memory_space<hbm>>) dst(%arg7 : memref<5x128xi32, #tpu.memory_space<vmem>>)
      tpu.yield
    }) : () -> ()
    %scan3A_120 = arith.constant 0 : i32
    %scan3A_121 = arith.constant 0 : i32
    %scan3A_122 = arith.constant 5 : i32
    %scan3A_123 = arith.addi %scan3A_121, %scan3A_122 : i32
    %scan3A_124 = arith.constant 1 : i32
    %scan3A_125 = scf.for %scan3A_254 = %scan3A_121 to %scan3A_123 step %scan3A_124 iter_args(%scan3A_255 = %scan3A_120) -> (i32)  : i32 {
      %dma_start3A = arith.constant 0 : i32
      %dma_start3A_256 = tpu.memref_slice %arg6[%scan3A_254, %dma_start3A] : memref<5x128xi32, #tpu.memory_space<vmem>> -> memref<1x128xi32, #tpu.memory_space<vmem>>
      %dma_start3A_257 = tpu.memref_squeeze %dma_start3A_256 : memref<1x128xi32, #tpu.memory_space<vmem>> -> memref<128xi32, #tpu.memory_space<vmem>>
      %dma_start3A_258 = arith.constant 0 : i32
      %dma_start3A_259 = arith.constant 0 : i32
      %dma_start3A_260 = tpu.memref_slice %arg10[%dma_start3A_258, %dma_start3A_259] : memref<10240x64xf32, #tpu.memory_space<vmem_shared>> -> memref<10240x64xf32, #tpu.memory_space<vmem_shared>>
      tpu.enqueue_indirect_dma source(%dma_start3A_260 : memref<10240x64xf32, #tpu.memory_space<vmem_shared>>) target(%arg8 : memref<128x64xf32, #tpu.memory_space<vmem>>) offsets(%dma_start3A_257 : memref<128xi32, #tpu.memory_space<vmem>>) semaphore(%arg11 : memref<!tpu.dma_semaphore, #tpu.memory_space<semaphore_mem>>)
      %dma_wait3A = arith.constant 0 : i32
      %dma_wait3A_261 = tpu.memref_slice %arg6[%scan3A_254, %dma_wait3A] : memref<5x128xi32, #tpu.memory_space<vmem>> -> memref<1x128xi32, #tpu.memory_space<vmem>>
      %dma_wait3A_262 = tpu.memref_squeeze %dma_wait3A_261 : memref<1x128xi32, #tpu.memory_space<vmem>> -> memref<128xi32, #tpu.memory_space<vmem>>
      %dma_wait3A_263 = arith.constant 0 : i32
      %dma_wait3A_264 = arith.constant 0 : i32
      %dma_wait3A_265 = tpu.memref_slice %arg10[%dma_wait3A_263, %dma_wait3A_264] : memref<10240x64xf32, #tpu.memory_space<vmem_shared>> -> memref<10240x64xf32, #tpu.memory_space<vmem_shared>>
      tpu.wait_indirect_dma semaphore(%arg11 : memref<!tpu.dma_semaphore, #tpu.memory_space<semaphore_mem>>) src(%dma_wait3A_265 : memref<10240x64xf32, #tpu.memory_space<vmem_shared>>) dst(%arg8 : memref<128x64xf32, #tpu.memory_space<vmem>>)
      "tpu.region"() ({
        %run_scoped3A = tpu.sem_alloc : memref<!tpu.dma_semaphore, #tpu.memory_space<semaphore_mem>>
        %dma_start3A_267 = arith.constant 0 : i32
        %dma_start3A_268 = tpu.memref_slice %arg7[%scan3A_254, %dma_start3A_267] : memref<5x128xi32, #tpu.memory_space<vmem>> -> memref<1x128xi32, #tpu.memory_space<vmem>>
        %dma_start3A_269 = tpu.memref_squeeze %dma_start3A_268 : memref<1x128xi32, #tpu.memory_space<vmem>> -> memref<128xi32, #tpu.memory_space<vmem>>
        %dma_start3A_270 = arith.constant 0 : i32
        %dma_start3A_271 = arith.constant 0 : i32
        %dma_start3A_272 = tpu.memref_slice %arg9[%dma_start3A_270, %dma_start3A_271] : memref<20096x64xf32, #tpu.memory_space<vmem_shared>> -> memref<20096x64xf32, #tpu.memory_space<vmem_shared>>
        tpu.enqueue_indirect_dma source(%arg8 : memref<128x64xf32, #tpu.memory_space<vmem>>) target(%dma_start3A_272 : memref<20096x64xf32, #tpu.memory_space<vmem_shared>>) offsets(%dma_start3A_269 : memref<128xi32, #tpu.memory_space<vmem>>) semaphore(%run_scoped3A : memref<!tpu.dma_semaphore, #tpu.memory_space<semaphore_mem>>) {add = true}
        %dma_wait3A_273 = arith.constant 0 : i32
        %dma_wait3A_274 = tpu.memref_slice %arg7[%scan3A_254, %dma_wait3A_273] : memref<5x128xi32, #tpu.memory_space<vmem>> -> memref<1x128xi32, #tpu.memory_space<vmem>>
        %dma_wait3A_275 = tpu.memref_squeeze %dma_wait3A_274 : memref<1x128xi32, #tpu.memory_space<vmem>> -> memref<128xi32, #tpu.memory_space<vmem>>
        %dma_wait3A_276 = arith.constant 0 : i32
        %dma_wait3A_277 = arith.constant 0 : i32
        %dma_wait3A_278 = tpu.memref_slice %arg9[%dma_wait3A_276, %dma_wait3A_277] : memref<20096x64xf32, #tpu.memory_space<vmem_shared>> -> memref<20096x64xf32, #tpu.memory_space<vmem_shared>>
        tpu.wait_indirect_dma semaphore(%run_scoped3A : memref<!tpu.dma_semaphore, #tpu.memory_space<semaphore_mem>>) src(%arg8 : memref<128x64xf32, #tpu.memory_space<vmem>>) dst(%dma_wait3A_278 : memref<20096x64xf32, #tpu.memory_space<vmem_shared>>)
        tpu.yield
      }) : () -> ()
      %scan3A_266 = arith.constant 0 : i32
      scf.yield %scan3A_266 : i32
    }
    %scan3A_126 = arith.constant 5 : i32
    "tpu.region"() ({
      %run_scoped3A = tpu.sem_alloc : memref<!tpu.dma_semaphore, #tpu.memory_space<semaphore_mem>>
      %dma_start3A = arith.constant 75 : i32
      %dma_start3A_254 = arith.constant 0 : i32
      %dma_start3A_255 = tpu.memref_slice %arg3[%arg1, %dma_start3A, %dma_start3A_254] : memref<16x160x128xi32, #tpu.memory_space<hbm>> -> memref<1x5x128xi32, #tpu.memory_space<hbm>>
      %dma_start3A_256 = tpu.memref_squeeze %dma_start3A_255 : memref<1x5x128xi32, #tpu.memory_space<hbm>> -> memref<5x128xi32, #tpu.memory_space<hbm>>
      %dma_start3A_257 = arith.constant 75 : i32
      %dma_start3A_258 = arith.constant 0 : i32
      %dma_start3A_259 = tpu.memref_slice %arg3[%arg1, %dma_start3A_257, %dma_start3A_258] : memref<16x160x128xi32, #tpu.memory_space<hbm>> -> memref<1x5x128xi32, #tpu.memory_space<hbm>>
      %dma_start3A_260 = tpu.memref_squeeze %dma_start3A_259 : memref<1x5x128xi32, #tpu.memory_space<hbm>> -> memref<5x128xi32, #tpu.memory_space<hbm>>
      tpu.enqueue_dma source(%dma_start3A_260 : memref<5x128xi32, #tpu.memory_space<hbm>>) target(%arg6 : memref<5x128xi32, #tpu.memory_space<vmem>>) target_semaphore(%run_scoped3A : memref<!tpu.dma_semaphore, #tpu.memory_space<semaphore_mem>>)
      %dma_wait3A = arith.constant 75 : i32
      %dma_wait3A_261 = arith.constant 0 : i32
      %dma_wait3A_262 = tpu.memref_slice %arg3[%arg1, %dma_wait3A, %dma_wait3A_261] : memref<16x160x128xi32, #tpu.memory_space<hbm>> -> memref<1x5x128xi32, #tpu.memory_space<hbm>>
      %dma_wait3A_263 = tpu.memref_squeeze %dma_wait3A_262 : memref<1x5x128xi32, #tpu.memory_space<hbm>> -> memref<5x128xi32, #tpu.memory_space<hbm>>
      %dma_wait3A_264 = arith.constant 75 : i32
      %dma_wait3A_265 = arith.constant 0 : i32
      %dma_wait3A_266 = tpu.memref_slice %arg3[%arg1, %dma_wait3A_264, %dma_wait3A_265] : memref<16x160x128xi32, #tpu.memory_space<hbm>> -> memref<1x5x128xi32, #tpu.memory_space<hbm>>
      %dma_wait3A_267 = tpu.memref_squeeze %dma_wait3A_266 : memref<1x5x128xi32, #tpu.memory_space<hbm>> -> memref<5x128xi32, #tpu.memory_space<hbm>>
      tpu.wait_dma2 semaphore(%run_scoped3A : memref<!tpu.dma_semaphore, #tpu.memory_space<semaphore_mem>>) src(%dma_wait3A_267 : memref<5x128xi32, #tpu.memory_space<hbm>>) dst(%arg6 : memref<5x128xi32, #tpu.memory_space<vmem>>)
      tpu.yield
    }) : () -> ()
    "tpu.region"() ({
      %run_scoped3A = tpu.sem_alloc : memref<!tpu.dma_semaphore, #tpu.memory_space<semaphore_mem>>
      %dma_start3A = arith.constant 75 : i32
      %dma_start3A_254 = arith.constant 0 : i32
      %dma_start3A_255 = tpu.memref_slice %arg4[%arg1, %dma_start3A, %dma_start3A_254] : memref<16x160x128xi32, #tpu.memory_space<hbm>> -> memref<1x5x128xi32, #tpu.memory_space<hbm>>
      %dma_start3A_256 = tpu.memref_squeeze %dma_start3A_255 : memref<1x5x128xi32, #tpu.memory_space<hbm>> -> memref<5x128xi32, #tpu.memory_space<hbm>>
      %dma_start3A_257 = arith.constant 75 : i32
      %dma_start3A_258 = arith.constant 0 : i32
      %dma_start3A_259 = tpu.memref_slice %arg4[%arg1, %dma_start3A_257, %dma_start3A_258] : memref<16x160x128xi32, #tpu.memory_space<hbm>> -> memref<1x5x128xi32, #tpu.memory_space<hbm>>
      %dma_start3A_260 = tpu.memref_squeeze %dma_start3A_259 : memref<1x5x128xi32, #tpu.memory_space<hbm>> -> memref<5x128xi32, #tpu.memory_space<hbm>>
      tpu.enqueue_dma source(%dma_start3A_260 : memref<5x128xi32, #tpu.memory_space<hbm>>) target(%arg7 : memref<5x128xi32, #tpu.memory_space<vmem>>) target_semaphore(%run_scoped3A : memref<!tpu.dma_semaphore, #tpu.memory_space<semaphore_mem>>)
      %dma_wait3A = arith.constant 75 : i32
      %dma_wait3A_261 = arith.constant 0 : i32
      %dma_wait3A_262 = tpu.memref_slice %arg4[%arg1, %dma_wait3A, %dma_wait3A_261] : memref<16x160x128xi32, #tpu.memory_space<hbm>> -> memref<1x5x128xi32, #tpu.memory_space<hbm>>
      %dma_wait3A_263 = tpu.memref_squeeze %dma_wait3A_262 : memref<1x5x128xi32, #tpu.memory_space<hbm>> -> memref<5x128xi32, #tpu.memory_space<hbm>>
      %dma_wait3A_264 = arith.constant 75 : i32
      %dma_wait3A_265 = arith.constant 0 : i32
      %dma_wait3A_266 = tpu.memref_slice %arg4[%arg1, %dma_wait3A_264, %dma_wait3A_265] : memref<16x160x128xi32, #tpu.memory_space<hbm>> -> memref<1x5x128xi32, #tpu.memory_space<hbm>>
      %dma_wait3A_267 = tpu.memref_squeeze %dma_wait3A_266 : memref<1x5x128xi32, #tpu.memory_space<hbm>> -> memref<5x128xi32, #tpu.memory_space<hbm>>
      tpu.wait_dma2 semaphore(%run_scoped3A : memref<!tpu.dma_semaphore, #tpu.memory_space<semaphore_mem>>) src(%dma_wait3A_267 : memref<5x128xi32, #tpu.memory_space<hbm>>) dst(%arg7 : memref<5x128xi32, #tpu.memory_space<vmem>>)
      tpu.yield
    }) : () -> ()
    %scan3A_127 = arith.constant 0 : i32
    %scan3A_128 = arith.constant 0 : i32
    %scan3A_129 = arith.constant 5 : i32
    %scan3A_130 = arith.addi %scan3A_128, %scan3A_129 : i32
    %scan3A_131 = arith.constant 1 : i32
    %scan3A_132 = scf.for %scan3A_254 = %scan3A_128 to %scan3A_130 step %scan3A_131 iter_args(%scan3A_255 = %scan3A_127) -> (i32)  : i32 {
      %dma_start3A = arith.constant 0 : i32
      %dma_start3A_256 = tpu.memref_slice %arg6[%scan3A_254, %dma_start3A] : memref<5x128xi32, #tpu.memory_space<vmem>> -> memref<1x128xi32, #tpu.memory_space<vmem>>
      %dma_start3A_257 = tpu.memref_squeeze %dma_start3A_256 : memref<1x128xi32, #tpu.memory_space<vmem>> -> memref<128xi32, #tpu.memory_space<vmem>>
      %dma_start3A_258 = arith.constant 0 : i32
      %dma_start3A_259 = arith.constant 0 : i32
      %dma_start3A_260 = tpu.memref_slice %arg10[%dma_start3A_258, %dma_start3A_259] : memref<10240x64xf32, #tpu.memory_space<vmem_shared>> -> memref<10240x64xf32, #tpu.memory_space<vmem_shared>>
      tpu.enqueue_indirect_dma source(%dma_start3A_260 : memref<10240x64xf32, #tpu.memory_space<vmem_shared>>) target(%arg8 : memref<128x64xf32, #tpu.memory_space<vmem>>) offsets(%dma_start3A_257 : memref<128xi32, #tpu.memory_space<vmem>>) semaphore(%arg11 : memref<!tpu.dma_semaphore, #tpu.memory_space<semaphore_mem>>)
      %dma_wait3A = arith.constant 0 : i32
      %dma_wait3A_261 = tpu.memref_slice %arg6[%scan3A_254, %dma_wait3A] : memref<5x128xi32, #tpu.memory_space<vmem>> -> memref<1x128xi32, #tpu.memory_space<vmem>>
      %dma_wait3A_262 = tpu.memref_squeeze %dma_wait3A_261 : memref<1x128xi32, #tpu.memory_space<vmem>> -> memref<128xi32, #tpu.memory_space<vmem>>
      %dma_wait3A_263 = arith.constant 0 : i32
      %dma_wait3A_264 = arith.constant 0 : i32
      %dma_wait3A_265 = tpu.memref_slice %arg10[%dma_wait3A_263, %dma_wait3A_264] : memref<10240x64xf32, #tpu.memory_space<vmem_shared>> -> memref<10240x64xf32, #tpu.memory_space<vmem_shared>>
      tpu.wait_indirect_dma semaphore(%arg11 : memref<!tpu.dma_semaphore, #tpu.memory_space<semaphore_mem>>) src(%dma_wait3A_265 : memref<10240x64xf32, #tpu.memory_space<vmem_shared>>) dst(%arg8 : memref<128x64xf32, #tpu.memory_space<vmem>>)
      "tpu.region"() ({
        %run_scoped3A = tpu.sem_alloc : memref<!tpu.dma_semaphore, #tpu.memory_space<semaphore_mem>>
        %dma_start3A_267 = arith.constant 0 : i32
        %dma_start3A_268 = tpu.memref_slice %arg7[%scan3A_254, %dma_start3A_267] : memref<5x128xi32, #tpu.memory_space<vmem>> -> memref<1x128xi32, #tpu.memory_space<vmem>>
        %dma_start3A_269 = tpu.memref_squeeze %dma_start3A_268 : memref<1x128xi32, #tpu.memory_space<vmem>> -> memref<128xi32, #tpu.memory_space<vmem>>
        %dma_start3A_270 = arith.constant 0 : i32
        %dma_start3A_271 = arith.constant 0 : i32
        %dma_start3A_272 = tpu.memref_slice %arg9[%dma_start3A_270, %dma_start3A_271] : memref<20096x64xf32, #tpu.memory_space<vmem_shared>> -> memref<20096x64xf32, #tpu.memory_space<vmem_shared>>
        tpu.enqueue_indirect_dma source(%arg8 : memref<128x64xf32, #tpu.memory_space<vmem>>) target(%dma_start3A_272 : memref<20096x64xf32, #tpu.memory_space<vmem_shared>>) offsets(%dma_start3A_269 : memref<128xi32, #tpu.memory_space<vmem>>) semaphore(%run_scoped3A : memref<!tpu.dma_semaphore, #tpu.memory_space<semaphore_mem>>) {add = true}
        %dma_wait3A_273 = arith.constant 0 : i32
        %dma_wait3A_274 = tpu.memref_slice %arg7[%scan3A_254, %dma_wait3A_273] : memref<5x128xi32, #tpu.memory_space<vmem>> -> memref<1x128xi32, #tpu.memory_space<vmem>>
        %dma_wait3A_275 = tpu.memref_squeeze %dma_wait3A_274 : memref<1x128xi32, #tpu.memory_space<vmem>> -> memref<128xi32, #tpu.memory_space<vmem>>
        %dma_wait3A_276 = arith.constant 0 : i32
        %dma_wait3A_277 = arith.constant 0 : i32
        %dma_wait3A_278 = tpu.memref_slice %arg9[%dma_wait3A_276, %dma_wait3A_277] : memref<20096x64xf32, #tpu.memory_space<vmem_shared>> -> memref<20096x64xf32, #tpu.memory_space<vmem_shared>>
        tpu.wait_indirect_dma semaphore(%run_scoped3A : memref<!tpu.dma_semaphore, #tpu.memory_space<semaphore_mem>>) src(%arg8 : memref<128x64xf32, #tpu.memory_space<vmem>>) dst(%dma_wait3A_278 : memref<20096x64xf32, #tpu.memory_space<vmem_shared>>)
        tpu.yield
      }) : () -> ()
      %scan3A_266 = arith.constant 0 : i32
      scf.yield %scan3A_266 : i32
    }
    %scan3A_133 = arith.constant 5 : i32
    "tpu.region"() ({
      %run_scoped3A = tpu.sem_alloc : memref<!tpu.dma_semaphore, #tpu.memory_space<semaphore_mem>>
      %dma_start3A = arith.constant 80 : i32
      %dma_start3A_254 = arith.constant 0 : i32
      %dma_start3A_255 = tpu.memref_slice %arg3[%arg1, %dma_start3A, %dma_start3A_254] : memref<16x160x128xi32, #tpu.memory_space<hbm>> -> memref<1x5x128xi32, #tpu.memory_space<hbm>>
      %dma_start3A_256 = tpu.memref_squeeze %dma_start3A_255 : memref<1x5x128xi32, #tpu.memory_space<hbm>> -> memref<5x128xi32, #tpu.memory_space<hbm>>
      %dma_start3A_257 = arith.constant 80 : i32
      %dma_start3A_258 = arith.constant 0 : i32
      %dma_start3A_259 = tpu.memref_slice %arg3[%arg1, %dma_start3A_257, %dma_start3A_258] : memref<16x160x128xi32, #tpu.memory_space<hbm>> -> memref<1x5x128xi32, #tpu.memory_space<hbm>>
      %dma_start3A_260 = tpu.memref_squeeze %dma_start3A_259 : memref<1x5x128xi32, #tpu.memory_space<hbm>> -> memref<5x128xi32, #tpu.memory_space<hbm>>
      tpu.enqueue_dma source(%dma_start3A_260 : memref<5x128xi32, #tpu.memory_space<hbm>>) target(%arg6 : memref<5x128xi32, #tpu.memory_space<vmem>>) target_semaphore(%run_scoped3A : memref<!tpu.dma_semaphore, #tpu.memory_space<semaphore_mem>>)
      %dma_wait3A = arith.constant 80 : i32
      %dma_wait3A_261 = arith.constant 0 : i32
      %dma_wait3A_262 = tpu.memref_slice %arg3[%arg1, %dma_wait3A, %dma_wait3A_261] : memref<16x160x128xi32, #tpu.memory_space<hbm>> -> memref<1x5x128xi32, #tpu.memory_space<hbm>>
      %dma_wait3A_263 = tpu.memref_squeeze %dma_wait3A_262 : memref<1x5x128xi32, #tpu.memory_space<hbm>> -> memref<5x128xi32, #tpu.memory_space<hbm>>
      %dma_wait3A_264 = arith.constant 80 : i32
      %dma_wait3A_265 = arith.constant 0 : i32
      %dma_wait3A_266 = tpu.memref_slice %arg3[%arg1, %dma_wait3A_264, %dma_wait3A_265] : memref<16x160x128xi32, #tpu.memory_space<hbm>> -> memref<1x5x128xi32, #tpu.memory_space<hbm>>
      %dma_wait3A_267 = tpu.memref_squeeze %dma_wait3A_266 : memref<1x5x128xi32, #tpu.memory_space<hbm>> -> memref<5x128xi32, #tpu.memory_space<hbm>>
      tpu.wait_dma2 semaphore(%run_scoped3A : memref<!tpu.dma_semaphore, #tpu.memory_space<semaphore_mem>>) src(%dma_wait3A_267 : memref<5x128xi32, #tpu.memory_space<hbm>>) dst(%arg6 : memref<5x128xi32, #tpu.memory_space<vmem>>)
      tpu.yield
    }) : () -> ()
    "tpu.region"() ({
      %run_scoped3A = tpu.sem_alloc : memref<!tpu.dma_semaphore, #tpu.memory_space<semaphore_mem>>
      %dma_start3A = arith.constant 80 : i32
      %dma_start3A_254 = arith.constant 0 : i32
      %dma_start3A_255 = tpu.memref_slice %arg4[%arg1, %dma_start3A, %dma_start3A_254] : memref<16x160x128xi32, #tpu.memory_space<hbm>> -> memref<1x5x128xi32, #tpu.memory_space<hbm>>
      %dma_start3A_256 = tpu.memref_squeeze %dma_start3A_255 : memref<1x5x128xi32, #tpu.memory_space<hbm>> -> memref<5x128xi32, #tpu.memory_space<hbm>>
      %dma_start3A_257 = arith.constant 80 : i32
      %dma_start3A_258 = arith.constant 0 : i32
      %dma_start3A_259 = tpu.memref_slice %arg4[%arg1, %dma_start3A_257, %dma_start3A_258] : memref<16x160x128xi32, #tpu.memory_space<hbm>> -> memref<1x5x128xi32, #tpu.memory_space<hbm>>
      %dma_start3A_260 = tpu.memref_squeeze %dma_start3A_259 : memref<1x5x128xi32, #tpu.memory_space<hbm>> -> memref<5x128xi32, #tpu.memory_space<hbm>>
      tpu.enqueue_dma source(%dma_start3A_260 : memref<5x128xi32, #tpu.memory_space<hbm>>) target(%arg7 : memref<5x128xi32, #tpu.memory_space<vmem>>) target_semaphore(%run_scoped3A : memref<!tpu.dma_semaphore, #tpu.memory_space<semaphore_mem>>)
      %dma_wait3A = arith.constant 80 : i32
      %dma_wait3A_261 = arith.constant 0 : i32
      %dma_wait3A_262 = tpu.memref_slice %arg4[%arg1, %dma_wait3A, %dma_wait3A_261] : memref<16x160x128xi32, #tpu.memory_space<hbm>> -> memref<1x5x128xi32, #tpu.memory_space<hbm>>
      %dma_wait3A_263 = tpu.memref_squeeze %dma_wait3A_262 : memref<1x5x128xi32, #tpu.memory_space<hbm>> -> memref<5x128xi32, #tpu.memory_space<hbm>>
      %dma_wait3A_264 = arith.constant 80 : i32
      %dma_wait3A_265 = arith.constant 0 : i32
      %dma_wait3A_266 = tpu.memref_slice %arg4[%arg1, %dma_wait3A_264, %dma_wait3A_265] : memref<16x160x128xi32, #tpu.memory_space<hbm>> -> memref<1x5x128xi32, #tpu.memory_space<hbm>>
      %dma_wait3A_267 = tpu.memref_squeeze %dma_wait3A_266 : memref<1x5x128xi32, #tpu.memory_space<hbm>> -> memref<5x128xi32, #tpu.memory_space<hbm>>
      tpu.wait_dma2 semaphore(%run_scoped3A : memref<!tpu.dma_semaphore, #tpu.memory_space<semaphore_mem>>) src(%dma_wait3A_267 : memref<5x128xi32, #tpu.memory_space<hbm>>) dst(%arg7 : memref<5x128xi32, #tpu.memory_space<vmem>>)
      tpu.yield
    }) : () -> ()
    %scan3A_134 = arith.constant 0 : i32
    %scan3A_135 = arith.constant 0 : i32
    %scan3A_136 = arith.constant 5 : i32
    %scan3A_137 = arith.addi %scan3A_135, %scan3A_136 : i32
    %scan3A_138 = arith.constant 1 : i32
    %scan3A_139 = scf.for %scan3A_254 = %scan3A_135 to %scan3A_137 step %scan3A_138 iter_args(%scan3A_255 = %scan3A_134) -> (i32)  : i32 {
      %dma_start3A = arith.constant 0 : i32
      %dma_start3A_256 = tpu.memref_slice %arg6[%scan3A_254, %dma_start3A] : memref<5x128xi32, #tpu.memory_space<vmem>> -> memref<1x128xi32, #tpu.memory_space<vmem>>
      %dma_start3A_257 = tpu.memref_squeeze %dma_start3A_256 : memref<1x128xi32, #tpu.memory_space<vmem>> -> memref<128xi32, #tpu.memory_space<vmem>>
      %dma_start3A_258 = arith.constant 0 : i32
      %dma_start3A_259 = arith.constant 0 : i32
      %dma_start3A_260 = tpu.memref_slice %arg10[%dma_start3A_258, %dma_start3A_259] : memref<10240x64xf32, #tpu.memory_space<vmem_shared>> -> memref<10240x64xf32, #tpu.memory_space<vmem_shared>>
      tpu.enqueue_indirect_dma source(%dma_start3A_260 : memref<10240x64xf32, #tpu.memory_space<vmem_shared>>) target(%arg8 : memref<128x64xf32, #tpu.memory_space<vmem>>) offsets(%dma_start3A_257 : memref<128xi32, #tpu.memory_space<vmem>>) semaphore(%arg11 : memref<!tpu.dma_semaphore, #tpu.memory_space<semaphore_mem>>)
      %dma_wait3A = arith.constant 0 : i32
      %dma_wait3A_261 = tpu.memref_slice %arg6[%scan3A_254, %dma_wait3A] : memref<5x128xi32, #tpu.memory_space<vmem>> -> memref<1x128xi32, #tpu.memory_space<vmem>>
      %dma_wait3A_262 = tpu.memref_squeeze %dma_wait3A_261 : memref<1x128xi32, #tpu.memory_space<vmem>> -> memref<128xi32, #tpu.memory_space<vmem>>
      %dma_wait3A_263 = arith.constant 0 : i32
      %dma_wait3A_264 = arith.constant 0 : i32
      %dma_wait3A_265 = tpu.memref_slice %arg10[%dma_wait3A_263, %dma_wait3A_264] : memref<10240x64xf32, #tpu.memory_space<vmem_shared>> -> memref<10240x64xf32, #tpu.memory_space<vmem_shared>>
      tpu.wait_indirect_dma semaphore(%arg11 : memref<!tpu.dma_semaphore, #tpu.memory_space<semaphore_mem>>) src(%dma_wait3A_265 : memref<10240x64xf32, #tpu.memory_space<vmem_shared>>) dst(%arg8 : memref<128x64xf32, #tpu.memory_space<vmem>>)
      "tpu.region"() ({
        %run_scoped3A = tpu.sem_alloc : memref<!tpu.dma_semaphore, #tpu.memory_space<semaphore_mem>>
        %dma_start3A_267 = arith.constant 0 : i32
        %dma_start3A_268 = tpu.memref_slice %arg7[%scan3A_254, %dma_start3A_267] : memref<5x128xi32, #tpu.memory_space<vmem>> -> memref<1x128xi32, #tpu.memory_space<vmem>>
        %dma_start3A_269 = tpu.memref_squeeze %dma_start3A_268 : memref<1x128xi32, #tpu.memory_space<vmem>> -> memref<128xi32, #tpu.memory_space<vmem>>
        %dma_start3A_270 = arith.constant 0 : i32
        %dma_start3A_271 = arith.constant 0 : i32
        %dma_start3A_272 = tpu.memref_slice %arg9[%dma_start3A_270, %dma_start3A_271] : memref<20096x64xf32, #tpu.memory_space<vmem_shared>> -> memref<20096x64xf32, #tpu.memory_space<vmem_shared>>
        tpu.enqueue_indirect_dma source(%arg8 : memref<128x64xf32, #tpu.memory_space<vmem>>) target(%dma_start3A_272 : memref<20096x64xf32, #tpu.memory_space<vmem_shared>>) offsets(%dma_start3A_269 : memref<128xi32, #tpu.memory_space<vmem>>) semaphore(%run_scoped3A : memref<!tpu.dma_semaphore, #tpu.memory_space<semaphore_mem>>) {add = true}
        %dma_wait3A_273 = arith.constant 0 : i32
        %dma_wait3A_274 = tpu.memref_slice %arg7[%scan3A_254, %dma_wait3A_273] : memref<5x128xi32, #tpu.memory_space<vmem>> -> memref<1x128xi32, #tpu.memory_space<vmem>>
        %dma_wait3A_275 = tpu.memref_squeeze %dma_wait3A_274 : memref<1x128xi32, #tpu.memory_space<vmem>> -> memref<128xi32, #tpu.memory_space<vmem>>
        %dma_wait3A_276 = arith.constant 0 : i32
        %dma_wait3A_277 = arith.constant 0 : i32
        %dma_wait3A_278 = tpu.memref_slice %arg9[%dma_wait3A_276, %dma_wait3A_277] : memref<20096x64xf32, #tpu.memory_space<vmem_shared>> -> memref<20096x64xf32, #tpu.memory_space<vmem_shared>>
        tpu.wait_indirect_dma semaphore(%run_scoped3A : memref<!tpu.dma_semaphore, #tpu.memory_space<semaphore_mem>>) src(%arg8 : memref<128x64xf32, #tpu.memory_space<vmem>>) dst(%dma_wait3A_278 : memref<20096x64xf32, #tpu.memory_space<vmem_shared>>)
        tpu.yield
      }) : () -> ()
      %scan3A_266 = arith.constant 0 : i32
      scf.yield %scan3A_266 : i32
    }
    %scan3A_140 = arith.constant 5 : i32
    "tpu.region"() ({
      %run_scoped3A = tpu.sem_alloc : memref<!tpu.dma_semaphore, #tpu.memory_space<semaphore_mem>>
      %dma_start3A = arith.constant 85 : i32
      %dma_start3A_254 = arith.constant 0 : i32
      %dma_start3A_255 = tpu.memref_slice %arg3[%arg1, %dma_start3A, %dma_start3A_254] : memref<16x160x128xi32, #tpu.memory_space<hbm>> -> memref<1x5x128xi32, #tpu.memory_space<hbm>>
      %dma_start3A_256 = tpu.memref_squeeze %dma_start3A_255 : memref<1x5x128xi32, #tpu.memory_space<hbm>> -> memref<5x128xi32, #tpu.memory_space<hbm>>
      %dma_start3A_257 = arith.constant 85 : i32
      %dma_start3A_258 = arith.constant 0 : i32
      %dma_start3A_259 = tpu.memref_slice %arg3[%arg1, %dma_start3A_257, %dma_start3A_258] : memref<16x160x128xi32, #tpu.memory_space<hbm>> -> memref<1x5x128xi32, #tpu.memory_space<hbm>>
      %dma_start3A_260 = tpu.memref_squeeze %dma_start3A_259 : memref<1x5x128xi32, #tpu.memory_space<hbm>> -> memref<5x128xi32, #tpu.memory_space<hbm>>
      tpu.enqueue_dma source(%dma_start3A_260 : memref<5x128xi32, #tpu.memory_space<hbm>>) target(%arg6 : memref<5x128xi32, #tpu.memory_space<vmem>>) target_semaphore(%run_scoped3A : memref<!tpu.dma_semaphore, #tpu.memory_space<semaphore_mem>>)
      %dma_wait3A = arith.constant 85 : i32
      %dma_wait3A_261 = arith.constant 0 : i32
      %dma_wait3A_262 = tpu.memref_slice %arg3[%arg1, %dma_wait3A, %dma_wait3A_261] : memref<16x160x128xi32, #tpu.memory_space<hbm>> -> memref<1x5x128xi32, #tpu.memory_space<hbm>>
      %dma_wait3A_263 = tpu.memref_squeeze %dma_wait3A_262 : memref<1x5x128xi32, #tpu.memory_space<hbm>> -> memref<5x128xi32, #tpu.memory_space<hbm>>
      %dma_wait3A_264 = arith.constant 85 : i32
      %dma_wait3A_265 = arith.constant 0 : i32
      %dma_wait3A_266 = tpu.memref_slice %arg3[%arg1, %dma_wait3A_264, %dma_wait3A_265] : memref<16x160x128xi32, #tpu.memory_space<hbm>> -> memref<1x5x128xi32, #tpu.memory_space<hbm>>
      %dma_wait3A_267 = tpu.memref_squeeze %dma_wait3A_266 : memref<1x5x128xi32, #tpu.memory_space<hbm>> -> memref<5x128xi32, #tpu.memory_space<hbm>>
      tpu.wait_dma2 semaphore(%run_scoped3A : memref<!tpu.dma_semaphore, #tpu.memory_space<semaphore_mem>>) src(%dma_wait3A_267 : memref<5x128xi32, #tpu.memory_space<hbm>>) dst(%arg6 : memref<5x128xi32, #tpu.memory_space<vmem>>)
      tpu.yield
    }) : () -> ()
    "tpu.region"() ({
      %run_scoped3A = tpu.sem_alloc : memref<!tpu.dma_semaphore, #tpu.memory_space<semaphore_mem>>
      %dma_start3A = arith.constant 85 : i32
      %dma_start3A_254 = arith.constant 0 : i32
      %dma_start3A_255 = tpu.memref_slice %arg4[%arg1, %dma_start3A, %dma_start3A_254] : memref<16x160x128xi32, #tpu.memory_space<hbm>> -> memref<1x5x128xi32, #tpu.memory_space<hbm>>
      %dma_start3A_256 = tpu.memref_squeeze %dma_start3A_255 : memref<1x5x128xi32, #tpu.memory_space<hbm>> -> memref<5x128xi32, #tpu.memory_space<hbm>>
      %dma_start3A_257 = arith.constant 85 : i32
      %dma_start3A_258 = arith.constant 0 : i32
      %dma_start3A_259 = tpu.memref_slice %arg4[%arg1, %dma_start3A_257, %dma_start3A_258] : memref<16x160x128xi32, #tpu.memory_space<hbm>> -> memref<1x5x128xi32, #tpu.memory_space<hbm>>
      %dma_start3A_260 = tpu.memref_squeeze %dma_start3A_259 : memref<1x5x128xi32, #tpu.memory_space<hbm>> -> memref<5x128xi32, #tpu.memory_space<hbm>>
      tpu.enqueue_dma source(%dma_start3A_260 : memref<5x128xi32, #tpu.memory_space<hbm>>) target(%arg7 : memref<5x128xi32, #tpu.memory_space<vmem>>) target_semaphore(%run_scoped3A : memref<!tpu.dma_semaphore, #tpu.memory_space<semaphore_mem>>)
      %dma_wait3A = arith.constant 85 : i32
      %dma_wait3A_261 = arith.constant 0 : i32
      %dma_wait3A_262 = tpu.memref_slice %arg4[%arg1, %dma_wait3A, %dma_wait3A_261] : memref<16x160x128xi32, #tpu.memory_space<hbm>> -> memref<1x5x128xi32, #tpu.memory_space<hbm>>
      %dma_wait3A_263 = tpu.memref_squeeze %dma_wait3A_262 : memref<1x5x128xi32, #tpu.memory_space<hbm>> -> memref<5x128xi32, #tpu.memory_space<hbm>>
      %dma_wait3A_264 = arith.constant 85 : i32
      %dma_wait3A_265 = arith.constant 0 : i32
      %dma_wait3A_266 = tpu.memref_slice %arg4[%arg1, %dma_wait3A_264, %dma_wait3A_265] : memref<16x160x128xi32, #tpu.memory_space<hbm>> -> memref<1x5x128xi32, #tpu.memory_space<hbm>>
      %dma_wait3A_267 = tpu.memref_squeeze %dma_wait3A_266 : memref<1x5x128xi32, #tpu.memory_space<hbm>> -> memref<5x128xi32, #tpu.memory_space<hbm>>
      tpu.wait_dma2 semaphore(%run_scoped3A : memref<!tpu.dma_semaphore, #tpu.memory_space<semaphore_mem>>) src(%dma_wait3A_267 : memref<5x128xi32, #tpu.memory_space<hbm>>) dst(%arg7 : memref<5x128xi32, #tpu.memory_space<vmem>>)
      tpu.yield
    }) : () -> ()
    %scan3A_141 = arith.constant 0 : i32
    %scan3A_142 = arith.constant 0 : i32
    %scan3A_143 = arith.constant 5 : i32
    %scan3A_144 = arith.addi %scan3A_142, %scan3A_143 : i32
    %scan3A_145 = arith.constant 1 : i32
    %scan3A_146 = scf.for %scan3A_254 = %scan3A_142 to %scan3A_144 step %scan3A_145 iter_args(%scan3A_255 = %scan3A_141) -> (i32)  : i32 {
      %dma_start3A = arith.constant 0 : i32
      %dma_start3A_256 = tpu.memref_slice %arg6[%scan3A_254, %dma_start3A] : memref<5x128xi32, #tpu.memory_space<vmem>> -> memref<1x128xi32, #tpu.memory_space<vmem>>
      %dma_start3A_257 = tpu.memref_squeeze %dma_start3A_256 : memref<1x128xi32, #tpu.memory_space<vmem>> -> memref<128xi32, #tpu.memory_space<vmem>>
      %dma_start3A_258 = arith.constant 0 : i32
      %dma_start3A_259 = arith.constant 0 : i32
      %dma_start3A_260 = tpu.memref_slice %arg10[%dma_start3A_258, %dma_start3A_259] : memref<10240x64xf32, #tpu.memory_space<vmem_shared>> -> memref<10240x64xf32, #tpu.memory_space<vmem_shared>>
      tpu.enqueue_indirect_dma source(%dma_start3A_260 : memref<10240x64xf32, #tpu.memory_space<vmem_shared>>) target(%arg8 : memref<128x64xf32, #tpu.memory_space<vmem>>) offsets(%dma_start3A_257 : memref<128xi32, #tpu.memory_space<vmem>>) semaphore(%arg11 : memref<!tpu.dma_semaphore, #tpu.memory_space<semaphore_mem>>)
      %dma_wait3A = arith.constant 0 : i32
      %dma_wait3A_261 = tpu.memref_slice %arg6[%scan3A_254, %dma_wait3A] : memref<5x128xi32, #tpu.memory_space<vmem>> -> memref<1x128xi32, #tpu.memory_space<vmem>>
      %dma_wait3A_262 = tpu.memref_squeeze %dma_wait3A_261 : memref<1x128xi32, #tpu.memory_space<vmem>> -> memref<128xi32, #tpu.memory_space<vmem>>
      %dma_wait3A_263 = arith.constant 0 : i32
      %dma_wait3A_264 = arith.constant 0 : i32
      %dma_wait3A_265 = tpu.memref_slice %arg10[%dma_wait3A_263, %dma_wait3A_264] : memref<10240x64xf32, #tpu.memory_space<vmem_shared>> -> memref<10240x64xf32, #tpu.memory_space<vmem_shared>>
      tpu.wait_indirect_dma semaphore(%arg11 : memref<!tpu.dma_semaphore, #tpu.memory_space<semaphore_mem>>) src(%dma_wait3A_265 : memref<10240x64xf32, #tpu.memory_space<vmem_shared>>) dst(%arg8 : memref<128x64xf32, #tpu.memory_space<vmem>>)
      "tpu.region"() ({
        %run_scoped3A = tpu.sem_alloc : memref<!tpu.dma_semaphore, #tpu.memory_space<semaphore_mem>>
        %dma_start3A_267 = arith.constant 0 : i32
        %dma_start3A_268 = tpu.memref_slice %arg7[%scan3A_254, %dma_start3A_267] : memref<5x128xi32, #tpu.memory_space<vmem>> -> memref<1x128xi32, #tpu.memory_space<vmem>>
        %dma_start3A_269 = tpu.memref_squeeze %dma_start3A_268 : memref<1x128xi32, #tpu.memory_space<vmem>> -> memref<128xi32, #tpu.memory_space<vmem>>
        %dma_start3A_270 = arith.constant 0 : i32
        %dma_start3A_271 = arith.constant 0 : i32
        %dma_start3A_272 = tpu.memref_slice %arg9[%dma_start3A_270, %dma_start3A_271] : memref<20096x64xf32, #tpu.memory_space<vmem_shared>> -> memref<20096x64xf32, #tpu.memory_space<vmem_shared>>
        tpu.enqueue_indirect_dma source(%arg8 : memref<128x64xf32, #tpu.memory_space<vmem>>) target(%dma_start3A_272 : memref<20096x64xf32, #tpu.memory_space<vmem_shared>>) offsets(%dma_start3A_269 : memref<128xi32, #tpu.memory_space<vmem>>) semaphore(%run_scoped3A : memref<!tpu.dma_semaphore, #tpu.memory_space<semaphore_mem>>) {add = true}
        %dma_wait3A_273 = arith.constant 0 : i32
        %dma_wait3A_274 = tpu.memref_slice %arg7[%scan3A_254, %dma_wait3A_273] : memref<5x128xi32, #tpu.memory_space<vmem>> -> memref<1x128xi32, #tpu.memory_space<vmem>>
        %dma_wait3A_275 = tpu.memref_squeeze %dma_wait3A_274 : memref<1x128xi32, #tpu.memory_space<vmem>> -> memref<128xi32, #tpu.memory_space<vmem>>
        %dma_wait3A_276 = arith.constant 0 : i32
        %dma_wait3A_277 = arith.constant 0 : i32
        %dma_wait3A_278 = tpu.memref_slice %arg9[%dma_wait3A_276, %dma_wait3A_277] : memref<20096x64xf32, #tpu.memory_space<vmem_shared>> -> memref<20096x64xf32, #tpu.memory_space<vmem_shared>>
        tpu.wait_indirect_dma semaphore(%run_scoped3A : memref<!tpu.dma_semaphore, #tpu.memory_space<semaphore_mem>>) src(%arg8 : memref<128x64xf32, #tpu.memory_space<vmem>>) dst(%dma_wait3A_278 : memref<20096x64xf32, #tpu.memory_space<vmem_shared>>)
        tpu.yield
      }) : () -> ()
      %scan3A_266 = arith.constant 0 : i32
      scf.yield %scan3A_266 : i32
    }
    %scan3A_147 = arith.constant 5 : i32
    "tpu.region"() ({
      %run_scoped3A = tpu.sem_alloc : memref<!tpu.dma_semaphore, #tpu.memory_space<semaphore_mem>>
      %dma_start3A = arith.constant 90 : i32
      %dma_start3A_254 = arith.constant 0 : i32
      %dma_start3A_255 = tpu.memref_slice %arg3[%arg1, %dma_start3A, %dma_start3A_254] : memref<16x160x128xi32, #tpu.memory_space<hbm>> -> memref<1x5x128xi32, #tpu.memory_space<hbm>>
      %dma_start3A_256 = tpu.memref_squeeze %dma_start3A_255 : memref<1x5x128xi32, #tpu.memory_space<hbm>> -> memref<5x128xi32, #tpu.memory_space<hbm>>
      %dma_start3A_257 = arith.constant 90 : i32
      %dma_start3A_258 = arith.constant 0 : i32
      %dma_start3A_259 = tpu.memref_slice %arg3[%arg1, %dma_start3A_257, %dma_start3A_258] : memref<16x160x128xi32, #tpu.memory_space<hbm>> -> memref<1x5x128xi32, #tpu.memory_space<hbm>>
      %dma_start3A_260 = tpu.memref_squeeze %dma_start3A_259 : memref<1x5x128xi32, #tpu.memory_space<hbm>> -> memref<5x128xi32, #tpu.memory_space<hbm>>
      tpu.enqueue_dma source(%dma_start3A_260 : memref<5x128xi32, #tpu.memory_space<hbm>>) target(%arg6 : memref<5x128xi32, #tpu.memory_space<vmem>>) target_semaphore(%run_scoped3A : memref<!tpu.dma_semaphore, #tpu.memory_space<semaphore_mem>>)
      %dma_wait3A = arith.constant 90 : i32
      %dma_wait3A_261 = arith.constant 0 : i32
      %dma_wait3A_262 = tpu.memref_slice %arg3[%arg1, %dma_wait3A, %dma_wait3A_261] : memref<16x160x128xi32, #tpu.memory_space<hbm>> -> memref<1x5x128xi32, #tpu.memory_space<hbm>>
      %dma_wait3A_263 = tpu.memref_squeeze %dma_wait3A_262 : memref<1x5x128xi32, #tpu.memory_space<hbm>> -> memref<5x128xi32, #tpu.memory_space<hbm>>
      %dma_wait3A_264 = arith.constant 90 : i32
      %dma_wait3A_265 = arith.constant 0 : i32
      %dma_wait3A_266 = tpu.memref_slice %arg3[%arg1, %dma_wait3A_264, %dma_wait3A_265] : memref<16x160x128xi32, #tpu.memory_space<hbm>> -> memref<1x5x128xi32, #tpu.memory_space<hbm>>
      %dma_wait3A_267 = tpu.memref_squeeze %dma_wait3A_266 : memref<1x5x128xi32, #tpu.memory_space<hbm>> -> memref<5x128xi32, #tpu.memory_space<hbm>>
      tpu.wait_dma2 semaphore(%run_scoped3A : memref<!tpu.dma_semaphore, #tpu.memory_space<semaphore_mem>>) src(%dma_wait3A_267 : memref<5x128xi32, #tpu.memory_space<hbm>>) dst(%arg6 : memref<5x128xi32, #tpu.memory_space<vmem>>)
      tpu.yield
    }) : () -> ()
    "tpu.region"() ({
      %run_scoped3A = tpu.sem_alloc : memref<!tpu.dma_semaphore, #tpu.memory_space<semaphore_mem>>
      %dma_start3A = arith.constant 90 : i32
      %dma_start3A_254 = arith.constant 0 : i32
      %dma_start3A_255 = tpu.memref_slice %arg4[%arg1, %dma_start3A, %dma_start3A_254] : memref<16x160x128xi32, #tpu.memory_space<hbm>> -> memref<1x5x128xi32, #tpu.memory_space<hbm>>
      %dma_start3A_256 = tpu.memref_squeeze %dma_start3A_255 : memref<1x5x128xi32, #tpu.memory_space<hbm>> -> memref<5x128xi32, #tpu.memory_space<hbm>>
      %dma_start3A_257 = arith.constant 90 : i32
      %dma_start3A_258 = arith.constant 0 : i32
      %dma_start3A_259 = tpu.memref_slice %arg4[%arg1, %dma_start3A_257, %dma_start3A_258] : memref<16x160x128xi32, #tpu.memory_space<hbm>> -> memref<1x5x128xi32, #tpu.memory_space<hbm>>
      %dma_start3A_260 = tpu.memref_squeeze %dma_start3A_259 : memref<1x5x128xi32, #tpu.memory_space<hbm>> -> memref<5x128xi32, #tpu.memory_space<hbm>>
      tpu.enqueue_dma source(%dma_start3A_260 : memref<5x128xi32, #tpu.memory_space<hbm>>) target(%arg7 : memref<5x128xi32, #tpu.memory_space<vmem>>) target_semaphore(%run_scoped3A : memref<!tpu.dma_semaphore, #tpu.memory_space<semaphore_mem>>)
      %dma_wait3A = arith.constant 90 : i32
      %dma_wait3A_261 = arith.constant 0 : i32
      %dma_wait3A_262 = tpu.memref_slice %arg4[%arg1, %dma_wait3A, %dma_wait3A_261] : memref<16x160x128xi32, #tpu.memory_space<hbm>> -> memref<1x5x128xi32, #tpu.memory_space<hbm>>
      %dma_wait3A_263 = tpu.memref_squeeze %dma_wait3A_262 : memref<1x5x128xi32, #tpu.memory_space<hbm>> -> memref<5x128xi32, #tpu.memory_space<hbm>>
      %dma_wait3A_264 = arith.constant 90 : i32
      %dma_wait3A_265 = arith.constant 0 : i32
      %dma_wait3A_266 = tpu.memref_slice %arg4[%arg1, %dma_wait3A_264, %dma_wait3A_265] : memref<16x160x128xi32, #tpu.memory_space<hbm>> -> memref<1x5x128xi32, #tpu.memory_space<hbm>>
      %dma_wait3A_267 = tpu.memref_squeeze %dma_wait3A_266 : memref<1x5x128xi32, #tpu.memory_space<hbm>> -> memref<5x128xi32, #tpu.memory_space<hbm>>
      tpu.wait_dma2 semaphore(%run_scoped3A : memref<!tpu.dma_semaphore, #tpu.memory_space<semaphore_mem>>) src(%dma_wait3A_267 : memref<5x128xi32, #tpu.memory_space<hbm>>) dst(%arg7 : memref<5x128xi32, #tpu.memory_space<vmem>>)
      tpu.yield
    }) : () -> ()
    %scan3A_148 = arith.constant 0 : i32
    %scan3A_149 = arith.constant 0 : i32
    %scan3A_150 = arith.constant 5 : i32
    %scan3A_151 = arith.addi %scan3A_149, %scan3A_150 : i32
    %scan3A_152 = arith.constant 1 : i32
    %scan3A_153 = scf.for %scan3A_254 = %scan3A_149 to %scan3A_151 step %scan3A_152 iter_args(%scan3A_255 = %scan3A_148) -> (i32)  : i32 {
      %dma_start3A = arith.constant 0 : i32
      %dma_start3A_256 = tpu.memref_slice %arg6[%scan3A_254, %dma_start3A] : memref<5x128xi32, #tpu.memory_space<vmem>> -> memref<1x128xi32, #tpu.memory_space<vmem>>
      %dma_start3A_257 = tpu.memref_squeeze %dma_start3A_256 : memref<1x128xi32, #tpu.memory_space<vmem>> -> memref<128xi32, #tpu.memory_space<vmem>>
      %dma_start3A_258 = arith.constant 0 : i32
      %dma_start3A_259 = arith.constant 0 : i32
      %dma_start3A_260 = tpu.memref_slice %arg10[%dma_start3A_258, %dma_start3A_259] : memref<10240x64xf32, #tpu.memory_space<vmem_shared>> -> memref<10240x64xf32, #tpu.memory_space<vmem_shared>>
      tpu.enqueue_indirect_dma source(%dma_start3A_260 : memref<10240x64xf32, #tpu.memory_space<vmem_shared>>) target(%arg8 : memref<128x64xf32, #tpu.memory_space<vmem>>) offsets(%dma_start3A_257 : memref<128xi32, #tpu.memory_space<vmem>>) semaphore(%arg11 : memref<!tpu.dma_semaphore, #tpu.memory_space<semaphore_mem>>)
      %dma_wait3A = arith.constant 0 : i32
      %dma_wait3A_261 = tpu.memref_slice %arg6[%scan3A_254, %dma_wait3A] : memref<5x128xi32, #tpu.memory_space<vmem>> -> memref<1x128xi32, #tpu.memory_space<vmem>>
      %dma_wait3A_262 = tpu.memref_squeeze %dma_wait3A_261 : memref<1x128xi32, #tpu.memory_space<vmem>> -> memref<128xi32, #tpu.memory_space<vmem>>
      %dma_wait3A_263 = arith.constant 0 : i32
      %dma_wait3A_264 = arith.constant 0 : i32
      %dma_wait3A_265 = tpu.memref_slice %arg10[%dma_wait3A_263, %dma_wait3A_264] : memref<10240x64xf32, #tpu.memory_space<vmem_shared>> -> memref<10240x64xf32, #tpu.memory_space<vmem_shared>>
      tpu.wait_indirect_dma semaphore(%arg11 : memref<!tpu.dma_semaphore, #tpu.memory_space<semaphore_mem>>) src(%dma_wait3A_265 : memref<10240x64xf32, #tpu.memory_space<vmem_shared>>) dst(%arg8 : memref<128x64xf32, #tpu.memory_space<vmem>>)
      "tpu.region"() ({
        %run_scoped3A = tpu.sem_alloc : memref<!tpu.dma_semaphore, #tpu.memory_space<semaphore_mem>>
        %dma_start3A_267 = arith.constant 0 : i32
        %dma_start3A_268 = tpu.memref_slice %arg7[%scan3A_254, %dma_start3A_267] : memref<5x128xi32, #tpu.memory_space<vmem>> -> memref<1x128xi32, #tpu.memory_space<vmem>>
        %dma_start3A_269 = tpu.memref_squeeze %dma_start3A_268 : memref<1x128xi32, #tpu.memory_space<vmem>> -> memref<128xi32, #tpu.memory_space<vmem>>
        %dma_start3A_270 = arith.constant 0 : i32
        %dma_start3A_271 = arith.constant 0 : i32
        %dma_start3A_272 = tpu.memref_slice %arg9[%dma_start3A_270, %dma_start3A_271] : memref<20096x64xf32, #tpu.memory_space<vmem_shared>> -> memref<20096x64xf32, #tpu.memory_space<vmem_shared>>
        tpu.enqueue_indirect_dma source(%arg8 : memref<128x64xf32, #tpu.memory_space<vmem>>) target(%dma_start3A_272 : memref<20096x64xf32, #tpu.memory_space<vmem_shared>>) offsets(%dma_start3A_269 : memref<128xi32, #tpu.memory_space<vmem>>) semaphore(%run_scoped3A : memref<!tpu.dma_semaphore, #tpu.memory_space<semaphore_mem>>) {add = true}
        %dma_wait3A_273 = arith.constant 0 : i32
        %dma_wait3A_274 = tpu.memref_slice %arg7[%scan3A_254, %dma_wait3A_273] : memref<5x128xi32, #tpu.memory_space<vmem>> -> memref<1x128xi32, #tpu.memory_space<vmem>>
        %dma_wait3A_275 = tpu.memref_squeeze %dma_wait3A_274 : memref<1x128xi32, #tpu.memory_space<vmem>> -> memref<128xi32, #tpu.memory_space<vmem>>
        %dma_wait3A_276 = arith.constant 0 : i32
        %dma_wait3A_277 = arith.constant 0 : i32
        %dma_wait3A_278 = tpu.memref_slice %arg9[%dma_wait3A_276, %dma_wait3A_277] : memref<20096x64xf32, #tpu.memory_space<vmem_shared>> -> memref<20096x64xf32, #tpu.memory_space<vmem_shared>>
        tpu.wait_indirect_dma semaphore(%run_scoped3A : memref<!tpu.dma_semaphore, #tpu.memory_space<semaphore_mem>>) src(%arg8 : memref<128x64xf32, #tpu.memory_space<vmem>>) dst(%dma_wait3A_278 : memref<20096x64xf32, #tpu.memory_space<vmem_shared>>)
        tpu.yield
      }) : () -> ()
      %scan3A_266 = arith.constant 0 : i32
      scf.yield %scan3A_266 : i32
    }
    %scan3A_154 = arith.constant 5 : i32
    "tpu.region"() ({
      %run_scoped3A = tpu.sem_alloc : memref<!tpu.dma_semaphore, #tpu.memory_space<semaphore_mem>>
      %dma_start3A = arith.constant 95 : i32
      %dma_start3A_254 = arith.constant 0 : i32
      %dma_start3A_255 = tpu.memref_slice %arg3[%arg1, %dma_start3A, %dma_start3A_254] : memref<16x160x128xi32, #tpu.memory_space<hbm>> -> memref<1x5x128xi32, #tpu.memory_space<hbm>>
      %dma_start3A_256 = tpu.memref_squeeze %dma_start3A_255 : memref<1x5x128xi32, #tpu.memory_space<hbm>> -> memref<5x128xi32, #tpu.memory_space<hbm>>
      %dma_start3A_257 = arith.constant 95 : i32
      %dma_start3A_258 = arith.constant 0 : i32
      %dma_start3A_259 = tpu.memref_slice %arg3[%arg1, %dma_start3A_257, %dma_start3A_258] : memref<16x160x128xi32, #tpu.memory_space<hbm>> -> memref<1x5x128xi32, #tpu.memory_space<hbm>>
      %dma_start3A_260 = tpu.memref_squeeze %dma_start3A_259 : memref<1x5x128xi32, #tpu.memory_space<hbm>> -> memref<5x128xi32, #tpu.memory_space<hbm>>
      tpu.enqueue_dma source(%dma_start3A_260 : memref<5x128xi32, #tpu.memory_space<hbm>>) target(%arg6 : memref<5x128xi32, #tpu.memory_space<vmem>>) target_semaphore(%run_scoped3A : memref<!tpu.dma_semaphore, #tpu.memory_space<semaphore_mem>>)
      %dma_wait3A = arith.constant 95 : i32
      %dma_wait3A_261 = arith.constant 0 : i32
      %dma_wait3A_262 = tpu.memref_slice %arg3[%arg1, %dma_wait3A, %dma_wait3A_261] : memref<16x160x128xi32, #tpu.memory_space<hbm>> -> memref<1x5x128xi32, #tpu.memory_space<hbm>>
      %dma_wait3A_263 = tpu.memref_squeeze %dma_wait3A_262 : memref<1x5x128xi32, #tpu.memory_space<hbm>> -> memref<5x128xi32, #tpu.memory_space<hbm>>
      %dma_wait3A_264 = arith.constant 95 : i32
      %dma_wait3A_265 = arith.constant 0 : i32
      %dma_wait3A_266 = tpu.memref_slice %arg3[%arg1, %dma_wait3A_264, %dma_wait3A_265] : memref<16x160x128xi32, #tpu.memory_space<hbm>> -> memref<1x5x128xi32, #tpu.memory_space<hbm>>
      %dma_wait3A_267 = tpu.memref_squeeze %dma_wait3A_266 : memref<1x5x128xi32, #tpu.memory_space<hbm>> -> memref<5x128xi32, #tpu.memory_space<hbm>>
      tpu.wait_dma2 semaphore(%run_scoped3A : memref<!tpu.dma_semaphore, #tpu.memory_space<semaphore_mem>>) src(%dma_wait3A_267 : memref<5x128xi32, #tpu.memory_space<hbm>>) dst(%arg6 : memref<5x128xi32, #tpu.memory_space<vmem>>)
      tpu.yield
    }) : () -> ()
    "tpu.region"() ({
      %run_scoped3A = tpu.sem_alloc : memref<!tpu.dma_semaphore, #tpu.memory_space<semaphore_mem>>
      %dma_start3A = arith.constant 95 : i32
      %dma_start3A_254 = arith.constant 0 : i32
      %dma_start3A_255 = tpu.memref_slice %arg4[%arg1, %dma_start3A, %dma_start3A_254] : memref<16x160x128xi32, #tpu.memory_space<hbm>> -> memref<1x5x128xi32, #tpu.memory_space<hbm>>
      %dma_start3A_256 = tpu.memref_squeeze %dma_start3A_255 : memref<1x5x128xi32, #tpu.memory_space<hbm>> -> memref<5x128xi32, #tpu.memory_space<hbm>>
      %dma_start3A_257 = arith.constant 95 : i32
      %dma_start3A_258 = arith.constant 0 : i32
      %dma_start3A_259 = tpu.memref_slice %arg4[%arg1, %dma_start3A_257, %dma_start3A_258] : memref<16x160x128xi32, #tpu.memory_space<hbm>> -> memref<1x5x128xi32, #tpu.memory_space<hbm>>
      %dma_start3A_260 = tpu.memref_squeeze %dma_start3A_259 : memref<1x5x128xi32, #tpu.memory_space<hbm>> -> memref<5x128xi32, #tpu.memory_space<hbm>>
      tpu.enqueue_dma source(%dma_start3A_260 : memref<5x128xi32, #tpu.memory_space<hbm>>) target(%arg7 : memref<5x128xi32, #tpu.memory_space<vmem>>) target_semaphore(%run_scoped3A : memref<!tpu.dma_semaphore, #tpu.memory_space<semaphore_mem>>)
      %dma_wait3A = arith.constant 95 : i32
      %dma_wait3A_261 = arith.constant 0 : i32
      %dma_wait3A_262 = tpu.memref_slice %arg4[%arg1, %dma_wait3A, %dma_wait3A_261] : memref<16x160x128xi32, #tpu.memory_space<hbm>> -> memref<1x5x128xi32, #tpu.memory_space<hbm>>
      %dma_wait3A_263 = tpu.memref_squeeze %dma_wait3A_262 : memref<1x5x128xi32, #tpu.memory_space<hbm>> -> memref<5x128xi32, #tpu.memory_space<hbm>>
      %dma_wait3A_264 = arith.constant 95 : i32
      %dma_wait3A_265 = arith.constant 0 : i32
      %dma_wait3A_266 = tpu.memref_slice %arg4[%arg1, %dma_wait3A_264, %dma_wait3A_265] : memref<16x160x128xi32, #tpu.memory_space<hbm>> -> memref<1x5x128xi32, #tpu.memory_space<hbm>>
      %dma_wait3A_267 = tpu.memref_squeeze %dma_wait3A_266 : memref<1x5x128xi32, #tpu.memory_space<hbm>> -> memref<5x128xi32, #tpu.memory_space<hbm>>
      tpu.wait_dma2 semaphore(%run_scoped3A : memref<!tpu.dma_semaphore, #tpu.memory_space<semaphore_mem>>) src(%dma_wait3A_267 : memref<5x128xi32, #tpu.memory_space<hbm>>) dst(%arg7 : memref<5x128xi32, #tpu.memory_space<vmem>>)
      tpu.yield
    }) : () -> ()
    %scan3A_155 = arith.constant 0 : i32
    %scan3A_156 = arith.constant 0 : i32
    %scan3A_157 = arith.constant 5 : i32
    %scan3A_158 = arith.addi %scan3A_156, %scan3A_157 : i32
    %scan3A_159 = arith.constant 1 : i32
    %scan3A_160 = scf.for %scan3A_254 = %scan3A_156 to %scan3A_158 step %scan3A_159 iter_args(%scan3A_255 = %scan3A_155) -> (i32)  : i32 {
      %dma_start3A = arith.constant 0 : i32
      %dma_start3A_256 = tpu.memref_slice %arg6[%scan3A_254, %dma_start3A] : memref<5x128xi32, #tpu.memory_space<vmem>> -> memref<1x128xi32, #tpu.memory_space<vmem>>
      %dma_start3A_257 = tpu.memref_squeeze %dma_start3A_256 : memref<1x128xi32, #tpu.memory_space<vmem>> -> memref<128xi32, #tpu.memory_space<vmem>>
      %dma_start3A_258 = arith.constant 0 : i32
      %dma_start3A_259 = arith.constant 0 : i32
      %dma_start3A_260 = tpu.memref_slice %arg10[%dma_start3A_258, %dma_start3A_259] : memref<10240x64xf32, #tpu.memory_space<vmem_shared>> -> memref<10240x64xf32, #tpu.memory_space<vmem_shared>>
      tpu.enqueue_indirect_dma source(%dma_start3A_260 : memref<10240x64xf32, #tpu.memory_space<vmem_shared>>) target(%arg8 : memref<128x64xf32, #tpu.memory_space<vmem>>) offsets(%dma_start3A_257 : memref<128xi32, #tpu.memory_space<vmem>>) semaphore(%arg11 : memref<!tpu.dma_semaphore, #tpu.memory_space<semaphore_mem>>)
      %dma_wait3A = arith.constant 0 : i32
      %dma_wait3A_261 = tpu.memref_slice %arg6[%scan3A_254, %dma_wait3A] : memref<5x128xi32, #tpu.memory_space<vmem>> -> memref<1x128xi32, #tpu.memory_space<vmem>>
      %dma_wait3A_262 = tpu.memref_squeeze %dma_wait3A_261 : memref<1x128xi32, #tpu.memory_space<vmem>> -> memref<128xi32, #tpu.memory_space<vmem>>
      %dma_wait3A_263 = arith.constant 0 : i32
      %dma_wait3A_264 = arith.constant 0 : i32
      %dma_wait3A_265 = tpu.memref_slice %arg10[%dma_wait3A_263, %dma_wait3A_264] : memref<10240x64xf32, #tpu.memory_space<vmem_shared>> -> memref<10240x64xf32, #tpu.memory_space<vmem_shared>>
      tpu.wait_indirect_dma semaphore(%arg11 : memref<!tpu.dma_semaphore, #tpu.memory_space<semaphore_mem>>) src(%dma_wait3A_265 : memref<10240x64xf32, #tpu.memory_space<vmem_shared>>) dst(%arg8 : memref<128x64xf32, #tpu.memory_space<vmem>>)
      "tpu.region"() ({
        %run_scoped3A = tpu.sem_alloc : memref<!tpu.dma_semaphore, #tpu.memory_space<semaphore_mem>>
        %dma_start3A_267 = arith.constant 0 : i32
        %dma_start3A_268 = tpu.memref_slice %arg7[%scan3A_254, %dma_start3A_267] : memref<5x128xi32, #tpu.memory_space<vmem>> -> memref<1x128xi32, #tpu.memory_space<vmem>>
        %dma_start3A_269 = tpu.memref_squeeze %dma_start3A_268 : memref<1x128xi32, #tpu.memory_space<vmem>> -> memref<128xi32, #tpu.memory_space<vmem>>
        %dma_start3A_270 = arith.constant 0 : i32
        %dma_start3A_271 = arith.constant 0 : i32
        %dma_start3A_272 = tpu.memref_slice %arg9[%dma_start3A_270, %dma_start3A_271] : memref<20096x64xf32, #tpu.memory_space<vmem_shared>> -> memref<20096x64xf32, #tpu.memory_space<vmem_shared>>
        tpu.enqueue_indirect_dma source(%arg8 : memref<128x64xf32, #tpu.memory_space<vmem>>) target(%dma_start3A_272 : memref<20096x64xf32, #tpu.memory_space<vmem_shared>>) offsets(%dma_start3A_269 : memref<128xi32, #tpu.memory_space<vmem>>) semaphore(%run_scoped3A : memref<!tpu.dma_semaphore, #tpu.memory_space<semaphore_mem>>) {add = true}
        %dma_wait3A_273 = arith.constant 0 : i32
        %dma_wait3A_274 = tpu.memref_slice %arg7[%scan3A_254, %dma_wait3A_273] : memref<5x128xi32, #tpu.memory_space<vmem>> -> memref<1x128xi32, #tpu.memory_space<vmem>>
        %dma_wait3A_275 = tpu.memref_squeeze %dma_wait3A_274 : memref<1x128xi32, #tpu.memory_space<vmem>> -> memref<128xi32, #tpu.memory_space<vmem>>
        %dma_wait3A_276 = arith.constant 0 : i32
        %dma_wait3A_277 = arith.constant 0 : i32
        %dma_wait3A_278 = tpu.memref_slice %arg9[%dma_wait3A_276, %dma_wait3A_277] : memref<20096x64xf32, #tpu.memory_space<vmem_shared>> -> memref<20096x64xf32, #tpu.memory_space<vmem_shared>>
        tpu.wait_indirect_dma semaphore(%run_scoped3A : memref<!tpu.dma_semaphore, #tpu.memory_space<semaphore_mem>>) src(%arg8 : memref<128x64xf32, #tpu.memory_space<vmem>>) dst(%dma_wait3A_278 : memref<20096x64xf32, #tpu.memory_space<vmem_shared>>)
        tpu.yield
      }) : () -> ()
      %scan3A_266 = arith.constant 0 : i32
      scf.yield %scan3A_266 : i32
    }
    %scan3A_161 = arith.constant 5 : i32
    "tpu.region"() ({
      %run_scoped3A = tpu.sem_alloc : memref<!tpu.dma_semaphore, #tpu.memory_space<semaphore_mem>>
      %dma_start3A = arith.constant 100 : i32
      %dma_start3A_254 = arith.constant 0 : i32
      %dma_start3A_255 = tpu.memref_slice %arg3[%arg1, %dma_start3A, %dma_start3A_254] : memref<16x160x128xi32, #tpu.memory_space<hbm>> -> memref<1x5x128xi32, #tpu.memory_space<hbm>>
      %dma_start3A_256 = tpu.memref_squeeze %dma_start3A_255 : memref<1x5x128xi32, #tpu.memory_space<hbm>> -> memref<5x128xi32, #tpu.memory_space<hbm>>
      %dma_start3A_257 = arith.constant 100 : i32
      %dma_start3A_258 = arith.constant 0 : i32
      %dma_start3A_259 = tpu.memref_slice %arg3[%arg1, %dma_start3A_257, %dma_start3A_258] : memref<16x160x128xi32, #tpu.memory_space<hbm>> -> memref<1x5x128xi32, #tpu.memory_space<hbm>>
      %dma_start3A_260 = tpu.memref_squeeze %dma_start3A_259 : memref<1x5x128xi32, #tpu.memory_space<hbm>> -> memref<5x128xi32, #tpu.memory_space<hbm>>
      tpu.enqueue_dma source(%dma_start3A_260 : memref<5x128xi32, #tpu.memory_space<hbm>>) target(%arg6 : memref<5x128xi32, #tpu.memory_space<vmem>>) target_semaphore(%run_scoped3A : memref<!tpu.dma_semaphore, #tpu.memory_space<semaphore_mem>>)
      %dma_wait3A = arith.constant 100 : i32
      %dma_wait3A_261 = arith.constant 0 : i32
      %dma_wait3A_262 = tpu.memref_slice %arg3[%arg1, %dma_wait3A, %dma_wait3A_261] : memref<16x160x128xi32, #tpu.memory_space<hbm>> -> memref<1x5x128xi32, #tpu.memory_space<hbm>>
      %dma_wait3A_263 = tpu.memref_squeeze %dma_wait3A_262 : memref<1x5x128xi32, #tpu.memory_space<hbm>> -> memref<5x128xi32, #tpu.memory_space<hbm>>
      %dma_wait3A_264 = arith.constant 100 : i32
      %dma_wait3A_265 = arith.constant 0 : i32
      %dma_wait3A_266 = tpu.memref_slice %arg3[%arg1, %dma_wait3A_264, %dma_wait3A_265] : memref<16x160x128xi32, #tpu.memory_space<hbm>> -> memref<1x5x128xi32, #tpu.memory_space<hbm>>
      %dma_wait3A_267 = tpu.memref_squeeze %dma_wait3A_266 : memref<1x5x128xi32, #tpu.memory_space<hbm>> -> memref<5x128xi32, #tpu.memory_space<hbm>>
      tpu.wait_dma2 semaphore(%run_scoped3A : memref<!tpu.dma_semaphore, #tpu.memory_space<semaphore_mem>>) src(%dma_wait3A_267 : memref<5x128xi32, #tpu.memory_space<hbm>>) dst(%arg6 : memref<5x128xi32, #tpu.memory_space<vmem>>)
      tpu.yield
    }) : () -> ()
    "tpu.region"() ({
      %run_scoped3A = tpu.sem_alloc : memref<!tpu.dma_semaphore, #tpu.memory_space<semaphore_mem>>
      %dma_start3A = arith.constant 100 : i32
      %dma_start3A_254 = arith.constant 0 : i32
      %dma_start3A_255 = tpu.memref_slice %arg4[%arg1, %dma_start3A, %dma_start3A_254] : memref<16x160x128xi32, #tpu.memory_space<hbm>> -> memref<1x5x128xi32, #tpu.memory_space<hbm>>
      %dma_start3A_256 = tpu.memref_squeeze %dma_start3A_255 : memref<1x5x128xi32, #tpu.memory_space<hbm>> -> memref<5x128xi32, #tpu.memory_space<hbm>>
      %dma_start3A_257 = arith.constant 100 : i32
      %dma_start3A_258 = arith.constant 0 : i32
      %dma_start3A_259 = tpu.memref_slice %arg4[%arg1, %dma_start3A_257, %dma_start3A_258] : memref<16x160x128xi32, #tpu.memory_space<hbm>> -> memref<1x5x128xi32, #tpu.memory_space<hbm>>
      %dma_start3A_260 = tpu.memref_squeeze %dma_start3A_259 : memref<1x5x128xi32, #tpu.memory_space<hbm>> -> memref<5x128xi32, #tpu.memory_space<hbm>>
      tpu.enqueue_dma source(%dma_start3A_260 : memref<5x128xi32, #tpu.memory_space<hbm>>) target(%arg7 : memref<5x128xi32, #tpu.memory_space<vmem>>) target_semaphore(%run_scoped3A : memref<!tpu.dma_semaphore, #tpu.memory_space<semaphore_mem>>)
      %dma_wait3A = arith.constant 100 : i32
      %dma_wait3A_261 = arith.constant 0 : i32
      %dma_wait3A_262 = tpu.memref_slice %arg4[%arg1, %dma_wait3A, %dma_wait3A_261] : memref<16x160x128xi32, #tpu.memory_space<hbm>> -> memref<1x5x128xi32, #tpu.memory_space<hbm>>
      %dma_wait3A_263 = tpu.memref_squeeze %dma_wait3A_262 : memref<1x5x128xi32, #tpu.memory_space<hbm>> -> memref<5x128xi32, #tpu.memory_space<hbm>>
      %dma_wait3A_264 = arith.constant 100 : i32
      %dma_wait3A_265 = arith.constant 0 : i32
      %dma_wait3A_266 = tpu.memref_slice %arg4[%arg1, %dma_wait3A_264, %dma_wait3A_265] : memref<16x160x128xi32, #tpu.memory_space<hbm>> -> memref<1x5x128xi32, #tpu.memory_space<hbm>>
      %dma_wait3A_267 = tpu.memref_squeeze %dma_wait3A_266 : memref<1x5x128xi32, #tpu.memory_space<hbm>> -> memref<5x128xi32, #tpu.memory_space<hbm>>
      tpu.wait_dma2 semaphore(%run_scoped3A : memref<!tpu.dma_semaphore, #tpu.memory_space<semaphore_mem>>) src(%dma_wait3A_267 : memref<5x128xi32, #tpu.memory_space<hbm>>) dst(%arg7 : memref<5x128xi32, #tpu.memory_space<vmem>>)
      tpu.yield
    }) : () -> ()
    %scan3A_162 = arith.constant 0 : i32
    %scan3A_163 = arith.constant 0 : i32
    %scan3A_164 = arith.constant 5 : i32
    %scan3A_165 = arith.addi %scan3A_163, %scan3A_164 : i32
    %scan3A_166 = arith.constant 1 : i32
    %scan3A_167 = scf.for %scan3A_254 = %scan3A_163 to %scan3A_165 step %scan3A_166 iter_args(%scan3A_255 = %scan3A_162) -> (i32)  : i32 {
      %dma_start3A = arith.constant 0 : i32
      %dma_start3A_256 = tpu.memref_slice %arg6[%scan3A_254, %dma_start3A] : memref<5x128xi32, #tpu.memory_space<vmem>> -> memref<1x128xi32, #tpu.memory_space<vmem>>
      %dma_start3A_257 = tpu.memref_squeeze %dma_start3A_256 : memref<1x128xi32, #tpu.memory_space<vmem>> -> memref<128xi32, #tpu.memory_space<vmem>>
      %dma_start3A_258 = arith.constant 0 : i32
      %dma_start3A_259 = arith.constant 0 : i32
      %dma_start3A_260 = tpu.memref_slice %arg10[%dma_start3A_258, %dma_start3A_259] : memref<10240x64xf32, #tpu.memory_space<vmem_shared>> -> memref<10240x64xf32, #tpu.memory_space<vmem_shared>>
      tpu.enqueue_indirect_dma source(%dma_start3A_260 : memref<10240x64xf32, #tpu.memory_space<vmem_shared>>) target(%arg8 : memref<128x64xf32, #tpu.memory_space<vmem>>) offsets(%dma_start3A_257 : memref<128xi32, #tpu.memory_space<vmem>>) semaphore(%arg11 : memref<!tpu.dma_semaphore, #tpu.memory_space<semaphore_mem>>)
      %dma_wait3A = arith.constant 0 : i32
      %dma_wait3A_261 = tpu.memref_slice %arg6[%scan3A_254, %dma_wait3A] : memref<5x128xi32, #tpu.memory_space<vmem>> -> memref<1x128xi32, #tpu.memory_space<vmem>>
      %dma_wait3A_262 = tpu.memref_squeeze %dma_wait3A_261 : memref<1x128xi32, #tpu.memory_space<vmem>> -> memref<128xi32, #tpu.memory_space<vmem>>
      %dma_wait3A_263 = arith.constant 0 : i32
      %dma_wait3A_264 = arith.constant 0 : i32
      %dma_wait3A_265 = tpu.memref_slice %arg10[%dma_wait3A_263, %dma_wait3A_264] : memref<10240x64xf32, #tpu.memory_space<vmem_shared>> -> memref<10240x64xf32, #tpu.memory_space<vmem_shared>>
      tpu.wait_indirect_dma semaphore(%arg11 : memref<!tpu.dma_semaphore, #tpu.memory_space<semaphore_mem>>) src(%dma_wait3A_265 : memref<10240x64xf32, #tpu.memory_space<vmem_shared>>) dst(%arg8 : memref<128x64xf32, #tpu.memory_space<vmem>>)
      "tpu.region"() ({
        %run_scoped3A = tpu.sem_alloc : memref<!tpu.dma_semaphore, #tpu.memory_space<semaphore_mem>>
        %dma_start3A_267 = arith.constant 0 : i32
        %dma_start3A_268 = tpu.memref_slice %arg7[%scan3A_254, %dma_start3A_267] : memref<5x128xi32, #tpu.memory_space<vmem>> -> memref<1x128xi32, #tpu.memory_space<vmem>>
        %dma_start3A_269 = tpu.memref_squeeze %dma_start3A_268 : memref<1x128xi32, #tpu.memory_space<vmem>> -> memref<128xi32, #tpu.memory_space<vmem>>
        %dma_start3A_270 = arith.constant 0 : i32
        %dma_start3A_271 = arith.constant 0 : i32
        %dma_start3A_272 = tpu.memref_slice %arg9[%dma_start3A_270, %dma_start3A_271] : memref<20096x64xf32, #tpu.memory_space<vmem_shared>> -> memref<20096x64xf32, #tpu.memory_space<vmem_shared>>
        tpu.enqueue_indirect_dma source(%arg8 : memref<128x64xf32, #tpu.memory_space<vmem>>) target(%dma_start3A_272 : memref<20096x64xf32, #tpu.memory_space<vmem_shared>>) offsets(%dma_start3A_269 : memref<128xi32, #tpu.memory_space<vmem>>) semaphore(%run_scoped3A : memref<!tpu.dma_semaphore, #tpu.memory_space<semaphore_mem>>) {add = true}
        %dma_wait3A_273 = arith.constant 0 : i32
        %dma_wait3A_274 = tpu.memref_slice %arg7[%scan3A_254, %dma_wait3A_273] : memref<5x128xi32, #tpu.memory_space<vmem>> -> memref<1x128xi32, #tpu.memory_space<vmem>>
        %dma_wait3A_275 = tpu.memref_squeeze %dma_wait3A_274 : memref<1x128xi32, #tpu.memory_space<vmem>> -> memref<128xi32, #tpu.memory_space<vmem>>
        %dma_wait3A_276 = arith.constant 0 : i32
        %dma_wait3A_277 = arith.constant 0 : i32
        %dma_wait3A_278 = tpu.memref_slice %arg9[%dma_wait3A_276, %dma_wait3A_277] : memref<20096x64xf32, #tpu.memory_space<vmem_shared>> -> memref<20096x64xf32, #tpu.memory_space<vmem_shared>>
        tpu.wait_indirect_dma semaphore(%run_scoped3A : memref<!tpu.dma_semaphore, #tpu.memory_space<semaphore_mem>>) src(%arg8 : memref<128x64xf32, #tpu.memory_space<vmem>>) dst(%dma_wait3A_278 : memref<20096x64xf32, #tpu.memory_space<vmem_shared>>)
        tpu.yield
      }) : () -> ()
      %scan3A_266 = arith.constant 0 : i32
      scf.yield %scan3A_266 : i32
    }
    %scan3A_168 = arith.constant 5 : i32
    "tpu.region"() ({
      %run_scoped3A = tpu.sem_alloc : memref<!tpu.dma_semaphore, #tpu.memory_space<semaphore_mem>>
      %dma_start3A = arith.constant 105 : i32
      %dma_start3A_254 = arith.constant 0 : i32
      %dma_start3A_255 = tpu.memref_slice %arg3[%arg1, %dma_start3A, %dma_start3A_254] : memref<16x160x128xi32, #tpu.memory_space<hbm>> -> memref<1x5x128xi32, #tpu.memory_space<hbm>>
      %dma_start3A_256 = tpu.memref_squeeze %dma_start3A_255 : memref<1x5x128xi32, #tpu.memory_space<hbm>> -> memref<5x128xi32, #tpu.memory_space<hbm>>
      %dma_start3A_257 = arith.constant 105 : i32
      %dma_start3A_258 = arith.constant 0 : i32
      %dma_start3A_259 = tpu.memref_slice %arg3[%arg1, %dma_start3A_257, %dma_start3A_258] : memref<16x160x128xi32, #tpu.memory_space<hbm>> -> memref<1x5x128xi32, #tpu.memory_space<hbm>>
      %dma_start3A_260 = tpu.memref_squeeze %dma_start3A_259 : memref<1x5x128xi32, #tpu.memory_space<hbm>> -> memref<5x128xi32, #tpu.memory_space<hbm>>
      tpu.enqueue_dma source(%dma_start3A_260 : memref<5x128xi32, #tpu.memory_space<hbm>>) target(%arg6 : memref<5x128xi32, #tpu.memory_space<vmem>>) target_semaphore(%run_scoped3A : memref<!tpu.dma_semaphore, #tpu.memory_space<semaphore_mem>>)
      %dma_wait3A = arith.constant 105 : i32
      %dma_wait3A_261 = arith.constant 0 : i32
      %dma_wait3A_262 = tpu.memref_slice %arg3[%arg1, %dma_wait3A, %dma_wait3A_261] : memref<16x160x128xi32, #tpu.memory_space<hbm>> -> memref<1x5x128xi32, #tpu.memory_space<hbm>>
      %dma_wait3A_263 = tpu.memref_squeeze %dma_wait3A_262 : memref<1x5x128xi32, #tpu.memory_space<hbm>> -> memref<5x128xi32, #tpu.memory_space<hbm>>
      %dma_wait3A_264 = arith.constant 105 : i32
      %dma_wait3A_265 = arith.constant 0 : i32
      %dma_wait3A_266 = tpu.memref_slice %arg3[%arg1, %dma_wait3A_264, %dma_wait3A_265] : memref<16x160x128xi32, #tpu.memory_space<hbm>> -> memref<1x5x128xi32, #tpu.memory_space<hbm>>
      %dma_wait3A_267 = tpu.memref_squeeze %dma_wait3A_266 : memref<1x5x128xi32, #tpu.memory_space<hbm>> -> memref<5x128xi32, #tpu.memory_space<hbm>>
      tpu.wait_dma2 semaphore(%run_scoped3A : memref<!tpu.dma_semaphore, #tpu.memory_space<semaphore_mem>>) src(%dma_wait3A_267 : memref<5x128xi32, #tpu.memory_space<hbm>>) dst(%arg6 : memref<5x128xi32, #tpu.memory_space<vmem>>)
      tpu.yield
    }) : () -> ()
    "tpu.region"() ({
      %run_scoped3A = tpu.sem_alloc : memref<!tpu.dma_semaphore, #tpu.memory_space<semaphore_mem>>
      %dma_start3A = arith.constant 105 : i32
      %dma_start3A_254 = arith.constant 0 : i32
      %dma_start3A_255 = tpu.memref_slice %arg4[%arg1, %dma_start3A, %dma_start3A_254] : memref<16x160x128xi32, #tpu.memory_space<hbm>> -> memref<1x5x128xi32, #tpu.memory_space<hbm>>
      %dma_start3A_256 = tpu.memref_squeeze %dma_start3A_255 : memref<1x5x128xi32, #tpu.memory_space<hbm>> -> memref<5x128xi32, #tpu.memory_space<hbm>>
      %dma_start3A_257 = arith.constant 105 : i32
      %dma_start3A_258 = arith.constant 0 : i32
      %dma_start3A_259 = tpu.memref_slice %arg4[%arg1, %dma_start3A_257, %dma_start3A_258] : memref<16x160x128xi32, #tpu.memory_space<hbm>> -> memref<1x5x128xi32, #tpu.memory_space<hbm>>
      %dma_start3A_260 = tpu.memref_squeeze %dma_start3A_259 : memref<1x5x128xi32, #tpu.memory_space<hbm>> -> memref<5x128xi32, #tpu.memory_space<hbm>>
      tpu.enqueue_dma source(%dma_start3A_260 : memref<5x128xi32, #tpu.memory_space<hbm>>) target(%arg7 : memref<5x128xi32, #tpu.memory_space<vmem>>) target_semaphore(%run_scoped3A : memref<!tpu.dma_semaphore, #tpu.memory_space<semaphore_mem>>)
      %dma_wait3A = arith.constant 105 : i32
      %dma_wait3A_261 = arith.constant 0 : i32
      %dma_wait3A_262 = tpu.memref_slice %arg4[%arg1, %dma_wait3A, %dma_wait3A_261] : memref<16x160x128xi32, #tpu.memory_space<hbm>> -> memref<1x5x128xi32, #tpu.memory_space<hbm>>
      %dma_wait3A_263 = tpu.memref_squeeze %dma_wait3A_262 : memref<1x5x128xi32, #tpu.memory_space<hbm>> -> memref<5x128xi32, #tpu.memory_space<hbm>>
      %dma_wait3A_264 = arith.constant 105 : i32
      %dma_wait3A_265 = arith.constant 0 : i32
      %dma_wait3A_266 = tpu.memref_slice %arg4[%arg1, %dma_wait3A_264, %dma_wait3A_265] : memref<16x160x128xi32, #tpu.memory_space<hbm>> -> memref<1x5x128xi32, #tpu.memory_space<hbm>>
      %dma_wait3A_267 = tpu.memref_squeeze %dma_wait3A_266 : memref<1x5x128xi32, #tpu.memory_space<hbm>> -> memref<5x128xi32, #tpu.memory_space<hbm>>
      tpu.wait_dma2 semaphore(%run_scoped3A : memref<!tpu.dma_semaphore, #tpu.memory_space<semaphore_mem>>) src(%dma_wait3A_267 : memref<5x128xi32, #tpu.memory_space<hbm>>) dst(%arg7 : memref<5x128xi32, #tpu.memory_space<vmem>>)
      tpu.yield
    }) : () -> ()
    %scan3A_169 = arith.constant 0 : i32
    %scan3A_170 = arith.constant 0 : i32
    %scan3A_171 = arith.constant 5 : i32
    %scan3A_172 = arith.addi %scan3A_170, %scan3A_171 : i32
    %scan3A_173 = arith.constant 1 : i32
    %scan3A_174 = scf.for %scan3A_254 = %scan3A_170 to %scan3A_172 step %scan3A_173 iter_args(%scan3A_255 = %scan3A_169) -> (i32)  : i32 {
      %dma_start3A = arith.constant 0 : i32
      %dma_start3A_256 = tpu.memref_slice %arg6[%scan3A_254, %dma_start3A] : memref<5x128xi32, #tpu.memory_space<vmem>> -> memref<1x128xi32, #tpu.memory_space<vmem>>
      %dma_start3A_257 = tpu.memref_squeeze %dma_start3A_256 : memref<1x128xi32, #tpu.memory_space<vmem>> -> memref<128xi32, #tpu.memory_space<vmem>>
      %dma_start3A_258 = arith.constant 0 : i32
      %dma_start3A_259 = arith.constant 0 : i32
      %dma_start3A_260 = tpu.memref_slice %arg10[%dma_start3A_258, %dma_start3A_259] : memref<10240x64xf32, #tpu.memory_space<vmem_shared>> -> memref<10240x64xf32, #tpu.memory_space<vmem_shared>>
      tpu.enqueue_indirect_dma source(%dma_start3A_260 : memref<10240x64xf32, #tpu.memory_space<vmem_shared>>) target(%arg8 : memref<128x64xf32, #tpu.memory_space<vmem>>) offsets(%dma_start3A_257 : memref<128xi32, #tpu.memory_space<vmem>>) semaphore(%arg11 : memref<!tpu.dma_semaphore, #tpu.memory_space<semaphore_mem>>)
      %dma_wait3A = arith.constant 0 : i32
      %dma_wait3A_261 = tpu.memref_slice %arg6[%scan3A_254, %dma_wait3A] : memref<5x128xi32, #tpu.memory_space<vmem>> -> memref<1x128xi32, #tpu.memory_space<vmem>>
      %dma_wait3A_262 = tpu.memref_squeeze %dma_wait3A_261 : memref<1x128xi32, #tpu.memory_space<vmem>> -> memref<128xi32, #tpu.memory_space<vmem>>
      %dma_wait3A_263 = arith.constant 0 : i32
      %dma_wait3A_264 = arith.constant 0 : i32
      %dma_wait3A_265 = tpu.memref_slice %arg10[%dma_wait3A_263, %dma_wait3A_264] : memref<10240x64xf32, #tpu.memory_space<vmem_shared>> -> memref<10240x64xf32, #tpu.memory_space<vmem_shared>>
      tpu.wait_indirect_dma semaphore(%arg11 : memref<!tpu.dma_semaphore, #tpu.memory_space<semaphore_mem>>) src(%dma_wait3A_265 : memref<10240x64xf32, #tpu.memory_space<vmem_shared>>) dst(%arg8 : memref<128x64xf32, #tpu.memory_space<vmem>>)
      "tpu.region"() ({
        %run_scoped3A = tpu.sem_alloc : memref<!tpu.dma_semaphore, #tpu.memory_space<semaphore_mem>>
        %dma_start3A_267 = arith.constant 0 : i32
        %dma_start3A_268 = tpu.memref_slice %arg7[%scan3A_254, %dma_start3A_267] : memref<5x128xi32, #tpu.memory_space<vmem>> -> memref<1x128xi32, #tpu.memory_space<vmem>>
        %dma_start3A_269 = tpu.memref_squeeze %dma_start3A_268 : memref<1x128xi32, #tpu.memory_space<vmem>> -> memref<128xi32, #tpu.memory_space<vmem>>
        %dma_start3A_270 = arith.constant 0 : i32
        %dma_start3A_271 = arith.constant 0 : i32
        %dma_start3A_272 = tpu.memref_slice %arg9[%dma_start3A_270, %dma_start3A_271] : memref<20096x64xf32, #tpu.memory_space<vmem_shared>> -> memref<20096x64xf32, #tpu.memory_space<vmem_shared>>
        tpu.enqueue_indirect_dma source(%arg8 : memref<128x64xf32, #tpu.memory_space<vmem>>) target(%dma_start3A_272 : memref<20096x64xf32, #tpu.memory_space<vmem_shared>>) offsets(%dma_start3A_269 : memref<128xi32, #tpu.memory_space<vmem>>) semaphore(%run_scoped3A : memref<!tpu.dma_semaphore, #tpu.memory_space<semaphore_mem>>) {add = true}
        %dma_wait3A_273 = arith.constant 0 : i32
        %dma_wait3A_274 = tpu.memref_slice %arg7[%scan3A_254, %dma_wait3A_273] : memref<5x128xi32, #tpu.memory_space<vmem>> -> memref<1x128xi32, #tpu.memory_space<vmem>>
        %dma_wait3A_275 = tpu.memref_squeeze %dma_wait3A_274 : memref<1x128xi32, #tpu.memory_space<vmem>> -> memref<128xi32, #tpu.memory_space<vmem>>
        %dma_wait3A_276 = arith.constant 0 : i32
        %dma_wait3A_277 = arith.constant 0 : i32
        %dma_wait3A_278 = tpu.memref_slice %arg9[%dma_wait3A_276, %dma_wait3A_277] : memref<20096x64xf32, #tpu.memory_space<vmem_shared>> -> memref<20096x64xf32, #tpu.memory_space<vmem_shared>>
        tpu.wait_indirect_dma semaphore(%run_scoped3A : memref<!tpu.dma_semaphore, #tpu.memory_space<semaphore_mem>>) src(%arg8 : memref<128x64xf32, #tpu.memory_space<vmem>>) dst(%dma_wait3A_278 : memref<20096x64xf32, #tpu.memory_space<vmem_shared>>)
        tpu.yield
      }) : () -> ()
      %scan3A_266 = arith.constant 0 : i32
      scf.yield %scan3A_266 : i32
    }
    %scan3A_175 = arith.constant 5 : i32
    "tpu.region"() ({
      %run_scoped3A = tpu.sem_alloc : memref<!tpu.dma_semaphore, #tpu.memory_space<semaphore_mem>>
      %dma_start3A = arith.constant 110 : i32
      %dma_start3A_254 = arith.constant 0 : i32
      %dma_start3A_255 = tpu.memref_slice %arg3[%arg1, %dma_start3A, %dma_start3A_254] : memref<16x160x128xi32, #tpu.memory_space<hbm>> -> memref<1x5x128xi32, #tpu.memory_space<hbm>>
      %dma_start3A_256 = tpu.memref_squeeze %dma_start3A_255 : memref<1x5x128xi32, #tpu.memory_space<hbm>> -> memref<5x128xi32, #tpu.memory_space<hbm>>
      %dma_start3A_257 = arith.constant 110 : i32
      %dma_start3A_258 = arith.constant 0 : i32
      %dma_start3A_259 = tpu.memref_slice %arg3[%arg1, %dma_start3A_257, %dma_start3A_258] : memref<16x160x128xi32, #tpu.memory_space<hbm>> -> memref<1x5x128xi32, #tpu.memory_space<hbm>>
      %dma_start3A_260 = tpu.memref_squeeze %dma_start3A_259 : memref<1x5x128xi32, #tpu.memory_space<hbm>> -> memref<5x128xi32, #tpu.memory_space<hbm>>
      tpu.enqueue_dma source(%dma_start3A_260 : memref<5x128xi32, #tpu.memory_space<hbm>>) target(%arg6 : memref<5x128xi32, #tpu.memory_space<vmem>>) target_semaphore(%run_scoped3A : memref<!tpu.dma_semaphore, #tpu.memory_space<semaphore_mem>>)
      %dma_wait3A = arith.constant 110 : i32
      %dma_wait3A_261 = arith.constant 0 : i32
      %dma_wait3A_262 = tpu.memref_slice %arg3[%arg1, %dma_wait3A, %dma_wait3A_261] : memref<16x160x128xi32, #tpu.memory_space<hbm>> -> memref<1x5x128xi32, #tpu.memory_space<hbm>>
      %dma_wait3A_263 = tpu.memref_squeeze %dma_wait3A_262 : memref<1x5x128xi32, #tpu.memory_space<hbm>> -> memref<5x128xi32, #tpu.memory_space<hbm>>
      %dma_wait3A_264 = arith.constant 110 : i32
      %dma_wait3A_265 = arith.constant 0 : i32
      %dma_wait3A_266 = tpu.memref_slice %arg3[%arg1, %dma_wait3A_264, %dma_wait3A_265] : memref<16x160x128xi32, #tpu.memory_space<hbm>> -> memref<1x5x128xi32, #tpu.memory_space<hbm>>
      %dma_wait3A_267 = tpu.memref_squeeze %dma_wait3A_266 : memref<1x5x128xi32, #tpu.memory_space<hbm>> -> memref<5x128xi32, #tpu.memory_space<hbm>>
      tpu.wait_dma2 semaphore(%run_scoped3A : memref<!tpu.dma_semaphore, #tpu.memory_space<semaphore_mem>>) src(%dma_wait3A_267 : memref<5x128xi32, #tpu.memory_space<hbm>>) dst(%arg6 : memref<5x128xi32, #tpu.memory_space<vmem>>)
      tpu.yield
    }) : () -> ()
    "tpu.region"() ({
      %run_scoped3A = tpu.sem_alloc : memref<!tpu.dma_semaphore, #tpu.memory_space<semaphore_mem>>
      %dma_start3A = arith.constant 110 : i32
      %dma_start3A_254 = arith.constant 0 : i32
      %dma_start3A_255 = tpu.memref_slice %arg4[%arg1, %dma_start3A, %dma_start3A_254] : memref<16x160x128xi32, #tpu.memory_space<hbm>> -> memref<1x5x128xi32, #tpu.memory_space<hbm>>
      %dma_start3A_256 = tpu.memref_squeeze %dma_start3A_255 : memref<1x5x128xi32, #tpu.memory_space<hbm>> -> memref<5x128xi32, #tpu.memory_space<hbm>>
      %dma_start3A_257 = arith.constant 110 : i32
      %dma_start3A_258 = arith.constant 0 : i32
      %dma_start3A_259 = tpu.memref_slice %arg4[%arg1, %dma_start3A_257, %dma_start3A_258] : memref<16x160x128xi32, #tpu.memory_space<hbm>> -> memref<1x5x128xi32, #tpu.memory_space<hbm>>
      %dma_start3A_260 = tpu.memref_squeeze %dma_start3A_259 : memref<1x5x128xi32, #tpu.memory_space<hbm>> -> memref<5x128xi32, #tpu.memory_space<hbm>>
      tpu.enqueue_dma source(%dma_start3A_260 : memref<5x128xi32, #tpu.memory_space<hbm>>) target(%arg7 : memref<5x128xi32, #tpu.memory_space<vmem>>) target_semaphore(%run_scoped3A : memref<!tpu.dma_semaphore, #tpu.memory_space<semaphore_mem>>)
      %dma_wait3A = arith.constant 110 : i32
      %dma_wait3A_261 = arith.constant 0 : i32
      %dma_wait3A_262 = tpu.memref_slice %arg4[%arg1, %dma_wait3A, %dma_wait3A_261] : memref<16x160x128xi32, #tpu.memory_space<hbm>> -> memref<1x5x128xi32, #tpu.memory_space<hbm>>
      %dma_wait3A_263 = tpu.memref_squeeze %dma_wait3A_262 : memref<1x5x128xi32, #tpu.memory_space<hbm>> -> memref<5x128xi32, #tpu.memory_space<hbm>>
      %dma_wait3A_264 = arith.constant 110 : i32
      %dma_wait3A_265 = arith.constant 0 : i32
      %dma_wait3A_266 = tpu.memref_slice %arg4[%arg1, %dma_wait3A_264, %dma_wait3A_265] : memref<16x160x128xi32, #tpu.memory_space<hbm>> -> memref<1x5x128xi32, #tpu.memory_space<hbm>>
      %dma_wait3A_267 = tpu.memref_squeeze %dma_wait3A_266 : memref<1x5x128xi32, #tpu.memory_space<hbm>> -> memref<5x128xi32, #tpu.memory_space<hbm>>
      tpu.wait_dma2 semaphore(%run_scoped3A : memref<!tpu.dma_semaphore, #tpu.memory_space<semaphore_mem>>) src(%dma_wait3A_267 : memref<5x128xi32, #tpu.memory_space<hbm>>) dst(%arg7 : memref<5x128xi32, #tpu.memory_space<vmem>>)
      tpu.yield
    }) : () -> ()
    %scan3A_176 = arith.constant 0 : i32
    %scan3A_177 = arith.constant 0 : i32
    %scan3A_178 = arith.constant 5 : i32
    %scan3A_179 = arith.addi %scan3A_177, %scan3A_178 : i32
    %scan3A_180 = arith.constant 1 : i32
    %scan3A_181 = scf.for %scan3A_254 = %scan3A_177 to %scan3A_179 step %scan3A_180 iter_args(%scan3A_255 = %scan3A_176) -> (i32)  : i32 {
      %dma_start3A = arith.constant 0 : i32
      %dma_start3A_256 = tpu.memref_slice %arg6[%scan3A_254, %dma_start3A] : memref<5x128xi32, #tpu.memory_space<vmem>> -> memref<1x128xi32, #tpu.memory_space<vmem>>
      %dma_start3A_257 = tpu.memref_squeeze %dma_start3A_256 : memref<1x128xi32, #tpu.memory_space<vmem>> -> memref<128xi32, #tpu.memory_space<vmem>>
      %dma_start3A_258 = arith.constant 0 : i32
      %dma_start3A_259 = arith.constant 0 : i32
      %dma_start3A_260 = tpu.memref_slice %arg10[%dma_start3A_258, %dma_start3A_259] : memref<10240x64xf32, #tpu.memory_space<vmem_shared>> -> memref<10240x64xf32, #tpu.memory_space<vmem_shared>>
      tpu.enqueue_indirect_dma source(%dma_start3A_260 : memref<10240x64xf32, #tpu.memory_space<vmem_shared>>) target(%arg8 : memref<128x64xf32, #tpu.memory_space<vmem>>) offsets(%dma_start3A_257 : memref<128xi32, #tpu.memory_space<vmem>>) semaphore(%arg11 : memref<!tpu.dma_semaphore, #tpu.memory_space<semaphore_mem>>)
      %dma_wait3A = arith.constant 0 : i32
      %dma_wait3A_261 = tpu.memref_slice %arg6[%scan3A_254, %dma_wait3A] : memref<5x128xi32, #tpu.memory_space<vmem>> -> memref<1x128xi32, #tpu.memory_space<vmem>>
      %dma_wait3A_262 = tpu.memref_squeeze %dma_wait3A_261 : memref<1x128xi32, #tpu.memory_space<vmem>> -> memref<128xi32, #tpu.memory_space<vmem>>
      %dma_wait3A_263 = arith.constant 0 : i32
      %dma_wait3A_264 = arith.constant 0 : i32
      %dma_wait3A_265 = tpu.memref_slice %arg10[%dma_wait3A_263, %dma_wait3A_264] : memref<10240x64xf32, #tpu.memory_space<vmem_shared>> -> memref<10240x64xf32, #tpu.memory_space<vmem_shared>>
      tpu.wait_indirect_dma semaphore(%arg11 : memref<!tpu.dma_semaphore, #tpu.memory_space<semaphore_mem>>) src(%dma_wait3A_265 : memref<10240x64xf32, #tpu.memory_space<vmem_shared>>) dst(%arg8 : memref<128x64xf32, #tpu.memory_space<vmem>>)
      "tpu.region"() ({
        %run_scoped3A = tpu.sem_alloc : memref<!tpu.dma_semaphore, #tpu.memory_space<semaphore_mem>>
        %dma_start3A_267 = arith.constant 0 : i32
        %dma_start3A_268 = tpu.memref_slice %arg7[%scan3A_254, %dma_start3A_267] : memref<5x128xi32, #tpu.memory_space<vmem>> -> memref<1x128xi32, #tpu.memory_space<vmem>>
        %dma_start3A_269 = tpu.memref_squeeze %dma_start3A_268 : memref<1x128xi32, #tpu.memory_space<vmem>> -> memref<128xi32, #tpu.memory_space<vmem>>
        %dma_start3A_270 = arith.constant 0 : i32
        %dma_start3A_271 = arith.constant 0 : i32
        %dma_start3A_272 = tpu.memref_slice %arg9[%dma_start3A_270, %dma_start3A_271] : memref<20096x64xf32, #tpu.memory_space<vmem_shared>> -> memref<20096x64xf32, #tpu.memory_space<vmem_shared>>
        tpu.enqueue_indirect_dma source(%arg8 : memref<128x64xf32, #tpu.memory_space<vmem>>) target(%dma_start3A_272 : memref<20096x64xf32, #tpu.memory_space<vmem_shared>>) offsets(%dma_start3A_269 : memref<128xi32, #tpu.memory_space<vmem>>) semaphore(%run_scoped3A : memref<!tpu.dma_semaphore, #tpu.memory_space<semaphore_mem>>) {add = true}
        %dma_wait3A_273 = arith.constant 0 : i32
        %dma_wait3A_274 = tpu.memref_slice %arg7[%scan3A_254, %dma_wait3A_273] : memref<5x128xi32, #tpu.memory_space<vmem>> -> memref<1x128xi32, #tpu.memory_space<vmem>>
        %dma_wait3A_275 = tpu.memref_squeeze %dma_wait3A_274 : memref<1x128xi32, #tpu.memory_space<vmem>> -> memref<128xi32, #tpu.memory_space<vmem>>
        %dma_wait3A_276 = arith.constant 0 : i32
        %dma_wait3A_277 = arith.constant 0 : i32
        %dma_wait3A_278 = tpu.memref_slice %arg9[%dma_wait3A_276, %dma_wait3A_277] : memref<20096x64xf32, #tpu.memory_space<vmem_shared>> -> memref<20096x64xf32, #tpu.memory_space<vmem_shared>>
        tpu.wait_indirect_dma semaphore(%run_scoped3A : memref<!tpu.dma_semaphore, #tpu.memory_space<semaphore_mem>>) src(%arg8 : memref<128x64xf32, #tpu.memory_space<vmem>>) dst(%dma_wait3A_278 : memref<20096x64xf32, #tpu.memory_space<vmem_shared>>)
        tpu.yield
      }) : () -> ()
      %scan3A_266 = arith.constant 0 : i32
      scf.yield %scan3A_266 : i32
    }
    %scan3A_182 = arith.constant 5 : i32
    "tpu.region"() ({
      %run_scoped3A = tpu.sem_alloc : memref<!tpu.dma_semaphore, #tpu.memory_space<semaphore_mem>>
      %dma_start3A = arith.constant 115 : i32
      %dma_start3A_254 = arith.constant 0 : i32
      %dma_start3A_255 = tpu.memref_slice %arg3[%arg1, %dma_start3A, %dma_start3A_254] : memref<16x160x128xi32, #tpu.memory_space<hbm>> -> memref<1x5x128xi32, #tpu.memory_space<hbm>>
      %dma_start3A_256 = tpu.memref_squeeze %dma_start3A_255 : memref<1x5x128xi32, #tpu.memory_space<hbm>> -> memref<5x128xi32, #tpu.memory_space<hbm>>
      %dma_start3A_257 = arith.constant 115 : i32
      %dma_start3A_258 = arith.constant 0 : i32
      %dma_start3A_259 = tpu.memref_slice %arg3[%arg1, %dma_start3A_257, %dma_start3A_258] : memref<16x160x128xi32, #tpu.memory_space<hbm>> -> memref<1x5x128xi32, #tpu.memory_space<hbm>>
      %dma_start3A_260 = tpu.memref_squeeze %dma_start3A_259 : memref<1x5x128xi32, #tpu.memory_space<hbm>> -> memref<5x128xi32, #tpu.memory_space<hbm>>
      tpu.enqueue_dma source(%dma_start3A_260 : memref<5x128xi32, #tpu.memory_space<hbm>>) target(%arg6 : memref<5x128xi32, #tpu.memory_space<vmem>>) target_semaphore(%run_scoped3A : memref<!tpu.dma_semaphore, #tpu.memory_space<semaphore_mem>>)
      %dma_wait3A = arith.constant 115 : i32
      %dma_wait3A_261 = arith.constant 0 : i32
      %dma_wait3A_262 = tpu.memref_slice %arg3[%arg1, %dma_wait3A, %dma_wait3A_261] : memref<16x160x128xi32, #tpu.memory_space<hbm>> -> memref<1x5x128xi32, #tpu.memory_space<hbm>>
      %dma_wait3A_263 = tpu.memref_squeeze %dma_wait3A_262 : memref<1x5x128xi32, #tpu.memory_space<hbm>> -> memref<5x128xi32, #tpu.memory_space<hbm>>
      %dma_wait3A_264 = arith.constant 115 : i32
      %dma_wait3A_265 = arith.constant 0 : i32
      %dma_wait3A_266 = tpu.memref_slice %arg3[%arg1, %dma_wait3A_264, %dma_wait3A_265] : memref<16x160x128xi32, #tpu.memory_space<hbm>> -> memref<1x5x128xi32, #tpu.memory_space<hbm>>
      %dma_wait3A_267 = tpu.memref_squeeze %dma_wait3A_266 : memref<1x5x128xi32, #tpu.memory_space<hbm>> -> memref<5x128xi32, #tpu.memory_space<hbm>>
      tpu.wait_dma2 semaphore(%run_scoped3A : memref<!tpu.dma_semaphore, #tpu.memory_space<semaphore_mem>>) src(%dma_wait3A_267 : memref<5x128xi32, #tpu.memory_space<hbm>>) dst(%arg6 : memref<5x128xi32, #tpu.memory_space<vmem>>)
      tpu.yield
    }) : () -> ()
    "tpu.region"() ({
      %run_scoped3A = tpu.sem_alloc : memref<!tpu.dma_semaphore, #tpu.memory_space<semaphore_mem>>
      %dma_start3A = arith.constant 115 : i32
      %dma_start3A_254 = arith.constant 0 : i32
      %dma_start3A_255 = tpu.memref_slice %arg4[%arg1, %dma_start3A, %dma_start3A_254] : memref<16x160x128xi32, #tpu.memory_space<hbm>> -> memref<1x5x128xi32, #tpu.memory_space<hbm>>
      %dma_start3A_256 = tpu.memref_squeeze %dma_start3A_255 : memref<1x5x128xi32, #tpu.memory_space<hbm>> -> memref<5x128xi32, #tpu.memory_space<hbm>>
      %dma_start3A_257 = arith.constant 115 : i32
      %dma_start3A_258 = arith.constant 0 : i32
      %dma_start3A_259 = tpu.memref_slice %arg4[%arg1, %dma_start3A_257, %dma_start3A_258] : memref<16x160x128xi32, #tpu.memory_space<hbm>> -> memref<1x5x128xi32, #tpu.memory_space<hbm>>
      %dma_start3A_260 = tpu.memref_squeeze %dma_start3A_259 : memref<1x5x128xi32, #tpu.memory_space<hbm>> -> memref<5x128xi32, #tpu.memory_space<hbm>>
      tpu.enqueue_dma source(%dma_start3A_260 : memref<5x128xi32, #tpu.memory_space<hbm>>) target(%arg7 : memref<5x128xi32, #tpu.memory_space<vmem>>) target_semaphore(%run_scoped3A : memref<!tpu.dma_semaphore, #tpu.memory_space<semaphore_mem>>)
      %dma_wait3A = arith.constant 115 : i32
      %dma_wait3A_261 = arith.constant 0 : i32
      %dma_wait3A_262 = tpu.memref_slice %arg4[%arg1, %dma_wait3A, %dma_wait3A_261] : memref<16x160x128xi32, #tpu.memory_space<hbm>> -> memref<1x5x128xi32, #tpu.memory_space<hbm>>
      %dma_wait3A_263 = tpu.memref_squeeze %dma_wait3A_262 : memref<1x5x128xi32, #tpu.memory_space<hbm>> -> memref<5x128xi32, #tpu.memory_space<hbm>>
      %dma_wait3A_264 = arith.constant 115 : i32
      %dma_wait3A_265 = arith.constant 0 : i32
      %dma_wait3A_266 = tpu.memref_slice %arg4[%arg1, %dma_wait3A_264, %dma_wait3A_265] : memref<16x160x128xi32, #tpu.memory_space<hbm>> -> memref<1x5x128xi32, #tpu.memory_space<hbm>>
      %dma_wait3A_267 = tpu.memref_squeeze %dma_wait3A_266 : memref<1x5x128xi32, #tpu.memory_space<hbm>> -> memref<5x128xi32, #tpu.memory_space<hbm>>
      tpu.wait_dma2 semaphore(%run_scoped3A : memref<!tpu.dma_semaphore, #tpu.memory_space<semaphore_mem>>) src(%dma_wait3A_267 : memref<5x128xi32, #tpu.memory_space<hbm>>) dst(%arg7 : memref<5x128xi32, #tpu.memory_space<vmem>>)
      tpu.yield
    }) : () -> ()
    %scan3A_183 = arith.constant 0 : i32
    %scan3A_184 = arith.constant 0 : i32
    %scan3A_185 = arith.constant 5 : i32
    %scan3A_186 = arith.addi %scan3A_184, %scan3A_185 : i32
    %scan3A_187 = arith.constant 1 : i32
    %scan3A_188 = scf.for %scan3A_254 = %scan3A_184 to %scan3A_186 step %scan3A_187 iter_args(%scan3A_255 = %scan3A_183) -> (i32)  : i32 {
      %dma_start3A = arith.constant 0 : i32
      %dma_start3A_256 = tpu.memref_slice %arg6[%scan3A_254, %dma_start3A] : memref<5x128xi32, #tpu.memory_space<vmem>> -> memref<1x128xi32, #tpu.memory_space<vmem>>
      %dma_start3A_257 = tpu.memref_squeeze %dma_start3A_256 : memref<1x128xi32, #tpu.memory_space<vmem>> -> memref<128xi32, #tpu.memory_space<vmem>>
      %dma_start3A_258 = arith.constant 0 : i32
      %dma_start3A_259 = arith.constant 0 : i32
      %dma_start3A_260 = tpu.memref_slice %arg10[%dma_start3A_258, %dma_start3A_259] : memref<10240x64xf32, #tpu.memory_space<vmem_shared>> -> memref<10240x64xf32, #tpu.memory_space<vmem_shared>>
      tpu.enqueue_indirect_dma source(%dma_start3A_260 : memref<10240x64xf32, #tpu.memory_space<vmem_shared>>) target(%arg8 : memref<128x64xf32, #tpu.memory_space<vmem>>) offsets(%dma_start3A_257 : memref<128xi32, #tpu.memory_space<vmem>>) semaphore(%arg11 : memref<!tpu.dma_semaphore, #tpu.memory_space<semaphore_mem>>)
      %dma_wait3A = arith.constant 0 : i32
      %dma_wait3A_261 = tpu.memref_slice %arg6[%scan3A_254, %dma_wait3A] : memref<5x128xi32, #tpu.memory_space<vmem>> -> memref<1x128xi32, #tpu.memory_space<vmem>>
      %dma_wait3A_262 = tpu.memref_squeeze %dma_wait3A_261 : memref<1x128xi32, #tpu.memory_space<vmem>> -> memref<128xi32, #tpu.memory_space<vmem>>
      %dma_wait3A_263 = arith.constant 0 : i32
      %dma_wait3A_264 = arith.constant 0 : i32
      %dma_wait3A_265 = tpu.memref_slice %arg10[%dma_wait3A_263, %dma_wait3A_264] : memref<10240x64xf32, #tpu.memory_space<vmem_shared>> -> memref<10240x64xf32, #tpu.memory_space<vmem_shared>>
      tpu.wait_indirect_dma semaphore(%arg11 : memref<!tpu.dma_semaphore, #tpu.memory_space<semaphore_mem>>) src(%dma_wait3A_265 : memref<10240x64xf32, #tpu.memory_space<vmem_shared>>) dst(%arg8 : memref<128x64xf32, #tpu.memory_space<vmem>>)
      "tpu.region"() ({
        %run_scoped3A = tpu.sem_alloc : memref<!tpu.dma_semaphore, #tpu.memory_space<semaphore_mem>>
        %dma_start3A_267 = arith.constant 0 : i32
        %dma_start3A_268 = tpu.memref_slice %arg7[%scan3A_254, %dma_start3A_267] : memref<5x128xi32, #tpu.memory_space<vmem>> -> memref<1x128xi32, #tpu.memory_space<vmem>>
        %dma_start3A_269 = tpu.memref_squeeze %dma_start3A_268 : memref<1x128xi32, #tpu.memory_space<vmem>> -> memref<128xi32, #tpu.memory_space<vmem>>
        %dma_start3A_270 = arith.constant 0 : i32
        %dma_start3A_271 = arith.constant 0 : i32
        %dma_start3A_272 = tpu.memref_slice %arg9[%dma_start3A_270, %dma_start3A_271] : memref<20096x64xf32, #tpu.memory_space<vmem_shared>> -> memref<20096x64xf32, #tpu.memory_space<vmem_shared>>
        tpu.enqueue_indirect_dma source(%arg8 : memref<128x64xf32, #tpu.memory_space<vmem>>) target(%dma_start3A_272 : memref<20096x64xf32, #tpu.memory_space<vmem_shared>>) offsets(%dma_start3A_269 : memref<128xi32, #tpu.memory_space<vmem>>) semaphore(%run_scoped3A : memref<!tpu.dma_semaphore, #tpu.memory_space<semaphore_mem>>) {add = true}
        %dma_wait3A_273 = arith.constant 0 : i32
        %dma_wait3A_274 = tpu.memref_slice %arg7[%scan3A_254, %dma_wait3A_273] : memref<5x128xi32, #tpu.memory_space<vmem>> -> memref<1x128xi32, #tpu.memory_space<vmem>>
        %dma_wait3A_275 = tpu.memref_squeeze %dma_wait3A_274 : memref<1x128xi32, #tpu.memory_space<vmem>> -> memref<128xi32, #tpu.memory_space<vmem>>
        %dma_wait3A_276 = arith.constant 0 : i32
        %dma_wait3A_277 = arith.constant 0 : i32
        %dma_wait3A_278 = tpu.memref_slice %arg9[%dma_wait3A_276, %dma_wait3A_277] : memref<20096x64xf32, #tpu.memory_space<vmem_shared>> -> memref<20096x64xf32, #tpu.memory_space<vmem_shared>>
        tpu.wait_indirect_dma semaphore(%run_scoped3A : memref<!tpu.dma_semaphore, #tpu.memory_space<semaphore_mem>>) src(%arg8 : memref<128x64xf32, #tpu.memory_space<vmem>>) dst(%dma_wait3A_278 : memref<20096x64xf32, #tpu.memory_space<vmem_shared>>)
        tpu.yield
      }) : () -> ()
      %scan3A_266 = arith.constant 0 : i32
      scf.yield %scan3A_266 : i32
    }
    %scan3A_189 = arith.constant 5 : i32
    "tpu.region"() ({
      %run_scoped3A = tpu.sem_alloc : memref<!tpu.dma_semaphore, #tpu.memory_space<semaphore_mem>>
      %dma_start3A = arith.constant 120 : i32
      %dma_start3A_254 = arith.constant 0 : i32
      %dma_start3A_255 = tpu.memref_slice %arg3[%arg1, %dma_start3A, %dma_start3A_254] : memref<16x160x128xi32, #tpu.memory_space<hbm>> -> memref<1x5x128xi32, #tpu.memory_space<hbm>>
      %dma_start3A_256 = tpu.memref_squeeze %dma_start3A_255 : memref<1x5x128xi32, #tpu.memory_space<hbm>> -> memref<5x128xi32, #tpu.memory_space<hbm>>
      %dma_start3A_257 = arith.constant 120 : i32
      %dma_start3A_258 = arith.constant 0 : i32
      %dma_start3A_259 = tpu.memref_slice %arg3[%arg1, %dma_start3A_257, %dma_start3A_258] : memref<16x160x128xi32, #tpu.memory_space<hbm>> -> memref<1x5x128xi32, #tpu.memory_space<hbm>>
      %dma_start3A_260 = tpu.memref_squeeze %dma_start3A_259 : memref<1x5x128xi32, #tpu.memory_space<hbm>> -> memref<5x128xi32, #tpu.memory_space<hbm>>
      tpu.enqueue_dma source(%dma_start3A_260 : memref<5x128xi32, #tpu.memory_space<hbm>>) target(%arg6 : memref<5x128xi32, #tpu.memory_space<vmem>>) target_semaphore(%run_scoped3A : memref<!tpu.dma_semaphore, #tpu.memory_space<semaphore_mem>>)
      %dma_wait3A = arith.constant 120 : i32
      %dma_wait3A_261 = arith.constant 0 : i32
      %dma_wait3A_262 = tpu.memref_slice %arg3[%arg1, %dma_wait3A, %dma_wait3A_261] : memref<16x160x128xi32, #tpu.memory_space<hbm>> -> memref<1x5x128xi32, #tpu.memory_space<hbm>>
      %dma_wait3A_263 = tpu.memref_squeeze %dma_wait3A_262 : memref<1x5x128xi32, #tpu.memory_space<hbm>> -> memref<5x128xi32, #tpu.memory_space<hbm>>
      %dma_wait3A_264 = arith.constant 120 : i32
      %dma_wait3A_265 = arith.constant 0 : i32
      %dma_wait3A_266 = tpu.memref_slice %arg3[%arg1, %dma_wait3A_264, %dma_wait3A_265] : memref<16x160x128xi32, #tpu.memory_space<hbm>> -> memref<1x5x128xi32, #tpu.memory_space<hbm>>
      %dma_wait3A_267 = tpu.memref_squeeze %dma_wait3A_266 : memref<1x5x128xi32, #tpu.memory_space<hbm>> -> memref<5x128xi32, #tpu.memory_space<hbm>>
      tpu.wait_dma2 semaphore(%run_scoped3A : memref<!tpu.dma_semaphore, #tpu.memory_space<semaphore_mem>>) src(%dma_wait3A_267 : memref<5x128xi32, #tpu.memory_space<hbm>>) dst(%arg6 : memref<5x128xi32, #tpu.memory_space<vmem>>)
      tpu.yield
    }) : () -> ()
    "tpu.region"() ({
      %run_scoped3A = tpu.sem_alloc : memref<!tpu.dma_semaphore, #tpu.memory_space<semaphore_mem>>
      %dma_start3A = arith.constant 120 : i32
      %dma_start3A_254 = arith.constant 0 : i32
      %dma_start3A_255 = tpu.memref_slice %arg4[%arg1, %dma_start3A, %dma_start3A_254] : memref<16x160x128xi32, #tpu.memory_space<hbm>> -> memref<1x5x128xi32, #tpu.memory_space<hbm>>
      %dma_start3A_256 = tpu.memref_squeeze %dma_start3A_255 : memref<1x5x128xi32, #tpu.memory_space<hbm>> -> memref<5x128xi32, #tpu.memory_space<hbm>>
      %dma_start3A_257 = arith.constant 120 : i32
      %dma_start3A_258 = arith.constant 0 : i32
      %dma_start3A_259 = tpu.memref_slice %arg4[%arg1, %dma_start3A_257, %dma_start3A_258] : memref<16x160x128xi32, #tpu.memory_space<hbm>> -> memref<1x5x128xi32, #tpu.memory_space<hbm>>
      %dma_start3A_260 = tpu.memref_squeeze %dma_start3A_259 : memref<1x5x128xi32, #tpu.memory_space<hbm>> -> memref<5x128xi32, #tpu.memory_space<hbm>>
      tpu.enqueue_dma source(%dma_start3A_260 : memref<5x128xi32, #tpu.memory_space<hbm>>) target(%arg7 : memref<5x128xi32, #tpu.memory_space<vmem>>) target_semaphore(%run_scoped3A : memref<!tpu.dma_semaphore, #tpu.memory_space<semaphore_mem>>)
      %dma_wait3A = arith.constant 120 : i32
      %dma_wait3A_261 = arith.constant 0 : i32
      %dma_wait3A_262 = tpu.memref_slice %arg4[%arg1, %dma_wait3A, %dma_wait3A_261] : memref<16x160x128xi32, #tpu.memory_space<hbm>> -> memref<1x5x128xi32, #tpu.memory_space<hbm>>
      %dma_wait3A_263 = tpu.memref_squeeze %dma_wait3A_262 : memref<1x5x128xi32, #tpu.memory_space<hbm>> -> memref<5x128xi32, #tpu.memory_space<hbm>>
      %dma_wait3A_264 = arith.constant 120 : i32
      %dma_wait3A_265 = arith.constant 0 : i32
      %dma_wait3A_266 = tpu.memref_slice %arg4[%arg1, %dma_wait3A_264, %dma_wait3A_265] : memref<16x160x128xi32, #tpu.memory_space<hbm>> -> memref<1x5x128xi32, #tpu.memory_space<hbm>>
      %dma_wait3A_267 = tpu.memref_squeeze %dma_wait3A_266 : memref<1x5x128xi32, #tpu.memory_space<hbm>> -> memref<5x128xi32, #tpu.memory_space<hbm>>
      tpu.wait_dma2 semaphore(%run_scoped3A : memref<!tpu.dma_semaphore, #tpu.memory_space<semaphore_mem>>) src(%dma_wait3A_267 : memref<5x128xi32, #tpu.memory_space<hbm>>) dst(%arg7 : memref<5x128xi32, #tpu.memory_space<vmem>>)
      tpu.yield
    }) : () -> ()
    %scan3A_190 = arith.constant 0 : i32
    %scan3A_191 = arith.constant 0 : i32
    %scan3A_192 = arith.constant 5 : i32
    %scan3A_193 = arith.addi %scan3A_191, %scan3A_192 : i32
    %scan3A_194 = arith.constant 1 : i32
    %scan3A_195 = scf.for %scan3A_254 = %scan3A_191 to %scan3A_193 step %scan3A_194 iter_args(%scan3A_255 = %scan3A_190) -> (i32)  : i32 {
      %dma_start3A = arith.constant 0 : i32
      %dma_start3A_256 = tpu.memref_slice %arg6[%scan3A_254, %dma_start3A] : memref<5x128xi32, #tpu.memory_space<vmem>> -> memref<1x128xi32, #tpu.memory_space<vmem>>
      %dma_start3A_257 = tpu.memref_squeeze %dma_start3A_256 : memref<1x128xi32, #tpu.memory_space<vmem>> -> memref<128xi32, #tpu.memory_space<vmem>>
      %dma_start3A_258 = arith.constant 0 : i32
      %dma_start3A_259 = arith.constant 0 : i32
      %dma_start3A_260 = tpu.memref_slice %arg10[%dma_start3A_258, %dma_start3A_259] : memref<10240x64xf32, #tpu.memory_space<vmem_shared>> -> memref<10240x64xf32, #tpu.memory_space<vmem_shared>>
      tpu.enqueue_indirect_dma source(%dma_start3A_260 : memref<10240x64xf32, #tpu.memory_space<vmem_shared>>) target(%arg8 : memref<128x64xf32, #tpu.memory_space<vmem>>) offsets(%dma_start3A_257 : memref<128xi32, #tpu.memory_space<vmem>>) semaphore(%arg11 : memref<!tpu.dma_semaphore, #tpu.memory_space<semaphore_mem>>)
      %dma_wait3A = arith.constant 0 : i32
      %dma_wait3A_261 = tpu.memref_slice %arg6[%scan3A_254, %dma_wait3A] : memref<5x128xi32, #tpu.memory_space<vmem>> -> memref<1x128xi32, #tpu.memory_space<vmem>>
      %dma_wait3A_262 = tpu.memref_squeeze %dma_wait3A_261 : memref<1x128xi32, #tpu.memory_space<vmem>> -> memref<128xi32, #tpu.memory_space<vmem>>
      %dma_wait3A_263 = arith.constant 0 : i32
      %dma_wait3A_264 = arith.constant 0 : i32
      %dma_wait3A_265 = tpu.memref_slice %arg10[%dma_wait3A_263, %dma_wait3A_264] : memref<10240x64xf32, #tpu.memory_space<vmem_shared>> -> memref<10240x64xf32, #tpu.memory_space<vmem_shared>>
      tpu.wait_indirect_dma semaphore(%arg11 : memref<!tpu.dma_semaphore, #tpu.memory_space<semaphore_mem>>) src(%dma_wait3A_265 : memref<10240x64xf32, #tpu.memory_space<vmem_shared>>) dst(%arg8 : memref<128x64xf32, #tpu.memory_space<vmem>>)
      "tpu.region"() ({
        %run_scoped3A = tpu.sem_alloc : memref<!tpu.dma_semaphore, #tpu.memory_space<semaphore_mem>>
        %dma_start3A_267 = arith.constant 0 : i32
        %dma_start3A_268 = tpu.memref_slice %arg7[%scan3A_254, %dma_start3A_267] : memref<5x128xi32, #tpu.memory_space<vmem>> -> memref<1x128xi32, #tpu.memory_space<vmem>>
        %dma_start3A_269 = tpu.memref_squeeze %dma_start3A_268 : memref<1x128xi32, #tpu.memory_space<vmem>> -> memref<128xi32, #tpu.memory_space<vmem>>
        %dma_start3A_270 = arith.constant 0 : i32
        %dma_start3A_271 = arith.constant 0 : i32
        %dma_start3A_272 = tpu.memref_slice %arg9[%dma_start3A_270, %dma_start3A_271] : memref<20096x64xf32, #tpu.memory_space<vmem_shared>> -> memref<20096x64xf32, #tpu.memory_space<vmem_shared>>
        tpu.enqueue_indirect_dma source(%arg8 : memref<128x64xf32, #tpu.memory_space<vmem>>) target(%dma_start3A_272 : memref<20096x64xf32, #tpu.memory_space<vmem_shared>>) offsets(%dma_start3A_269 : memref<128xi32, #tpu.memory_space<vmem>>) semaphore(%run_scoped3A : memref<!tpu.dma_semaphore, #tpu.memory_space<semaphore_mem>>) {add = true}
        %dma_wait3A_273 = arith.constant 0 : i32
        %dma_wait3A_274 = tpu.memref_slice %arg7[%scan3A_254, %dma_wait3A_273] : memref<5x128xi32, #tpu.memory_space<vmem>> -> memref<1x128xi32, #tpu.memory_space<vmem>>
        %dma_wait3A_275 = tpu.memref_squeeze %dma_wait3A_274 : memref<1x128xi32, #tpu.memory_space<vmem>> -> memref<128xi32, #tpu.memory_space<vmem>>
        %dma_wait3A_276 = arith.constant 0 : i32
        %dma_wait3A_277 = arith.constant 0 : i32
        %dma_wait3A_278 = tpu.memref_slice %arg9[%dma_wait3A_276, %dma_wait3A_277] : memref<20096x64xf32, #tpu.memory_space<vmem_shared>> -> memref<20096x64xf32, #tpu.memory_space<vmem_shared>>
        tpu.wait_indirect_dma semaphore(%run_scoped3A : memref<!tpu.dma_semaphore, #tpu.memory_space<semaphore_mem>>) src(%arg8 : memref<128x64xf32, #tpu.memory_space<vmem>>) dst(%dma_wait3A_278 : memref<20096x64xf32, #tpu.memory_space<vmem_shared>>)
        tpu.yield
      }) : () -> ()
      %scan3A_266 = arith.constant 0 : i32
      scf.yield %scan3A_266 : i32
    }
    %scan3A_196 = arith.constant 5 : i32
    "tpu.region"() ({
      %run_scoped3A = tpu.sem_alloc : memref<!tpu.dma_semaphore, #tpu.memory_space<semaphore_mem>>
      %dma_start3A = arith.constant 125 : i32
      %dma_start3A_254 = arith.constant 0 : i32
      %dma_start3A_255 = tpu.memref_slice %arg3[%arg1, %dma_start3A, %dma_start3A_254] : memref<16x160x128xi32, #tpu.memory_space<hbm>> -> memref<1x5x128xi32, #tpu.memory_space<hbm>>
      %dma_start3A_256 = tpu.memref_squeeze %dma_start3A_255 : memref<1x5x128xi32, #tpu.memory_space<hbm>> -> memref<5x128xi32, #tpu.memory_space<hbm>>
      %dma_start3A_257 = arith.constant 125 : i32
      %dma_start3A_258 = arith.constant 0 : i32
      %dma_start3A_259 = tpu.memref_slice %arg3[%arg1, %dma_start3A_257, %dma_start3A_258] : memref<16x160x128xi32, #tpu.memory_space<hbm>> -> memref<1x5x128xi32, #tpu.memory_space<hbm>>
      %dma_start3A_260 = tpu.memref_squeeze %dma_start3A_259 : memref<1x5x128xi32, #tpu.memory_space<hbm>> -> memref<5x128xi32, #tpu.memory_space<hbm>>
      tpu.enqueue_dma source(%dma_start3A_260 : memref<5x128xi32, #tpu.memory_space<hbm>>) target(%arg6 : memref<5x128xi32, #tpu.memory_space<vmem>>) target_semaphore(%run_scoped3A : memref<!tpu.dma_semaphore, #tpu.memory_space<semaphore_mem>>)
      %dma_wait3A = arith.constant 125 : i32
      %dma_wait3A_261 = arith.constant 0 : i32
      %dma_wait3A_262 = tpu.memref_slice %arg3[%arg1, %dma_wait3A, %dma_wait3A_261] : memref<16x160x128xi32, #tpu.memory_space<hbm>> -> memref<1x5x128xi32, #tpu.memory_space<hbm>>
      %dma_wait3A_263 = tpu.memref_squeeze %dma_wait3A_262 : memref<1x5x128xi32, #tpu.memory_space<hbm>> -> memref<5x128xi32, #tpu.memory_space<hbm>>
      %dma_wait3A_264 = arith.constant 125 : i32
      %dma_wait3A_265 = arith.constant 0 : i32
      %dma_wait3A_266 = tpu.memref_slice %arg3[%arg1, %dma_wait3A_264, %dma_wait3A_265] : memref<16x160x128xi32, #tpu.memory_space<hbm>> -> memref<1x5x128xi32, #tpu.memory_space<hbm>>
      %dma_wait3A_267 = tpu.memref_squeeze %dma_wait3A_266 : memref<1x5x128xi32, #tpu.memory_space<hbm>> -> memref<5x128xi32, #tpu.memory_space<hbm>>
      tpu.wait_dma2 semaphore(%run_scoped3A : memref<!tpu.dma_semaphore, #tpu.memory_space<semaphore_mem>>) src(%dma_wait3A_267 : memref<5x128xi32, #tpu.memory_space<hbm>>) dst(%arg6 : memref<5x128xi32, #tpu.memory_space<vmem>>)
      tpu.yield
    }) : () -> ()
    "tpu.region"() ({
      %run_scoped3A = tpu.sem_alloc : memref<!tpu.dma_semaphore, #tpu.memory_space<semaphore_mem>>
      %dma_start3A = arith.constant 125 : i32
      %dma_start3A_254 = arith.constant 0 : i32
      %dma_start3A_255 = tpu.memref_slice %arg4[%arg1, %dma_start3A, %dma_start3A_254] : memref<16x160x128xi32, #tpu.memory_space<hbm>> -> memref<1x5x128xi32, #tpu.memory_space<hbm>>
      %dma_start3A_256 = tpu.memref_squeeze %dma_start3A_255 : memref<1x5x128xi32, #tpu.memory_space<hbm>> -> memref<5x128xi32, #tpu.memory_space<hbm>>
      %dma_start3A_257 = arith.constant 125 : i32
      %dma_start3A_258 = arith.constant 0 : i32
      %dma_start3A_259 = tpu.memref_slice %arg4[%arg1, %dma_start3A_257, %dma_start3A_258] : memref<16x160x128xi32, #tpu.memory_space<hbm>> -> memref<1x5x128xi32, #tpu.memory_space<hbm>>
      %dma_start3A_260 = tpu.memref_squeeze %dma_start3A_259 : memref<1x5x128xi32, #tpu.memory_space<hbm>> -> memref<5x128xi32, #tpu.memory_space<hbm>>
      tpu.enqueue_dma source(%dma_start3A_260 : memref<5x128xi32, #tpu.memory_space<hbm>>) target(%arg7 : memref<5x128xi32, #tpu.memory_space<vmem>>) target_semaphore(%run_scoped3A : memref<!tpu.dma_semaphore, #tpu.memory_space<semaphore_mem>>)
      %dma_wait3A = arith.constant 125 : i32
      %dma_wait3A_261 = arith.constant 0 : i32
      %dma_wait3A_262 = tpu.memref_slice %arg4[%arg1, %dma_wait3A, %dma_wait3A_261] : memref<16x160x128xi32, #tpu.memory_space<hbm>> -> memref<1x5x128xi32, #tpu.memory_space<hbm>>
      %dma_wait3A_263 = tpu.memref_squeeze %dma_wait3A_262 : memref<1x5x128xi32, #tpu.memory_space<hbm>> -> memref<5x128xi32, #tpu.memory_space<hbm>>
      %dma_wait3A_264 = arith.constant 125 : i32
      %dma_wait3A_265 = arith.constant 0 : i32
      %dma_wait3A_266 = tpu.memref_slice %arg4[%arg1, %dma_wait3A_264, %dma_wait3A_265] : memref<16x160x128xi32, #tpu.memory_space<hbm>> -> memref<1x5x128xi32, #tpu.memory_space<hbm>>
      %dma_wait3A_267 = tpu.memref_squeeze %dma_wait3A_266 : memref<1x5x128xi32, #tpu.memory_space<hbm>> -> memref<5x128xi32, #tpu.memory_space<hbm>>
      tpu.wait_dma2 semaphore(%run_scoped3A : memref<!tpu.dma_semaphore, #tpu.memory_space<semaphore_mem>>) src(%dma_wait3A_267 : memref<5x128xi32, #tpu.memory_space<hbm>>) dst(%arg7 : memref<5x128xi32, #tpu.memory_space<vmem>>)
      tpu.yield
    }) : () -> ()
    %scan3A_197 = arith.constant 0 : i32
    %scan3A_198 = arith.constant 0 : i32
    %scan3A_199 = arith.constant 5 : i32
    %scan3A_200 = arith.addi %scan3A_198, %scan3A_199 : i32
    %scan3A_201 = arith.constant 1 : i32
    %scan3A_202 = scf.for %scan3A_254 = %scan3A_198 to %scan3A_200 step %scan3A_201 iter_args(%scan3A_255 = %scan3A_197) -> (i32)  : i32 {
      %dma_start3A = arith.constant 0 : i32
      %dma_start3A_256 = tpu.memref_slice %arg6[%scan3A_254, %dma_start3A] : memref<5x128xi32, #tpu.memory_space<vmem>> -> memref<1x128xi32, #tpu.memory_space<vmem>>
      %dma_start3A_257 = tpu.memref_squeeze %dma_start3A_256 : memref<1x128xi32, #tpu.memory_space<vmem>> -> memref<128xi32, #tpu.memory_space<vmem>>
      %dma_start3A_258 = arith.constant 0 : i32
      %dma_start3A_259 = arith.constant 0 : i32
      %dma_start3A_260 = tpu.memref_slice %arg10[%dma_start3A_258, %dma_start3A_259] : memref<10240x64xf32, #tpu.memory_space<vmem_shared>> -> memref<10240x64xf32, #tpu.memory_space<vmem_shared>>
      tpu.enqueue_indirect_dma source(%dma_start3A_260 : memref<10240x64xf32, #tpu.memory_space<vmem_shared>>) target(%arg8 : memref<128x64xf32, #tpu.memory_space<vmem>>) offsets(%dma_start3A_257 : memref<128xi32, #tpu.memory_space<vmem>>) semaphore(%arg11 : memref<!tpu.dma_semaphore, #tpu.memory_space<semaphore_mem>>)
      %dma_wait3A = arith.constant 0 : i32
      %dma_wait3A_261 = tpu.memref_slice %arg6[%scan3A_254, %dma_wait3A] : memref<5x128xi32, #tpu.memory_space<vmem>> -> memref<1x128xi32, #tpu.memory_space<vmem>>
      %dma_wait3A_262 = tpu.memref_squeeze %dma_wait3A_261 : memref<1x128xi32, #tpu.memory_space<vmem>> -> memref<128xi32, #tpu.memory_space<vmem>>
      %dma_wait3A_263 = arith.constant 0 : i32
      %dma_wait3A_264 = arith.constant 0 : i32
      %dma_wait3A_265 = tpu.memref_slice %arg10[%dma_wait3A_263, %dma_wait3A_264] : memref<10240x64xf32, #tpu.memory_space<vmem_shared>> -> memref<10240x64xf32, #tpu.memory_space<vmem_shared>>
      tpu.wait_indirect_dma semaphore(%arg11 : memref<!tpu.dma_semaphore, #tpu.memory_space<semaphore_mem>>) src(%dma_wait3A_265 : memref<10240x64xf32, #tpu.memory_space<vmem_shared>>) dst(%arg8 : memref<128x64xf32, #tpu.memory_space<vmem>>)
      "tpu.region"() ({
        %run_scoped3A = tpu.sem_alloc : memref<!tpu.dma_semaphore, #tpu.memory_space<semaphore_mem>>
        %dma_start3A_267 = arith.constant 0 : i32
        %dma_start3A_268 = tpu.memref_slice %arg7[%scan3A_254, %dma_start3A_267] : memref<5x128xi32, #tpu.memory_space<vmem>> -> memref<1x128xi32, #tpu.memory_space<vmem>>
        %dma_start3A_269 = tpu.memref_squeeze %dma_start3A_268 : memref<1x128xi32, #tpu.memory_space<vmem>> -> memref<128xi32, #tpu.memory_space<vmem>>
        %dma_start3A_270 = arith.constant 0 : i32
        %dma_start3A_271 = arith.constant 0 : i32
        %dma_start3A_272 = tpu.memref_slice %arg9[%dma_start3A_270, %dma_start3A_271] : memref<20096x64xf32, #tpu.memory_space<vmem_shared>> -> memref<20096x64xf32, #tpu.memory_space<vmem_shared>>
        tpu.enqueue_indirect_dma source(%arg8 : memref<128x64xf32, #tpu.memory_space<vmem>>) target(%dma_start3A_272 : memref<20096x64xf32, #tpu.memory_space<vmem_shared>>) offsets(%dma_start3A_269 : memref<128xi32, #tpu.memory_space<vmem>>) semaphore(%run_scoped3A : memref<!tpu.dma_semaphore, #tpu.memory_space<semaphore_mem>>) {add = true}
        %dma_wait3A_273 = arith.constant 0 : i32
        %dma_wait3A_274 = tpu.memref_slice %arg7[%scan3A_254, %dma_wait3A_273] : memref<5x128xi32, #tpu.memory_space<vmem>> -> memref<1x128xi32, #tpu.memory_space<vmem>>
        %dma_wait3A_275 = tpu.memref_squeeze %dma_wait3A_274 : memref<1x128xi32, #tpu.memory_space<vmem>> -> memref<128xi32, #tpu.memory_space<vmem>>
        %dma_wait3A_276 = arith.constant 0 : i32
        %dma_wait3A_277 = arith.constant 0 : i32
        %dma_wait3A_278 = tpu.memref_slice %arg9[%dma_wait3A_276, %dma_wait3A_277] : memref<20096x64xf32, #tpu.memory_space<vmem_shared>> -> memref<20096x64xf32, #tpu.memory_space<vmem_shared>>
        tpu.wait_indirect_dma semaphore(%run_scoped3A : memref<!tpu.dma_semaphore, #tpu.memory_space<semaphore_mem>>) src(%arg8 : memref<128x64xf32, #tpu.memory_space<vmem>>) dst(%dma_wait3A_278 : memref<20096x64xf32, #tpu.memory_space<vmem_shared>>)
        tpu.yield
      }) : () -> ()
      %scan3A_266 = arith.constant 0 : i32
      scf.yield %scan3A_266 : i32
    }
    %scan3A_203 = arith.constant 5 : i32
    "tpu.region"() ({
      %run_scoped3A = tpu.sem_alloc : memref<!tpu.dma_semaphore, #tpu.memory_space<semaphore_mem>>
      %dma_start3A = arith.constant 130 : i32
      %dma_start3A_254 = arith.constant 0 : i32
      %dma_start3A_255 = tpu.memref_slice %arg3[%arg1, %dma_start3A, %dma_start3A_254] : memref<16x160x128xi32, #tpu.memory_space<hbm>> -> memref<1x5x128xi32, #tpu.memory_space<hbm>>
      %dma_start3A_256 = tpu.memref_squeeze %dma_start3A_255 : memref<1x5x128xi32, #tpu.memory_space<hbm>> -> memref<5x128xi32, #tpu.memory_space<hbm>>
      %dma_start3A_257 = arith.constant 130 : i32
      %dma_start3A_258 = arith.constant 0 : i32
      %dma_start3A_259 = tpu.memref_slice %arg3[%arg1, %dma_start3A_257, %dma_start3A_258] : memref<16x160x128xi32, #tpu.memory_space<hbm>> -> memref<1x5x128xi32, #tpu.memory_space<hbm>>
      %dma_start3A_260 = tpu.memref_squeeze %dma_start3A_259 : memref<1x5x128xi32, #tpu.memory_space<hbm>> -> memref<5x128xi32, #tpu.memory_space<hbm>>
      tpu.enqueue_dma source(%dma_start3A_260 : memref<5x128xi32, #tpu.memory_space<hbm>>) target(%arg6 : memref<5x128xi32, #tpu.memory_space<vmem>>) target_semaphore(%run_scoped3A : memref<!tpu.dma_semaphore, #tpu.memory_space<semaphore_mem>>)
      %dma_wait3A = arith.constant 130 : i32
      %dma_wait3A_261 = arith.constant 0 : i32
      %dma_wait3A_262 = tpu.memref_slice %arg3[%arg1, %dma_wait3A, %dma_wait3A_261] : memref<16x160x128xi32, #tpu.memory_space<hbm>> -> memref<1x5x128xi32, #tpu.memory_space<hbm>>
      %dma_wait3A_263 = tpu.memref_squeeze %dma_wait3A_262 : memref<1x5x128xi32, #tpu.memory_space<hbm>> -> memref<5x128xi32, #tpu.memory_space<hbm>>
      %dma_wait3A_264 = arith.constant 130 : i32
      %dma_wait3A_265 = arith.constant 0 : i32
      %dma_wait3A_266 = tpu.memref_slice %arg3[%arg1, %dma_wait3A_264, %dma_wait3A_265] : memref<16x160x128xi32, #tpu.memory_space<hbm>> -> memref<1x5x128xi32, #tpu.memory_space<hbm>>
      %dma_wait3A_267 = tpu.memref_squeeze %dma_wait3A_266 : memref<1x5x128xi32, #tpu.memory_space<hbm>> -> memref<5x128xi32, #tpu.memory_space<hbm>>
      tpu.wait_dma2 semaphore(%run_scoped3A : memref<!tpu.dma_semaphore, #tpu.memory_space<semaphore_mem>>) src(%dma_wait3A_267 : memref<5x128xi32, #tpu.memory_space<hbm>>) dst(%arg6 : memref<5x128xi32, #tpu.memory_space<vmem>>)
      tpu.yield
    }) : () -> ()
    "tpu.region"() ({
      %run_scoped3A = tpu.sem_alloc : memref<!tpu.dma_semaphore, #tpu.memory_space<semaphore_mem>>
      %dma_start3A = arith.constant 130 : i32
      %dma_start3A_254 = arith.constant 0 : i32
      %dma_start3A_255 = tpu.memref_slice %arg4[%arg1, %dma_start3A, %dma_start3A_254] : memref<16x160x128xi32, #tpu.memory_space<hbm>> -> memref<1x5x128xi32, #tpu.memory_space<hbm>>
      %dma_start3A_256 = tpu.memref_squeeze %dma_start3A_255 : memref<1x5x128xi32, #tpu.memory_space<hbm>> -> memref<5x128xi32, #tpu.memory_space<hbm>>
      %dma_start3A_257 = arith.constant 130 : i32
      %dma_start3A_258 = arith.constant 0 : i32
      %dma_start3A_259 = tpu.memref_slice %arg4[%arg1, %dma_start3A_257, %dma_start3A_258] : memref<16x160x128xi32, #tpu.memory_space<hbm>> -> memref<1x5x128xi32, #tpu.memory_space<hbm>>
      %dma_start3A_260 = tpu.memref_squeeze %dma_start3A_259 : memref<1x5x128xi32, #tpu.memory_space<hbm>> -> memref<5x128xi32, #tpu.memory_space<hbm>>
      tpu.enqueue_dma source(%dma_start3A_260 : memref<5x128xi32, #tpu.memory_space<hbm>>) target(%arg7 : memref<5x128xi32, #tpu.memory_space<vmem>>) target_semaphore(%run_scoped3A : memref<!tpu.dma_semaphore, #tpu.memory_space<semaphore_mem>>)
      %dma_wait3A = arith.constant 130 : i32
      %dma_wait3A_261 = arith.constant 0 : i32
      %dma_wait3A_262 = tpu.memref_slice %arg4[%arg1, %dma_wait3A, %dma_wait3A_261] : memref<16x160x128xi32, #tpu.memory_space<hbm>> -> memref<1x5x128xi32, #tpu.memory_space<hbm>>
      %dma_wait3A_263 = tpu.memref_squeeze %dma_wait3A_262 : memref<1x5x128xi32, #tpu.memory_space<hbm>> -> memref<5x128xi32, #tpu.memory_space<hbm>>
      %dma_wait3A_264 = arith.constant 130 : i32
      %dma_wait3A_265 = arith.constant 0 : i32
      %dma_wait3A_266 = tpu.memref_slice %arg4[%arg1, %dma_wait3A_264, %dma_wait3A_265] : memref<16x160x128xi32, #tpu.memory_space<hbm>> -> memref<1x5x128xi32, #tpu.memory_space<hbm>>
      %dma_wait3A_267 = tpu.memref_squeeze %dma_wait3A_266 : memref<1x5x128xi32, #tpu.memory_space<hbm>> -> memref<5x128xi32, #tpu.memory_space<hbm>>
      tpu.wait_dma2 semaphore(%run_scoped3A : memref<!tpu.dma_semaphore, #tpu.memory_space<semaphore_mem>>) src(%dma_wait3A_267 : memref<5x128xi32, #tpu.memory_space<hbm>>) dst(%arg7 : memref<5x128xi32, #tpu.memory_space<vmem>>)
      tpu.yield
    }) : () -> ()
    %scan3A_204 = arith.constant 0 : i32
    %scan3A_205 = arith.constant 0 : i32
    %scan3A_206 = arith.constant 5 : i32
    %scan3A_207 = arith.addi %scan3A_205, %scan3A_206 : i32
    %scan3A_208 = arith.constant 1 : i32
    %scan3A_209 = scf.for %scan3A_254 = %scan3A_205 to %scan3A_207 step %scan3A_208 iter_args(%scan3A_255 = %scan3A_204) -> (i32)  : i32 {
      %dma_start3A = arith.constant 0 : i32
      %dma_start3A_256 = tpu.memref_slice %arg6[%scan3A_254, %dma_start3A] : memref<5x128xi32, #tpu.memory_space<vmem>> -> memref<1x128xi32, #tpu.memory_space<vmem>>
      %dma_start3A_257 = tpu.memref_squeeze %dma_start3A_256 : memref<1x128xi32, #tpu.memory_space<vmem>> -> memref<128xi32, #tpu.memory_space<vmem>>
      %dma_start3A_258 = arith.constant 0 : i32
      %dma_start3A_259 = arith.constant 0 : i32
      %dma_start3A_260 = tpu.memref_slice %arg10[%dma_start3A_258, %dma_start3A_259] : memref<10240x64xf32, #tpu.memory_space<vmem_shared>> -> memref<10240x64xf32, #tpu.memory_space<vmem_shared>>
      tpu.enqueue_indirect_dma source(%dma_start3A_260 : memref<10240x64xf32, #tpu.memory_space<vmem_shared>>) target(%arg8 : memref<128x64xf32, #tpu.memory_space<vmem>>) offsets(%dma_start3A_257 : memref<128xi32, #tpu.memory_space<vmem>>) semaphore(%arg11 : memref<!tpu.dma_semaphore, #tpu.memory_space<semaphore_mem>>)
      %dma_wait3A = arith.constant 0 : i32
      %dma_wait3A_261 = tpu.memref_slice %arg6[%scan3A_254, %dma_wait3A] : memref<5x128xi32, #tpu.memory_space<vmem>> -> memref<1x128xi32, #tpu.memory_space<vmem>>
      %dma_wait3A_262 = tpu.memref_squeeze %dma_wait3A_261 : memref<1x128xi32, #tpu.memory_space<vmem>> -> memref<128xi32, #tpu.memory_space<vmem>>
      %dma_wait3A_263 = arith.constant 0 : i32
      %dma_wait3A_264 = arith.constant 0 : i32
      %dma_wait3A_265 = tpu.memref_slice %arg10[%dma_wait3A_263, %dma_wait3A_264] : memref<10240x64xf32, #tpu.memory_space<vmem_shared>> -> memref<10240x64xf32, #tpu.memory_space<vmem_shared>>
      tpu.wait_indirect_dma semaphore(%arg11 : memref<!tpu.dma_semaphore, #tpu.memory_space<semaphore_mem>>) src(%dma_wait3A_265 : memref<10240x64xf32, #tpu.memory_space<vmem_shared>>) dst(%arg8 : memref<128x64xf32, #tpu.memory_space<vmem>>)
      "tpu.region"() ({
        %run_scoped3A = tpu.sem_alloc : memref<!tpu.dma_semaphore, #tpu.memory_space<semaphore_mem>>
        %dma_start3A_267 = arith.constant 0 : i32
        %dma_start3A_268 = tpu.memref_slice %arg7[%scan3A_254, %dma_start3A_267] : memref<5x128xi32, #tpu.memory_space<vmem>> -> memref<1x128xi32, #tpu.memory_space<vmem>>
        %dma_start3A_269 = tpu.memref_squeeze %dma_start3A_268 : memref<1x128xi32, #tpu.memory_space<vmem>> -> memref<128xi32, #tpu.memory_space<vmem>>
        %dma_start3A_270 = arith.constant 0 : i32
        %dma_start3A_271 = arith.constant 0 : i32
        %dma_start3A_272 = tpu.memref_slice %arg9[%dma_start3A_270, %dma_start3A_271] : memref<20096x64xf32, #tpu.memory_space<vmem_shared>> -> memref<20096x64xf32, #tpu.memory_space<vmem_shared>>
        tpu.enqueue_indirect_dma source(%arg8 : memref<128x64xf32, #tpu.memory_space<vmem>>) target(%dma_start3A_272 : memref<20096x64xf32, #tpu.memory_space<vmem_shared>>) offsets(%dma_start3A_269 : memref<128xi32, #tpu.memory_space<vmem>>) semaphore(%run_scoped3A : memref<!tpu.dma_semaphore, #tpu.memory_space<semaphore_mem>>) {add = true}
        %dma_wait3A_273 = arith.constant 0 : i32
        %dma_wait3A_274 = tpu.memref_slice %arg7[%scan3A_254, %dma_wait3A_273] : memref<5x128xi32, #tpu.memory_space<vmem>> -> memref<1x128xi32, #tpu.memory_space<vmem>>
        %dma_wait3A_275 = tpu.memref_squeeze %dma_wait3A_274 : memref<1x128xi32, #tpu.memory_space<vmem>> -> memref<128xi32, #tpu.memory_space<vmem>>
        %dma_wait3A_276 = arith.constant 0 : i32
        %dma_wait3A_277 = arith.constant 0 : i32
        %dma_wait3A_278 = tpu.memref_slice %arg9[%dma_wait3A_276, %dma_wait3A_277] : memref<20096x64xf32, #tpu.memory_space<vmem_shared>> -> memref<20096x64xf32, #tpu.memory_space<vmem_shared>>
        tpu.wait_indirect_dma semaphore(%run_scoped3A : memref<!tpu.dma_semaphore, #tpu.memory_space<semaphore_mem>>) src(%arg8 : memref<128x64xf32, #tpu.memory_space<vmem>>) dst(%dma_wait3A_278 : memref<20096x64xf32, #tpu.memory_space<vmem_shared>>)
        tpu.yield
      }) : () -> ()
      %scan3A_266 = arith.constant 0 : i32
      scf.yield %scan3A_266 : i32
    }
    %scan3A_210 = arith.constant 5 : i32
    "tpu.region"() ({
      %run_scoped3A = tpu.sem_alloc : memref<!tpu.dma_semaphore, #tpu.memory_space<semaphore_mem>>
      %dma_start3A = arith.constant 135 : i32
      %dma_start3A_254 = arith.constant 0 : i32
      %dma_start3A_255 = tpu.memref_slice %arg3[%arg1, %dma_start3A, %dma_start3A_254] : memref<16x160x128xi32, #tpu.memory_space<hbm>> -> memref<1x5x128xi32, #tpu.memory_space<hbm>>
      %dma_start3A_256 = tpu.memref_squeeze %dma_start3A_255 : memref<1x5x128xi32, #tpu.memory_space<hbm>> -> memref<5x128xi32, #tpu.memory_space<hbm>>
      %dma_start3A_257 = arith.constant 135 : i32
      %dma_start3A_258 = arith.constant 0 : i32
      %dma_start3A_259 = tpu.memref_slice %arg3[%arg1, %dma_start3A_257, %dma_start3A_258] : memref<16x160x128xi32, #tpu.memory_space<hbm>> -> memref<1x5x128xi32, #tpu.memory_space<hbm>>
      %dma_start3A_260 = tpu.memref_squeeze %dma_start3A_259 : memref<1x5x128xi32, #tpu.memory_space<hbm>> -> memref<5x128xi32, #tpu.memory_space<hbm>>
      tpu.enqueue_dma source(%dma_start3A_260 : memref<5x128xi32, #tpu.memory_space<hbm>>) target(%arg6 : memref<5x128xi32, #tpu.memory_space<vmem>>) target_semaphore(%run_scoped3A : memref<!tpu.dma_semaphore, #tpu.memory_space<semaphore_mem>>)
      %dma_wait3A = arith.constant 135 : i32
      %dma_wait3A_261 = arith.constant 0 : i32
      %dma_wait3A_262 = tpu.memref_slice %arg3[%arg1, %dma_wait3A, %dma_wait3A_261] : memref<16x160x128xi32, #tpu.memory_space<hbm>> -> memref<1x5x128xi32, #tpu.memory_space<hbm>>
      %dma_wait3A_263 = tpu.memref_squeeze %dma_wait3A_262 : memref<1x5x128xi32, #tpu.memory_space<hbm>> -> memref<5x128xi32, #tpu.memory_space<hbm>>
      %dma_wait3A_264 = arith.constant 135 : i32
      %dma_wait3A_265 = arith.constant 0 : i32
      %dma_wait3A_266 = tpu.memref_slice %arg3[%arg1, %dma_wait3A_264, %dma_wait3A_265] : memref<16x160x128xi32, #tpu.memory_space<hbm>> -> memref<1x5x128xi32, #tpu.memory_space<hbm>>
      %dma_wait3A_267 = tpu.memref_squeeze %dma_wait3A_266 : memref<1x5x128xi32, #tpu.memory_space<hbm>> -> memref<5x128xi32, #tpu.memory_space<hbm>>
      tpu.wait_dma2 semaphore(%run_scoped3A : memref<!tpu.dma_semaphore, #tpu.memory_space<semaphore_mem>>) src(%dma_wait3A_267 : memref<5x128xi32, #tpu.memory_space<hbm>>) dst(%arg6 : memref<5x128xi32, #tpu.memory_space<vmem>>)
      tpu.yield
    }) : () -> ()
    "tpu.region"() ({
      %run_scoped3A = tpu.sem_alloc : memref<!tpu.dma_semaphore, #tpu.memory_space<semaphore_mem>>
      %dma_start3A = arith.constant 135 : i32
      %dma_start3A_254 = arith.constant 0 : i32
      %dma_start3A_255 = tpu.memref_slice %arg4[%arg1, %dma_start3A, %dma_start3A_254] : memref<16x160x128xi32, #tpu.memory_space<hbm>> -> memref<1x5x128xi32, #tpu.memory_space<hbm>>
      %dma_start3A_256 = tpu.memref_squeeze %dma_start3A_255 : memref<1x5x128xi32, #tpu.memory_space<hbm>> -> memref<5x128xi32, #tpu.memory_space<hbm>>
      %dma_start3A_257 = arith.constant 135 : i32
      %dma_start3A_258 = arith.constant 0 : i32
      %dma_start3A_259 = tpu.memref_slice %arg4[%arg1, %dma_start3A_257, %dma_start3A_258] : memref<16x160x128xi32, #tpu.memory_space<hbm>> -> memref<1x5x128xi32, #tpu.memory_space<hbm>>
      %dma_start3A_260 = tpu.memref_squeeze %dma_start3A_259 : memref<1x5x128xi32, #tpu.memory_space<hbm>> -> memref<5x128xi32, #tpu.memory_space<hbm>>
      tpu.enqueue_dma source(%dma_start3A_260 : memref<5x128xi32, #tpu.memory_space<hbm>>) target(%arg7 : memref<5x128xi32, #tpu.memory_space<vmem>>) target_semaphore(%run_scoped3A : memref<!tpu.dma_semaphore, #tpu.memory_space<semaphore_mem>>)
      %dma_wait3A = arith.constant 135 : i32
      %dma_wait3A_261 = arith.constant 0 : i32
      %dma_wait3A_262 = tpu.memref_slice %arg4[%arg1, %dma_wait3A, %dma_wait3A_261] : memref<16x160x128xi32, #tpu.memory_space<hbm>> -> memref<1x5x128xi32, #tpu.memory_space<hbm>>
      %dma_wait3A_263 = tpu.memref_squeeze %dma_wait3A_262 : memref<1x5x128xi32, #tpu.memory_space<hbm>> -> memref<5x128xi32, #tpu.memory_space<hbm>>
      %dma_wait3A_264 = arith.constant 135 : i32
      %dma_wait3A_265 = arith.constant 0 : i32
      %dma_wait3A_266 = tpu.memref_slice %arg4[%arg1, %dma_wait3A_264, %dma_wait3A_265] : memref<16x160x128xi32, #tpu.memory_space<hbm>> -> memref<1x5x128xi32, #tpu.memory_space<hbm>>
      %dma_wait3A_267 = tpu.memref_squeeze %dma_wait3A_266 : memref<1x5x128xi32, #tpu.memory_space<hbm>> -> memref<5x128xi32, #tpu.memory_space<hbm>>
      tpu.wait_dma2 semaphore(%run_scoped3A : memref<!tpu.dma_semaphore, #tpu.memory_space<semaphore_mem>>) src(%dma_wait3A_267 : memref<5x128xi32, #tpu.memory_space<hbm>>) dst(%arg7 : memref<5x128xi32, #tpu.memory_space<vmem>>)
      tpu.yield
    }) : () -> ()
    %scan3A_211 = arith.constant 0 : i32
    %scan3A_212 = arith.constant 0 : i32
    %scan3A_213 = arith.constant 5 : i32
    %scan3A_214 = arith.addi %scan3A_212, %scan3A_213 : i32
    %scan3A_215 = arith.constant 1 : i32
    %scan3A_216 = scf.for %scan3A_254 = %scan3A_212 to %scan3A_214 step %scan3A_215 iter_args(%scan3A_255 = %scan3A_211) -> (i32)  : i32 {
      %dma_start3A = arith.constant 0 : i32
      %dma_start3A_256 = tpu.memref_slice %arg6[%scan3A_254, %dma_start3A] : memref<5x128xi32, #tpu.memory_space<vmem>> -> memref<1x128xi32, #tpu.memory_space<vmem>>
      %dma_start3A_257 = tpu.memref_squeeze %dma_start3A_256 : memref<1x128xi32, #tpu.memory_space<vmem>> -> memref<128xi32, #tpu.memory_space<vmem>>
      %dma_start3A_258 = arith.constant 0 : i32
      %dma_start3A_259 = arith.constant 0 : i32
      %dma_start3A_260 = tpu.memref_slice %arg10[%dma_start3A_258, %dma_start3A_259] : memref<10240x64xf32, #tpu.memory_space<vmem_shared>> -> memref<10240x64xf32, #tpu.memory_space<vmem_shared>>
      tpu.enqueue_indirect_dma source(%dma_start3A_260 : memref<10240x64xf32, #tpu.memory_space<vmem_shared>>) target(%arg8 : memref<128x64xf32, #tpu.memory_space<vmem>>) offsets(%dma_start3A_257 : memref<128xi32, #tpu.memory_space<vmem>>) semaphore(%arg11 : memref<!tpu.dma_semaphore, #tpu.memory_space<semaphore_mem>>)
      %dma_wait3A = arith.constant 0 : i32
      %dma_wait3A_261 = tpu.memref_slice %arg6[%scan3A_254, %dma_wait3A] : memref<5x128xi32, #tpu.memory_space<vmem>> -> memref<1x128xi32, #tpu.memory_space<vmem>>
      %dma_wait3A_262 = tpu.memref_squeeze %dma_wait3A_261 : memref<1x128xi32, #tpu.memory_space<vmem>> -> memref<128xi32, #tpu.memory_space<vmem>>
      %dma_wait3A_263 = arith.constant 0 : i32
      %dma_wait3A_264 = arith.constant 0 : i32
      %dma_wait3A_265 = tpu.memref_slice %arg10[%dma_wait3A_263, %dma_wait3A_264] : memref<10240x64xf32, #tpu.memory_space<vmem_shared>> -> memref<10240x64xf32, #tpu.memory_space<vmem_shared>>
      tpu.wait_indirect_dma semaphore(%arg11 : memref<!tpu.dma_semaphore, #tpu.memory_space<semaphore_mem>>) src(%dma_wait3A_265 : memref<10240x64xf32, #tpu.memory_space<vmem_shared>>) dst(%arg8 : memref<128x64xf32, #tpu.memory_space<vmem>>)
      "tpu.region"() ({
        %run_scoped3A = tpu.sem_alloc : memref<!tpu.dma_semaphore, #tpu.memory_space<semaphore_mem>>
        %dma_start3A_267 = arith.constant 0 : i32
        %dma_start3A_268 = tpu.memref_slice %arg7[%scan3A_254, %dma_start3A_267] : memref<5x128xi32, #tpu.memory_space<vmem>> -> memref<1x128xi32, #tpu.memory_space<vmem>>
        %dma_start3A_269 = tpu.memref_squeeze %dma_start3A_268 : memref<1x128xi32, #tpu.memory_space<vmem>> -> memref<128xi32, #tpu.memory_space<vmem>>
        %dma_start3A_270 = arith.constant 0 : i32
        %dma_start3A_271 = arith.constant 0 : i32
        %dma_start3A_272 = tpu.memref_slice %arg9[%dma_start3A_270, %dma_start3A_271] : memref<20096x64xf32, #tpu.memory_space<vmem_shared>> -> memref<20096x64xf32, #tpu.memory_space<vmem_shared>>
        tpu.enqueue_indirect_dma source(%arg8 : memref<128x64xf32, #tpu.memory_space<vmem>>) target(%dma_start3A_272 : memref<20096x64xf32, #tpu.memory_space<vmem_shared>>) offsets(%dma_start3A_269 : memref<128xi32, #tpu.memory_space<vmem>>) semaphore(%run_scoped3A : memref<!tpu.dma_semaphore, #tpu.memory_space<semaphore_mem>>) {add = true}
        %dma_wait3A_273 = arith.constant 0 : i32
        %dma_wait3A_274 = tpu.memref_slice %arg7[%scan3A_254, %dma_wait3A_273] : memref<5x128xi32, #tpu.memory_space<vmem>> -> memref<1x128xi32, #tpu.memory_space<vmem>>
        %dma_wait3A_275 = tpu.memref_squeeze %dma_wait3A_274 : memref<1x128xi32, #tpu.memory_space<vmem>> -> memref<128xi32, #tpu.memory_space<vmem>>
        %dma_wait3A_276 = arith.constant 0 : i32
        %dma_wait3A_277 = arith.constant 0 : i32
        %dma_wait3A_278 = tpu.memref_slice %arg9[%dma_wait3A_276, %dma_wait3A_277] : memref<20096x64xf32, #tpu.memory_space<vmem_shared>> -> memref<20096x64xf32, #tpu.memory_space<vmem_shared>>
        tpu.wait_indirect_dma semaphore(%run_scoped3A : memref<!tpu.dma_semaphore, #tpu.memory_space<semaphore_mem>>) src(%arg8 : memref<128x64xf32, #tpu.memory_space<vmem>>) dst(%dma_wait3A_278 : memref<20096x64xf32, #tpu.memory_space<vmem_shared>>)
        tpu.yield
      }) : () -> ()
      %scan3A_266 = arith.constant 0 : i32
      scf.yield %scan3A_266 : i32
    }
    %scan3A_217 = arith.constant 5 : i32
    "tpu.region"() ({
      %run_scoped3A = tpu.sem_alloc : memref<!tpu.dma_semaphore, #tpu.memory_space<semaphore_mem>>
      %dma_start3A = arith.constant 140 : i32
      %dma_start3A_254 = arith.constant 0 : i32
      %dma_start3A_255 = tpu.memref_slice %arg3[%arg1, %dma_start3A, %dma_start3A_254] : memref<16x160x128xi32, #tpu.memory_space<hbm>> -> memref<1x5x128xi32, #tpu.memory_space<hbm>>
      %dma_start3A_256 = tpu.memref_squeeze %dma_start3A_255 : memref<1x5x128xi32, #tpu.memory_space<hbm>> -> memref<5x128xi32, #tpu.memory_space<hbm>>
      %dma_start3A_257 = arith.constant 140 : i32
      %dma_start3A_258 = arith.constant 0 : i32
      %dma_start3A_259 = tpu.memref_slice %arg3[%arg1, %dma_start3A_257, %dma_start3A_258] : memref<16x160x128xi32, #tpu.memory_space<hbm>> -> memref<1x5x128xi32, #tpu.memory_space<hbm>>
      %dma_start3A_260 = tpu.memref_squeeze %dma_start3A_259 : memref<1x5x128xi32, #tpu.memory_space<hbm>> -> memref<5x128xi32, #tpu.memory_space<hbm>>
      tpu.enqueue_dma source(%dma_start3A_260 : memref<5x128xi32, #tpu.memory_space<hbm>>) target(%arg6 : memref<5x128xi32, #tpu.memory_space<vmem>>) target_semaphore(%run_scoped3A : memref<!tpu.dma_semaphore, #tpu.memory_space<semaphore_mem>>)
      %dma_wait3A = arith.constant 140 : i32
      %dma_wait3A_261 = arith.constant 0 : i32
      %dma_wait3A_262 = tpu.memref_slice %arg3[%arg1, %dma_wait3A, %dma_wait3A_261] : memref<16x160x128xi32, #tpu.memory_space<hbm>> -> memref<1x5x128xi32, #tpu.memory_space<hbm>>
      %dma_wait3A_263 = tpu.memref_squeeze %dma_wait3A_262 : memref<1x5x128xi32, #tpu.memory_space<hbm>> -> memref<5x128xi32, #tpu.memory_space<hbm>>
      %dma_wait3A_264 = arith.constant 140 : i32
      %dma_wait3A_265 = arith.constant 0 : i32
      %dma_wait3A_266 = tpu.memref_slice %arg3[%arg1, %dma_wait3A_264, %dma_wait3A_265] : memref<16x160x128xi32, #tpu.memory_space<hbm>> -> memref<1x5x128xi32, #tpu.memory_space<hbm>>
      %dma_wait3A_267 = tpu.memref_squeeze %dma_wait3A_266 : memref<1x5x128xi32, #tpu.memory_space<hbm>> -> memref<5x128xi32, #tpu.memory_space<hbm>>
      tpu.wait_dma2 semaphore(%run_scoped3A : memref<!tpu.dma_semaphore, #tpu.memory_space<semaphore_mem>>) src(%dma_wait3A_267 : memref<5x128xi32, #tpu.memory_space<hbm>>) dst(%arg6 : memref<5x128xi32, #tpu.memory_space<vmem>>)
      tpu.yield
    }) : () -> ()
    "tpu.region"() ({
      %run_scoped3A = tpu.sem_alloc : memref<!tpu.dma_semaphore, #tpu.memory_space<semaphore_mem>>
      %dma_start3A = arith.constant 140 : i32
      %dma_start3A_254 = arith.constant 0 : i32
      %dma_start3A_255 = tpu.memref_slice %arg4[%arg1, %dma_start3A, %dma_start3A_254] : memref<16x160x128xi32, #tpu.memory_space<hbm>> -> memref<1x5x128xi32, #tpu.memory_space<hbm>>
      %dma_start3A_256 = tpu.memref_squeeze %dma_start3A_255 : memref<1x5x128xi32, #tpu.memory_space<hbm>> -> memref<5x128xi32, #tpu.memory_space<hbm>>
      %dma_start3A_257 = arith.constant 140 : i32
      %dma_start3A_258 = arith.constant 0 : i32
      %dma_start3A_259 = tpu.memref_slice %arg4[%arg1, %dma_start3A_257, %dma_start3A_258] : memref<16x160x128xi32, #tpu.memory_space<hbm>> -> memref<1x5x128xi32, #tpu.memory_space<hbm>>
      %dma_start3A_260 = tpu.memref_squeeze %dma_start3A_259 : memref<1x5x128xi32, #tpu.memory_space<hbm>> -> memref<5x128xi32, #tpu.memory_space<hbm>>
      tpu.enqueue_dma source(%dma_start3A_260 : memref<5x128xi32, #tpu.memory_space<hbm>>) target(%arg7 : memref<5x128xi32, #tpu.memory_space<vmem>>) target_semaphore(%run_scoped3A : memref<!tpu.dma_semaphore, #tpu.memory_space<semaphore_mem>>)
      %dma_wait3A = arith.constant 140 : i32
      %dma_wait3A_261 = arith.constant 0 : i32
      %dma_wait3A_262 = tpu.memref_slice %arg4[%arg1, %dma_wait3A, %dma_wait3A_261] : memref<16x160x128xi32, #tpu.memory_space<hbm>> -> memref<1x5x128xi32, #tpu.memory_space<hbm>>
      %dma_wait3A_263 = tpu.memref_squeeze %dma_wait3A_262 : memref<1x5x128xi32, #tpu.memory_space<hbm>> -> memref<5x128xi32, #tpu.memory_space<hbm>>
      %dma_wait3A_264 = arith.constant 140 : i32
      %dma_wait3A_265 = arith.constant 0 : i32
      %dma_wait3A_266 = tpu.memref_slice %arg4[%arg1, %dma_wait3A_264, %dma_wait3A_265] : memref<16x160x128xi32, #tpu.memory_space<hbm>> -> memref<1x5x128xi32, #tpu.memory_space<hbm>>
      %dma_wait3A_267 = tpu.memref_squeeze %dma_wait3A_266 : memref<1x5x128xi32, #tpu.memory_space<hbm>> -> memref<5x128xi32, #tpu.memory_space<hbm>>
      tpu.wait_dma2 semaphore(%run_scoped3A : memref<!tpu.dma_semaphore, #tpu.memory_space<semaphore_mem>>) src(%dma_wait3A_267 : memref<5x128xi32, #tpu.memory_space<hbm>>) dst(%arg7 : memref<5x128xi32, #tpu.memory_space<vmem>>)
      tpu.yield
    }) : () -> ()
    %scan3A_218 = arith.constant 0 : i32
    %scan3A_219 = arith.constant 0 : i32
    %scan3A_220 = arith.constant 5 : i32
    %scan3A_221 = arith.addi %scan3A_219, %scan3A_220 : i32
    %scan3A_222 = arith.constant 1 : i32
    %scan3A_223 = scf.for %scan3A_254 = %scan3A_219 to %scan3A_221 step %scan3A_222 iter_args(%scan3A_255 = %scan3A_218) -> (i32)  : i32 {
      %dma_start3A = arith.constant 0 : i32
      %dma_start3A_256 = tpu.memref_slice %arg6[%scan3A_254, %dma_start3A] : memref<5x128xi32, #tpu.memory_space<vmem>> -> memref<1x128xi32, #tpu.memory_space<vmem>>
      %dma_start3A_257 = tpu.memref_squeeze %dma_start3A_256 : memref<1x128xi32, #tpu.memory_space<vmem>> -> memref<128xi32, #tpu.memory_space<vmem>>
      %dma_start3A_258 = arith.constant 0 : i32
      %dma_start3A_259 = arith.constant 0 : i32
      %dma_start3A_260 = tpu.memref_slice %arg10[%dma_start3A_258, %dma_start3A_259] : memref<10240x64xf32, #tpu.memory_space<vmem_shared>> -> memref<10240x64xf32, #tpu.memory_space<vmem_shared>>
      tpu.enqueue_indirect_dma source(%dma_start3A_260 : memref<10240x64xf32, #tpu.memory_space<vmem_shared>>) target(%arg8 : memref<128x64xf32, #tpu.memory_space<vmem>>) offsets(%dma_start3A_257 : memref<128xi32, #tpu.memory_space<vmem>>) semaphore(%arg11 : memref<!tpu.dma_semaphore, #tpu.memory_space<semaphore_mem>>)
      %dma_wait3A = arith.constant 0 : i32
      %dma_wait3A_261 = tpu.memref_slice %arg6[%scan3A_254, %dma_wait3A] : memref<5x128xi32, #tpu.memory_space<vmem>> -> memref<1x128xi32, #tpu.memory_space<vmem>>
      %dma_wait3A_262 = tpu.memref_squeeze %dma_wait3A_261 : memref<1x128xi32, #tpu.memory_space<vmem>> -> memref<128xi32, #tpu.memory_space<vmem>>
      %dma_wait3A_263 = arith.constant 0 : i32
      %dma_wait3A_264 = arith.constant 0 : i32
      %dma_wait3A_265 = tpu.memref_slice %arg10[%dma_wait3A_263, %dma_wait3A_264] : memref<10240x64xf32, #tpu.memory_space<vmem_shared>> -> memref<10240x64xf32, #tpu.memory_space<vmem_shared>>
      tpu.wait_indirect_dma semaphore(%arg11 : memref<!tpu.dma_semaphore, #tpu.memory_space<semaphore_mem>>) src(%dma_wait3A_265 : memref<10240x64xf32, #tpu.memory_space<vmem_shared>>) dst(%arg8 : memref<128x64xf32, #tpu.memory_space<vmem>>)
      "tpu.region"() ({
        %run_scoped3A = tpu.sem_alloc : memref<!tpu.dma_semaphore, #tpu.memory_space<semaphore_mem>>
        %dma_start3A_267 = arith.constant 0 : i32
        %dma_start3A_268 = tpu.memref_slice %arg7[%scan3A_254, %dma_start3A_267] : memref<5x128xi32, #tpu.memory_space<vmem>> -> memref<1x128xi32, #tpu.memory_space<vmem>>
        %dma_start3A_269 = tpu.memref_squeeze %dma_start3A_268 : memref<1x128xi32, #tpu.memory_space<vmem>> -> memref<128xi32, #tpu.memory_space<vmem>>
        %dma_start3A_270 = arith.constant 0 : i32
        %dma_start3A_271 = arith.constant 0 : i32
        %dma_start3A_272 = tpu.memref_slice %arg9[%dma_start3A_270, %dma_start3A_271] : memref<20096x64xf32, #tpu.memory_space<vmem_shared>> -> memref<20096x64xf32, #tpu.memory_space<vmem_shared>>
        tpu.enqueue_indirect_dma source(%arg8 : memref<128x64xf32, #tpu.memory_space<vmem>>) target(%dma_start3A_272 : memref<20096x64xf32, #tpu.memory_space<vmem_shared>>) offsets(%dma_start3A_269 : memref<128xi32, #tpu.memory_space<vmem>>) semaphore(%run_scoped3A : memref<!tpu.dma_semaphore, #tpu.memory_space<semaphore_mem>>) {add = true}
        %dma_wait3A_273 = arith.constant 0 : i32
        %dma_wait3A_274 = tpu.memref_slice %arg7[%scan3A_254, %dma_wait3A_273] : memref<5x128xi32, #tpu.memory_space<vmem>> -> memref<1x128xi32, #tpu.memory_space<vmem>>
        %dma_wait3A_275 = tpu.memref_squeeze %dma_wait3A_274 : memref<1x128xi32, #tpu.memory_space<vmem>> -> memref<128xi32, #tpu.memory_space<vmem>>
        %dma_wait3A_276 = arith.constant 0 : i32
        %dma_wait3A_277 = arith.constant 0 : i32
        %dma_wait3A_278 = tpu.memref_slice %arg9[%dma_wait3A_276, %dma_wait3A_277] : memref<20096x64xf32, #tpu.memory_space<vmem_shared>> -> memref<20096x64xf32, #tpu.memory_space<vmem_shared>>
        tpu.wait_indirect_dma semaphore(%run_scoped3A : memref<!tpu.dma_semaphore, #tpu.memory_space<semaphore_mem>>) src(%arg8 : memref<128x64xf32, #tpu.memory_space<vmem>>) dst(%dma_wait3A_278 : memref<20096x64xf32, #tpu.memory_space<vmem_shared>>)
        tpu.yield
      }) : () -> ()
      %scan3A_266 = arith.constant 0 : i32
      scf.yield %scan3A_266 : i32
    }
    %scan3A_224 = arith.constant 5 : i32
    "tpu.region"() ({
      %run_scoped3A = tpu.sem_alloc : memref<!tpu.dma_semaphore, #tpu.memory_space<semaphore_mem>>
      %dma_start3A = arith.constant 145 : i32
      %dma_start3A_254 = arith.constant 0 : i32
      %dma_start3A_255 = tpu.memref_slice %arg3[%arg1, %dma_start3A, %dma_start3A_254] : memref<16x160x128xi32, #tpu.memory_space<hbm>> -> memref<1x5x128xi32, #tpu.memory_space<hbm>>
      %dma_start3A_256 = tpu.memref_squeeze %dma_start3A_255 : memref<1x5x128xi32, #tpu.memory_space<hbm>> -> memref<5x128xi32, #tpu.memory_space<hbm>>
      %dma_start3A_257 = arith.constant 145 : i32
      %dma_start3A_258 = arith.constant 0 : i32
      %dma_start3A_259 = tpu.memref_slice %arg3[%arg1, %dma_start3A_257, %dma_start3A_258] : memref<16x160x128xi32, #tpu.memory_space<hbm>> -> memref<1x5x128xi32, #tpu.memory_space<hbm>>
      %dma_start3A_260 = tpu.memref_squeeze %dma_start3A_259 : memref<1x5x128xi32, #tpu.memory_space<hbm>> -> memref<5x128xi32, #tpu.memory_space<hbm>>
      tpu.enqueue_dma source(%dma_start3A_260 : memref<5x128xi32, #tpu.memory_space<hbm>>) target(%arg6 : memref<5x128xi32, #tpu.memory_space<vmem>>) target_semaphore(%run_scoped3A : memref<!tpu.dma_semaphore, #tpu.memory_space<semaphore_mem>>)
      %dma_wait3A = arith.constant 145 : i32
      %dma_wait3A_261 = arith.constant 0 : i32
      %dma_wait3A_262 = tpu.memref_slice %arg3[%arg1, %dma_wait3A, %dma_wait3A_261] : memref<16x160x128xi32, #tpu.memory_space<hbm>> -> memref<1x5x128xi32, #tpu.memory_space<hbm>>
      %dma_wait3A_263 = tpu.memref_squeeze %dma_wait3A_262 : memref<1x5x128xi32, #tpu.memory_space<hbm>> -> memref<5x128xi32, #tpu.memory_space<hbm>>
      %dma_wait3A_264 = arith.constant 145 : i32
      %dma_wait3A_265 = arith.constant 0 : i32
      %dma_wait3A_266 = tpu.memref_slice %arg3[%arg1, %dma_wait3A_264, %dma_wait3A_265] : memref<16x160x128xi32, #tpu.memory_space<hbm>> -> memref<1x5x128xi32, #tpu.memory_space<hbm>>
      %dma_wait3A_267 = tpu.memref_squeeze %dma_wait3A_266 : memref<1x5x128xi32, #tpu.memory_space<hbm>> -> memref<5x128xi32, #tpu.memory_space<hbm>>
      tpu.wait_dma2 semaphore(%run_scoped3A : memref<!tpu.dma_semaphore, #tpu.memory_space<semaphore_mem>>) src(%dma_wait3A_267 : memref<5x128xi32, #tpu.memory_space<hbm>>) dst(%arg6 : memref<5x128xi32, #tpu.memory_space<vmem>>)
      tpu.yield
    }) : () -> ()
    "tpu.region"() ({
      %run_scoped3A = tpu.sem_alloc : memref<!tpu.dma_semaphore, #tpu.memory_space<semaphore_mem>>
      %dma_start3A = arith.constant 145 : i32
      %dma_start3A_254 = arith.constant 0 : i32
      %dma_start3A_255 = tpu.memref_slice %arg4[%arg1, %dma_start3A, %dma_start3A_254] : memref<16x160x128xi32, #tpu.memory_space<hbm>> -> memref<1x5x128xi32, #tpu.memory_space<hbm>>
      %dma_start3A_256 = tpu.memref_squeeze %dma_start3A_255 : memref<1x5x128xi32, #tpu.memory_space<hbm>> -> memref<5x128xi32, #tpu.memory_space<hbm>>
      %dma_start3A_257 = arith.constant 145 : i32
      %dma_start3A_258 = arith.constant 0 : i32
      %dma_start3A_259 = tpu.memref_slice %arg4[%arg1, %dma_start3A_257, %dma_start3A_258] : memref<16x160x128xi32, #tpu.memory_space<hbm>> -> memref<1x5x128xi32, #tpu.memory_space<hbm>>
      %dma_start3A_260 = tpu.memref_squeeze %dma_start3A_259 : memref<1x5x128xi32, #tpu.memory_space<hbm>> -> memref<5x128xi32, #tpu.memory_space<hbm>>
      tpu.enqueue_dma source(%dma_start3A_260 : memref<5x128xi32, #tpu.memory_space<hbm>>) target(%arg7 : memref<5x128xi32, #tpu.memory_space<vmem>>) target_semaphore(%run_scoped3A : memref<!tpu.dma_semaphore, #tpu.memory_space<semaphore_mem>>)
      %dma_wait3A = arith.constant 145 : i32
      %dma_wait3A_261 = arith.constant 0 : i32
      %dma_wait3A_262 = tpu.memref_slice %arg4[%arg1, %dma_wait3A, %dma_wait3A_261] : memref<16x160x128xi32, #tpu.memory_space<hbm>> -> memref<1x5x128xi32, #tpu.memory_space<hbm>>
      %dma_wait3A_263 = tpu.memref_squeeze %dma_wait3A_262 : memref<1x5x128xi32, #tpu.memory_space<hbm>> -> memref<5x128xi32, #tpu.memory_space<hbm>>
      %dma_wait3A_264 = arith.constant 145 : i32
      %dma_wait3A_265 = arith.constant 0 : i32
      %dma_wait3A_266 = tpu.memref_slice %arg4[%arg1, %dma_wait3A_264, %dma_wait3A_265] : memref<16x160x128xi32, #tpu.memory_space<hbm>> -> memref<1x5x128xi32, #tpu.memory_space<hbm>>
      %dma_wait3A_267 = tpu.memref_squeeze %dma_wait3A_266 : memref<1x5x128xi32, #tpu.memory_space<hbm>> -> memref<5x128xi32, #tpu.memory_space<hbm>>
      tpu.wait_dma2 semaphore(%run_scoped3A : memref<!tpu.dma_semaphore, #tpu.memory_space<semaphore_mem>>) src(%dma_wait3A_267 : memref<5x128xi32, #tpu.memory_space<hbm>>) dst(%arg7 : memref<5x128xi32, #tpu.memory_space<vmem>>)
      tpu.yield
    }) : () -> ()
    %scan3A_225 = arith.constant 0 : i32
    %scan3A_226 = arith.constant 0 : i32
    %scan3A_227 = arith.constant 5 : i32
    %scan3A_228 = arith.addi %scan3A_226, %scan3A_227 : i32
    %scan3A_229 = arith.constant 1 : i32
    %scan3A_230 = scf.for %scan3A_254 = %scan3A_226 to %scan3A_228 step %scan3A_229 iter_args(%scan3A_255 = %scan3A_225) -> (i32)  : i32 {
      %dma_start3A = arith.constant 0 : i32
      %dma_start3A_256 = tpu.memref_slice %arg6[%scan3A_254, %dma_start3A] : memref<5x128xi32, #tpu.memory_space<vmem>> -> memref<1x128xi32, #tpu.memory_space<vmem>>
      %dma_start3A_257 = tpu.memref_squeeze %dma_start3A_256 : memref<1x128xi32, #tpu.memory_space<vmem>> -> memref<128xi32, #tpu.memory_space<vmem>>
      %dma_start3A_258 = arith.constant 0 : i32
      %dma_start3A_259 = arith.constant 0 : i32
      %dma_start3A_260 = tpu.memref_slice %arg10[%dma_start3A_258, %dma_start3A_259] : memref<10240x64xf32, #tpu.memory_space<vmem_shared>> -> memref<10240x64xf32, #tpu.memory_space<vmem_shared>>
      tpu.enqueue_indirect_dma source(%dma_start3A_260 : memref<10240x64xf32, #tpu.memory_space<vmem_shared>>) target(%arg8 : memref<128x64xf32, #tpu.memory_space<vmem>>) offsets(%dma_start3A_257 : memref<128xi32, #tpu.memory_space<vmem>>) semaphore(%arg11 : memref<!tpu.dma_semaphore, #tpu.memory_space<semaphore_mem>>)
      %dma_wait3A = arith.constant 0 : i32
      %dma_wait3A_261 = tpu.memref_slice %arg6[%scan3A_254, %dma_wait3A] : memref<5x128xi32, #tpu.memory_space<vmem>> -> memref<1x128xi32, #tpu.memory_space<vmem>>
      %dma_wait3A_262 = tpu.memref_squeeze %dma_wait3A_261 : memref<1x128xi32, #tpu.memory_space<vmem>> -> memref<128xi32, #tpu.memory_space<vmem>>
      %dma_wait3A_263 = arith.constant 0 : i32
      %dma_wait3A_264 = arith.constant 0 : i32
      %dma_wait3A_265 = tpu.memref_slice %arg10[%dma_wait3A_263, %dma_wait3A_264] : memref<10240x64xf32, #tpu.memory_space<vmem_shared>> -> memref<10240x64xf32, #tpu.memory_space<vmem_shared>>
      tpu.wait_indirect_dma semaphore(%arg11 : memref<!tpu.dma_semaphore, #tpu.memory_space<semaphore_mem>>) src(%dma_wait3A_265 : memref<10240x64xf32, #tpu.memory_space<vmem_shared>>) dst(%arg8 : memref<128x64xf32, #tpu.memory_space<vmem>>)
      "tpu.region"() ({
        %run_scoped3A = tpu.sem_alloc : memref<!tpu.dma_semaphore, #tpu.memory_space<semaphore_mem>>
        %dma_start3A_267 = arith.constant 0 : i32
        %dma_start3A_268 = tpu.memref_slice %arg7[%scan3A_254, %dma_start3A_267] : memref<5x128xi32, #tpu.memory_space<vmem>> -> memref<1x128xi32, #tpu.memory_space<vmem>>
        %dma_start3A_269 = tpu.memref_squeeze %dma_start3A_268 : memref<1x128xi32, #tpu.memory_space<vmem>> -> memref<128xi32, #tpu.memory_space<vmem>>
        %dma_start3A_270 = arith.constant 0 : i32
        %dma_start3A_271 = arith.constant 0 : i32
        %dma_start3A_272 = tpu.memref_slice %arg9[%dma_start3A_270, %dma_start3A_271] : memref<20096x64xf32, #tpu.memory_space<vmem_shared>> -> memref<20096x64xf32, #tpu.memory_space<vmem_shared>>
        tpu.enqueue_indirect_dma source(%arg8 : memref<128x64xf32, #tpu.memory_space<vmem>>) target(%dma_start3A_272 : memref<20096x64xf32, #tpu.memory_space<vmem_shared>>) offsets(%dma_start3A_269 : memref<128xi32, #tpu.memory_space<vmem>>) semaphore(%run_scoped3A : memref<!tpu.dma_semaphore, #tpu.memory_space<semaphore_mem>>) {add = true}
        %dma_wait3A_273 = arith.constant 0 : i32
        %dma_wait3A_274 = tpu.memref_slice %arg7[%scan3A_254, %dma_wait3A_273] : memref<5x128xi32, #tpu.memory_space<vmem>> -> memref<1x128xi32, #tpu.memory_space<vmem>>
        %dma_wait3A_275 = tpu.memref_squeeze %dma_wait3A_274 : memref<1x128xi32, #tpu.memory_space<vmem>> -> memref<128xi32, #tpu.memory_space<vmem>>
        %dma_wait3A_276 = arith.constant 0 : i32
        %dma_wait3A_277 = arith.constant 0 : i32
        %dma_wait3A_278 = tpu.memref_slice %arg9[%dma_wait3A_276, %dma_wait3A_277] : memref<20096x64xf32, #tpu.memory_space<vmem_shared>> -> memref<20096x64xf32, #tpu.memory_space<vmem_shared>>
        tpu.wait_indirect_dma semaphore(%run_scoped3A : memref<!tpu.dma_semaphore, #tpu.memory_space<semaphore_mem>>) src(%arg8 : memref<128x64xf32, #tpu.memory_space<vmem>>) dst(%dma_wait3A_278 : memref<20096x64xf32, #tpu.memory_space<vmem_shared>>)
        tpu.yield
      }) : () -> ()
      %scan3A_266 = arith.constant 0 : i32
      scf.yield %scan3A_266 : i32
    }
    %scan3A_231 = arith.constant 5 : i32
    "tpu.region"() ({
      %run_scoped3A = tpu.sem_alloc : memref<!tpu.dma_semaphore, #tpu.memory_space<semaphore_mem>>
      %dma_start3A = arith.constant 150 : i32
      %dma_start3A_254 = arith.constant 0 : i32
      %dma_start3A_255 = tpu.memref_slice %arg3[%arg1, %dma_start3A, %dma_start3A_254] : memref<16x160x128xi32, #tpu.memory_space<hbm>> -> memref<1x5x128xi32, #tpu.memory_space<hbm>>
      %dma_start3A_256 = tpu.memref_squeeze %dma_start3A_255 : memref<1x5x128xi32, #tpu.memory_space<hbm>> -> memref<5x128xi32, #tpu.memory_space<hbm>>
      %dma_start3A_257 = arith.constant 150 : i32
      %dma_start3A_258 = arith.constant 0 : i32
      %dma_start3A_259 = tpu.memref_slice %arg3[%arg1, %dma_start3A_257, %dma_start3A_258] : memref<16x160x128xi32, #tpu.memory_space<hbm>> -> memref<1x5x128xi32, #tpu.memory_space<hbm>>
      %dma_start3A_260 = tpu.memref_squeeze %dma_start3A_259 : memref<1x5x128xi32, #tpu.memory_space<hbm>> -> memref<5x128xi32, #tpu.memory_space<hbm>>
      tpu.enqueue_dma source(%dma_start3A_260 : memref<5x128xi32, #tpu.memory_space<hbm>>) target(%arg6 : memref<5x128xi32, #tpu.memory_space<vmem>>) target_semaphore(%run_scoped3A : memref<!tpu.dma_semaphore, #tpu.memory_space<semaphore_mem>>)
      %dma_wait3A = arith.constant 150 : i32
      %dma_wait3A_261 = arith.constant 0 : i32
      %dma_wait3A_262 = tpu.memref_slice %arg3[%arg1, %dma_wait3A, %dma_wait3A_261] : memref<16x160x128xi32, #tpu.memory_space<hbm>> -> memref<1x5x128xi32, #tpu.memory_space<hbm>>
      %dma_wait3A_263 = tpu.memref_squeeze %dma_wait3A_262 : memref<1x5x128xi32, #tpu.memory_space<hbm>> -> memref<5x128xi32, #tpu.memory_space<hbm>>
      %dma_wait3A_264 = arith.constant 150 : i32
      %dma_wait3A_265 = arith.constant 0 : i32
      %dma_wait3A_266 = tpu.memref_slice %arg3[%arg1, %dma_wait3A_264, %dma_wait3A_265] : memref<16x160x128xi32, #tpu.memory_space<hbm>> -> memref<1x5x128xi32, #tpu.memory_space<hbm>>
      %dma_wait3A_267 = tpu.memref_squeeze %dma_wait3A_266 : memref<1x5x128xi32, #tpu.memory_space<hbm>> -> memref<5x128xi32, #tpu.memory_space<hbm>>
      tpu.wait_dma2 semaphore(%run_scoped3A : memref<!tpu.dma_semaphore, #tpu.memory_space<semaphore_mem>>) src(%dma_wait3A_267 : memref<5x128xi32, #tpu.memory_space<hbm>>) dst(%arg6 : memref<5x128xi32, #tpu.memory_space<vmem>>)
      tpu.yield
    }) : () -> ()
    "tpu.region"() ({
      %run_scoped3A = tpu.sem_alloc : memref<!tpu.dma_semaphore, #tpu.memory_space<semaphore_mem>>
      %dma_start3A = arith.constant 150 : i32
      %dma_start3A_254 = arith.constant 0 : i32
      %dma_start3A_255 = tpu.memref_slice %arg4[%arg1, %dma_start3A, %dma_start3A_254] : memref<16x160x128xi32, #tpu.memory_space<hbm>> -> memref<1x5x128xi32, #tpu.memory_space<hbm>>
      %dma_start3A_256 = tpu.memref_squeeze %dma_start3A_255 : memref<1x5x128xi32, #tpu.memory_space<hbm>> -> memref<5x128xi32, #tpu.memory_space<hbm>>
      %dma_start3A_257 = arith.constant 150 : i32
      %dma_start3A_258 = arith.constant 0 : i32
      %dma_start3A_259 = tpu.memref_slice %arg4[%arg1, %dma_start3A_257, %dma_start3A_258] : memref<16x160x128xi32, #tpu.memory_space<hbm>> -> memref<1x5x128xi32, #tpu.memory_space<hbm>>
      %dma_start3A_260 = tpu.memref_squeeze %dma_start3A_259 : memref<1x5x128xi32, #tpu.memory_space<hbm>> -> memref<5x128xi32, #tpu.memory_space<hbm>>
      tpu.enqueue_dma source(%dma_start3A_260 : memref<5x128xi32, #tpu.memory_space<hbm>>) target(%arg7 : memref<5x128xi32, #tpu.memory_space<vmem>>) target_semaphore(%run_scoped3A : memref<!tpu.dma_semaphore, #tpu.memory_space<semaphore_mem>>)
      %dma_wait3A = arith.constant 150 : i32
      %dma_wait3A_261 = arith.constant 0 : i32
      %dma_wait3A_262 = tpu.memref_slice %arg4[%arg1, %dma_wait3A, %dma_wait3A_261] : memref<16x160x128xi32, #tpu.memory_space<hbm>> -> memref<1x5x128xi32, #tpu.memory_space<hbm>>
      %dma_wait3A_263 = tpu.memref_squeeze %dma_wait3A_262 : memref<1x5x128xi32, #tpu.memory_space<hbm>> -> memref<5x128xi32, #tpu.memory_space<hbm>>
      %dma_wait3A_264 = arith.constant 150 : i32
      %dma_wait3A_265 = arith.constant 0 : i32
      %dma_wait3A_266 = tpu.memref_slice %arg4[%arg1, %dma_wait3A_264, %dma_wait3A_265] : memref<16x160x128xi32, #tpu.memory_space<hbm>> -> memref<1x5x128xi32, #tpu.memory_space<hbm>>
      %dma_wait3A_267 = tpu.memref_squeeze %dma_wait3A_266 : memref<1x5x128xi32, #tpu.memory_space<hbm>> -> memref<5x128xi32, #tpu.memory_space<hbm>>
      tpu.wait_dma2 semaphore(%run_scoped3A : memref<!tpu.dma_semaphore, #tpu.memory_space<semaphore_mem>>) src(%dma_wait3A_267 : memref<5x128xi32, #tpu.memory_space<hbm>>) dst(%arg7 : memref<5x128xi32, #tpu.memory_space<vmem>>)
      tpu.yield
    }) : () -> ()
    %scan3A_232 = arith.constant 0 : i32
    %scan3A_233 = arith.constant 0 : i32
    %scan3A_234 = arith.constant 5 : i32
    %scan3A_235 = arith.addi %scan3A_233, %scan3A_234 : i32
    %scan3A_236 = arith.constant 1 : i32
    %scan3A_237 = scf.for %scan3A_254 = %scan3A_233 to %scan3A_235 step %scan3A_236 iter_args(%scan3A_255 = %scan3A_232) -> (i32)  : i32 {
      %dma_start3A = arith.constant 0 : i32
      %dma_start3A_256 = tpu.memref_slice %arg6[%scan3A_254, %dma_start3A] : memref<5x128xi32, #tpu.memory_space<vmem>> -> memref<1x128xi32, #tpu.memory_space<vmem>>
      %dma_start3A_257 = tpu.memref_squeeze %dma_start3A_256 : memref<1x128xi32, #tpu.memory_space<vmem>> -> memref<128xi32, #tpu.memory_space<vmem>>
      %dma_start3A_258 = arith.constant 0 : i32
      %dma_start3A_259 = arith.constant 0 : i32
      %dma_start3A_260 = tpu.memref_slice %arg10[%dma_start3A_258, %dma_start3A_259] : memref<10240x64xf32, #tpu.memory_space<vmem_shared>> -> memref<10240x64xf32, #tpu.memory_space<vmem_shared>>
      tpu.enqueue_indirect_dma source(%dma_start3A_260 : memref<10240x64xf32, #tpu.memory_space<vmem_shared>>) target(%arg8 : memref<128x64xf32, #tpu.memory_space<vmem>>) offsets(%dma_start3A_257 : memref<128xi32, #tpu.memory_space<vmem>>) semaphore(%arg11 : memref<!tpu.dma_semaphore, #tpu.memory_space<semaphore_mem>>)
      %dma_wait3A = arith.constant 0 : i32
      %dma_wait3A_261 = tpu.memref_slice %arg6[%scan3A_254, %dma_wait3A] : memref<5x128xi32, #tpu.memory_space<vmem>> -> memref<1x128xi32, #tpu.memory_space<vmem>>
      %dma_wait3A_262 = tpu.memref_squeeze %dma_wait3A_261 : memref<1x128xi32, #tpu.memory_space<vmem>> -> memref<128xi32, #tpu.memory_space<vmem>>
      %dma_wait3A_263 = arith.constant 0 : i32
      %dma_wait3A_264 = arith.constant 0 : i32
      %dma_wait3A_265 = tpu.memref_slice %arg10[%dma_wait3A_263, %dma_wait3A_264] : memref<10240x64xf32, #tpu.memory_space<vmem_shared>> -> memref<10240x64xf32, #tpu.memory_space<vmem_shared>>
      tpu.wait_indirect_dma semaphore(%arg11 : memref<!tpu.dma_semaphore, #tpu.memory_space<semaphore_mem>>) src(%dma_wait3A_265 : memref<10240x64xf32, #tpu.memory_space<vmem_shared>>) dst(%arg8 : memref<128x64xf32, #tpu.memory_space<vmem>>)
      "tpu.region"() ({
        %run_scoped3A = tpu.sem_alloc : memref<!tpu.dma_semaphore, #tpu.memory_space<semaphore_mem>>
        %dma_start3A_267 = arith.constant 0 : i32
        %dma_start3A_268 = tpu.memref_slice %arg7[%scan3A_254, %dma_start3A_267] : memref<5x128xi32, #tpu.memory_space<vmem>> -> memref<1x128xi32, #tpu.memory_space<vmem>>
        %dma_start3A_269 = tpu.memref_squeeze %dma_start3A_268 : memref<1x128xi32, #tpu.memory_space<vmem>> -> memref<128xi32, #tpu.memory_space<vmem>>
        %dma_start3A_270 = arith.constant 0 : i32
        %dma_start3A_271 = arith.constant 0 : i32
        %dma_start3A_272 = tpu.memref_slice %arg9[%dma_start3A_270, %dma_start3A_271] : memref<20096x64xf32, #tpu.memory_space<vmem_shared>> -> memref<20096x64xf32, #tpu.memory_space<vmem_shared>>
        tpu.enqueue_indirect_dma source(%arg8 : memref<128x64xf32, #tpu.memory_space<vmem>>) target(%dma_start3A_272 : memref<20096x64xf32, #tpu.memory_space<vmem_shared>>) offsets(%dma_start3A_269 : memref<128xi32, #tpu.memory_space<vmem>>) semaphore(%run_scoped3A : memref<!tpu.dma_semaphore, #tpu.memory_space<semaphore_mem>>) {add = true}
        %dma_wait3A_273 = arith.constant 0 : i32
        %dma_wait3A_274 = tpu.memref_slice %arg7[%scan3A_254, %dma_wait3A_273] : memref<5x128xi32, #tpu.memory_space<vmem>> -> memref<1x128xi32, #tpu.memory_space<vmem>>
        %dma_wait3A_275 = tpu.memref_squeeze %dma_wait3A_274 : memref<1x128xi32, #tpu.memory_space<vmem>> -> memref<128xi32, #tpu.memory_space<vmem>>
        %dma_wait3A_276 = arith.constant 0 : i32
        %dma_wait3A_277 = arith.constant 0 : i32
        %dma_wait3A_278 = tpu.memref_slice %arg9[%dma_wait3A_276, %dma_wait3A_277] : memref<20096x64xf32, #tpu.memory_space<vmem_shared>> -> memref<20096x64xf32, #tpu.memory_space<vmem_shared>>
        tpu.wait_indirect_dma semaphore(%run_scoped3A : memref<!tpu.dma_semaphore, #tpu.memory_space<semaphore_mem>>) src(%arg8 : memref<128x64xf32, #tpu.memory_space<vmem>>) dst(%dma_wait3A_278 : memref<20096x64xf32, #tpu.memory_space<vmem_shared>>)
        tpu.yield
      }) : () -> ()
      %scan3A_266 = arith.constant 0 : i32
      scf.yield %scan3A_266 : i32
    }
    %scan3A_238 = arith.constant 5 : i32
    "tpu.region"() ({
      %run_scoped3A = tpu.sem_alloc : memref<!tpu.dma_semaphore, #tpu.memory_space<semaphore_mem>>
      %dma_start3A = arith.constant 155 : i32
      %dma_start3A_254 = arith.constant 0 : i32
      %dma_start3A_255 = tpu.memref_slice %arg3[%arg1, %dma_start3A, %dma_start3A_254] : memref<16x160x128xi32, #tpu.memory_space<hbm>> -> memref<1x5x128xi32, #tpu.memory_space<hbm>>
      %dma_start3A_256 = tpu.memref_squeeze %dma_start3A_255 : memref<1x5x128xi32, #tpu.memory_space<hbm>> -> memref<5x128xi32, #tpu.memory_space<hbm>>
      %dma_start3A_257 = arith.constant 155 : i32
      %dma_start3A_258 = arith.constant 0 : i32
      %dma_start3A_259 = tpu.memref_slice %arg3[%arg1, %dma_start3A_257, %dma_start3A_258] : memref<16x160x128xi32, #tpu.memory_space<hbm>> -> memref<1x5x128xi32, #tpu.memory_space<hbm>>
      %dma_start3A_260 = tpu.memref_squeeze %dma_start3A_259 : memref<1x5x128xi32, #tpu.memory_space<hbm>> -> memref<5x128xi32, #tpu.memory_space<hbm>>
      tpu.enqueue_dma source(%dma_start3A_260 : memref<5x128xi32, #tpu.memory_space<hbm>>) target(%arg6 : memref<5x128xi32, #tpu.memory_space<vmem>>) target_semaphore(%run_scoped3A : memref<!tpu.dma_semaphore, #tpu.memory_space<semaphore_mem>>)
      %dma_wait3A = arith.constant 155 : i32
      %dma_wait3A_261 = arith.constant 0 : i32
      %dma_wait3A_262 = tpu.memref_slice %arg3[%arg1, %dma_wait3A, %dma_wait3A_261] : memref<16x160x128xi32, #tpu.memory_space<hbm>> -> memref<1x5x128xi32, #tpu.memory_space<hbm>>
      %dma_wait3A_263 = tpu.memref_squeeze %dma_wait3A_262 : memref<1x5x128xi32, #tpu.memory_space<hbm>> -> memref<5x128xi32, #tpu.memory_space<hbm>>
      %dma_wait3A_264 = arith.constant 155 : i32
      %dma_wait3A_265 = arith.constant 0 : i32
      %dma_wait3A_266 = tpu.memref_slice %arg3[%arg1, %dma_wait3A_264, %dma_wait3A_265] : memref<16x160x128xi32, #tpu.memory_space<hbm>> -> memref<1x5x128xi32, #tpu.memory_space<hbm>>
      %dma_wait3A_267 = tpu.memref_squeeze %dma_wait3A_266 : memref<1x5x128xi32, #tpu.memory_space<hbm>> -> memref<5x128xi32, #tpu.memory_space<hbm>>
      tpu.wait_dma2 semaphore(%run_scoped3A : memref<!tpu.dma_semaphore, #tpu.memory_space<semaphore_mem>>) src(%dma_wait3A_267 : memref<5x128xi32, #tpu.memory_space<hbm>>) dst(%arg6 : memref<5x128xi32, #tpu.memory_space<vmem>>)
      tpu.yield
    }) : () -> ()
    "tpu.region"() ({
      %run_scoped3A = tpu.sem_alloc : memref<!tpu.dma_semaphore, #tpu.memory_space<semaphore_mem>>
      %dma_start3A = arith.constant 155 : i32
      %dma_start3A_254 = arith.constant 0 : i32
      %dma_start3A_255 = tpu.memref_slice %arg4[%arg1, %dma_start3A, %dma_start3A_254] : memref<16x160x128xi32, #tpu.memory_space<hbm>> -> memref<1x5x128xi32, #tpu.memory_space<hbm>>
      %dma_start3A_256 = tpu.memref_squeeze %dma_start3A_255 : memref<1x5x128xi32, #tpu.memory_space<hbm>> -> memref<5x128xi32, #tpu.memory_space<hbm>>
      %dma_start3A_257 = arith.constant 155 : i32
      %dma_start3A_258 = arith.constant 0 : i32
      %dma_start3A_259 = tpu.memref_slice %arg4[%arg1, %dma_start3A_257, %dma_start3A_258] : memref<16x160x128xi32, #tpu.memory_space<hbm>> -> memref<1x5x128xi32, #tpu.memory_space<hbm>>
      %dma_start3A_260 = tpu.memref_squeeze %dma_start3A_259 : memref<1x5x128xi32, #tpu.memory_space<hbm>> -> memref<5x128xi32, #tpu.memory_space<hbm>>
      tpu.enqueue_dma source(%dma_start3A_260 : memref<5x128xi32, #tpu.memory_space<hbm>>) target(%arg7 : memref<5x128xi32, #tpu.memory_space<vmem>>) target_semaphore(%run_scoped3A : memref<!tpu.dma_semaphore, #tpu.memory_space<semaphore_mem>>)
      %dma_wait3A = arith.constant 155 : i32
      %dma_wait3A_261 = arith.constant 0 : i32
      %dma_wait3A_262 = tpu.memref_slice %arg4[%arg1, %dma_wait3A, %dma_wait3A_261] : memref<16x160x128xi32, #tpu.memory_space<hbm>> -> memref<1x5x128xi32, #tpu.memory_space<hbm>>
      %dma_wait3A_263 = tpu.memref_squeeze %dma_wait3A_262 : memref<1x5x128xi32, #tpu.memory_space<hbm>> -> memref<5x128xi32, #tpu.memory_space<hbm>>
      %dma_wait3A_264 = arith.constant 155 : i32
      %dma_wait3A_265 = arith.constant 0 : i32
      %dma_wait3A_266 = tpu.memref_slice %arg4[%arg1, %dma_wait3A_264, %dma_wait3A_265] : memref<16x160x128xi32, #tpu.memory_space<hbm>> -> memref<1x5x128xi32, #tpu.memory_space<hbm>>
      %dma_wait3A_267 = tpu.memref_squeeze %dma_wait3A_266 : memref<1x5x128xi32, #tpu.memory_space<hbm>> -> memref<5x128xi32, #tpu.memory_space<hbm>>
      tpu.wait_dma2 semaphore(%run_scoped3A : memref<!tpu.dma_semaphore, #tpu.memory_space<semaphore_mem>>) src(%dma_wait3A_267 : memref<5x128xi32, #tpu.memory_space<hbm>>) dst(%arg7 : memref<5x128xi32, #tpu.memory_space<vmem>>)
      tpu.yield
    }) : () -> ()
    %scan3A_239 = arith.constant 0 : i32
    %scan3A_240 = arith.constant 0 : i32
    %scan3A_241 = arith.constant 5 : i32
    %scan3A_242 = arith.addi %scan3A_240, %scan3A_241 : i32
    %scan3A_243 = arith.constant 1 : i32
    %scan3A_244 = scf.for %scan3A_254 = %scan3A_240 to %scan3A_242 step %scan3A_243 iter_args(%scan3A_255 = %scan3A_239) -> (i32)  : i32 {
      %dma_start3A = arith.constant 0 : i32
      %dma_start3A_256 = tpu.memref_slice %arg6[%scan3A_254, %dma_start3A] : memref<5x128xi32, #tpu.memory_space<vmem>> -> memref<1x128xi32, #tpu.memory_space<vmem>>
      %dma_start3A_257 = tpu.memref_squeeze %dma_start3A_256 : memref<1x128xi32, #tpu.memory_space<vmem>> -> memref<128xi32, #tpu.memory_space<vmem>>
      %dma_start3A_258 = arith.constant 0 : i32
      %dma_start3A_259 = arith.constant 0 : i32
      %dma_start3A_260 = tpu.memref_slice %arg10[%dma_start3A_258, %dma_start3A_259] : memref<10240x64xf32, #tpu.memory_space<vmem_shared>> -> memref<10240x64xf32, #tpu.memory_space<vmem_shared>>
      tpu.enqueue_indirect_dma source(%dma_start3A_260 : memref<10240x64xf32, #tpu.memory_space<vmem_shared>>) target(%arg8 : memref<128x64xf32, #tpu.memory_space<vmem>>) offsets(%dma_start3A_257 : memref<128xi32, #tpu.memory_space<vmem>>) semaphore(%arg11 : memref<!tpu.dma_semaphore, #tpu.memory_space<semaphore_mem>>)
      %dma_wait3A = arith.constant 0 : i32
      %dma_wait3A_261 = tpu.memref_slice %arg6[%scan3A_254, %dma_wait3A] : memref<5x128xi32, #tpu.memory_space<vmem>> -> memref<1x128xi32, #tpu.memory_space<vmem>>
      %dma_wait3A_262 = tpu.memref_squeeze %dma_wait3A_261 : memref<1x128xi32, #tpu.memory_space<vmem>> -> memref<128xi32, #tpu.memory_space<vmem>>
      %dma_wait3A_263 = arith.constant 0 : i32
      %dma_wait3A_264 = arith.constant 0 : i32
      %dma_wait3A_265 = tpu.memref_slice %arg10[%dma_wait3A_263, %dma_wait3A_264] : memref<10240x64xf32, #tpu.memory_space<vmem_shared>> -> memref<10240x64xf32, #tpu.memory_space<vmem_shared>>
      tpu.wait_indirect_dma semaphore(%arg11 : memref<!tpu.dma_semaphore, #tpu.memory_space<semaphore_mem>>) src(%dma_wait3A_265 : memref<10240x64xf32, #tpu.memory_space<vmem_shared>>) dst(%arg8 : memref<128x64xf32, #tpu.memory_space<vmem>>)
      "tpu.region"() ({
        %run_scoped3A = tpu.sem_alloc : memref<!tpu.dma_semaphore, #tpu.memory_space<semaphore_mem>>
        %dma_start3A_267 = arith.constant 0 : i32
        %dma_start3A_268 = tpu.memref_slice %arg7[%scan3A_254, %dma_start3A_267] : memref<5x128xi32, #tpu.memory_space<vmem>> -> memref<1x128xi32, #tpu.memory_space<vmem>>
        %dma_start3A_269 = tpu.memref_squeeze %dma_start3A_268 : memref<1x128xi32, #tpu.memory_space<vmem>> -> memref<128xi32, #tpu.memory_space<vmem>>
        %dma_start3A_270 = arith.constant 0 : i32
        %dma_start3A_271 = arith.constant 0 : i32
        %dma_start3A_272 = tpu.memref_slice %arg9[%dma_start3A_270, %dma_start3A_271] : memref<20096x64xf32, #tpu.memory_space<vmem_shared>> -> memref<20096x64xf32, #tpu.memory_space<vmem_shared>>
        tpu.enqueue_indirect_dma source(%arg8 : memref<128x64xf32, #tpu.memory_space<vmem>>) target(%dma_start3A_272 : memref<20096x64xf32, #tpu.memory_space<vmem_shared>>) offsets(%dma_start3A_269 : memref<128xi32, #tpu.memory_space<vmem>>) semaphore(%run_scoped3A : memref<!tpu.dma_semaphore, #tpu.memory_space<semaphore_mem>>) {add = true}
        %dma_wait3A_273 = arith.constant 0 : i32
        %dma_wait3A_274 = tpu.memref_slice %arg7[%scan3A_254, %dma_wait3A_273] : memref<5x128xi32, #tpu.memory_space<vmem>> -> memref<1x128xi32, #tpu.memory_space<vmem>>
        %dma_wait3A_275 = tpu.memref_squeeze %dma_wait3A_274 : memref<1x128xi32, #tpu.memory_space<vmem>> -> memref<128xi32, #tpu.memory_space<vmem>>
        %dma_wait3A_276 = arith.constant 0 : i32
        %dma_wait3A_277 = arith.constant 0 : i32
        %dma_wait3A_278 = tpu.memref_slice %arg9[%dma_wait3A_276, %dma_wait3A_277] : memref<20096x64xf32, #tpu.memory_space<vmem_shared>> -> memref<20096x64xf32, #tpu.memory_space<vmem_shared>>
        tpu.wait_indirect_dma semaphore(%run_scoped3A : memref<!tpu.dma_semaphore, #tpu.memory_space<semaphore_mem>>) src(%arg8 : memref<128x64xf32, #tpu.memory_space<vmem>>) dst(%dma_wait3A_278 : memref<20096x64xf32, #tpu.memory_space<vmem_shared>>)
        tpu.yield
      }) : () -> ()
      %scan3A_266 = arith.constant 0 : i32
      scf.yield %scan3A_266 : i32
    }
    %scan3A_245 = arith.constant 5 : i32
    %barrier3A_246 = arith.constant 0 : index
    tpu.barrier barrier_id(%barrier3A_246)
    %scan3A_247 = arith.constant 0 : i32
    %scan3A_248 = arith.constant 0 : i32
    %scan3A_249 = arith.constant 5 : i32
    %scan3A_250 = arith.addi %scan3A_248, %scan3A_249 : i32
    %scan3A_251 = arith.constant 1 : i32
    %scan3A_252 = scf.for %scan3A_254 = %scan3A_248 to %scan3A_250 step %scan3A_251 iter_args(%scan3A_255 = %scan3A_247) -> (i32)  : i32 {
      %mul3A_256 = arith.constant 256 : i32
      %mul3A_257 = arith.muli %scan3A_254, %mul3A_256 : i32
      %min3A = arith.constant 1000 : i32
      %min3A_258 = arith.minsi %mul3A_257, %min3A : i32
      %add3A = arith.addi %mul3A_14, %min3A_258 : i32
      "tpu.region"() ({
        %run_scoped3A = tpu.sem_alloc : memref<!tpu.dma_semaphore, #tpu.memory_space<semaphore_mem>>
        %dma_start3A = arith.constant 0 : i32
        %dma_start3A_260 = tpu.memref_slice %arg5[%arg0, %add3A, %dma_start3A] : memref<2x20096x64xf32, #tpu.memory_space<hbm>> -> memref<1x256x64xf32, #tpu.memory_space<hbm>>
        %dma_start3A_261 = tpu.memref_squeeze %dma_start3A_260 : memref<1x256x64xf32, #tpu.memory_space<hbm>> -> memref<256x64xf32, #tpu.memory_space<hbm>>
        %dma_start3A_262 = arith.constant 0 : i32
        %dma_start3A_263 = tpu.memref_slice %arg9[%add3A, %dma_start3A_262] : memref<20096x64xf32, #tpu.memory_space<vmem_shared>> -> memref<256x64xf32, #tpu.memory_space<vmem_shared>>
        tpu.enqueue_dma source(%dma_start3A_263 : memref<256x64xf32, #tpu.memory_space<vmem_shared>>) target(%dma_start3A_261 : memref<256x64xf32, #tpu.memory_space<hbm>>) target_semaphore(%run_scoped3A : memref<!tpu.dma_semaphore, #tpu.memory_space<semaphore_mem>>)
        %dma_wait3A = arith.constant 0 : i32
        %dma_wait3A_264 = tpu.memref_slice %arg5[%arg0, %add3A, %dma_wait3A] : memref<2x20096x64xf32, #tpu.memory_space<hbm>> -> memref<1x256x64xf32, #tpu.memory_space<hbm>>
        %dma_wait3A_265 = tpu.memref_squeeze %dma_wait3A_264 : memref<1x256x64xf32, #tpu.memory_space<hbm>> -> memref<256x64xf32, #tpu.memory_space<hbm>>
        %dma_wait3A_266 = arith.constant 0 : i32
        %dma_wait3A_267 = tpu.memref_slice %arg9[%add3A, %dma_wait3A_266] : memref<20096x64xf32, #tpu.memory_space<vmem_shared>> -> memref<256x64xf32, #tpu.memory_space<vmem_shared>>
        tpu.wait_dma2 semaphore(%run_scoped3A : memref<!tpu.dma_semaphore, #tpu.memory_space<semaphore_mem>>) src(%dma_wait3A_267 : memref<256x64xf32, #tpu.memory_space<vmem_shared>>) dst(%dma_wait3A_265 : memref<256x64xf32, #tpu.memory_space<hbm>>)
        tpu.yield
      }) : () -> ()
      %scan3A_259 = arith.constant 0 : i32
      scf.yield %scan3A_259 : i32
    }
    %scan3A_253 = arith.constant 5 : i32
    return
  }
}

module attributes {stable_mosaic.version = 14 : i64} {
  func.func @body(%arg0: i32, %arg1: memref<1000x128xf32, #tpu.memory_space<vmem>>, %arg2: memref<1x1000x64xf32, #tpu.memory_space<vmem>>, %arg3: memref<1x1000x64xf32, #tpu.memory_space<vmem>>, %arg4: memref<1x1000x64xf32, #tpu.memory_space<vmem>>, %arg5: memref<1x1000x64xf32, #tpu.memory_space<vmem>>, %arg6: memref<2x128x128xf32, #tpu.memory_space<vmem>>, %arg7: memref<128x128xf32, #tpu.memory_space<vmem>>, %arg8: memref<1x128xf32, #tpu.memory_space<vmem>>, %arg9: memref<1000x128xf32, #tpu.memory_space<vmem>>) attributes {dimension_semantics = [#tpu.dimension_semantics<arbitrary>], iteration_bounds = array<i64: 10>, scalar_prefetch = 0 : i64, scratch_operands = 0 : i64, tpu.core_type = #tpu.core_type<tc>, window_params = [{transform_indices = @transform_0, window_bounds = array<i64: 1000, 128>}, {transform_indices = @transform_1, window_bounds = array<i64: 1, 1000, 64>}, {transform_indices = @transform_2, window_bounds = array<i64: 1, 1000, 64>}, {transform_indices = @transform_3, window_bounds = array<i64: 1, 1000, 64>}, {transform_indices = @transform_4, window_bounds = array<i64: 1, 1000, 64>}, {pipeline_mode = #tpu.pipeline_mode<synchronous>, transform_indices = @transform_5, window_bounds = array<i64: 2, 128, 128>}, {pipeline_mode = #tpu.pipeline_mode<synchronous>, transform_indices = @transform_6, window_bounds = array<i64: 128, 128>}, {pipeline_mode = #tpu.pipeline_mode<synchronous>, transform_indices = @transform_7, window_bounds = array<i64: 1, 128>}, {transform_indices = @transform_8, window_bounds = array<i64: 1000, 128>}]} {
    %get3A = arith.constant 0 : index
    %get3A_0 = arith.constant 0 : index
    %get3A_1 = vector.load %arg1[%get3A, %get3A_0] : memref<1000x128xf32, #tpu.memory_space<vmem>>, vector<1000x128xf32>
    %get3A_2 = arith.constant 0 : index
    %get3A_3 = arith.constant 0 : index
    %get3A_4 = vector.load %arg7[%get3A_2, %get3A_3] : memref<128x128xf32, #tpu.memory_space<vmem>>, vector<128x128xf32>
    %dot_general3A = arith.constant dense<0.000000e+00> : vector<1000x128xf32>
    %dot_general3A_5 = tpu.matmul %get3A_1, %get3A_4, %dot_general3A {dimension_numbers = #tpu.dot_dimension_numbers<[1], [0], [0], [1], [0, 0, 1, 1], [], []>, transpose_lhs_hint = false} : vector<1000x128xf32>, vector<128x128xf32>, vector<1000x128xf32> -> vector<1000x128xf32>
    %get3A_6 = arith.constant 0 : index
    %get3A_7 = arith.constant 0 : index
    %get3A_8 = arith.constant 0 : index
    %get3A_9 = vector.load %arg2[%get3A_6, %get3A_7, %get3A_8] : memref<1x1000x64xf32, #tpu.memory_space<vmem>>, vector<1x1000x64xf32>
    %get3A_10 = vector.shape_cast %get3A_9 : vector<1x1000x64xf32> to vector<1000x64xf32>
    %get3A_11 = arith.constant 0 : index
    %get3A_12 = arith.constant 0 : index
    %get3A_13 = arith.constant 0 : index
    %get3A_14 = vector.load %arg6[%get3A_11, %get3A_12, %get3A_13] : memref<2x128x128xf32, #tpu.memory_space<vmem>>, vector<1x64x128xf32>
    %get3A_15 = vector.shape_cast %get3A_14 : vector<1x64x128xf32> to vector<64x128xf32>
    %dot_general3A_16 = arith.constant dense<0.000000e+00> : vector<1000x128xf32>
    %dot_general3A_17 = tpu.matmul %get3A_10, %get3A_15, %dot_general3A_16 {dimension_numbers = #tpu.dot_dimension_numbers<[1], [0], [0], [1], [0, 0, 1, 1], [], []>, transpose_lhs_hint = false} : vector<1000x64xf32>, vector<64x128xf32>, vector<1000x128xf32> -> vector<1000x128xf32>
    %add3A = arith.addf %dot_general3A_5, %dot_general3A_17 : vector<1000x128xf32>
    %get3A_18 = arith.constant 0 : index
    %get3A_19 = arith.constant 0 : index
    %get3A_20 = arith.constant 0 : index
    %get3A_21 = vector.load %arg4[%get3A_18, %get3A_19, %get3A_20] : memref<1x1000x64xf32, #tpu.memory_space<vmem>>, vector<1x1000x64xf32>
    %get3A_22 = vector.shape_cast %get3A_21 : vector<1x1000x64xf32> to vector<1000x64xf32>
    %get3A_23 = arith.constant 0 : index
    %get3A_24 = arith.constant 64 : index
    %get3A_25 = arith.constant 0 : index
    %get3A_26 = vector.load %arg6[%get3A_23, %get3A_24, %get3A_25] : memref<2x128x128xf32, #tpu.memory_space<vmem>>, vector<1x64x128xf32>
    %get3A_27 = vector.shape_cast %get3A_26 : vector<1x64x128xf32> to vector<64x128xf32>
    %dot_general3A_28 = arith.constant dense<0.000000e+00> : vector<1000x128xf32>
    %dot_general3A_29 = tpu.matmul %get3A_22, %get3A_27, %dot_general3A_28 {dimension_numbers = #tpu.dot_dimension_numbers<[1], [0], [0], [1], [0, 0, 1, 1], [], []>, transpose_lhs_hint = false} : vector<1000x64xf32>, vector<64x128xf32>, vector<1000x128xf32> -> vector<1000x128xf32>
    %add3A_30 = arith.addf %add3A, %dot_general3A_29 : vector<1000x128xf32>
    %get3A_31 = arith.constant 0 : index
    %get3A_32 = arith.constant 0 : index
    %get3A_33 = arith.constant 0 : index
    %get3A_34 = vector.load %arg3[%get3A_31, %get3A_32, %get3A_33] : memref<1x1000x64xf32, #tpu.memory_space<vmem>>, vector<1x1000x64xf32>
    %get3A_35 = vector.shape_cast %get3A_34 : vector<1x1000x64xf32> to vector<1000x64xf32>
    %get3A_36 = arith.constant 1 : index
    %get3A_37 = arith.constant 0 : index
    %get3A_38 = arith.constant 0 : index
    %get3A_39 = vector.load %arg6[%get3A_36, %get3A_37, %get3A_38] : memref<2x128x128xf32, #tpu.memory_space<vmem>>, vector<1x64x128xf32>
    %get3A_40 = vector.shape_cast %get3A_39 : vector<1x64x128xf32> to vector<64x128xf32>
    %dot_general3A_41 = arith.constant dense<0.000000e+00> : vector<1000x128xf32>
    %dot_general3A_42 = tpu.matmul %get3A_35, %get3A_40, %dot_general3A_41 {dimension_numbers = #tpu.dot_dimension_numbers<[1], [0], [0], [1], [0, 0, 1, 1], [], []>, transpose_lhs_hint = false} : vector<1000x64xf32>, vector<64x128xf32>, vector<1000x128xf32> -> vector<1000x128xf32>
    %add3A_43 = arith.addf %add3A_30, %dot_general3A_42 : vector<1000x128xf32>
    %get3A_44 = arith.constant 0 : index
    %get3A_45 = arith.constant 0 : index
    %get3A_46 = arith.constant 0 : index
    %get3A_47 = vector.load %arg5[%get3A_44, %get3A_45, %get3A_46] : memref<1x1000x64xf32, #tpu.memory_space<vmem>>, vector<1x1000x64xf32>
    %get3A_48 = vector.shape_cast %get3A_47 : vector<1x1000x64xf32> to vector<1000x64xf32>
    %get3A_49 = arith.constant 1 : index
    %get3A_50 = arith.constant 64 : index
    %get3A_51 = arith.constant 0 : index
    %get3A_52 = vector.load %arg6[%get3A_49, %get3A_50, %get3A_51] : memref<2x128x128xf32, #tpu.memory_space<vmem>>, vector<1x64x128xf32>
    %get3A_53 = vector.shape_cast %get3A_52 : vector<1x64x128xf32> to vector<64x128xf32>
    %dot_general3A_54 = arith.constant dense<0.000000e+00> : vector<1000x128xf32>
    %dot_general3A_55 = tpu.matmul %get3A_48, %get3A_53, %dot_general3A_54 {dimension_numbers = #tpu.dot_dimension_numbers<[1], [0], [0], [1], [0, 0, 1, 1], [], []>, transpose_lhs_hint = false} : vector<1000x64xf32>, vector<64x128xf32>, vector<1000x128xf32> -> vector<1000x128xf32>
    %add3A_56 = arith.addf %add3A_43, %dot_general3A_55 : vector<1000x128xf32>
    %get3A_57 = arith.constant 0 : index
    %get3A_58 = arith.constant 0 : index
    %get3A_59 = vector.load %arg8[%get3A_57, %get3A_58] : memref<1x128xf32, #tpu.memory_space<vmem>>, vector<1x128xf32>
    %add3A_60 = vector.broadcast %get3A_59 : vector<1x128xf32> to vector<1000x128xf32>
    %add3A_61 = arith.addf %add3A_56, %add3A_60 : vector<1000x128xf32>
    %swap3A = arith.constant 0 : index
    %swap3A_62 = arith.constant 0 : index
    %swap3A_63 = vector.load %arg9[%swap3A, %swap3A_62] : memref<1000x128xf32, #tpu.memory_space<vmem>>, vector<1000x128xf32>
    tpu.vector_store %arg9[%swap3A, %swap3A_62], %add3A_61 {strides = array<i32>} : memref<1000x128xf32, #tpu.memory_space<vmem>>, vector<1000x128xf32>,
    return
  }
  func.func @transform_0(%arg0: i32) -> (i32, i32) {
    %c0_i32 = arith.constant 0 : i32
    %c0_i32_0 = arith.constant 0 : i32
    return %arg0, %c0_i32 : i32, i32
  }
  func.func @transform_1(%arg0: i32) -> (i32, i32, i32) {
    %add3A = arith.constant 0 : i32
    %add3A_0 = arith.addi %arg0, %add3A : i32
    %c0_i32 = arith.constant 0 : i32
    %c0_i32_1 = arith.constant 0 : i32
    %c0_i32_2 = arith.constant 0 : i32
    return %c0_i32, %add3A_0, %c0_i32_1 : i32, i32, i32
  }
  func.func @transform_2(%arg0: i32) -> (i32, i32, i32) {
    %add3A = arith.constant 10 : i32
    %add3A_0 = arith.addi %arg0, %add3A : i32
    %c0_i32 = arith.constant 0 : i32
    %c0_i32_1 = arith.constant 0 : i32
    %c0_i32_2 = arith.constant 0 : i32
    return %c0_i32, %add3A_0, %c0_i32_1 : i32, i32, i32
  }
  func.func @transform_3(%arg0: i32) -> (i32, i32, i32) {
    %add3A = arith.constant 0 : i32
    %add3A_0 = arith.addi %arg0, %add3A : i32
    %c1_i32 = arith.constant 1 : i32
    %c0_i32 = arith.constant 0 : i32
    %c0_i32_1 = arith.constant 0 : i32
    return %c1_i32, %add3A_0, %c0_i32 : i32, i32, i32
  }
  func.func @transform_4(%arg0: i32) -> (i32, i32, i32) {
    %add3A = arith.constant 10 : i32
    %add3A_0 = arith.addi %arg0, %add3A : i32
    %c1_i32 = arith.constant 1 : i32
    %c0_i32 = arith.constant 0 : i32
    %c0_i32_1 = arith.constant 0 : i32
    return %c1_i32, %add3A_0, %c0_i32 : i32, i32, i32
  }
  func.func @transform_5(%arg0: i32) -> (i32, i32, i32) {
    %c0_i32 = arith.constant 0 : i32
    %c0_i32_0 = arith.constant 0 : i32
    %c0_i32_1 = arith.constant 0 : i32
    %c0_i32_2 = arith.constant 0 : i32
    return %c0_i32, %c0_i32_0, %c0_i32_1 : i32, i32, i32
  }
  func.func @transform_6(%arg0: i32) -> (i32, i32) {
    %c0_i32 = arith.constant 0 : i32
    %c0_i32_0 = arith.constant 0 : i32
    %c0_i32_1 = arith.constant 0 : i32
    return %c0_i32, %c0_i32_0 : i32, i32
  }
  func.func @transform_7(%arg0: i32) -> (i32, i32) {
    %c0_i32 = arith.constant 0 : i32
    %c0_i32_0 = arith.constant 0 : i32
    %c0_i32_1 = arith.constant 0 : i32
    return %c0_i32, %c0_i32_0 : i32, i32
  }
  func.func @transform_8(%arg0: i32) -> (i32, i32) {
    %c0_i32 = arith.constant 0 : i32
    %c0_i32_0 = arith.constant 0 : i32
    return %arg0, %c0_i32 : i32, i32
  }
}

</mosaic_0001>

<sc_bundles>
// kernel: kernel.4.cloned.1.call-start
scs
__scs_entry_jumppad:
0x0: {  	(pc) =	sbr.rel $0x88, $3  }
0x1: {  	(tag) =	ssettag $0x0;
	lr =	simm.s32 $0x1  }
0x2: {  	[smem:$0x3F9B] =	sst lr;
	_ =	strace $0xD0000000  }
0x3: {  	_ = 	snop  }
0x4: {  	_ = 	snop  }
0x5: {  	_ = 	snop  }
0x6: {  	_ = 	snop  }
0x7: {  	_ = 	snop  }
__scs_overlays_trampoline_lowered:
0x8: {  	[smem:$0x3FAA] =	sst s0  }
0x9: {  	[smem:$0x3FAB] =	sst s1  }
0xa: {  	[smem:$0x3FAC] =	sst s2  }
0xb: {  	[smem:$0x3FAD] =	sst s3  }
0xc: {  	[smem:$0x3FAE] =	sst s4  }
0xd: {  	[smem:$0x3FAF] =	sst s5  }
0xe: {  	[smem:$0x3FB0] =	sst s6  }
0xf: {  	[smem:$0x3FB1] =	sst s7  }
0x10: {  	[smem:$0x3FB2] =	sst s8  }
0x11: {  	[smem:$0x3FB3] =	sst s9;
	s0 =	simm.s32 @!p0 $0x0  }
0x12: {  	s1 =	sld [smem:$0x3F99];
	s0 =	simm.s32 @p0 $0x1  }
0x13: {  	[smem:$0x3FB4] =	sst s0;
	s0 =	simm.s32 @!p1 $0x0  }
0x14: {  	s2 =	sld [smem:$0x3F98];
	s0 =	simm.s32 @p1 $0x1  }
0x15: {  	[smem:$0x3FB5] =	sst s0;
	s0 =	simm.s32 @!p2 $0x0  }
0x16: {  	s3 =	sld [smem:$0x3FDB];
	s0 =	simm.s32 @p2 $0x1  }
0x17: {  	s4 =	simm.s32 $0x1BF5;
	[smem:$0x3FB7] =	sst s0  }
0x18: {  	s0 =	sld [smem:$0x3F9A];
	_ =	swait.ge [sflag:s4], $0x0  }
0x19: {  	s7 =	sld [smem:$0x3F9B]  }
0x1a: {  	s8 =	sadd.s32 $0xFFFFE003, lr  }
0x1b: {  	s9 =	sadd.s32 $0xFFFFFEF7, lr;
	s5 =	simm.s32 $0xFFFFFFFF;
	p2 =	slt.u32 s8, $0xFFFFF086  }
0x1c: {  	p1 =	slt.u32 s9, $0xF7A;
	s5 =	simm.s32 @!p2 $0x0  }
0x1d: {  	s5 =	simm.s32 @p1 $0x1;
	p0 =	seq.s32 s7, s2  }
0x1e: {  	s7 =	smul.u32 @!p0 $0xF7A, s2;
	p2 =	seq.s32 @!p0 s5, $0x0  }
0x1f: {  	s9 =	smul.u32 $0xF7A, s1;
	s8 =	simm.s32 @!p0 $0x1BF5;
	p2 =	por !p2, p0  }
0x20: {  	[sflag:s8] =	ssyncset.s32 @!p0 $0xFFFFF086;
	s6 =	sadd.s32 @!p0 s3, s7;
	s7 =	simm.s32 @!p0 $0x108  }
0x21: {  	s3 =	sadd.s32 s3, s9;
	s6 =	sadd.s32 @!p0 $0x88, s6;
	s7 =	simm.s32 @p2 $0x1082  }
0x22: {  	[simem:s7], [sflag:s8] =	dma.local @!p0 [hbm:s6], $0xF7A  }
0x23: {  	s9 =	sor.u32 $0xD0000000, s2;
	s6 =	simm.s32 $0x108;
	_ =	swait.ge @!p0 [sflag:s8], $0x0  }
0x24: {  	s3 =	sadd.s32 $0x88, s3;
	s6 =	simm.s32 @!p1 $0x1082;
	[sflag:s4] =	ssyncset.s32 $0xFFFFF086  }
0x25: {  	[simem:s6], [sflag:s4] =	dma.local [hbm:s3], $0xF7A  }
0x26: {  	[smem:$0x3F9B] =	sst s1;
	(tag) =	ssettag s2;
	_ =	strace s9  }
0x27: {  	s1 =	sld [smem:$0x3FAB]  }
0x28: {  	s2 =	sld [smem:$0x3FAC]  }
0x29: {  	s4 =	sld [smem:$0x3FAE]  }
0x2a: {  	p0 =	seq.s32 s5, $0x0;
	s5 =	sld [smem:$0x3FAF]  }
0x2b: {  	s6 =	sld [smem:$0x3FB0]  }
0x2c: {  	s7 =	sld [smem:$0x3FB1]  }
0x2d: {  	s3 =	simm.s32 $0x108;
	s8 =	sld [smem:$0x3FB2]  }
0x2e: {  	s3 =	simm.s32 @!p0 $0x1082;
	s9 =	sld [smem:$0x3FB3]  }
0x2f: {  	lr =	sadd.s32 s0, s3;
	s0 =	sld [smem:$0x3FAA]  }
0x30: {  	s3 =	sld [smem:$0x3FAD]  }
0x31: {  	[smem:$0x3FB6] =	sst s10  }
0x32: {  	s10 =	sld [smem:$0x3FB4];
	_ =	sdelay $0x3  }
0x33: {  	p0 =	seq.s32 s10, $0x1;
	s10 =	sld [smem:$0x3FB6];
	_ =	sdelay $0x3  }
0x34: {  	[smem:$0x3FB6] =	sst s10  }
0x35: {  	s10 =	sld [smem:$0x3FB5];
	_ =	sdelay $0x3  }
0x36: {  	p1 =	seq.s32 s10, $0x1;
	s10 =	sld [smem:$0x3FB6];
	_ =	sdelay $0x3  }
0x37: {  	[smem:$0x3FB6] =	sst s10  }
0x38: {  	s10 =	sld [smem:$0x3FB7]  }
0x39: {  	_ = 	snop;
	(pc) =	sbr.ind lr, $3  }
0x3a: {  	_ = 	snop  }
0x3b: {  	_ = 	snop  }
0x3c: {  	p2 =	seq.s32 s10, $0x1;
	s10 =	sld [smem:$0x3FB6]  }
0x3d: {  	_ =	shalt  }
0x3e: {  	_ =	shalt  }
0x3f: {  	_ =	shalt  }
0x40: {  	_ =	shalt  }
0x41: {  	_ =	shalt  }
0x42: {  	_ =	shalt  }
0x43: {  	_ =	shalt  }
0x44: {  	_ =	shalt  }
0x45: {  	_ =	shalt  }
0x46: {  	_ =	shalt  }
0x47: {  	_ =	shalt  }
0x48: {  	_ =	shalt  }
0x49: {  	_ =	shalt  }
0x4a: {  	_ =	shalt  }
0x4b: {  	_ =	shalt  }
0x4c: {  	_ =	shalt  }
0x4d: {  	_ =	shalt  }
0x4e: {  	_ =	shalt  }
0x4f: {  	_ =	shalt  }
0x50: {  	_ =	shalt  }
0x51: {  	_ =	shalt  }
0x52: {  	_ =	shalt  }
0x53: {  	_ =	shalt  }
0x54: {  	_ =	shalt  }
0x55: {  	_ =	shalt  }
0x56: {  	_ =	shalt  }
0x57: {  	_ =	shalt  }
0x58: {  	_ =	shalt  }
0x59: {  	_ =	shalt  }
0x5a: {  	_ =	shalt  }
0x5b: {  	_ =	shalt  }
0x5c: {  	_ =	shalt  }
0x5d: {  	_ =	shalt  }
0x5e: {  	_ =	shalt  }
0x5f: {  	_ =	shalt  }
0x60: {  	_ =	shalt  }
0x61: {  	_ =	shalt  }
0x62: {  	_ =	shalt  }
0x63: {  	_ =	shalt  }
0x64: {  	_ =	shalt  }
0x65: {  	_ =	shalt  }
0x66: {  	_ =	shalt  }
0x67: {  	_ =	shalt  }
0x68: {  	_ =	shalt  }
0x69: {  	_ =	shalt  }
0x6a: {  	_ =	shalt  }
0x6b: {  	_ =	shalt  }
0x6c: {  	_ =	shalt  }
0x6d: {  	_ =	shalt  }
0x6e: {  	_ =	shalt  }
0x6f: {  	_ =	shalt  }
0x70: {  	_ =	shalt  }
0x71: {  	_ =	shalt  }
0x72: {  	_ =	shalt  }
0x73: {  	_ =	shalt  }
0x74: {  	_ =	shalt  }
0x75: {  	_ =	shalt  }
0x76: {  	_ =	shalt  }
0x77: {  	_ =	shalt  }
0x78: {  	_ =	shalt  }
0x79: {  	_ =	shalt  }
0x7a: {  	_ =	shalt  }
0x7b: {  	_ =	shalt  }
0x7c: {  	_ =	shalt  }
0x7d: {  	_ =	shalt  }
0x7e: {  	_ =	shalt  }
0x7f: {  	_ =	shalt  }
0x80: {  	_ =	shalt  }
0x81: {  	_ =	shalt  }
0x82: {  	_ =	shalt  }
0x83: {  	_ =	shalt  }
0x84: {  	_ =	shalt  }
0x85: {  	_ =	shalt  }
0x86: {  	_ =	shalt  }
0x87: {  	_ =	shalt  }
.Lfunc_end0:
.L_simem_size_0:
called_computation_lowered:
.L_overlay_start_0:
0x88: {  	s2 =	sld [smem:$0x3FD9]  }
0x89: {  	s3 =	sld [smem:$0x3FFE];
	_ =	sdelay $0x1  }
0x8a: {  	s1 =	srdreg.scid  }
0x8b: {  	s0 =	sand.u32 $0x1, s1  }
0x8c: {  	s17 =	sshll.u32 s0, $0xA;
	s2 =	sadd.s32 s3, s2  }
0x8d: {  	s2 =	sadd.s32 s2, s17  }
0x8e: {  	[smem:$0x3FC2] =	sst s2  }
0x8f: {  	_ = 	snop  }
0x90: {  	s2 =	sld [smem:$0x3FD0];
	(tm) =	ssettm $0x1  }
0x91: {  	s18 =	sld [smem:$0x3FFB];
	_ =	sdelay $0x3  }
0x92: {  	_ =	strace s18  }
0x93: {  	s3 =	sld [smem:$0x3FFC];
	_ =	sdelay $0x3  }
0x94: {  	_ =	strace s3  }
0x95: {  	s3 =	sld [smem:$0x3FFD];
	_ =	sdelay $0x3  }
0x96: {  	_ =	strace s3  }
0x97: {  	_ =	strace $0x8FFFFFFF  }
0x98: {  	s19 =	sld [smem:$0x3FDB];
	_ =	sdelay $0x1  }
0x99: {  	s4 =	simm.s32 $_scs_section_size  }
0x9a: {  	s5 =	simm.s32 $_size__tile_overlayer_lowered;
	s6 =	simm.s32 $_tile_overlayer_lowered  }
0x9b: {  	s22 =	simm.s32 $0x1BFF;
	s21 =	sshll.u32 s6, $0x1;
	s3 =	sadd.s32 s4, s19  }
0x9c: {  	s7 =	simm.s32 $0x0;
	s20 =	sshll.u32 s5, $0x1;
	s5 =	sadd.s32 s21, s3  }
0x9d: {  	[timem:s7], [sflag:s22] =	dma.local [hbm:s5], s20  }
0x9e: {  	_ =	swait.ge [sflag:s22], s20  }
0x9f: {  	s4 =	ssub.s32 $0x0, s20;
	[sflag:s22] =	ssyncset.done $0x0  }
0xa0: {  	[sflag:s22] =	ssyncadd.s32 s4;
	_ =	sdelay $0x1  }
0xa1: {  	s23 =	simm.s32 $0x1B8B  }
0xa2: {  	_ =	swait.ge [sflag:s23], $0x1  }
0xa3: {  	[sflag:s23] =	ssyncset.done $0x0  }
0xa4: {  	s25 =	simm.s32 $0x1B8E;
	s24 =	sld [smem:$0x3FFE];
	[sflag:s23] =	ssyncadd.s32 $0xFFFFFFFF  }
0xa5: {  	s26 =	simm.s32 $execute0_lowered;
	[smem:$0x3FD2] =	sst s25  }
0xa6: {  	s5 =	sshll.u32 s26, $0x1;
	_ =	strace $0x80000046;
	[dreg:$0x1] =	wrdreg $0xFFFFFFFF  }
0xa7: {  	s28 =	simm.s32 $_size_execute0_lowered;
	s3 =	sadd.s32 s3, s5;
	[dreg:$0x0] =	wrdreg $0x0  }
0xa8: {  	s5 =	sshll.u32 s28, $0x1;
	[dreg:$0x2] =	wrdreg s3  }
0xa9: {  	[dreg:$0x3] =	wrdreg s5  }
0xaa: {  	[dreg:$0x4] =	wrdreg $0xC0  }
0xab: {  	_ =	task [dreg:s7], $0x5FFFF  }
0xac: {  	[dreg:$0x1] =	wrdreg $0xFFFFFFFF  }
0xad: {  	[dreg:$0x0] =	wrdreg $0x60  }
0xae: {  	[dreg:$0x2] =	wrdreg s2  }
0xaf: {  	[dreg:$0x3] =	wrdreg s24  }
0xb0: {  	[dreg:$0x4] =	wrdreg $0x15F000  }
0xb1: {  	[dreg:$0x5] =	wrdreg $0x25000  }
0xb2: {  	[dreg:$0x6] =	wrdreg $0x9  }
0xb3: {  	_ =	task.clear_ibuf [dreg:s7], $0x7FFFF;
	_ =	strace $0x90000046  }
0xb4: {  	s29 =	simm.s32 $0x9;
	_ =	strace $0x80000048  }
0xb5: {  	_ =	swait.ge [sflag:s29], $0x1  }
0xb6: {  	[sflag:s29] =	ssyncadd.s32 $0xFFFFFFFF  }
0xb7: {  	_ =	strace $0x90000048  }
0xb8: {  	_ =	sfence  }
0xb9: {  	s30 =	sld [smem:$0x0];
	_ =	sdelay $0x2  }
0xba: {  	s31 =	sshll.u32 s1, $0xD;
	s1 =	sshrl.u32 s1, $0x2  }
0xbb: {  	s3 =	sand.u32 $0x4000, s31;
	s1 =	sadd.s32 s1, s30  }
0xbc: {  	s0 =	sor.u32 s3, s0;
	s1 =	sshll.u32 s1, $0x11  }
0xbd: {  	s0 =	sor.u32 s1, s0  }
0xbe: {  	s0 =	sadd.s32 $0x8F2B, s0  }
0xbf: {  	[sflag:s0] =	ssyncadd.remote.s32 $0x1  }
0xc0: {  	_ =	sfence.sel $0xFFFF  }
0xc1: {  	[dreg:$0x0] =	wrdreg $0xFFFFFFFF;
	(pc) =	sbr.abs _section_cstart, $3  }
0xc2: {  	[dreg:$0x1] =	wrdreg $0xFFFFFFFF  }
0xc3: {  	_ =	task.clear_ibuf [dreg:s7], $0x2FFFF;
	_ =	strace $0x9FFFFFFF  }
0xc4: {  	(tm) =	ssettm $0x7FFFFFFF  }
0xc5: {  	_ =	shalt  }
tec
execute0_lowered:
.L_overlay_start_1:
0x0: {  	(tag) =	ssettag $0x1  }
0x1: {  	s17 =	stileid.u32  }
0x2: {  	s0 =	srdreg.scid;
	s21 =	smul.u32 $0x5000, s17  }
0x3: {  	s2 =	sand.u32 $0x1, s0  }
0x4: {  	s1 =	rddreg [dreg:$0x1];
	s6 =	ssub.s32 $0x2, s2;
	s5 =	sshrl.u32 s21, $0x3  }
0x5: {  	s3 =	sadd.s32 $0xB000, s1;
	s7 =	sshrl.u32 s6, $0x1;
	s22 =	sor.u32 $0x50, s5  }
0x6: {  	s4 =	sadd.s32 $0x1000, s1;
	s0 =	ssub.s32 s6, s7;
	s23 =	sadd.s32 s3, s22  }
0x7: {  	s24 =	sor.u32 $0xA0, s5;
	s6 =	sadd.s32 s4, s22;
	[dreg:$0x5] =	wrdreg s23  }
0x8: {  	s26 =	sor.u32 $0xF0, s5;
	s25 =	sadd.s32 s3, s24;
	[dreg:$0x6] =	wrdreg s6  }
0x9: {  	s9 =	sor.u32 $0x140, s5;
	s8 =	sadd.s32 s3, s26;
	[dreg:$0x7] =	wrdreg s25  }
0xa: {  	s11 =	sor.u32 $0x190, s5;
	s10 =	sadd.s32 s3, s9;
	[dreg:$0x9] =	wrdreg s8  }
0xb: {  	s13 =	sor.u32 $0x1E0, s5;
	s12 =	sadd.s32 s3, s11;
	[dreg:$0xb] =	wrdreg s10  }
0xc: {  	s15 =	sadd.s32 $0x230, s5;
	s14 =	sadd.s32 s3, s13;
	[dreg:$0xd] =	wrdreg s12  }
0xd: {  	s18 =	sadd.s32 $0x280, s5;
	s16 =	sadd.s32 s3, s15;
	[dreg:$0xf] =	wrdreg s14  }
0xe: {  	s20 =	sadd.s32 $0x2D0, s5;
	s19 =	sadd.s32 s3, s18;
	[dreg:$0x11] =	wrdreg s16  }
0xf: {  	s21 =	sadd.s32 s3, s20;
	[dreg:$0x13] =	wrdreg s19  }
0x10: {  	s22 =	sadd.s32 $0x320, s5;
	s6 =	sadd.s32 s4, s24;
	[dreg:$0x15] =	wrdreg s21  }
0x11: {  	s23 =	sadd.s32 s3, s22;
	[dreg:$0x8] =	wrdreg s6  }
0x12: {  	s24 =	sadd.s32 $0x370, s5;
	s6 =	sadd.s32 s4, s26;
	[dreg:$0x17] =	wrdreg s23  }
0x13: {  	s25 =	sadd.s32 s3, s24;
	[dreg:$0xa] =	wrdreg s6  }
0x14: {  	s26 =	sadd.s32 $0x3C0, s5;
	s6 =	sadd.s32 s4, s9;
	[dreg:$0x19] =	wrdreg s25  }
0x15: {  	s8 =	sadd.s32 s3, s26;
	[dreg:$0xc] =	wrdreg s6  }
0x16: {  	s9 =	sadd.s32 $0x410, s5;
	s6 =	sadd.s32 s4, s11;
	[dreg:$0x1b] =	wrdreg s8  }
0x17: {  	s10 =	sadd.s32 s3, s9;
	[dreg:$0xe] =	wrdreg s6  }
0x18: {  	s11 =	sadd.s32 $0x460, s5;
	s6 =	sadd.s32 s4, s13;
	[dreg:$0x1d] =	wrdreg s10  }
0x19: {  	s12 =	sadd.s32 s3, s11;
	[dreg:$0x10] =	wrdreg s6  }
0x1a: {  	s13 =	sadd.s32 $0x4B0, s5;
	s6 =	sadd.s32 s4, s15;
	[dreg:$0x1f] =	wrdreg s12  }
0x1b: {  	s14 =	sadd.s32 s3, s13;
	[dreg:$0x12] =	wrdreg s6  }
0x1c: {  	s15 =	sadd.s32 $0x500, s5;
	s6 =	sadd.s32 s4, s18;
	[smem:$0x7CA] =	sst s14  }
0x1d: {  	s16 =	sadd.s32 s3, s15;
	[dreg:$0x14] =	wrdreg s6  }
0x1e: {  	s18 =	sadd.s32 $0x550, s5;
	s6 =	sadd.s32 s4, s20;
	[smem:$0x7CC] =	sst s16  }
0x1f: {  	s19 =	sadd.s32 s3, s18;
	[dreg:$0x16] =	wrdreg s6  }
0x20: {  	s20 =	sadd.s32 $0x5A0, s5;
	s6 =	sadd.s32 s4, s22;
	[smem:$0x7CE] =	sst s19  }
0x21: {  	s21 =	sadd.s32 s3, s20;
	[dreg:$0x18] =	wrdreg s6  }
0x22: {  	s22 =	sadd.s32 $0x5F0, s5;
	s6 =	sadd.s32 s4, s24;
	[smem:$0x7D0] =	sst s21  }
0x23: {  	s23 =	sadd.s32 s3, s22;
	[dreg:$0x1a] =	wrdreg s6  }
0x24: {  	s24 =	sadd.s32 $0x640, s5;
	s6 =	sadd.s32 s4, s26;
	[smem:$0x7D2] =	sst s23  }
0x25: {  	s25 =	sadd.s32 s3, s24;
	[dreg:$0x1c] =	wrdreg s6  }
0x26: {  	s26 =	sadd.s32 $0x690, s5;
	s6 =	sadd.s32 s4, s9;
	[smem:$0x7D4] =	sst s25  }
0x27: {  	s8 =	sadd.s32 s3, s26;
	[dreg:$0x1e] =	wrdreg s6  }
0x28: {  	s9 =	sadd.s32 $0x6E0, s5;
	s6 =	sadd.s32 s4, s11;
	[smem:$0x7D6] =	sst s8  }
0x29: {  	s10 =	sadd.s32 s3, s9;
	[smem:$0x7C9] =	sst s6  }
0x2a: {  	s11 =	sadd.s32 $0x730, s5;
	s6 =	sadd.s32 s4, s13;
	[smem:$0x7D8] =	sst s10  }
0x2b: {  	s12 =	sadd.s32 s3, s11;
	[smem:$0x7CB] =	sst s6  }
0x2c: {  	s10 =	sadd.s32 s4, s5;
	[smem:$0x7DA] =	sst s12  }
0x2d: {  	s13 =	sadd.s32 $0x780, s5;
	s6 =	sadd.s32 s4, s15;
	[smem:$0x7E9] =	sst s10  }
0x2e: {  	s14 =	sadd.s32 s3, s13;
	[smem:$0x7CD] =	sst s6  }
0x2f: {  	[smem:$0x7DC] =	sst s14  }
0x30: {  	s15 =	sadd.s32 $0x7D0, s5;
	s6 =	sadd.s32 s4, s18;
	s14 =	rddreg [dreg:$0x0]  }
0x31: {  	s16 =	sadd.s32 s3, s15;
	[smem:$0x7CF] =	sst s6  }
0x32: {  	s18 =	sadd.s32 $0x820, s5;
	s6 =	sadd.s32 s4, s20;
	[smem:$0x7DE] =	sst s16  }
0x33: {  	s19 =	sadd.s32 s3, s18;
	[smem:$0x7D1] =	sst s6  }
0x34: {  	s20 =	sadd.s32 $0x870, s5;
	s6 =	sadd.s32 s4, s22;
	[smem:$0x7E0] =	sst s19  }
0x35: {  	s1 =	sadd.s32 $0x15000, s1;
	s21 =	sadd.s32 s3, s20;
	[smem:$0x7D3] =	sst s6  }
0x36: {  	s22 =	sadd.s32 $0x8C0, s5;
	s6 =	sadd.s32 s4, s24;
	[smem:$0x7E2] =	sst s21  }
0x37: {  	s0 =	smax.u32 s0, $0x1;
	s23 =	sadd.s32 s3, s22;
	[smem:$0x7D5] =	sst s6  }
0x38: {  	s24 =	sadd.s32 $0x910, s5;
	s6 =	sadd.s32 s4, s26;
	[smem:$0x7E4] =	sst s23  }
0x39: {  	s8 =	smul.u32 $0x2710, s2;
	s25 =	sadd.s32 s3, s24;
	[smem:$0x7D7] =	sst s6  }
0x3a: {  	s2 =	smul.u32 $0x13A000, s2;
	s6 =	sadd.s32 s4, s9;
	[smem:$0x7E6] =	sst s25  }
0x3b: {  	s26 =	smul.u32 $0x280, s17;
	s9 =	sadd.s32 s3, s5;
	[smem:$0x7D9] =	sst s6  }
0x3c: {  	s6 =	sadd.s32 s4, s11;
	[smem:$0x7E8] =	sst s9;
	s11 =	sadd.s32 $0x960, s5  }
0x3d: {  	s5 =	sadd.s32 $0x9B0, s5;
	[smem:$0x7DB] =	sst s6;
	s6 =	sadd.s32 s4, s13  }
0x3e: {  	s16 =	smin.u32 s26, $0x2590;
	s9 =	sadd.s32 s3, s11;
	[smem:$0x7DD] =	sst s6  }
0x3f: {  	s10 =	smin.u32 s26, $0x2510;
	s7 =	sadd.s32 s4, s11;
	[smem:$0x7EA] =	sst s9  }
0x40: {  	s3 =	sadd.s32 s3, s5;
	s13 =	smin.u32 s26, $0x2610;
	[smem:$0x7EB] =	sst s7  }
0x41: {  	s10 =	sadd.s32 $0x180, s10;
	s6 =	sadd.s32 s4, s15;
	[smem:$0x7EC] =	sst s3  }
0x42: {  	s3 =	smin.u32 s26, $0x2690;
	s11 =	sadd.s32 s8, s10;
	s9 =	simm.s32 $0x300  }
0x43: {  	[smem:$0x7DF] =	sst s6;
	s6 =	sadd.s32 s4, s18;
	s12 =	sadd.s32 s8, s3  }
0x44: {  	s11 =	sshll.u32 s11, $0x3;
	[smem:$0x7E1] =	sst s6;
	s6 =	sadd.s32 s4, s20  }
0x45: {  	s18 =	sadd.s32 s14, s11;
	s11 =	smul.u32 $0x13A00, s17;
	[smem:$0x7E3] =	sst s6  }
0x46: {  	s17 =	smul.u32 $0x4E800, s17;
	s6 =	sadd.s32 s4, s22;
	[smem:$0x7F1] =	sst s18  }
0x47: {  	s18 =	sshll.u32 s10, $0x6;
	s10 =	simm.s32 $0x100;
	[smem:$0x7E5] =	sst s6  }
0x48: {  	s6 =	sadd.s32 s4, s24;
	s4 =	sadd.s32 s4, s5;
	s5 =	sadd.s32 $0x80, s13  }
0x49: {  	s20 =	sadd.s32 s2, s11;
	s21 =	sadd.s32 $0x4000, s11;
	[smem:$0x7E7] =	sst s6  }
0x4a: {  	s25 =	sadd.s32 $0xC000, s11;
	[smem:$0x7ED] =	sst s4;
	s4 =	sshll.u32 s12, $0x3  }
0x4b: {  	s15 =	sadd.s32 s8, s5;
	s6 =	smin.u32 s26, $0x2490;
	s12 =	sadd.s32 s2, s21  }
0x4c: {  	s26 =	sadd.s32 s2, s25;
	s5 =	sshll.u32 s5, $0x6;
	s4 =	sadd.s32 s14, s4  }
0x4d: {  	s6 =	sadd.s32 $0x200, s6;
	[smem:$0x7EE] =	sst s4;
	s4 =	sshll.u32 s15, $0x3  }
0x4e: {  	s22 =	sshrl.u32 s12, $0x3;
	s12 =	rddreg [dreg:$0x2];
	s4 =	sadd.s32 s14, s4  }
0x4f: {  	s19 =	sadd.s32 s8, s6;
	[smem:$0x7EF] =	sst s4;
	s4 =	sadd.s32 $0x100, s16  }
0x50: {  	s15 =	sadd.s32 $0xFA00, s11;
	s16 =	sshrl.u32 s26, $0x3;
	s7 =	sadd.s32 s8, s4  }
0x51: {  	s8 =	sshll.u32 s19, $0x3;
	s16 =	sadd.s32 s1, s16;
	s19 =	sadd.s32 s18, s12  }
0x52: {  	s18 =	simm.s32 $0x480;
	s7 =	sshll.u32 s7, $0x3;
	s8 =	sadd.s32 s14, s8  }
0x53: {  	[smem:$0x7F6] =	sst s16;
	s16 =	sshll.u32 s4, $0x6;
	s4 =	simm.s32 $0x2  }
0x54: {  	s7 =	sadd.s32 s14, s7;
	[smem:$0x7F2] =	sst s8;
	s14 =	sadd.s32 $0x8000, s11  }
0x55: {  	s8 =	sshrl.u32 s20, $0x3;
	[smem:$0x7F0] =	sst s7;
	s7 =	simm.s32 $0x0  }
0x56: {  	s20 =	sshll.u32 s6, $0x6;
	s8 =	sadd.s32 s1, s8;
	[smem:$0x7FF] =	sst s7  }
0x57: {  	s13 =	sadd.s32 s2, s14;
	s2 =	sadd.s32 s2, s15;
	[smem:$0x7F3] =	sst s8  }
0x58: {  	s23 =	sshrl.u32 s13, $0x3;
	s8 =	sadd.s32 s1, s22;
	s13 =	rddreg [dreg:$0x3]  }
0x59: {  	s6 =	simm.s32 $0x80;
	s2 =	sshrl.u32 s2, $0x3;
	[smem:$0x7F4] =	sst s8  }
0x5a: {  	s24 =	sadd.s32 s1, s23;
	s1 =	sadd.s32 s1, s2;
	s2 =	sshll.u32 s3, $0x6  }
0x5b: {  	s23 =	sadd.s32 s21, s13;
	s25 =	sadd.s32 s25, s13;
	s21 =	sadd.s32 s11, s13  }
0x5c: {  	s22 =	sadd.s32 s15, s13;
	s8 =	simm.s32 $0x1;
	[smem:$0x7F5] =	sst s24  }
0x5d: {  	s11 =	simm.s32 $0x380;
	s15 =	simm.s32 $0x400;
	[smem:$0x7F7] =	sst s1  }
0x5e: {  	s1 =	sshrl.u32 s17, $0x2;
	s3 =	sadd.s32 s2, s12;
	s24 =	sadd.s32 s14, s13  }
0x5f: {  	s26 =	sshrl.u32 s21, $0x3;
	_ =	strace $0x80000047;
	[smem:$0x7F8] =	sst s0  }
0x60: {  	s28 =	sshrl.u32 s22, $0x3;
	s14 =	simm.s32 $0x180;
	[smem:$0x7F9] =	sst s3  }
0x61: {  	s17 =	sadd.s32 s1, s13;
	s0 =	sadd.s32 s5, s12;
	[smem:$0x7FC] =	sst s19  }
0x62: {  	s3 =	simm.s32 $0x500;
	s5 =	simm.s32 $0x280;
	s19 =	simm.s32 $0x0  }
0x63: {  	[smem:$0x7FA] =	sst s0;
	s0 =	sadd.s32 s16, s12;
	s29 =	sadd.s32 $0x2000, s17  }
0x64: {  	s30 =	sadd.s32 $0x6000, s17;
	s31 =	sadd.s32 $0xA000, s17;
	s1 =	sadd.s32 $0x10000, s17  }
0x65: {  	s2 =	sadd.s32 $0x11A00, s17;
	[smem:$0x7FB] =	sst s0;
	s0 =	sadd.s32 s20, s12  }
0x66: {  	v0 =	vimm.f32 $0.0e+00;
	s16 =	simm.s32 $0x200;
	[smem:$0x7FD] =	sst s0;
	s0 =	sadd.s32 $0xE000, s17  }
.LBB2_1:
0x67: {  	s20 =	sld [smem:$0x7EE];
	_ =	sdelay $0x2  }
0x68: {  	[tilespmem:s3], [sflag:$0x2] =	stream.linear.gather [hbm4b:s20+s7], $0x2000, $0x38;
	[tilespmem:$0x1FF00] =	vst v63  }
0x69: {  	_ =	swait.ge [sflag:s4], $0x2000  }
0x6a: {  	s22 =	sld [smem:$0x7F9]  }
0x6b: {  	[sflag:s4] =	ssyncset.done $0x0  }
0x6c: {  	[sflag:s4] =	ssyncadd.s32 $0xFFFFE000  }
0x6d: {  	[spmem:s22] =	stream.linear.scatter [tilespmem:s3], [sflag:$0x2], $0x2000, $0x38;
	[tilespmem:$0x1FF00] =	vst v63  }
0x6e: {  	_ =	swait.ge [sflag:s4], $0x2000  }
0x6f: {  	s21 =	sld [smem:$0x7EF]  }
0x70: {  	[sflag:s4] =	ssyncset.done $0x0  }
0x71: {  	[sflag:s4] =	ssyncadd.s32 $0xFFFFE000  }
0x72: {  	[tilespmem:s3], [sflag:$0x2] =	stream.linear.gather [hbm4b:s21+s7], $0x2000, $0x38;
	[tilespmem:$0x1FF00] =	vst v63  }
0x73: {  	_ =	swait.ge [sflag:s4], $0x2000  }
0x74: {  	s22 =	sld [smem:$0x7FA]  }
0x75: {  	[sflag:s4] =	ssyncset.done $0x0  }
0x76: {  	[sflag:s4] =	ssyncadd.s32 $0xFFFFE000  }
0x77: {  	[spmem:s22] =	stream.linear.scatter [tilespmem:s3], [sflag:$0x2], $0x2000, $0x38;
	[tilespmem:$0x1FF00] =	vst v63  }
0x78: {  	_ =	swait.ge [sflag:s4], $0x2000  }
0x79: {  	s21 =	sld [smem:$0x7F0]  }
0x7a: {  	[sflag:s4] =	ssyncset.done $0x0  }
0x7b: {  	[sflag:s4] =	ssyncadd.s32 $0xFFFFE000  }
0x7c: {  	[tilespmem:s3], [sflag:$0x2] =	stream.linear.gather [hbm4b:s21+s7], $0x2000, $0x38;
	[tilespmem:$0x1FF00] =	vst v63  }
0x7d: {  	_ =	swait.ge [sflag:s4], $0x2000  }
0x7e: {  	s22 =	sld [smem:$0x7FB]  }
0x7f: {  	[sflag:s4] =	ssyncset.done $0x0  }
0x80: {  	[sflag:s4] =	ssyncadd.s32 $0xFFFFE000  }
0x81: {  	[spmem:s22] =	stream.linear.scatter [tilespmem:s3], [sflag:$0x2], $0x2000, $0x38;
	[tilespmem:$0x1FF00] =	vst v63  }
0x82: {  	_ =	swait.ge [sflag:s4], $0x2000  }
0x83: {  	s21 =	sld [smem:$0x7F1]  }
0x84: {  	[sflag:s4] =	ssyncset.done $0x0  }
0x85: {  	[sflag:s4] =	ssyncadd.s32 $0xFFFFE000  }
0x86: {  	[tilespmem:s3], [sflag:$0x2] =	stream.linear.gather [hbm4b:s21+s7], $0x2000, $0x38;
	[tilespmem:$0x1FF00] =	vst v63  }
0x87: {  	_ =	swait.ge [sflag:s4], $0x2000  }
0x88: {  	s22 =	sld [smem:$0x7FC]  }
0x89: {  	[sflag:s4] =	ssyncset.done $0x0  }
0x8a: {  	[sflag:s4] =	ssyncadd.s32 $0xFFFFE000  }
0x8b: {  	[spmem:s22] =	stream.linear.scatter [tilespmem:s3], [sflag:$0x2], $0x2000, $0x38;
	[tilespmem:$0x1FF00] =	vst v63  }
0x8c: {  	_ =	swait.ge [sflag:s4], $0x2000  }
0x8d: {  	s21 =	sld [smem:$0x7F2]  }
0x8e: {  	[sflag:s4] =	ssyncset.done $0x0  }
0x8f: {  	[sflag:s4] =	ssyncadd.s32 $0xFFFFE000  }
0x90: {  	[tilespmem:s3], [sflag:$0x2] =	stream.linear.gather [hbm4b:s21+s7], $0x2000, $0x38;
	[tilespmem:$0x1FF00] =	vst v63  }
0x91: {  	_ =	swait.ge [sflag:s4], $0x2000  }
0x92: {  	s22 =	sld [smem:$0x7FD]  }
0x93: {  	[sflag:s4] =	ssyncset.done $0x0  }
0x94: {  	[sflag:s4] =	ssyncadd.s32 $0xFFFFE000  }
0x95: {  	[spmem:s22] =	stream.linear.scatter [tilespmem:s3], [sflag:$0x2], $0x2000, $0x38;
	[tilespmem:$0x1FF00] =	vst v63  }
0x96: {  	_ =	swait.ge [sflag:s4], $0x2000  }
0x97: {  	[sflag:s4] =	ssyncset.done $0x0  }
0x98: {  	s20 =	simm.s32 $0x0;
	s21 =	simm.s32 $0x100;
	[sflag:s4] =	ssyncadd.s32 $0xFFFFE000  }
.LBB2_2:
0x99: {  	p0 =	sne.s32 s21, $0x7F00;
	[tilespmem:s20+$0x530] =	vst v0;
	s22 =	smov.u32 s21;
	s21 =	sadd.s32 $0x100, s21  }
.Ltmp0:
0x9a: {  	[tilespmem:s20+$0x520] =	vst v0;
	(pc) =	sbr.rel @p0 .LBB2_2-.Ltmp0, $3  }
0x9b: {  	[tilespmem:s20+$0x500] =	vst v0  }
0x9c: {  	[tilespmem:s20+$0x510] =	vst v0;
	_ =	sdelay $0x1  }
0x9d: {  	s20 =	sshra.s32 s22, $0x2  }
0x9e: {  	[tilespmem:s20+$0x530] =	vst v0  }
0x9f: {  	[tilespmem:s20+$0x520] =	vst v0  }
0xa0: {  	[tilespmem:s20+$0x500] =	vst v0  }
0xa1: {  	[tilespmem:s20+$0x510] =	vst v0  }
0xa2: {  	[spmem:s17] =	stream.linear.scatter [tilespmem:s3], [sflag:$0x2], $0x2000, $0x38;
	[tilespmem:$0x1FF00] =	vst v63  }
0xa3: {  	_ =	swait.ge [sflag:s4], $0x2000  }
0xa4: {  	[sflag:s4] =	ssyncset.done $0x0  }
0xa5: {  	[sflag:s4] =	ssyncadd.s32 $0xFFFFE000  }
0xa6: {  	[spmem:s29] =	stream.linear.scatter [tilespmem:s3], [sflag:$0x2], $0x2000, $0x38;
	[tilespmem:$0x1FF00] =	vst v63  }
0xa7: {  	_ =	swait.ge [sflag:s4], $0x2000  }
0xa8: {  	[sflag:s4] =	ssyncset.done $0x0  }
0xa9: {  	[sflag:s4] =	ssyncadd.s32 $0xFFFFE000  }
0xaa: {  	[spmem:s23] =	stream.linear.scatter [tilespmem:s3], [sflag:$0x2], $0x2000, $0x38;
	[tilespmem:$0x1FF00] =	vst v63  }
0xab: {  	_ =	swait.ge [sflag:s4], $0x2000  }
0xac: {  	[sflag:s4] =	ssyncset.done $0x0  }
0xad: {  	[sflag:s4] =	ssyncadd.s32 $0xFFFFE000  }
0xae: {  	[spmem:s30] =	stream.linear.scatter [tilespmem:s3], [sflag:$0x2], $0x2000, $0x38;
	[tilespmem:$0x1FF00] =	vst v63  }
0xaf: {  	_ =	swait.ge [sflag:s4], $0x2000  }
0xb0: {  	[sflag:s4] =	ssyncset.done $0x0  }
0xb1: {  	[sflag:s4] =	ssyncadd.s32 $0xFFFFE000  }
0xb2: {  	[spmem:s24] =	stream.linear.scatter [tilespmem:s3], [sflag:$0x2], $0x2000, $0x38;
	[tilespmem:$0x1FF00] =	vst v63  }
0xb3: {  	_ =	swait.ge [sflag:s4], $0x2000  }
0xb4: {  	[sflag:s4] =	ssyncset.done $0x0  }
0xb5: {  	[sflag:s4] =	ssyncadd.s32 $0xFFFFE000  }
0xb6: {  	[spmem:s31] =	stream.linear.scatter [tilespmem:s3], [sflag:$0x2], $0x2000, $0x38;
	[tilespmem:$0x1FF00] =	vst v63  }
0xb7: {  	_ =	swait.ge [sflag:s4], $0x2000  }
0xb8: {  	[sflag:s4] =	ssyncset.done $0x0  }
0xb9: {  	[sflag:s4] =	ssyncadd.s32 $0xFFFFE000  }
0xba: {  	[spmem:s25] =	stream.linear.scatter [tilespmem:s3], [sflag:$0x2], $0x2000, $0x38;
	[tilespmem:$0x1FF00] =	vst v63  }
0xbb: {  	_ =	swait.ge [sflag:s4], $0x2000  }
0xbc: {  	[sflag:s4] =	ssyncset.done $0x0  }
0xbd: {  	[sflag:s4] =	ssyncadd.s32 $0xFFFFE000  }
0xbe: {  	[spmem:s0] =	stream.linear.scatter [tilespmem:s3], [sflag:$0x2], $0x2000, $0x38;
	[tilespmem:$0x1FF00] =	vst v63  }
0xbf: {  	_ =	swait.ge [sflag:s4], $0x2000  }
0xc0: {  	[sflag:s4] =	ssyncset.done $0x0  }
0xc1: {  	[sflag:s4] =	ssyncadd.s32 $0xFFFFE000  }
0xc2: {  	[spmem:s1] =	stream.linear.scatter [tilespmem:s3], [sflag:$0x2], $0x2000, $0x38;
	[tilespmem:$0x1FF00] =	vst v63  }
0xc3: {  	_ =	swait.ge [sflag:s4], $0x2000  }
0xc4: {  	[sflag:s4] =	ssyncset.done $0x0  }
0xc5: {  	[sflag:s4] =	ssyncadd.s32 $0xFFFFE000  }
0xc6: {  	[spmem:s2] =	stream.linear.scatter [tilespmem:s3], [sflag:$0x2], $0x2000, $0x38;
	[tilespmem:$0x1FF00] =	vst v63  }
0xc7: {  	_ =	swait.ge [sflag:s4], $0x2000  }
0xc8: {  	[sflag:s4] =	ssyncset.done $0x0  }
0xc9: {  	[sflag:s4] =	ssyncadd.s32 $0xFFFFE000  }
0xca: {  	[bflag:$0x0] =	sbarrier.arrive $0xFFFF  }
0xcb: {  	s21 =	sld [smem:$0x7E8];
	_ =	sdelay $0x2  }
0xcc: {  	[tilespmem:s7], [sflag:$0x2] =	stream.linear.gather [hbm4b:s21+s7], $0x280, $0x38;
	[tilespmem:$0x1FF00] =	vst v63  }
0xcd: {  	_ =	swait.ge [sflag:s4], $0x280  }
0xce: {  	s22 =	sld [smem:$0x7E9]  }
0xcf: {  	[sflag:s4] =	ssyncset.done $0x0  }
0xd0: {  	[sflag:s4] =	ssyncadd.s32 $0xFFFFFD80  }
0xd1: {  	[tilespmem:s5], [sflag:$0x2] =	stream.linear.gather [hbm4b:s22+s7], $0x280, $0x38;
	[tilespmem:$0x1FF00] =	vst v63  }
0xd2: {  	_ =	swait.ge [sflag:s4], $0x280  }
0xd3: {  	[sflag:s4] =	ssyncset.done $0x0  }
0xd4: {  	[sflag:s4] =	ssyncadd.s32 $0xFFFFFD80  }
0xd5: {  	[tilespmem:s3], [sflag:$0x1] =	stream.indirect.gather [spmem:s12], $0x40, s7, s6, $0xb8;
	[tilespmem:$0x1FF00] =	vst v63  }
0xd6: {  	_ =	swait.ge [sflag:s8], $0x2000  }
0xd7: {  	[sflag:s8] =	ssyncset.done $0x0  }
0xd8: {  	[sflag:s8] =	ssyncadd.s32 $0xFFFFE000  }
0xd9: {  	[spmem:s13] =	stream.indirect.scatter.add.f32 [tilespmem:s3], [sflag:$0x2], $0x40, s5, s6, $0xb8;
	[tilespmem:$0x1FF00] =	vst v63  }
0xda: {  	_ =	swait.ge [sflag:s4], $0x2000  }
0xdb: {  	[sflag:s4] =	ssyncset.done $0x0  }
0xdc: {  	[sflag:s4] =	ssyncadd.s32 $0xFFFFE000  }
0xdd: {  	[tilespmem:s3], [sflag:$0x1] =	stream.indirect.gather [spmem:s12], $0x40, s6, s6, $0xb8;
	[tilespmem:$0x1FF00] =	vst v63  }
0xde: {  	_ =	swait.ge [sflag:s8], $0x2000  }
0xdf: {  	[sflag:s8] =	ssyncset.done $0x0  }
0xe0: {  	[sflag:s8] =	ssyncadd.s32 $0xFFFFE000  }
0xe1: {  	[spmem:s13] =	stream.indirect.scatter.add.f32 [tilespmem:s3], [sflag:$0x2], $0x40, s9, s6, $0xb8;
	[tilespmem:$0x1FF00] =	vst v63  }
0xe2: {  	_ =	swait.ge [sflag:s4], $0x2000  }
0xe3: {  	[sflag:s4] =	ssyncset.done $0x0  }
0xe4: {  	[sflag:s4] =	ssyncadd.s32 $0xFFFFE000  }
0xe5: {  	[tilespmem:s3], [sflag:$0x1] =	stream.indirect.gather [spmem:s12], $0x40, s10, s6, $0xb8;
	[tilespmem:$0x1FF00] =	vst v63  }
0xe6: {  	_ =	swait.ge [sflag:s8], $0x2000  }
0xe7: {  	[sflag:s8] =	ssyncset.done $0x0  }
0xe8: {  	[sflag:s8] =	ssyncadd.s32 $0xFFFFE000  }
0xe9: {  	[spmem:s13] =	stream.indirect.scatter.add.f32 [tilespmem:s3], [sflag:$0x2], $0x40, s11, s6, $0xb8;
	[tilespmem:$0x1FF00] =	vst v63  }
0xea: {  	_ =	swait.ge [sflag:s4], $0x2000  }
0xeb: {  	[sflag:s4] =	ssyncset.done $0x0  }
0xec: {  	[sflag:s4] =	ssyncadd.s32 $0xFFFFE000  }
0xed: {  	[tilespmem:s3], [sflag:$0x1] =	stream.indirect.gather [spmem:s12], $0x40, s14, s6, $0xb8;
	[tilespmem:$0x1FF00] =	vst v63  }
0xee: {  	_ =	swait.ge [sflag:s8], $0x2000  }
0xef: {  	[sflag:s8] =	ssyncset.done $0x0  }
0xf0: {  	[sflag:s8] =	ssyncadd.s32 $0xFFFFE000  }
0xf1: {  	[spmem:s13] =	stream.indirect.scatter.add.f32 [tilespmem:s3], [sflag:$0x2], $0x40, s15, s6, $0xb8;
	[tilespmem:$0x1FF00] =	vst v63  }
0xf2: {  	_ =	swait.ge [sflag:s4], $0x2000  }
0xf3: {  	[sflag:s4] =	ssyncset.done $0x0  }
0xf4: {  	[sflag:s4] =	ssyncadd.s32 $0xFFFFE000  }
0xf5: {  	[tilespmem:s3], [sflag:$0x1] =	stream.indirect.gather [spmem:s12], $0x40, s16, s6, $0xb8;
	[tilespmem:$0x1FF00] =	vst v63  }
0xf6: {  	_ =	swait.ge [sflag:s8], $0x2000  }
0xf7: {  	[sflag:s8] =	ssyncset.done $0x0  }
0xf8: {  	[sflag:s8] =	ssyncadd.s32 $0xFFFFE000  }
0xf9: {  	[spmem:s13] =	stream.indirect.scatter.add.f32 [tilespmem:s3], [sflag:$0x2], $0x40, s18, s6, $0xb8;
	[tilespmem:$0x1FF00] =	vst v63  }
0xfa: {  	_ =	swait.ge [sflag:s4], $0x2000  }
0xfb: {  	[sflag:s4] =	ssyncset.done $0x0  }
0xfc: {  	s21 =	rddreg [dreg:$0x5];
	[sflag:s4] =	ssyncadd.s32 $0xFFFFE000  }
0xfd: {  	[tilespmem:s7], [sflag:$0x2] =	stream.linear.gather [hbm4b:s21+s7], $0x280, $0x38;
	[tilespmem:$0x1FF00] =	vst v63  }
0xfe: {  	_ =	swait.ge [sflag:s4], $0x280  }
0xff: {  	[sflag:s4] =	ssyncset.done $0x0  }
0x100: {  	s22 =	rddreg [dreg:$0x6];
	[sflag:s4] =	ssyncadd.s32 $0xFFFFFD80  }
0x101: {  	[tilespmem:s5], [sflag:$0x2] =	stream.linear.gather [hbm4b:s22+s7], $0x280, $0x38;
	[tilespmem:$0x1FF00] =	vst v63  }
0x102: {  	_ =	swait.ge [sflag:s4], $0x280  }
0x103: {  	[sflag:s4] =	ssyncset.done $0x0  }
0x104: {  	[sflag:s4] =	ssyncadd.s32 $0xFFFFFD80  }
0x105: {  	[tilespmem:s3], [sflag:$0x1] =	stream.indirect.gather [spmem:s12], $0x40, s7, s6, $0xb8;
	[tilespmem:$0x1FF00] =	vst v63  }
0x106: {  	_ =	swait.ge [sflag:s8], $0x2000  }
0x107: {  	[sflag:s8] =	ssyncset.done $0x0  }
0x108: {  	[sflag:s8] =	ssyncadd.s32 $0xFFFFE000  }
0x109: {  	[spmem:s13] =	stream.indirect.scatter.add.f32 [tilespmem:s3], [sflag:$0x2], $0x40, s5, s6, $0xb8;
	[tilespmem:$0x1FF00] =	vst v63  }
0x10a: {  	_ =	swait.ge [sflag:s4], $0x2000  }
0x10b: {  	[sflag:s4] =	ssyncset.done $0x0  }
0x10c: {  	[sflag:s4] =	ssyncadd.s32 $0xFFFFE000  }
0x10d: {  	[tilespmem:s3], [sflag:$0x1] =	stream.indirect.gather [spmem:s12], $0x40, s6, s6, $0xb8;
	[tilespmem:$0x1FF00] =	vst v63  }
0x10e: {  	_ =	swait.ge [sflag:s8], $0x2000  }
0x10f: {  	[sflag:s8] =	ssyncset.done $0x0  }
0x110: {  	[sflag:s8] =	ssyncadd.s32 $0xFFFFE000  }
0x111: {  	[spmem:s13] =	stream.indirect.scatter.add.f32 [tilespmem:s3], [sflag:$0x2], $0x40, s9, s6, $0xb8;
	[tilespmem:$0x1FF00] =	vst v63  }
0x112: {  	_ =	swait.ge [sflag:s4], $0x2000  }
0x113: {  	[sflag:s4] =	ssyncset.done $0x0  }
0x114: {  	[sflag:s4] =	ssyncadd.s32 $0xFFFFE000  }
0x115: {  	[tilespmem:s3], [sflag:$0x1] =	stream.indirect.gather [spmem:s12], $0x40, s10, s6, $0xb8;
	[tilespmem:$0x1FF00] =	vst v63  }
0x116: {  	_ =	swait.ge [sflag:s8], $0x2000  }
0x117: {  	[sflag:s8] =	ssyncset.done $0x0  }
0x118: {  	[sflag:s8] =	ssyncadd.s32 $0xFFFFE000  }
0x119: {  	[spmem:s13] =	stream.indirect.scatter.add.f32 [tilespmem:s3], [sflag:$0x2], $0x40, s11, s6, $0xb8;
	[tilespmem:$0x1FF00] =	vst v63  }
0x11a: {  	_ =	swait.ge [sflag:s4], $0x2000  }
0x11b: {  	[sflag:s4] =	ssyncset.done $0x0  }
0x11c: {  	[sflag:s4] =	ssyncadd.s32 $0xFFFFE000  }
0x11d: {  	[tilespmem:s3], [sflag:$0x1] =	stream.indirect.gather [spmem:s12], $0x40, s14, s6, $0xb8;
	[tilespmem:$0x1FF00] =	vst v63  }
0x11e: {  	_ =	swait.ge [sflag:s8], $0x2000  }
0x11f: {  	[sflag:s8] =	ssyncset.done $0x0  }
0x120: {  	[sflag:s8] =	ssyncadd.s32 $0xFFFFE000  }
0x121: {  	[spmem:s13] =	stream.indirect.scatter.add.f32 [tilespmem:s3], [sflag:$0x2], $0x40, s15, s6, $0xb8;
	[tilespmem:$0x1FF00] =	vst v63  }
0x122: {  	_ =	swait.ge [sflag:s4], $0x2000  }
0x123: {  	[sflag:s4] =	ssyncset.done $0x0  }
0x124: {  	[sflag:s4] =	ssyncadd.s32 $0xFFFFE000  }
0x125: {  	[tilespmem:s3], [sflag:$0x1] =	stream.indirect.gather [spmem:s12], $0x40, s16, s6, $0xb8;
	[tilespmem:$0x1FF00] =	vst v63  }
0x126: {  	_ =	swait.ge [sflag:s8], $0x2000  }
0x127: {  	[sflag:s8] =	ssyncset.done $0x0  }
0x128: {  	[sflag:s8] =	ssyncadd.s32 $0xFFFFE000  }
0x129: {  	[spmem:s13] =	stream.indirect.scatter.add.f32 [tilespmem:s3], [sflag:$0x2], $0x40, s18, s6, $0xb8;
	[tilespmem:$0x1FF00] =	vst v63  }
0x12a: {  	_ =	swait.ge [sflag:s4], $0x2000  }
0x12b: {  	[sflag:s4] =	ssyncset.done $0x0  }
0x12c: {  	s21 =	rddreg [dreg:$0x7];
	[sflag:s4] =	ssyncadd.s32 $0xFFFFE000  }
0x12d: {  	[tilespmem:s7], [sflag:$0x2] =	stream.linear.gather [hbm4b:s21+s7], $0x280, $0x38;
	[tilespmem:$0x1FF00] =	vst v63  }
0x12e: {  	_ =	swait.ge [sflag:s4], $0x280  }
0x12f: {  	[sflag:s4] =	ssyncset.done $0x0  }
0x130: {  	s22 =	rddreg [dreg:$0x8];
	[sflag:s4] =	ssyncadd.s32 $0xFFFFFD80  }
0x131: {  	[tilespmem:s5], [sflag:$0x2] =	stream.linear.gather [hbm4b:s22+s7], $0x280, $0x38;
	[tilespmem:$0x1FF00] =	vst v63  }
0x132: {  	_ =	swait.ge [sflag:s4], $0x280  }
0x133: {  	[sflag:s4] =	ssyncset.done $0x0  }
0x134: {  	[sflag:s4] =	ssyncadd.s32 $0xFFFFFD80  }
0x135: {  	[tilespmem:s3], [sflag:$0x1] =	stream.indirect.gather [spmem:s12], $0x40, s7, s6, $0xb8;
	[tilespmem:$0x1FF00] =	vst v63  }
0x136: {  	_ =	swait.ge [sflag:s8], $0x2000  }
0x137: {  	[sflag:s8] =	ssyncset.done $0x0  }
0x138: {  	[sflag:s8] =	ssyncadd.s32 $0xFFFFE000  }
0x139: {  	[spmem:s13] =	stream.indirect.scatter.add.f32 [tilespmem:s3], [sflag:$0x2], $0x40, s5, s6, $0xb8;
	[tilespmem:$0x1FF00] =	vst v63  }
0x13a: {  	_ =	swait.ge [sflag:s4], $0x2000  }
0x13b: {  	[sflag:s4] =	ssyncset.done $0x0  }
0x13c: {  	[sflag:s4] =	ssyncadd.s32 $0xFFFFE000  }
0x13d: {  	[tilespmem:s3], [sflag:$0x1] =	stream.indirect.gather [spmem:s12], $0x40, s6, s6, $0xb8;
	[tilespmem:$0x1FF00] =	vst v63  }
0x13e: {  	_ =	swait.ge [sflag:s8], $0x2000  }
0x13f: {  	[sflag:s8] =	ssyncset.done $0x0  }
0x140: {  	[sflag:s8] =	ssyncadd.s32 $0xFFFFE000  }
0x141: {  	[spmem:s13] =	stream.indirect.scatter.add.f32 [tilespmem:s3], [sflag:$0x2], $0x40, s9, s6, $0xb8;
	[tilespmem:$0x1FF00] =	vst v63  }
0x142: {  	_ =	swait.ge [sflag:s4], $0x2000  }
0x143: {  	[sflag:s4] =	ssyncset.done $0x0  }
0x144: {  	[sflag:s4] =	ssyncadd.s32 $0xFFFFE000  }
0x145: {  	[tilespmem:s3], [sflag:$0x1] =	stream.indirect.gather [spmem:s12], $0x40, s10, s6, $0xb8;
	[tilespmem:$0x1FF00] =	vst v63  }
0x146: {  	_ =	swait.ge [sflag:s8], $0x2000  }
0x147: {  	[sflag:s8] =	ssyncset.done $0x0  }
0x148: {  	[sflag:s8] =	ssyncadd.s32 $0xFFFFE000  }
0x149: {  	[spmem:s13] =	stream.indirect.scatter.add.f32 [tilespmem:s3], [sflag:$0x2], $0x40, s11, s6, $0xb8;
	[tilespmem:$0x1FF00] =	vst v63  }
0x14a: {  	_ =	swait.ge [sflag:s4], $0x2000  }
0x14b: {  	[sflag:s4] =	ssyncset.done $0x0  }
0x14c: {  	[sflag:s4] =	ssyncadd.s32 $0xFFFFE000  }
0x14d: {  	[tilespmem:s3], [sflag:$0x1] =	stream.indirect.gather [spmem:s12], $0x40, s14, s6, $0xb8;
	[tilespmem:$0x1FF00] =	vst v63  }
0x14e: {  	_ =	swait.ge [sflag:s8], $0x2000  }
0x14f: {  	[sflag:s8] =	ssyncset.done $0x0  }
0x150: {  	[sflag:s8] =	ssyncadd.s32 $0xFFFFE000  }
0x151: {  	[spmem:s13] =	stream.indirect.scatter.add.f32 [tilespmem:s3], [sflag:$0x2], $0x40, s15, s6, $0xb8;
	[tilespmem:$0x1FF00] =	vst v63  }
0x152: {  	_ =	swait.ge [sflag:s4], $0x2000  }
0x153: {  	[sflag:s4] =	ssyncset.done $0x0  }
0x154: {  	[sflag:s4] =	ssyncadd.s32 $0xFFFFE000  }
0x155: {  	[tilespmem:s3], [sflag:$0x1] =	stream.indirect.gather [spmem:s12], $0x40, s16, s6, $0xb8;
	[tilespmem:$0x1FF00] =	vst v63  }
0x156: {  	_ =	swait.ge [sflag:s8], $0x2000  }
0x157: {  	[sflag:s8] =	ssyncset.done $0x0  }
0x158: {  	[sflag:s8] =	ssyncadd.s32 $0xFFFFE000  }
0x159: {  	[spmem:s13] =	stream.indirect.scatter.add.f32 [tilespmem:s3], [sflag:$0x2], $0x40, s18, s6, $0xb8;
	[tilespmem:$0x1FF00] =	vst v63  }
0x15a: {  	_ =	swait.ge [sflag:s4], $0x2000  }
0x15b: {  	[sflag:s4] =	ssyncset.done $0x0  }
0x15c: {  	s21 =	rddreg [dreg:$0x9];
	[sflag:s4] =	ssyncadd.s32 $0xFFFFE000  }
0x15d: {  	[tilespmem:s7], [sflag:$0x2] =	stream.linear.gather [hbm4b:s21+s7], $0x280, $0x38;
	[tilespmem:$0x1FF00] =	vst v63  }
0x15e: {  	_ =	swait.ge [sflag:s4], $0x280  }
0x15f: {  	[sflag:s4] =	ssyncset.done $0x0  }
0x160: {  	s22 =	rddreg [dreg:$0xa];
	[sflag:s4] =	ssyncadd.s32 $0xFFFFFD80  }
0x161: {  	[tilespmem:s5], [sflag:$0x2] =	stream.linear.gather [hbm4b:s22+s7], $0x280, $0x38;
	[tilespmem:$0x1FF00] =	vst v63  }
0x162: {  	_ =	swait.ge [sflag:s4], $0x280  }
0x163: {  	[sflag:s4] =	ssyncset.done $0x0  }
0x164: {  	[sflag:s4] =	ssyncadd.s32 $0xFFFFFD80  }
0x165: {  	[tilespmem:s3], [sflag:$0x1] =	stream.indirect.gather [spmem:s12], $0x40, s7, s6, $0xb8;
	[tilespmem:$0x1FF00] =	vst v63  }
0x166: {  	_ =	swait.ge [sflag:s8], $0x2000  }
0x167: {  	[sflag:s8] =	ssyncset.done $0x0  }
0x168: {  	[sflag:s8] =	ssyncadd.s32 $0xFFFFE000  }
0x169: {  	[spmem:s13] =	stream.indirect.scatter.add.f32 [tilespmem:s3], [sflag:$0x2], $0x40, s5, s6, $0xb8;
	[tilespmem:$0x1FF00] =	vst v63  }
0x16a: {  	_ =	swait.ge [sflag:s4], $0x2000  }
0x16b: {  	[sflag:s4] =	ssyncset.done $0x0  }
0x16c: {  	[sflag:s4] =	ssyncadd.s32 $0xFFFFE000  }
0x16d: {  	[tilespmem:s3], [sflag:$0x1] =	stream.indirect.gather [spmem:s12], $0x40, s6, s6, $0xb8;
	[tilespmem:$0x1FF00] =	vst v63  }
0x16e: {  	_ =	swait.ge [sflag:s8], $0x2000  }
0x16f: {  	[sflag:s8] =	ssyncset.done $0x0  }
0x170: {  	[sflag:s8] =	ssyncadd.s32 $0xFFFFE000  }
0x171: {  	[spmem:s13] =	stream.indirect.scatter.add.f32 [tilespmem:s3], [sflag:$0x2], $0x40, s9, s6, $0xb8;
	[tilespmem:$0x1FF00] =	vst v63  }
0x172: {  	_ =	swait.ge [sflag:s4], $0x2000  }
0x173: {  	[sflag:s4] =	ssyncset.done $0x0  }
0x174: {  	[sflag:s4] =	ssyncadd.s32 $0xFFFFE000  }
0x175: {  	[tilespmem:s3], [sflag:$0x1] =	stream.indirect.gather [spmem:s12], $0x40, s10, s6, $0xb8;
	[tilespmem:$0x1FF00] =	vst v63  }
0x176: {  	_ =	swait.ge [sflag:s8], $0x2000  }
0x177: {  	[sflag:s8] =	ssyncset.done $0x0  }
0x178: {  	[sflag:s8] =	ssyncadd.s32 $0xFFFFE000  }
0x179: {  	[spmem:s13] =	stream.indirect.scatter.add.f32 [tilespmem:s3], [sflag:$0x2], $0x40, s11, s6, $0xb8;
	[tilespmem:$0x1FF00] =	vst v63  }
0x17a: {  	_ =	swait.ge [sflag:s4], $0x2000  }
0x17b: {  	[sflag:s4] =	ssyncset.done $0x0  }
0x17c: {  	[sflag:s4] =	ssyncadd.s32 $0xFFFFE000  }
0x17d: {  	[tilespmem:s3], [sflag:$0x1] =	stream.indirect.gather [spmem:s12], $0x40, s14, s6, $0xb8;
	[tilespmem:$0x1FF00] =	vst v63  }
0x17e: {  	_ =	swait.ge [sflag:s8], $0x2000  }
0x17f: {  	[sflag:s8] =	ssyncset.done $0x0  }
0x180: {  	[sflag:s8] =	ssyncadd.s32 $0xFFFFE000  }
0x181: {  	[spmem:s13] =	stream.indirect.scatter.add.f32 [tilespmem:s3], [sflag:$0x2], $0x40, s15, s6, $0xb8;
	[tilespmem:$0x1FF00] =	vst v63  }
0x182: {  	_ =	swait.ge [sflag:s4], $0x2000  }
0x183: {  	[sflag:s4] =	ssyncset.done $0x0  }
0x184: {  	[sflag:s4] =	ssyncadd.s32 $0xFFFFE000  }
0x185: {  	[tilespmem:s3], [sflag:$0x1] =	stream.indirect.gather [spmem:s12], $0x40, s16, s6, $0xb8;
	[tilespmem:$0x1FF00] =	vst v63  }
0x186: {  	_ =	swait.ge [sflag:s8], $0x2000  }
0x187: {  	[sflag:s8] =	ssyncset.done $0x0  }
0x188: {  	[sflag:s8] =	ssyncadd.s32 $0xFFFFE000  }
0x189: {  	[spmem:s13] =	stream.indirect.scatter.add.f32 [tilespmem:s3], [sflag:$0x2], $0x40, s18, s6, $0xb8;
	[tilespmem:$0x1FF00] =	vst v63  }
0x18a: {  	_ =	swait.ge [sflag:s4], $0x2000  }
0x18b: {  	[sflag:s4] =	ssyncset.done $0x0  }
0x18c: {  	s21 =	rddreg [dreg:$0xb];
	[sflag:s4] =	ssyncadd.s32 $0xFFFFE000  }
0x18d: {  	[tilespmem:s7], [sflag:$0x2] =	stream.linear.gather [hbm4b:s21+s7], $0x280, $0x38;
	[tilespmem:$0x1FF00] =	vst v63  }
0x18e: {  	_ =	swait.ge [sflag:s4], $0x280  }
0x18f: {  	[sflag:s4] =	ssyncset.done $0x0  }
0x190: {  	s22 =	rddreg [dreg:$0xc];
	[sflag:s4] =	ssyncadd.s32 $0xFFFFFD80  }
0x191: {  	[tilespmem:s5], [sflag:$0x2] =	stream.linear.gather [hbm4b:s22+s7], $0x280, $0x38;
	[tilespmem:$0x1FF00] =	vst v63  }
0x192: {  	_ =	swait.ge [sflag:s4], $0x280  }
0x193: {  	[sflag:s4] =	ssyncset.done $0x0  }
0x194: {  	[sflag:s4] =	ssyncadd.s32 $0xFFFFFD80  }
0x195: {  	[tilespmem:s3], [sflag:$0x1] =	stream.indirect.gather [spmem:s12], $0x40, s7, s6, $0xb8;
	[tilespmem:$0x1FF00] =	vst v63  }
0x196: {  	_ =	swait.ge [sflag:s8], $0x2000  }
0x197: {  	[sflag:s8] =	ssyncset.done $0x0  }
0x198: {  	[sflag:s8] =	ssyncadd.s32 $0xFFFFE000  }
0x199: {  	[spmem:s13] =	stream.indirect.scatter.add.f32 [tilespmem:s3], [sflag:$0x2], $0x40, s5, s6, $0xb8;
	[tilespmem:$0x1FF00] =	vst v63  }
0x19a: {  	_ =	swait.ge [sflag:s4], $0x2000  }
0x19b: {  	[sflag:s4] =	ssyncset.done $0x0  }
0x19c: {  	[sflag:s4] =	ssyncadd.s32 $0xFFFFE000  }
0x19d: {  	[tilespmem:s3], [sflag:$0x1] =	stream.indirect.gather [spmem:s12], $0x40, s6, s6, $0xb8;
	[tilespmem:$0x1FF00] =	vst v63  }
0x19e: {  	_ =	swait.ge [sflag:s8], $0x2000  }
0x19f: {  	[sflag:s8] =	ssyncset.done $0x0  }
0x1a0: {  	[sflag:s8] =	ssyncadd.s32 $0xFFFFE000  }
0x1a1: {  	[spmem:s13] =	stream.indirect.scatter.add.f32 [tilespmem:s3], [sflag:$0x2], $0x40, s9, s6, $0xb8;
	[tilespmem:$0x1FF00] =	vst v63  }
0x1a2: {  	_ =	swait.ge [sflag:s4], $0x2000  }
0x1a3: {  	[sflag:s4] =	ssyncset.done $0x0  }
0x1a4: {  	[sflag:s4] =	ssyncadd.s32 $0xFFFFE000  }
0x1a5: {  	[tilespmem:s3], [sflag:$0x1] =	stream.indirect.gather [spmem:s12], $0x40, s10, s6, $0xb8;
	[tilespmem:$0x1FF00] =	vst v63  }
0x1a6: {  	_ =	swait.ge [sflag:s8], $0x2000  }
0x1a7: {  	[sflag:s8] =	ssyncset.done $0x0  }
0x1a8: {  	[sflag:s8] =	ssyncadd.s32 $0xFFFFE000  }
0x1a9: {  	[spmem:s13] =	stream.indirect.scatter.add.f32 [tilespmem:s3], [sflag:$0x2], $0x40, s11, s6, $0xb8;
	[tilespmem:$0x1FF00] =	vst v63  }
0x1aa: {  	_ =	swait.ge [sflag:s4], $0x2000  }
0x1ab: {  	[sflag:s4] =	ssyncset.done $0x0  }
0x1ac: {  	[sflag:s4] =	ssyncadd.s32 $0xFFFFE000  }
0x1ad: {  	[tilespmem:s3], [sflag:$0x1] =	stream.indirect.gather [spmem:s12], $0x40, s14, s6, $0xb8;
	[tilespmem:$0x1FF00] =	vst v63  }
0x1ae: {  	_ =	swait.ge [sflag:s8], $0x2000  }
0x1af: {  	[sflag:s8] =	ssyncset.done $0x0  }
0x1b0: {  	[sflag:s8] =	ssyncadd.s32 $0xFFFFE000  }
0x1b1: {  	[spmem:s13] =	stream.indirect.scatter.add.f32 [tilespmem:s3], [sflag:$0x2], $0x40, s15, s6, $0xb8;
	[tilespmem:$0x1FF00] =	vst v63  }
0x1b2: {  	_ =	swait.ge [sflag:s4], $0x2000  }
0x1b3: {  	[sflag:s4] =	ssyncset.done $0x0  }
0x1b4: {  	[sflag:s4] =	ssyncadd.s32 $0xFFFFE000  }
0x1b5: {  	[tilespmem:s3], [sflag:$0x1] =	stream.indirect.gather [spmem:s12], $0x40, s16, s6, $0xb8;
	[tilespmem:$0x1FF00] =	vst v63  }
0x1b6: {  	_ =	swait.ge [sflag:s8], $0x2000  }
0x1b7: {  	[sflag:s8] =	ssyncset.done $0x0  }
0x1b8: {  	[sflag:s8] =	ssyncadd.s32 $0xFFFFE000  }
0x1b9: {  	[spmem:s13] =	stream.indirect.scatter.add.f32 [tilespmem:s3], [sflag:$0x2], $0x40, s18, s6, $0xb8;
	[tilespmem:$0x1FF00] =	vst v63  }
0x1ba: {  	_ =	swait.ge [sflag:s4], $0x2000  }
0x1bb: {  	[sflag:s4] =	ssyncset.done $0x0  }
0x1bc: {  	s21 =	rddreg [dreg:$0xd];
	[sflag:s4] =	ssyncadd.s32 $0xFFFFE000  }
0x1bd: {  	[tilespmem:s7], [sflag:$0x2] =	stream.linear.gather [hbm4b:s21+s7], $0x280, $0x38;
	[tilespmem:$0x1FF00] =	vst v63  }
0x1be: {  	_ =	swait.ge [sflag:s4], $0x280  }
0x1bf: {  	[sflag:s4] =	ssyncset.done $0x0  }
0x1c0: {  	s22 =	rddreg [dreg:$0xe];
	[sflag:s4] =	ssyncadd.s32 $0xFFFFFD80  }
0x1c1: {  	[tilespmem:s5], [sflag:$0x2] =	stream.linear.gather [hbm4b:s22+s7], $0x280, $0x38;
	[tilespmem:$0x1FF00] =	vst v63  }
0x1c2: {  	_ =	swait.ge [sflag:s4], $0x280  }
0x1c3: {  	[sflag:s4] =	ssyncset.done $0x0  }
0x1c4: {  	[sflag:s4] =	ssyncadd.s32 $0xFFFFFD80  }
0x1c5: {  	[tilespmem:s3], [sflag:$0x1] =	stream.indirect.gather [spmem:s12], $0x40, s7, s6, $0xb8;
	[tilespmem:$0x1FF00] =	vst v63  }
0x1c6: {  	_ =	swait.ge [sflag:s8], $0x2000  }
0x1c7: {  	[sflag:s8] =	ssyncset.done $0x0  }
0x1c8: {  	[sflag:s8] =	ssyncadd.s32 $0xFFFFE000  }
0x1c9: {  	[spmem:s13] =	stream.indirect.scatter.add.f32 [tilespmem:s3], [sflag:$0x2], $0x40, s5, s6, $0xb8;
	[tilespmem:$0x1FF00] =	vst v63  }
0x1ca: {  	_ =	swait.ge [sflag:s4], $0x2000  }
0x1cb: {  	[sflag:s4] =	ssyncset.done $0x0  }
0x1cc: {  	[sflag:s4] =	ssyncadd.s32 $0xFFFFE000  }
0x1cd: {  	[tilespmem:s3], [sflag:$0x1] =	stream.indirect.gather [spmem:s12], $0x40, s6, s6, $0xb8;
	[tilespmem:$0x1FF00] =	vst v63  }
0x1ce: {  	_ =	swait.ge [sflag:s8], $0x2000  }
0x1cf: {  	[sflag:s8] =	ssyncset.done $0x0  }
0x1d0: {  	[sflag:s8] =	ssyncadd.s32 $0xFFFFE000  }
0x1d1: {  	[spmem:s13] =	stream.indirect.scatter.add.f32 [tilespmem:s3], [sflag:$0x2], $0x40, s9, s6, $0xb8;
	[tilespmem:$0x1FF00] =	vst v63  }
0x1d2: {  	_ =	swait.ge [sflag:s4], $0x2000  }
0x1d3: {  	[sflag:s4] =	ssyncset.done $0x0  }
0x1d4: {  	[sflag:s4] =	ssyncadd.s32 $0xFFFFE000  }
0x1d5: {  	[tilespmem:s3], [sflag:$0x1] =	stream.indirect.gather [spmem:s12], $0x40, s10, s6, $0xb8;
	[tilespmem:$0x1FF00] =	vst v63  }
0x1d6: {  	_ =	swait.ge [sflag:s8], $0x2000  }
0x1d7: {  	[sflag:s8] =	ssyncset.done $0x0  }
0x1d8: {  	[sflag:s8] =	ssyncadd.s32 $0xFFFFE000  }
0x1d9: {  	[spmem:s13] =	stream.indirect.scatter.add.f32 [tilespmem:s3], [sflag:$0x2], $0x40, s11, s6, $0xb8;
	[tilespmem:$0x1FF00] =	vst v63  }
0x1da: {  	_ =	swait.ge [sflag:s4], $0x2000  }
0x1db: {  	[sflag:s4] =	ssyncset.done $0x0  }
0x1dc: {  	[sflag:s4] =	ssyncadd.s32 $0xFFFFE000  }
0x1dd: {  	[tilespmem:s3], [sflag:$0x1] =	stream.indirect.gather [spmem:s12], $0x40, s14, s6, $0xb8;
	[tilespmem:$0x1FF00] =	vst v63  }
0x1de: {  	_ =	swait.ge [sflag:s8], $0x2000  }
0x1df: {  	[sflag:s8] =	ssyncset.done $0x0  }
0x1e0: {  	[sflag:s8] =	ssyncadd.s32 $0xFFFFE000  }
0x1e1: {  	[spmem:s13] =	stream.indirect.scatter.add.f32 [tilespmem:s3], [sflag:$0x2], $0x40, s15, s6, $0xb8;
	[tilespmem:$0x1FF00] =	vst v63  }
0x1e2: {  	_ =	swait.ge [sflag:s4], $0x2000  }
0x1e3: {  	[sflag:s4] =	ssyncset.done $0x0  }
0x1e4: {  	[sflag:s4] =	ssyncadd.s32 $0xFFFFE000  }
0x1e5: {  	[tilespmem:s3], [sflag:$0x1] =	stream.indirect.gather [spmem:s12], $0x40, s16, s6, $0xb8;
	[tilespmem:$0x1FF00] =	vst v63  }
0x1e6: {  	_ =	swait.ge [sflag:s8], $0x2000  }
0x1e7: {  	[sflag:s8] =	ssyncset.done $0x0  }
0x1e8: {  	[sflag:s8] =	ssyncadd.s32 $0xFFFFE000  }
0x1e9: {  	[spmem:s13] =	stream.indirect.scatter.add.f32 [tilespmem:s3], [sflag:$0x2], $0x40, s18, s6, $0xb8;
	[tilespmem:$0x1FF00] =	vst v63  }
0x1ea: {  	_ =	swait.ge [sflag:s4], $0x2000  }
0x1eb: {  	[sflag:s4] =	ssyncset.done $0x0  }
0x1ec: {  	s21 =	rddreg [dreg:$0xf];
	[sflag:s4] =	ssyncadd.s32 $0xFFFFE000  }
0x1ed: {  	[tilespmem:s7], [sflag:$0x2] =	stream.linear.gather [hbm4b:s21+s7], $0x280, $0x38;
	[tilespmem:$0x1FF00] =	vst v63  }
0x1ee: {  	_ =	swait.ge [sflag:s4], $0x280  }
0x1ef: {  	[sflag:s4] =	ssyncset.done $0x0  }
0x1f0: {  	[sflag:s4] =	ssyncadd.s32 $0xFFFFFD80  }
0x1f1: {  	s22 =	rddreg [dreg:$0x10]  }
0x1f2: {  	[tilespmem:s5], [sflag:$0x2] =	stream.linear.gather [hbm4b:s22+s7], $0x280, $0x38;
	[tilespmem:$0x1FF00] =	vst v63  }
0x1f3: {  	_ =	swait.ge [sflag:s4], $0x280  }
0x1f4: {  	[sflag:s4] =	ssyncset.done $0x0  }
0x1f5: {  	[sflag:s4] =	ssyncadd.s32 $0xFFFFFD80  }
0x1f6: {  	[tilespmem:s3], [sflag:$0x1] =	stream.indirect.gather [spmem:s12], $0x40, s7, s6, $0xb8;
	[tilespmem:$0x1FF00] =	vst v63  }
0x1f7: {  	_ =	swait.ge [sflag:s8], $0x2000  }
0x1f8: {  	[sflag:s8] =	ssyncset.done $0x0  }
0x1f9: {  	[sflag:s8] =	ssyncadd.s32 $0xFFFFE000  }
0x1fa: {  	[spmem:s13] =	stream.indirect.scatter.add.f32 [tilespmem:s3], [sflag:$0x2], $0x40, s5, s6, $0xb8;
	[tilespmem:$0x1FF00] =	vst v63  }
0x1fb: {  	_ =	swait.ge [sflag:s4], $0x2000  }
0x1fc: {  	[sflag:s4] =	ssyncset.done $0x0  }
0x1fd: {  	[sflag:s4] =	ssyncadd.s32 $0xFFFFE000  }
0x1fe: {  	[tilespmem:s3], [sflag:$0x1] =	stream.indirect.gather [spmem:s12], $0x40, s6, s6, $0xb8;
	[tilespmem:$0x1FF00] =	vst v63  }
0x1ff: {  	_ =	swait.ge [sflag:s8], $0x2000  }
0x200: {  	[sflag:s8] =	ssyncset.done $0x0  }
0x201: {  	[sflag:s8] =	ssyncadd.s32 $0xFFFFE000  }
0x202: {  	[spmem:s13] =	stream.indirect.scatter.add.f32 [tilespmem:s3], [sflag:$0x2], $0x40, s9, s6, $0xb8;
	[tilespmem:$0x1FF00] =	vst v63  }
0x203: {  	_ =	swait.ge [sflag:s4], $0x2000  }
0x204: {  	[sflag:s4] =	ssyncset.done $0x0  }
0x205: {  	[sflag:s4] =	ssyncadd.s32 $0xFFFFE000  }
0x206: {  	[tilespmem:s3], [sflag:$0x1] =	stream.indirect.gather [spmem:s12], $0x40, s10, s6, $0xb8;
	[tilespmem:$0x1FF00] =	vst v63  }
0x207: {  	_ =	swait.ge [sflag:s8], $0x2000  }
0x208: {  	[sflag:s8] =	ssyncset.done $0x0  }
0x209: {  	[sflag:s8] =	ssyncadd.s32 $0xFFFFE000  }
0x20a: {  	[spmem:s13] =	stream.indirect.scatter.add.f32 [tilespmem:s3], [sflag:$0x2], $0x40, s11, s6, $0xb8;
	[tilespmem:$0x1FF00] =	vst v63  }
0x20b: {  	_ =	swait.ge [sflag:s4], $0x2000  }
0x20c: {  	[sflag:s4] =	ssyncset.done $0x0  }
0x20d: {  	[sflag:s4] =	ssyncadd.s32 $0xFFFFE000  }
0x20e: {  	[tilespmem:s3], [sflag:$0x1] =	stream.indirect.gather [spmem:s12], $0x40, s14, s6, $0xb8;
	[tilespmem:$0x1FF00] =	vst v63  }
0x20f: {  	_ =	swait.ge [sflag:s8], $0x2000  }
0x210: {  	[sflag:s8] =	ssyncset.done $0x0  }
0x211: {  	[sflag:s8] =	ssyncadd.s32 $0xFFFFE000  }
0x212: {  	[spmem:s13] =	stream.indirect.scatter.add.f32 [tilespmem:s3], [sflag:$0x2], $0x40, s15, s6, $0xb8;
	[tilespmem:$0x1FF00] =	vst v63  }
0x213: {  	_ =	swait.ge [sflag:s4], $0x2000  }
0x214: {  	[sflag:s4] =	ssyncset.done $0x0  }
0x215: {  	[sflag:s4] =	ssyncadd.s32 $0xFFFFE000  }
0x216: {  	[tilespmem:s3], [sflag:$0x1] =	stream.indirect.gather [spmem:s12], $0x40, s16, s6, $0xb8;
	[tilespmem:$0x1FF00] =	vst v63  }
0x217: {  	_ =	swait.ge [sflag:s8], $0x2000  }
0x218: {  	[sflag:s8] =	ssyncset.done $0x0  }
0x219: {  	[sflag:s8] =	ssyncadd.s32 $0xFFFFE000  }
0x21a: {  	[spmem:s13] =	stream.indirect.scatter.add.f32 [tilespmem:s3], [sflag:$0x2], $0x40, s18, s6, $0xb8;
	[tilespmem:$0x1FF00] =	vst v63  }
0x21b: {  	_ =	swait.ge [sflag:s4], $0x2000  }
0x21c: {  	[sflag:s4] =	ssyncset.done $0x0  }
0x21d: {  	s21 =	rddreg [dreg:$0x11];
	[sflag:s4] =	ssyncadd.s32 $0xFFFFE000  }
0x21e: {  	[tilespmem:s7], [sflag:$0x2] =	stream.linear.gather [hbm4b:s21+s7], $0x280, $0x38;
	[tilespmem:$0x1FF00] =	vst v63  }
0x21f: {  	_ =	swait.ge [sflag:s4], $0x280  }
0x220: {  	[sflag:s4] =	ssyncset.done $0x0  }
0x221: {  	s22 =	rddreg [dreg:$0x12];
	[sflag:s4] =	ssyncadd.s32 $0xFFFFFD80  }
0x222: {  	[tilespmem:s5], [sflag:$0x2] =	stream.linear.gather [hbm4b:s22+s7], $0x280, $0x38;
	[tilespmem:$0x1FF00] =	vst v63  }
0x223: {  	_ =	swait.ge [sflag:s4], $0x280  }
0x224: {  	[sflag:s4] =	ssyncset.done $0x0  }
0x225: {  	[sflag:s4] =	ssyncadd.s32 $0xFFFFFD80  }
0x226: {  	[tilespmem:s3], [sflag:$0x1] =	stream.indirect.gather [spmem:s12], $0x40, s7, s6, $0xb8;
	[tilespmem:$0x1FF00] =	vst v63  }
0x227: {  	_ =	swait.ge [sflag:s8], $0x2000  }
0x228: {  	[sflag:s8] =	ssyncset.done $0x0  }
0x229: {  	[sflag:s8] =	ssyncadd.s32 $0xFFFFE000  }
0x22a: {  	[spmem:s13] =	stream.indirect.scatter.add.f32 [tilespmem:s3], [sflag:$0x2], $0x40, s5, s6, $0xb8;
	[tilespmem:$0x1FF00] =	vst v63  }
0x22b: {  	_ =	swait.ge [sflag:s4], $0x2000  }
0x22c: {  	[sflag:s4] =	ssyncset.done $0x0  }
0x22d: {  	[sflag:s4] =	ssyncadd.s32 $0xFFFFE000  }
0x22e: {  	[tilespmem:s3], [sflag:$0x1] =	stream.indirect.gather [spmem:s12], $0x40, s6, s6, $0xb8;
	[tilespmem:$0x1FF00] =	vst v63  }
0x22f: {  	_ =	swait.ge [sflag:s8], $0x2000  }
0x230: {  	[sflag:s8] =	ssyncset.done $0x0  }
0x231: {  	[sflag:s8] =	ssyncadd.s32 $0xFFFFE000  }
0x232: {  	[spmem:s13] =	stream.indirect.scatter.add.f32 [tilespmem:s3], [sflag:$0x2], $0x40, s9, s6, $0xb8;
	[tilespmem:$0x1FF00] =	vst v63  }
0x233: {  	_ =	swait.ge [sflag:s4], $0x2000  }
0x234: {  	[sflag:s4] =	ssyncset.done $0x0  }
0x235: {  	[sflag:s4] =	ssyncadd.s32 $0xFFFFE000  }
0x236: {  	[tilespmem:s3], [sflag:$0x1] =	stream.indirect.gather [spmem:s12], $0x40, s10, s6, $0xb8;
	[tilespmem:$0x1FF00] =	vst v63  }
0x237: {  	_ =	swait.ge [sflag:s8], $0x2000  }
0x238: {  	[sflag:s8] =	ssyncset.done $0x0  }
0x239: {  	[sflag:s8] =	ssyncadd.s32 $0xFFFFE000  }
0x23a: {  	[spmem:s13] =	stream.indirect.scatter.add.f32 [tilespmem:s3], [sflag:$0x2], $0x40, s11, s6, $0xb8;
	[tilespmem:$0x1FF00] =	vst v63  }
0x23b: {  	_ =	swait.ge [sflag:s4], $0x2000  }
0x23c: {  	[sflag:s4] =	ssyncset.done $0x0  }
0x23d: {  	[sflag:s4] =	ssyncadd.s32 $0xFFFFE000  }
0x23e: {  	[tilespmem:s3], [sflag:$0x1] =	stream.indirect.gather [spmem:s12], $0x40, s14, s6, $0xb8;
	[tilespmem:$0x1FF00] =	vst v63  }
0x23f: {  	_ =	swait.ge [sflag:s8], $0x2000  }
0x240: {  	[sflag:s8] =	ssyncset.done $0x0  }
0x241: {  	[sflag:s8] =	ssyncadd.s32 $0xFFFFE000  }
0x242: {  	[spmem:s13] =	stream.indirect.scatter.add.f32 [tilespmem:s3], [sflag:$0x2], $0x40, s15, s6, $0xb8;
	[tilespmem:$0x1FF00] =	vst v63  }
0x243: {  	_ =	swait.ge [sflag:s4], $0x2000  }
0x244: {  	[sflag:s4] =	ssyncset.done $0x0  }
0x245: {  	[sflag:s4] =	ssyncadd.s32 $0xFFFFE000  }
0x246: {  	[tilespmem:s3], [sflag:$0x1] =	stream.indirect.gather [spmem:s12], $0x40, s16, s6, $0xb8;
	[tilespmem:$0x1FF00] =	vst v63  }
0x247: {  	_ =	swait.ge [sflag:s8], $0x2000  }
0x248: {  	[sflag:s8] =	ssyncset.done $0x0  }
0x249: {  	[sflag:s8] =	ssyncadd.s32 $0xFFFFE000  }
0x24a: {  	[spmem:s13] =	stream.indirect.scatter.add.f32 [tilespmem:s3], [sflag:$0x2], $0x40, s18, s6, $0xb8;
	[tilespmem:$0x1FF00] =	vst v63  }
0x24b: {  	_ =	swait.ge [sflag:s4], $0x2000  }
0x24c: {  	[sflag:s4] =	ssyncset.done $0x0  }
0x24d: {  	s21 =	rddreg [dreg:$0x13];
	[sflag:s4] =	ssyncadd.s32 $0xFFFFE000  }
0x24e: {  	[tilespmem:s7], [sflag:$0x2] =	stream.linear.gather [hbm4b:s21+s7], $0x280, $0x38;
	[tilespmem:$0x1FF00] =	vst v63  }
0x24f: {  	_ =	swait.ge [sflag:s4], $0x280  }
0x250: {  	[sflag:s4] =	ssyncset.done $0x0  }
0x251: {  	s22 =	rddreg [dreg:$0x14];
	[sflag:s4] =	ssyncadd.s32 $0xFFFFFD80  }
0x252: {  	[tilespmem:s5], [sflag:$0x2] =	stream.linear.gather [hbm4b:s22+s7], $0x280, $0x38;
	[tilespmem:$0x1FF00] =	vst v63  }
0x253: {  	_ =	swait.ge [sflag:s4], $0x280  }
0x254: {  	[sflag:s4] =	ssyncset.done $0x0  }
0x255: {  	[sflag:s4] =	ssyncadd.s32 $0xFFFFFD80  }
0x256: {  	[tilespmem:s3], [sflag:$0x1] =	stream.indirect.gather [spmem:s12], $0x40, s7, s6, $0xb8;
	[tilespmem:$0x1FF00] =	vst v63  }
0x257: {  	_ =	swait.ge [sflag:s8], $0x2000  }
0x258: {  	[sflag:s8] =	ssyncset.done $0x0  }
0x259: {  	[sflag:s8] =	ssyncadd.s32 $0xFFFFE000  }
0x25a: {  	[spmem:s13] =	stream.indirect.scatter.add.f32 [tilespmem:s3], [sflag:$0x2], $0x40, s5, s6, $0xb8;
	[tilespmem:$0x1FF00] =	vst v63  }
0x25b: {  	_ =	swait.ge [sflag:s4], $0x2000  }
0x25c: {  	[sflag:s4] =	ssyncset.done $0x0  }
0x25d: {  	[sflag:s4] =	ssyncadd.s32 $0xFFFFE000  }
0x25e: {  	[tilespmem:s3], [sflag:$0x1] =	stream.indirect.gather [spmem:s12], $0x40, s6, s6, $0xb8;
	[tilespmem:$0x1FF00] =	vst v63  }
0x25f: {  	_ =	swait.ge [sflag:s8], $0x2000  }
0x260: {  	[sflag:s8] =	ssyncset.done $0x0  }
0x261: {  	[sflag:s8] =	ssyncadd.s32 $0xFFFFE000  }
0x262: {  	[spmem:s13] =	stream.indirect.scatter.add.f32 [tilespmem:s3], [sflag:$0x2], $0x40, s9, s6, $0xb8;
	[tilespmem:$0x1FF00] =	vst v63  }
0x263: {  	_ =	swait.ge [sflag:s4], $0x2000  }
0x264: {  	[sflag:s4] =	ssyncset.done $0x0  }
0x265: {  	[sflag:s4] =	ssyncadd.s32 $0xFFFFE000  }
0x266: {  	[tilespmem:s3], [sflag:$0x1] =	stream.indirect.gather [spmem:s12], $0x40, s10, s6, $0xb8;
	[tilespmem:$0x1FF00] =	vst v63  }
0x267: {  	_ =	swait.ge [sflag:s8], $0x2000  }
0x268: {  	[sflag:s8] =	ssyncset.done $0x0  }
0x269: {  	[sflag:s8] =	ssyncadd.s32 $0xFFFFE000  }
0x26a: {  	[spmem:s13] =	stream.indirect.scatter.add.f32 [tilespmem:s3], [sflag:$0x2], $0x40, s11, s6, $0xb8;
	[tilespmem:$0x1FF00] =	vst v63  }
0x26b: {  	_ =	swait.ge [sflag:s4], $0x2000  }
0x26c: {  	[sflag:s4] =	ssyncset.done $0x0  }
0x26d: {  	[sflag:s4] =	ssyncadd.s32 $0xFFFFE000  }
0x26e: {  	[tilespmem:s3], [sflag:$0x1] =	stream.indirect.gather [spmem:s12], $0x40, s14, s6, $0xb8;
	[tilespmem:$0x1FF00] =	vst v63  }
0x26f: {  	_ =	swait.ge [sflag:s8], $0x2000  }
0x270: {  	[sflag:s8] =	ssyncset.done $0x0  }
0x271: {  	[sflag:s8] =	ssyncadd.s32 $0xFFFFE000  }
0x272: {  	[spmem:s13] =	stream.indirect.scatter.add.f32 [tilespmem:s3], [sflag:$0x2], $0x40, s15, s6, $0xb8;
	[tilespmem:$0x1FF00] =	vst v63  }
0x273: {  	_ =	swait.ge [sflag:s4], $0x2000  }
0x274: {  	[sflag:s4] =	ssyncset.done $0x0  }
0x275: {  	[sflag:s4] =	ssyncadd.s32 $0xFFFFE000  }
0x276: {  	[tilespmem:s3], [sflag:$0x1] =	stream.indirect.gather [spmem:s12], $0x40, s16, s6, $0xb8;
	[tilespmem:$0x1FF00] =	vst v63  }
0x277: {  	_ =	swait.ge [sflag:s8], $0x2000  }
0x278: {  	[sflag:s8] =	ssyncset.done $0x0  }
0x279: {  	[sflag:s8] =	ssyncadd.s32 $0xFFFFE000  }
0x27a: {  	[spmem:s13] =	stream.indirect.scatter.add.f32 [tilespmem:s3], [sflag:$0x2], $0x40, s18, s6, $0xb8;
	[tilespmem:$0x1FF00] =	vst v63  }
0x27b: {  	_ =	swait.ge [sflag:s4], $0x2000  }
0x27c: {  	[sflag:s4] =	ssyncset.done $0x0  }
0x27d: {  	s21 =	rddreg [dreg:$0x15];
	[sflag:s4] =	ssyncadd.s32 $0xFFFFE000  }
0x27e: {  	[tilespmem:s7], [sflag:$0x2] =	stream.linear.gather [hbm4b:s21+s7], $0x280, $0x38;
	[tilespmem:$0x1FF00] =	vst v63  }
0x27f: {  	_ =	swait.ge [sflag:s4], $0x280  }
0x280: {  	[sflag:s4] =	ssyncset.done $0x0  }
0x281: {  	s22 =	rddreg [dreg:$0x16];
	[sflag:s4] =	ssyncadd.s32 $0xFFFFFD80  }
0x282: {  	[tilespmem:s5], [sflag:$0x2] =	stream.linear.gather [hbm4b:s22+s7], $0x280, $0x38;
	[tilespmem:$0x1FF00] =	vst v63  }
0x283: {  	_ =	swait.ge [sflag:s4], $0x280  }
0x284: {  	[sflag:s4] =	ssyncset.done $0x0  }
0x285: {  	[sflag:s4] =	ssyncadd.s32 $0xFFFFFD80  }
0x286: {  	[tilespmem:s3], [sflag:$0x1] =	stream.indirect.gather [spmem:s12], $0x40, s7, s6, $0xb8;
	[tilespmem:$0x1FF00] =	vst v63  }
0x287: {  	_ =	swait.ge [sflag:s8], $0x2000  }
0x288: {  	[sflag:s8] =	ssyncset.done $0x0  }
0x289: {  	[sflag:s8] =	ssyncadd.s32 $0xFFFFE000  }
0x28a: {  	[spmem:s13] =	stream.indirect.scatter.add.f32 [tilespmem:s3], [sflag:$0x2], $0x40, s5, s6, $0xb8;
	[tilespmem:$0x1FF00] =	vst v63  }
0x28b: {  	_ =	swait.ge [sflag:s4], $0x2000  }
0x28c: {  	[sflag:s4] =	ssyncset.done $0x0  }
0x28d: {  	[sflag:s4] =	ssyncadd.s32 $0xFFFFE000  }
0x28e: {  	[tilespmem:s3], [sflag:$0x1] =	stream.indirect.gather [spmem:s12], $0x40, s6, s6, $0xb8;
	[tilespmem:$0x1FF00] =	vst v63  }
0x28f: {  	_ =	swait.ge [sflag:s8], $0x2000  }
0x290: {  	[sflag:s8] =	ssyncset.done $0x0  }
0x291: {  	[sflag:s8] =	ssyncadd.s32 $0xFFFFE000  }
0x292: {  	[spmem:s13] =	stream.indirect.scatter.add.f32 [tilespmem:s3], [sflag:$0x2], $0x40, s9, s6, $0xb8;
	[tilespmem:$0x1FF00] =	vst v63  }
0x293: {  	_ =	swait.ge [sflag:s4], $0x2000  }
0x294: {  	[sflag:s4] =	ssyncset.done $0x0  }
0x295: {  	[sflag:s4] =	ssyncadd.s32 $0xFFFFE000  }
0x296: {  	[tilespmem:s3], [sflag:$0x1] =	stream.indirect.gather [spmem:s12], $0x40, s10, s6, $0xb8;
	[tilespmem:$0x1FF00] =	vst v63  }
0x297: {  	_ =	swait.ge [sflag:s8], $0x2000  }
0x298: {  	[sflag:s8] =	ssyncset.done $0x0  }
0x299: {  	[sflag:s8] =	ssyncadd.s32 $0xFFFFE000  }
0x29a: {  	[spmem:s13] =	stream.indirect.scatter.add.f32 [tilespmem:s3], [sflag:$0x2], $0x40, s11, s6, $0xb8;
	[tilespmem:$0x1FF00] =	vst v63  }
0x29b: {  	_ =	swait.ge [sflag:s4], $0x2000  }
0x29c: {  	[sflag:s4] =	ssyncset.done $0x0  }
0x29d: {  	[sflag:s4] =	ssyncadd.s32 $0xFFFFE000  }
0x29e: {  	[tilespmem:s3], [sflag:$0x1] =	stream.indirect.gather [spmem:s12], $0x40, s14, s6, $0xb8;
	[tilespmem:$0x1FF00] =	vst v63  }
0x29f: {  	_ =	swait.ge [sflag:s8], $0x2000  }
0x2a0: {  	[sflag:s8] =	ssyncset.done $0x0  }
0x2a1: {  	[sflag:s8] =	ssyncadd.s32 $0xFFFFE000  }
0x2a2: {  	[spmem:s13] =	stream.indirect.scatter.add.f32 [tilespmem:s3], [sflag:$0x2], $0x40, s15, s6, $0xb8;
	[tilespmem:$0x1FF00] =	vst v63  }
0x2a3: {  	_ =	swait.ge [sflag:s4], $0x2000  }
0x2a4: {  	[sflag:s4] =	ssyncset.done $0x0  }
0x2a5: {  	[sflag:s4] =	ssyncadd.s32 $0xFFFFE000  }
0x2a6: {  	[tilespmem:s3], [sflag:$0x1] =	stream.indirect.gather [spmem:s12], $0x40, s16, s6, $0xb8;
	[tilespmem:$0x1FF00] =	vst v63  }
0x2a7: {  	_ =	swait.ge [sflag:s8], $0x2000  }
0x2a8: {  	[sflag:s8] =	ssyncset.done $0x0  }
0x2a9: {  	[sflag:s8] =	ssyncadd.s32 $0xFFFFE000  }
0x2aa: {  	[spmem:s13] =	stream.indirect.scatter.add.f32 [tilespmem:s3], [sflag:$0x2], $0x40, s18, s6, $0xb8;
	[tilespmem:$0x1FF00] =	vst v63  }
0x2ab: {  	_ =	swait.ge [sflag:s4], $0x2000  }
0x2ac: {  	[sflag:s4] =	ssyncset.done $0x0  }
0x2ad: {  	s21 =	rddreg [dreg:$0x17];
	[sflag:s4] =	ssyncadd.s32 $0xFFFFE000  }
0x2ae: {  	[tilespmem:s7], [sflag:$0x2] =	stream.linear.gather [hbm4b:s21+s7], $0x280, $0x38;
	[tilespmem:$0x1FF00] =	vst v63  }
0x2af: {  	_ =	swait.ge [sflag:s4], $0x280  }
0x2b0: {  	[sflag:s4] =	ssyncset.done $0x0  }
0x2b1: {  	s22 =	rddreg [dreg:$0x18];
	[sflag:s4] =	ssyncadd.s32 $0xFFFFFD80  }
0x2b2: {  	[tilespmem:s5], [sflag:$0x2] =	stream.linear.gather [hbm4b:s22+s7], $0x280, $0x38;
	[tilespmem:$0x1FF00] =	vst v63  }
0x2b3: {  	_ =	swait.ge [sflag:s4], $0x280  }
0x2b4: {  	[sflag:s4] =	ssyncset.done $0x0  }
0x2b5: {  	[sflag:s4] =	ssyncadd.s32 $0xFFFFFD80  }
0x2b6: {  	[tilespmem:s3], [sflag:$0x1] =	stream.indirect.gather [spmem:s12], $0x40, s7, s6, $0xb8;
	[tilespmem:$0x1FF00] =	vst v63  }
0x2b7: {  	_ =	swait.ge [sflag:s8], $0x2000  }
0x2b8: {  	[sflag:s8] =	ssyncset.done $0x0  }
0x2b9: {  	[sflag:s8] =	ssyncadd.s32 $0xFFFFE000  }
0x2ba: {  	[spmem:s13] =	stream.indirect.scatter.add.f32 [tilespmem:s3], [sflag:$0x2], $0x40, s5, s6, $0xb8;
	[tilespmem:$0x1FF00] =	vst v63  }
0x2bb: {  	_ =	swait.ge [sflag:s4], $0x2000  }
0x2bc: {  	[sflag:s4] =	ssyncset.done $0x0  }
0x2bd: {  	[sflag:s4] =	ssyncadd.s32 $0xFFFFE000  }
0x2be: {  	[tilespmem:s3], [sflag:$0x1] =	stream.indirect.gather [spmem:s12], $0x40, s6, s6, $0xb8;
	[tilespmem:$0x1FF00] =	vst v63  }
0x2bf: {  	_ =	swait.ge [sflag:s8], $0x2000  }
0x2c0: {  	[sflag:s8] =	ssyncset.done $0x0  }
0x2c1: {  	[sflag:s8] =	ssyncadd.s32 $0xFFFFE000  }
0x2c2: {  	[spmem:s13] =	stream.indirect.scatter.add.f32 [tilespmem:s3], [sflag:$0x2], $0x40, s9, s6, $0xb8;
	[tilespmem:$0x1FF00] =	vst v63  }
0x2c3: {  	_ =	swait.ge [sflag:s4], $0x2000  }
0x2c4: {  	[sflag:s4] =	ssyncset.done $0x0  }
0x2c5: {  	[sflag:s4] =	ssyncadd.s32 $0xFFFFE000  }
0x2c6: {  	[tilespmem:s3], [sflag:$0x1] =	stream.indirect.gather [spmem:s12], $0x40, s10, s6, $0xb8;
	[tilespmem:$0x1FF00] =	vst v63  }
0x2c7: {  	_ =	swait.ge [sflag:s8], $0x2000  }
0x2c8: {  	[sflag:s8] =	ssyncset.done $0x0  }
0x2c9: {  	[sflag:s8] =	ssyncadd.s32 $0xFFFFE000  }
0x2ca: {  	[spmem:s13] =	stream.indirect.scatter.add.f32 [tilespmem:s3], [sflag:$0x2], $0x40, s11, s6, $0xb8;
	[tilespmem:$0x1FF00] =	vst v63  }
0x2cb: {  	_ =	swait.ge [sflag:s4], $0x2000  }
0x2cc: {  	[sflag:s4] =	ssyncset.done $0x0  }
0x2cd: {  	[sflag:s4] =	ssyncadd.s32 $0xFFFFE000  }
0x2ce: {  	[tilespmem:s3], [sflag:$0x1] =	stream.indirect.gather [spmem:s12], $0x40, s14, s6, $0xb8;
	[tilespmem:$0x1FF00] =	vst v63  }
0x2cf: {  	_ =	swait.ge [sflag:s8], $0x2000  }
0x2d0: {  	[sflag:s8] =	ssyncset.done $0x0  }
0x2d1: {  	[sflag:s8] =	ssyncadd.s32 $0xFFFFE000  }
0x2d2: {  	[spmem:s13] =	stream.indirect.scatter.add.f32 [tilespmem:s3], [sflag:$0x2], $0x40, s15, s6, $0xb8;
	[tilespmem:$0x1FF00] =	vst v63  }
0x2d3: {  	_ =	swait.ge [sflag:s4], $0x2000  }
0x2d4: {  	[sflag:s4] =	ssyncset.done $0x0  }
0x2d5: {  	[sflag:s4] =	ssyncadd.s32 $0xFFFFE000  }
0x2d6: {  	[tilespmem:s3], [sflag:$0x1] =	stream.indirect.gather [spmem:s12], $0x40, s16, s6, $0xb8;
	[tilespmem:$0x1FF00] =	vst v63  }
0x2d7: {  	_ =	swait.ge [sflag:s8], $0x2000  }
0x2d8: {  	[sflag:s8] =	ssyncset.done $0x0  }
0x2d9: {  	[sflag:s8] =	ssyncadd.s32 $0xFFFFE000  }
0x2da: {  	[spmem:s13] =	stream.indirect.scatter.add.f32 [tilespmem:s3], [sflag:$0x2], $0x40, s18, s6, $0xb8;
	[tilespmem:$0x1FF00] =	vst v63  }
0x2db: {  	_ =	swait.ge [sflag:s4], $0x2000  }
0x2dc: {  	[sflag:s4] =	ssyncset.done $0x0  }
0x2dd: {  	s21 =	rddreg [dreg:$0x19];
	[sflag:s4] =	ssyncadd.s32 $0xFFFFE000  }
0x2de: {  	[tilespmem:s7], [sflag:$0x2] =	stream.linear.gather [hbm4b:s21+s7], $0x280, $0x38;
	[tilespmem:$0x1FF00] =	vst v63  }
0x2df: {  	_ =	swait.ge [sflag:s4], $0x280  }
0x2e0: {  	[sflag:s4] =	ssyncset.done $0x0  }
0x2e1: {  	s22 =	rddreg [dreg:$0x1a];
	[sflag:s4] =	ssyncadd.s32 $0xFFFFFD80  }
0x2e2: {  	[tilespmem:s5], [sflag:$0x2] =	stream.linear.gather [hbm4b:s22+s7], $0x280, $0x38;
	[tilespmem:$0x1FF00] =	vst v63  }
0x2e3: {  	_ =	swait.ge [sflag:s4], $0x280  }
0x2e4: {  	[sflag:s4] =	ssyncset.done $0x0  }
0x2e5: {  	[sflag:s4] =	ssyncadd.s32 $0xFFFFFD80  }
0x2e6: {  	[tilespmem:s3], [sflag:$0x1] =	stream.indirect.gather [spmem:s12], $0x40, s7, s6, $0xb8;
	[tilespmem:$0x1FF00] =	vst v63  }
0x2e7: {  	_ =	swait.ge [sflag:s8], $0x2000  }
0x2e8: {  	[sflag:s8] =	ssyncset.done $0x0  }
0x2e9: {  	[sflag:s8] =	ssyncadd.s32 $0xFFFFE000  }
0x2ea: {  	[spmem:s13] =	stream.indirect.scatter.add.f32 [tilespmem:s3], [sflag:$0x2], $0x40, s5, s6, $0xb8;
	[tilespmem:$0x1FF00] =	vst v63  }
0x2eb: {  	_ =	swait.ge [sflag:s4], $0x2000  }
0x2ec: {  	[sflag:s4] =	ssyncset.done $0x0  }
0x2ed: {  	[sflag:s4] =	ssyncadd.s32 $0xFFFFE000  }
0x2ee: {  	[tilespmem:s3], [sflag:$0x1] =	stream.indirect.gather [spmem:s12], $0x40, s6, s6, $0xb8;
	[tilespmem:$0x1FF00] =	vst v63  }
0x2ef: {  	_ =	swait.ge [sflag:s8], $0x2000  }
0x2f0: {  	[sflag:s8] =	ssyncset.done $0x0  }
0x2f1: {  	[sflag:s8] =	ssyncadd.s32 $0xFFFFE000  }
0x2f2: {  	[spmem:s13] =	stream.indirect.scatter.add.f32 [tilespmem:s3], [sflag:$0x2], $0x40, s9, s6, $0xb8;
	[tilespmem:$0x1FF00] =	vst v63  }
0x2f3: {  	_ =	swait.ge [sflag:s4], $0x2000  }
0x2f4: {  	[sflag:s4] =	ssyncset.done $0x0  }
0x2f5: {  	[sflag:s4] =	ssyncadd.s32 $0xFFFFE000  }
0x2f6: {  	[tilespmem:s3], [sflag:$0x1] =	stream.indirect.gather [spmem:s12], $0x40, s10, s6, $0xb8;
	[tilespmem:$0x1FF00] =	vst v63  }
0x2f7: {  	_ =	swait.ge [sflag:s8], $0x2000  }
0x2f8: {  	[sflag:s8] =	ssyncset.done $0x0  }
0x2f9: {  	[sflag:s8] =	ssyncadd.s32 $0xFFFFE000  }
0x2fa: {  	[spmem:s13] =	stream.indirect.scatter.add.f32 [tilespmem:s3], [sflag:$0x2], $0x40, s11, s6, $0xb8;
	[tilespmem:$0x1FF00] =	vst v63  }
0x2fb: {  	_ =	swait.ge [sflag:s4], $0x2000  }
0x2fc: {  	[sflag:s4] =	ssyncset.done $0x0  }
0x2fd: {  	[sflag:s4] =	ssyncadd.s32 $0xFFFFE000  }
0x2fe: {  	[tilespmem:s3], [sflag:$0x1] =	stream.indirect.gather [spmem:s12], $0x40, s14, s6, $0xb8;
	[tilespmem:$0x1FF00] =	vst v63  }
0x2ff: {  	_ =	swait.ge [sflag:s8], $0x2000  }
0x300: {  	[sflag:s8] =	ssyncset.done $0x0  }
0x301: {  	[sflag:s8] =	ssyncadd.s32 $0xFFFFE000  }
0x302: {  	[spmem:s13] =	stream.indirect.scatter.add.f32 [tilespmem:s3], [sflag:$0x2], $0x40, s15, s6, $0xb8;
	[tilespmem:$0x1FF00] =	vst v63  }
0x303: {  	_ =	swait.ge [sflag:s4], $0x2000  }
0x304: {  	[sflag:s4] =	ssyncset.done $0x0  }
0x305: {  	[sflag:s4] =	ssyncadd.s32 $0xFFFFE000  }
0x306: {  	[tilespmem:s3], [sflag:$0x1] =	stream.indirect.gather [spmem:s12], $0x40, s16, s6, $0xb8;
	[tilespmem:$0x1FF00] =	vst v63  }
0x307: {  	_ =	swait.ge [sflag:s8], $0x2000  }
0x308: {  	[sflag:s8] =	ssyncset.done $0x0  }
0x309: {  	[sflag:s8] =	ssyncadd.s32 $0xFFFFE000  }
0x30a: {  	[spmem:s13] =	stream.indirect.scatter.add.f32 [tilespmem:s3], [sflag:$0x2], $0x40, s18, s6, $0xb8;
	[tilespmem:$0x1FF00] =	vst v63  }
0x30b: {  	_ =	swait.ge [sflag:s4], $0x2000  }
0x30c: {  	[sflag:s4] =	ssyncset.done $0x0  }
0x30d: {  	s21 =	rddreg [dreg:$0x1b];
	[sflag:s4] =	ssyncadd.s32 $0xFFFFE000  }
0x30e: {  	[tilespmem:s7], [sflag:$0x2] =	stream.linear.gather [hbm4b:s21+s7], $0x280, $0x38;
	[tilespmem:$0x1FF00] =	vst v63  }
0x30f: {  	_ =	swait.ge [sflag:s4], $0x280  }
0x310: {  	[sflag:s4] =	ssyncset.done $0x0  }
0x311: {  	s22 =	rddreg [dreg:$0x1c];
	[sflag:s4] =	ssyncadd.s32 $0xFFFFFD80  }
0x312: {  	[tilespmem:s5], [sflag:$0x2] =	stream.linear.gather [hbm4b:s22+s7], $0x280, $0x38;
	[tilespmem:$0x1FF00] =	vst v63  }
0x313: {  	_ =	swait.ge [sflag:s4], $0x280  }
0x314: {  	[sflag:s4] =	ssyncset.done $0x0  }
0x315: {  	[sflag:s4] =	ssyncadd.s32 $0xFFFFFD80  }
0x316: {  	[tilespmem:s3], [sflag:$0x1] =	stream.indirect.gather [spmem:s12], $0x40, s7, s6, $0xb8;
	[tilespmem:$0x1FF00] =	vst v63  }
0x317: {  	_ =	swait.ge [sflag:s8], $0x2000  }
0x318: {  	[sflag:s8] =	ssyncset.done $0x0  }
0x319: {  	[sflag:s8] =	ssyncadd.s32 $0xFFFFE000  }
0x31a: {  	[spmem:s13] =	stream.indirect.scatter.add.f32 [tilespmem:s3], [sflag:$0x2], $0x40, s5, s6, $0xb8;
	[tilespmem:$0x1FF00] =	vst v63  }
0x31b: {  	_ =	swait.ge [sflag:s4], $0x2000  }
0x31c: {  	[sflag:s4] =	ssyncset.done $0x0  }
0x31d: {  	[sflag:s4] =	ssyncadd.s32 $0xFFFFE000  }
0x31e: {  	[tilespmem:s3], [sflag:$0x1] =	stream.indirect.gather [spmem:s12], $0x40, s6, s6, $0xb8;
	[tilespmem:$0x1FF00] =	vst v63  }
0x31f: {  	_ =	swait.ge [sflag:s8], $0x2000  }
0x320: {  	[sflag:s8] =	ssyncset.done $0x0  }
0x321: {  	[sflag:s8] =	ssyncadd.s32 $0xFFFFE000  }
0x322: {  	[spmem:s13] =	stream.indirect.scatter.add.f32 [tilespmem:s3], [sflag:$0x2], $0x40, s9, s6, $0xb8;
	[tilespmem:$0x1FF00] =	vst v63  }
0x323: {  	_ =	swait.ge [sflag:s4], $0x2000  }
0x324: {  	[sflag:s4] =	ssyncset.done $0x0  }
0x325: {  	[sflag:s4] =	ssyncadd.s32 $0xFFFFE000  }
0x326: {  	[tilespmem:s3], [sflag:$0x1] =	stream.indirect.gather [spmem:s12], $0x40, s10, s6, $0xb8;
	[tilespmem:$0x1FF00] =	vst v63  }
0x327: {  	_ =	swait.ge [sflag:s8], $0x2000  }
0x328: {  	[sflag:s8] =	ssyncset.done $0x0  }
0x329: {  	[sflag:s8] =	ssyncadd.s32 $0xFFFFE000  }
0x32a: {  	[spmem:s13] =	stream.indirect.scatter.add.f32 [tilespmem:s3], [sflag:$0x2], $0x40, s11, s6, $0xb8;
	[tilespmem:$0x1FF00] =	vst v63  }
0x32b: {  	_ =	swait.ge [sflag:s4], $0x2000  }
0x32c: {  	[sflag:s4] =	ssyncset.done $0x0  }
0x32d: {  	[sflag:s4] =	ssyncadd.s32 $0xFFFFE000  }
0x32e: {  	[tilespmem:s3], [sflag:$0x1] =	stream.indirect.gather [spmem:s12], $0x40, s14, s6, $0xb8;
	[tilespmem:$0x1FF00] =	vst v63  }
0x32f: {  	_ =	swait.ge [sflag:s8], $0x2000  }
0x330: {  	[sflag:s8] =	ssyncset.done $0x0  }
0x331: {  	[sflag:s8] =	ssyncadd.s32 $0xFFFFE000  }
0x332: {  	[spmem:s13] =	stream.indirect.scatter.add.f32 [tilespmem:s3], [sflag:$0x2], $0x40, s15, s6, $0xb8;
	[tilespmem:$0x1FF00] =	vst v63  }
0x333: {  	_ =	swait.ge [sflag:s4], $0x2000  }
0x334: {  	[sflag:s4] =	ssyncset.done $0x0  }
0x335: {  	[sflag:s4] =	ssyncadd.s32 $0xFFFFE000  }
0x336: {  	[tilespmem:s3], [sflag:$0x1] =	stream.indirect.gather [spmem:s12], $0x40, s16, s6, $0xb8;
	[tilespmem:$0x1FF00] =	vst v63  }
0x337: {  	_ =	swait.ge [sflag:s8], $0x2000  }
0x338: {  	[sflag:s8] =	ssyncset.done $0x0  }
0x339: {  	[sflag:s8] =	ssyncadd.s32 $0xFFFFE000  }
0x33a: {  	[spmem:s13] =	stream.indirect.scatter.add.f32 [tilespmem:s3], [sflag:$0x2], $0x40, s18, s6, $0xb8;
	[tilespmem:$0x1FF00] =	vst v63  }
0x33b: {  	_ =	swait.ge [sflag:s4], $0x2000  }
0x33c: {  	[sflag:s4] =	ssyncset.done $0x0  }
0x33d: {  	s21 =	rddreg [dreg:$0x1d];
	[sflag:s4] =	ssyncadd.s32 $0xFFFFE000  }
0x33e: {  	[tilespmem:s7], [sflag:$0x2] =	stream.linear.gather [hbm4b:s21+s7], $0x280, $0x38;
	[tilespmem:$0x1FF00] =	vst v63  }
0x33f: {  	_ =	swait.ge [sflag:s4], $0x280  }
0x340: {  	[sflag:s4] =	ssyncset.done $0x0  }
0x341: {  	s22 =	rddreg [dreg:$0x1e];
	[sflag:s4] =	ssyncadd.s32 $0xFFFFFD80  }
0x342: {  	[tilespmem:s5], [sflag:$0x2] =	stream.linear.gather [hbm4b:s22+s7], $0x280, $0x38;
	[tilespmem:$0x1FF00] =	vst v63  }
0x343: {  	_ =	swait.ge [sflag:s4], $0x280  }
0x344: {  	[sflag:s4] =	ssyncset.done $0x0  }
0x345: {  	[sflag:s4] =	ssyncadd.s32 $0xFFFFFD80  }
0x346: {  	[tilespmem:s3], [sflag:$0x1] =	stream.indirect.gather [spmem:s12], $0x40, s7, s6, $0xb8;
	[tilespmem:$0x1FF00] =	vst v63  }
0x347: {  	_ =	swait.ge [sflag:s8], $0x2000  }
0x348: {  	[sflag:s8] =	ssyncset.done $0x0  }
0x349: {  	[sflag:s8] =	ssyncadd.s32 $0xFFFFE000  }
0x34a: {  	[spmem:s13] =	stream.indirect.scatter.add.f32 [tilespmem:s3], [sflag:$0x2], $0x40, s5, s6, $0xb8;
	[tilespmem:$0x1FF00] =	vst v63  }
0x34b: {  	_ =	swait.ge [sflag:s4], $0x2000  }
0x34c: {  	[sflag:s4] =	ssyncset.done $0x0  }
0x34d: {  	[sflag:s4] =	ssyncadd.s32 $0xFFFFE000  }
0x34e: {  	[tilespmem:s3], [sflag:$0x1] =	stream.indirect.gather [spmem:s12], $0x40, s6, s6, $0xb8;
	[tilespmem:$0x1FF00] =	vst v63  }
0x34f: {  	_ =	swait.ge [sflag:s8], $0x2000  }
0x350: {  	[sflag:s8] =	ssyncset.done $0x0  }
0x351: {  	[sflag:s8] =	ssyncadd.s32 $0xFFFFE000  }
0x352: {  	[spmem:s13] =	stream.indirect.scatter.add.f32 [tilespmem:s3], [sflag:$0x2], $0x40, s9, s6, $0xb8;
	[tilespmem:$0x1FF00] =	vst v63  }
0x353: {  	_ =	swait.ge [sflag:s4], $0x2000  }
0x354: {  	[sflag:s4] =	ssyncset.done $0x0  }
0x355: {  	[sflag:s4] =	ssyncadd.s32 $0xFFFFE000  }
0x356: {  	[tilespmem:s3], [sflag:$0x1] =	stream.indirect.gather [spmem:s12], $0x40, s10, s6, $0xb8;
	[tilespmem:$0x1FF00] =	vst v63  }
0x357: {  	_ =	swait.ge [sflag:s8], $0x2000  }
0x358: {  	[sflag:s8] =	ssyncset.done $0x0  }
0x359: {  	[sflag:s8] =	ssyncadd.s32 $0xFFFFE000  }
0x35a: {  	[spmem:s13] =	stream.indirect.scatter.add.f32 [tilespmem:s3], [sflag:$0x2], $0x40, s11, s6, $0xb8;
	[tilespmem:$0x1FF00] =	vst v63  }
0x35b: {  	_ =	swait.ge [sflag:s4], $0x2000  }
0x35c: {  	[sflag:s4] =	ssyncset.done $0x0  }
0x35d: {  	[sflag:s4] =	ssyncadd.s32 $0xFFFFE000  }
0x35e: {  	[tilespmem:s3], [sflag:$0x1] =	stream.indirect.gather [spmem:s12], $0x40, s14, s6, $0xb8;
	[tilespmem:$0x1FF00] =	vst v63  }
0x35f: {  	_ =	swait.ge [sflag:s8], $0x2000  }
0x360: {  	[sflag:s8] =	ssyncset.done $0x0  }
0x361: {  	[sflag:s8] =	ssyncadd.s32 $0xFFFFE000  }
0x362: {  	[spmem:s13] =	stream.indirect.scatter.add.f32 [tilespmem:s3], [sflag:$0x2], $0x40, s15, s6, $0xb8;
	[tilespmem:$0x1FF00] =	vst v63  }
0x363: {  	_ =	swait.ge [sflag:s4], $0x2000  }
0x364: {  	[sflag:s4] =	ssyncset.done $0x0  }
0x365: {  	[sflag:s4] =	ssyncadd.s32 $0xFFFFE000  }
0x366: {  	[tilespmem:s3], [sflag:$0x1] =	stream.indirect.gather [spmem:s12], $0x40, s16, s6, $0xb8;
	[tilespmem:$0x1FF00] =	vst v63  }
0x367: {  	_ =	swait.ge [sflag:s8], $0x2000  }
0x368: {  	[sflag:s8] =	ssyncset.done $0x0  }
0x369: {  	[sflag:s8] =	ssyncadd.s32 $0xFFFFE000  }
0x36a: {  	[spmem:s13] =	stream.indirect.scatter.add.f32 [tilespmem:s3], [sflag:$0x2], $0x40, s18, s6, $0xb8;
	[tilespmem:$0x1FF00] =	vst v63  }
0x36b: {  	_ =	swait.ge [sflag:s4], $0x2000  }
0x36c: {  	[sflag:s4] =	ssyncset.done $0x0  }
0x36d: {  	s21 =	rddreg [dreg:$0x1f];
	[sflag:s4] =	ssyncadd.s32 $0xFFFFE000  }
0x36e: {  	[tilespmem:s7], [sflag:$0x2] =	stream.linear.gather [hbm4b:s21+s7], $0x280, $0x38;
	[tilespmem:$0x1FF00] =	vst v63  }
0x36f: {  	_ =	swait.ge [sflag:s4], $0x280  }
0x370: {  	s22 =	sld [smem:$0x7C9]  }
0x371: {  	[sflag:s4] =	ssyncset.done $0x0  }
0x372: {  	[sflag:s4] =	ssyncadd.s32 $0xFFFFFD80  }
0x373: {  	[tilespmem:s5], [sflag:$0x2] =	stream.linear.gather [hbm4b:s22+s7], $0x280, $0x38;
	[tilespmem:$0x1FF00] =	vst v63  }
0x374: {  	_ =	swait.ge [sflag:s4], $0x280  }
0x375: {  	[sflag:s4] =	ssyncset.done $0x0  }
0x376: {  	[sflag:s4] =	ssyncadd.s32 $0xFFFFFD80  }
0x377: {  	[tilespmem:s3], [sflag:$0x1] =	stream.indirect.gather [spmem:s12], $0x40, s7, s6, $0xb8;
	[tilespmem:$0x1FF00] =	vst v63  }
0x378: {  	_ =	swait.ge [sflag:s8], $0x2000  }
0x379: {  	[sflag:s8] =	ssyncset.done $0x0  }
0x37a: {  	[sflag:s8] =	ssyncadd.s32 $0xFFFFE000  }
0x37b: {  	[spmem:s13] =	stream.indirect.scatter.add.f32 [tilespmem:s3], [sflag:$0x2], $0x40, s5, s6, $0xb8;
	[tilespmem:$0x1FF00] =	vst v63  }
0x37c: {  	_ =	swait.ge [sflag:s4], $0x2000  }
0x37d: {  	[sflag:s4] =	ssyncset.done $0x0  }
0x37e: {  	[sflag:s4] =	ssyncadd.s32 $0xFFFFE000  }
0x37f: {  	[tilespmem:s3], [sflag:$0x1] =	stream.indirect.gather [spmem:s12], $0x40, s6, s6, $0xb8;
	[tilespmem:$0x1FF00] =	vst v63  }
0x380: {  	_ =	swait.ge [sflag:s8], $0x2000  }
0x381: {  	[sflag:s8] =	ssyncset.done $0x0  }
0x382: {  	[sflag:s8] =	ssyncadd.s32 $0xFFFFE000  }
0x383: {  	[spmem:s13] =	stream.indirect.scatter.add.f32 [tilespmem:s3], [sflag:$0x2], $0x40, s9, s6, $0xb8;
	[tilespmem:$0x1FF00] =	vst v63  }
0x384: {  	_ =	swait.ge [sflag:s4], $0x2000  }
0x385: {  	[sflag:s4] =	ssyncset.done $0x0  }
0x386: {  	[sflag:s4] =	ssyncadd.s32 $0xFFFFE000  }
0x387: {  	[tilespmem:s3], [sflag:$0x1] =	stream.indirect.gather [spmem:s12], $0x40, s10, s6, $0xb8;
	[tilespmem:$0x1FF00] =	vst v63  }
0x388: {  	_ =	swait.ge [sflag:s8], $0x2000  }
0x389: {  	[sflag:s8] =	ssyncset.done $0x0  }
0x38a: {  	[sflag:s8] =	ssyncadd.s32 $0xFFFFE000  }
0x38b: {  	[spmem:s13] =	stream.indirect.scatter.add.f32 [tilespmem:s3], [sflag:$0x2], $0x40, s11, s6, $0xb8;
	[tilespmem:$0x1FF00] =	vst v63  }
0x38c: {  	_ =	swait.ge [sflag:s4], $0x2000  }
0x38d: {  	[sflag:s4] =	ssyncset.done $0x0  }
0x38e: {  	[sflag:s4] =	ssyncadd.s32 $0xFFFFE000  }
0x38f: {  	[tilespmem:s3], [sflag:$0x1] =	stream.indirect.gather [spmem:s12], $0x40, s14, s6, $0xb8;
	[tilespmem:$0x1FF00] =	vst v63  }
0x390: {  	_ =	swait.ge [sflag:s8], $0x2000  }
0x391: {  	[sflag:s8] =	ssyncset.done $0x0  }
0x392: {  	[sflag:s8] =	ssyncadd.s32 $0xFFFFE000  }
0x393: {  	[spmem:s13] =	stream.indirect.scatter.add.f32 [tilespmem:s3], [sflag:$0x2], $0x40, s15, s6, $0xb8;
	[tilespmem:$0x1FF00] =	vst v63  }
0x394: {  	_ =	swait.ge [sflag:s4], $0x2000  }
0x395: {  	[sflag:s4] =	ssyncset.done $0x0  }
0x396: {  	[sflag:s4] =	ssyncadd.s32 $0xFFFFE000  }
0x397: {  	[tilespmem:s3], [sflag:$0x1] =	stream.indirect.gather [spmem:s12], $0x40, s16, s6, $0xb8;
	[tilespmem:$0x1FF00] =	vst v63  }
0x398: {  	_ =	swait.ge [sflag:s8], $0x2000  }
0x399: {  	[sflag:s8] =	ssyncset.done $0x0  }
0x39a: {  	[sflag:s8] =	ssyncadd.s32 $0xFFFFE000  }
0x39b: {  	[spmem:s13] =	stream.indirect.scatter.add.f32 [tilespmem:s3], [sflag:$0x2], $0x40, s18, s6, $0xb8;
	[tilespmem:$0x1FF00] =	vst v63  }
0x39c: {  	_ =	swait.ge [sflag:s4], $0x2000  }
0x39d: {  	s21 =	sld [smem:$0x7CA]  }
0x39e: {  	[sflag:s4] =	ssyncset.done $0x0  }
0x39f: {  	[sflag:s4] =	ssyncadd.s32 $0xFFFFE000  }
0x3a0: {  	[tilespmem:s7], [sflag:$0x2] =	stream.linear.gather [hbm4b:s21+s7], $0x280, $0x38;
	[tilespmem:$0x1FF00] =	vst v63  }
0x3a1: {  	_ =	swait.ge [sflag:s4], $0x280  }
0x3a2: {  	s22 =	sld [smem:$0x7CB]  }
0x3a3: {  	[sflag:s4] =	ssyncset.done $0x0  }
0x3a4: {  	[sflag:s4] =	ssyncadd.s32 $0xFFFFFD80  }
0x3a5: {  	[tilespmem:s5], [sflag:$0x2] =	stream.linear.gather [hbm4b:s22+s7], $0x280, $0x38;
	[tilespmem:$0x1FF00] =	vst v63  }
0x3a6: {  	_ =	swait.ge [sflag:s4], $0x280  }
0x3a7: {  	[sflag:s4] =	ssyncset.done $0x0  }
0x3a8: {  	[sflag:s4] =	ssyncadd.s32 $0xFFFFFD80  }
0x3a9: {  	[tilespmem:s3], [sflag:$0x1] =	stream.indirect.gather [spmem:s12], $0x40, s7, s6, $0xb8;
	[tilespmem:$0x1FF00] =	vst v63  }
0x3aa: {  	_ =	swait.ge [sflag:s8], $0x2000  }
0x3ab: {  	[sflag:s8] =	ssyncset.done $0x0  }
0x3ac: {  	[sflag:s8] =	ssyncadd.s32 $0xFFFFE000  }
0x3ad: {  	[spmem:s13] =	stream.indirect.scatter.add.f32 [tilespmem:s3], [sflag:$0x2], $0x40, s5, s6, $0xb8;
	[tilespmem:$0x1FF00] =	vst v63  }
0x3ae: {  	_ =	swait.ge [sflag:s4], $0x2000  }
0x3af: {  	[sflag:s4] =	ssyncset.done $0x0  }
0x3b0: {  	[sflag:s4] =	ssyncadd.s32 $0xFFFFE000  }
0x3b1: {  	[tilespmem:s3], [sflag:$0x1] =	stream.indirect.gather [spmem:s12], $0x40, s6, s6, $0xb8;
	[tilespmem:$0x1FF00] =	vst v63  }
0x3b2: {  	_ =	swait.ge [sflag:s8], $0x2000  }
0x3b3: {  	[sflag:s8] =	ssyncset.done $0x0  }
0x3b4: {  	[sflag:s8] =	ssyncadd.s32 $0xFFFFE000  }
0x3b5: {  	[spmem:s13] =	stream.indirect.scatter.add.f32 [tilespmem:s3], [sflag:$0x2], $0x40, s9, s6, $0xb8;
	[tilespmem:$0x1FF00] =	vst v63  }
0x3b6: {  	_ =	swait.ge [sflag:s4], $0x2000  }
0x3b7: {  	[sflag:s4] =	ssyncset.done $0x0  }
0x3b8: {  	[sflag:s4] =	ssyncadd.s32 $0xFFFFE000  }
0x3b9: {  	[tilespmem:s3], [sflag:$0x1] =	stream.indirect.gather [spmem:s12], $0x40, s10, s6, $0xb8;
	[tilespmem:$0x1FF00] =	vst v63  }
0x3ba: {  	_ =	swait.ge [sflag:s8], $0x2000  }
0x3bb: {  	[sflag:s8] =	ssyncset.done $0x0  }
0x3bc: {  	[sflag:s8] =	ssyncadd.s32 $0xFFFFE000  }
0x3bd: {  	[spmem:s13] =	stream.indirect.scatter.add.f32 [tilespmem:s3], [sflag:$0x2], $0x40, s11, s6, $0xb8;
	[tilespmem:$0x1FF00] =	vst v63  }
0x3be: {  	_ =	swait.ge [sflag:s4], $0x2000  }
0x3bf: {  	[sflag:s4] =	ssyncset.done $0x0  }
0x3c0: {  	[sflag:s4] =	ssyncadd.s32 $0xFFFFE000  }
0x3c1: {  	[tilespmem:s3], [sflag:$0x1] =	stream.indirect.gather [spmem:s12], $0x40, s14, s6, $0xb8;
	[tilespmem:$0x1FF00] =	vst v63  }
0x3c2: {  	_ =	swait.ge [sflag:s8], $0x2000  }
0x3c3: {  	[sflag:s8] =	ssyncset.done $0x0  }
0x3c4: {  	[sflag:s8] =	ssyncadd.s32 $0xFFFFE000  }
0x3c5: {  	[spmem:s13] =	stream.indirect.scatter.add.f32 [tilespmem:s3], [sflag:$0x2], $0x40, s15, s6, $0xb8;
	[tilespmem:$0x1FF00] =	vst v63  }
0x3c6: {  	_ =	swait.ge [sflag:s4], $0x2000  }
0x3c7: {  	[sflag:s4] =	ssyncset.done $0x0  }
0x3c8: {  	[sflag:s4] =	ssyncadd.s32 $0xFFFFE000  }
0x3c9: {  	[tilespmem:s3], [sflag:$0x1] =	stream.indirect.gather [spmem:s12], $0x40, s16, s6, $0xb8;
	[tilespmem:$0x1FF00] =	vst v63  }
0x3ca: {  	_ =	swait.ge [sflag:s8], $0x2000  }
0x3cb: {  	[sflag:s8] =	ssyncset.done $0x0  }
0x3cc: {  	[sflag:s8] =	ssyncadd.s32 $0xFFFFE000  }
0x3cd: {  	[spmem:s13] =	stream.indirect.scatter.add.f32 [tilespmem:s3], [sflag:$0x2], $0x40, s18, s6, $0xb8;
	[tilespmem:$0x1FF00] =	vst v63  }
0x3ce: {  	_ =	swait.ge [sflag:s4], $0x2000  }
0x3cf: {  	s21 =	sld [smem:$0x7CC]  }
0x3d0: {  	[sflag:s4] =	ssyncset.done $0x0  }
0x3d1: {  	[sflag:s4] =	ssyncadd.s32 $0xFFFFE000  }
0x3d2: {  	[tilespmem:s7], [sflag:$0x2] =	stream.linear.gather [hbm4b:s21+s7], $0x280, $0x38;
	[tilespmem:$0x1FF00] =	vst v63  }
0x3d3: {  	_ =	swait.ge [sflag:s4], $0x280  }
0x3d4: {  	s22 =	sld [smem:$0x7CD]  }
0x3d5: {  	[sflag:s4] =	ssyncset.done $0x0  }
0x3d6: {  	[sflag:s4] =	ssyncadd.s32 $0xFFFFFD80  }
0x3d7: {  	[tilespmem:s5], [sflag:$0x2] =	stream.linear.gather [hbm4b:s22+s7], $0x280, $0x38;
	[tilespmem:$0x1FF00] =	vst v63  }
0x3d8: {  	_ =	swait.ge [sflag:s4], $0x280  }
0x3d9: {  	[sflag:s4] =	ssyncset.done $0x0  }
0x3da: {  	[sflag:s4] =	ssyncadd.s32 $0xFFFFFD80  }
0x3db: {  	[tilespmem:s3], [sflag:$0x1] =	stream.indirect.gather [spmem:s12], $0x40, s7, s6, $0xb8;
	[tilespmem:$0x1FF00] =	vst v63  }
0x3dc: {  	_ =	swait.ge [sflag:s8], $0x2000  }
0x3dd: {  	[sflag:s8] =	ssyncset.done $0x0  }
0x3de: {  	[sflag:s8] =	ssyncadd.s32 $0xFFFFE000  }
0x3df: {  	[spmem:s13] =	stream.indirect.scatter.add.f32 [tilespmem:s3], [sflag:$0x2], $0x40, s5, s6, $0xb8;
	[tilespmem:$0x1FF00] =	vst v63  }
0x3e0: {  	_ =	swait.ge [sflag:s4], $0x2000  }
0x3e1: {  	[sflag:s4] =	ssyncset.done $0x0  }
0x3e2: {  	[sflag:s4] =	ssyncadd.s32 $0xFFFFE000  }
0x3e3: {  	[tilespmem:s3], [sflag:$0x1] =	stream.indirect.gather [spmem:s12], $0x40, s6, s6, $0xb8;
	[tilespmem:$0x1FF00] =	vst v63  }
0x3e4: {  	_ =	swait.ge [sflag:s8], $0x2000  }
0x3e5: {  	[sflag:s8] =	ssyncset.done $0x0  }
0x3e6: {  	[sflag:s8] =	ssyncadd.s32 $0xFFFFE000  }
0x3e7: {  	[spmem:s13] =	stream.indirect.scatter.add.f32 [tilespmem:s3], [sflag:$0x2], $0x40, s9, s6, $0xb8;
	[tilespmem:$0x1FF00] =	vst v63  }
0x3e8: {  	_ =	swait.ge [sflag:s4], $0x2000  }
0x3e9: {  	[sflag:s4] =	ssyncset.done $0x0  }
0x3ea: {  	[sflag:s4] =	ssyncadd.s32 $0xFFFFE000  }
0x3eb: {  	[tilespmem:s3], [sflag:$0x1] =	stream.indirect.gather [spmem:s12], $0x40, s10, s6, $0xb8;
	[tilespmem:$0x1FF00] =	vst v63  }
0x3ec: {  	_ =	swait.ge [sflag:s8], $0x2000  }
0x3ed: {  	[sflag:s8] =	ssyncset.done $0x0  }
0x3ee: {  	[sflag:s8] =	ssyncadd.s32 $0xFFFFE000  }
0x3ef: {  	[spmem:s13] =	stream.indirect.scatter.add.f32 [tilespmem:s3], [sflag:$0x2], $0x40, s11, s6, $0xb8;
	[tilespmem:$0x1FF00] =	vst v63  }
0x3f0: {  	_ =	swait.ge [sflag:s4], $0x2000  }
0x3f1: {  	[sflag:s4] =	ssyncset.done $0x0  }
0x3f2: {  	[sflag:s4] =	ssyncadd.s32 $0xFFFFE000  }
0x3f3: {  	[tilespmem:s3], [sflag:$0x1] =	stream.indirect.gather [spmem:s12], $0x40, s14, s6, $0xb8;
	[tilespmem:$0x1FF00] =	vst v63  }
0x3f4: {  	_ =	swait.ge [sflag:s8], $0x2000  }
0x3f5: {  	[sflag:s8] =	ssyncset.done $0x0  }
0x3f6: {  	[sflag:s8] =	ssyncadd.s32 $0xFFFFE000  }
0x3f7: {  	[spmem:s13] =	stream.indirect.scatter.add.f32 [tilespmem:s3], [sflag:$0x2], $0x40, s15, s6, $0xb8;
	[tilespmem:$0x1FF00] =	vst v63  }
0x3f8: {  	_ =	swait.ge [sflag:s4], $0x2000  }
0x3f9: {  	[sflag:s4] =	ssyncset.done $0x0  }
0x3fa: {  	[sflag:s4] =	ssyncadd.s32 $0xFFFFE000  }
0x3fb: {  	[tilespmem:s3], [sflag:$0x1] =	stream.indirect.gather [spmem:s12], $0x40, s16, s6, $0xb8;
	[tilespmem:$0x1FF00] =	vst v63  }
0x3fc: {  	_ =	swait.ge [sflag:s8], $0x2000  }
0x3fd: {  	[sflag:s8] =	ssyncset.done $0x0  }
0x3fe: {  	[sflag:s8] =	ssyncadd.s32 $0xFFFFE000  }
0x3ff: {  	[spmem:s13] =	stream.indirect.scatter.add.f32 [tilespmem:s3], [sflag:$0x2], $0x40, s18, s6, $0xb8;
	[tilespmem:$0x1FF00] =	vst v63  }
0x400: {  	_ =	swait.ge [sflag:s4], $0x2000  }
0x401: {  	s21 =	sld [smem:$0x7CE]  }
0x402: {  	[sflag:s4] =	ssyncset.done $0x0  }
0x403: {  	[sflag:s4] =	ssyncadd.s32 $0xFFFFE000  }
0x404: {  	[tilespmem:s7], [sflag:$0x2] =	stream.linear.gather [hbm4b:s21+s7], $0x280, $0x38;
	[tilespmem:$0x1FF00] =	vst v63  }
0x405: {  	_ =	swait.ge [sflag:s4], $0x280  }
0x406: {  	s22 =	sld [smem:$0x7CF]  }
0x407: {  	[sflag:s4] =	ssyncset.done $0x0  }
0x408: {  	[sflag:s4] =	ssyncadd.s32 $0xFFFFFD80  }
0x409: {  	[tilespmem:s5], [sflag:$0x2] =	stream.linear.gather [hbm4b:s22+s7], $0x280, $0x38;
	[tilespmem:$0x1FF00] =	vst v63  }
0x40a: {  	_ =	swait.ge [sflag:s4], $0x280  }
0x40b: {  	[sflag:s4] =	ssyncset.done $0x0  }
0x40c: {  	[sflag:s4] =	ssyncadd.s32 $0xFFFFFD80  }
0x40d: {  	[tilespmem:s3], [sflag:$0x1] =	stream.indirect.gather [spmem:s12], $0x40, s7, s6, $0xb8;
	[tilespmem:$0x1FF00] =	vst v63  }
0x40e: {  	_ =	swait.ge [sflag:s8], $0x2000  }
0x40f: {  	[sflag:s8] =	ssyncset.done $0x0  }
0x410: {  	[sflag:s8] =	ssyncadd.s32 $0xFFFFE000  }
0x411: {  	[spmem:s13] =	stream.indirect.scatter.add.f32 [tilespmem:s3], [sflag:$0x2], $0x40, s5, s6, $0xb8;
	[tilespmem:$0x1FF00] =	vst v63  }
0x412: {  	_ =	swait.ge [sflag:s4], $0x2000  }
0x413: {  	[sflag:s4] =	ssyncset.done $0x0  }
0x414: {  	[sflag:s4] =	ssyncadd.s32 $0xFFFFE000  }
0x415: {  	[tilespmem:s3], [sflag:$0x1] =	stream.indirect.gather [spmem:s12], $0x40, s6, s6, $0xb8;
	[tilespmem:$0x1FF00] =	vst v63  }
0x416: {  	_ =	swait.ge [sflag:s8], $0x2000  }
0x417: {  	[sflag:s8] =	ssyncset.done $0x0  }
0x418: {  	[sflag:s8] =	ssyncadd.s32 $0xFFFFE000  }
0x419: {  	[spmem:s13] =	stream.indirect.scatter.add.f32 [tilespmem:s3], [sflag:$0x2], $0x40, s9, s6, $0xb8;
	[tilespmem:$0x1FF00] =	vst v63  }
0x41a: {  	_ =	swait.ge [sflag:s4], $0x2000  }
0x41b: {  	[sflag:s4] =	ssyncset.done $0x0  }
0x41c: {  	[sflag:s4] =	ssyncadd.s32 $0xFFFFE000  }
0x41d: {  	[tilespmem:s3], [sflag:$0x1] =	stream.indirect.gather [spmem:s12], $0x40, s10, s6, $0xb8;
	[tilespmem:$0x1FF00] =	vst v63  }
0x41e: {  	_ =	swait.ge [sflag:s8], $0x2000  }
0x41f: {  	[sflag:s8] =	ssyncset.done $0x0  }
0x420: {  	[sflag:s8] =	ssyncadd.s32 $0xFFFFE000  }
0x421: {  	[spmem:s13] =	stream.indirect.scatter.add.f32 [tilespmem:s3], [sflag:$0x2], $0x40, s11, s6, $0xb8;
	[tilespmem:$0x1FF00] =	vst v63  }
0x422: {  	_ =	swait.ge [sflag:s4], $0x2000  }
0x423: {  	[sflag:s4] =	ssyncset.done $0x0  }
0x424: {  	[sflag:s4] =	ssyncadd.s32 $0xFFFFE000  }
0x425: {  	[tilespmem:s3], [sflag:$0x1] =	stream.indirect.gather [spmem:s12], $0x40, s14, s6, $0xb8;
	[tilespmem:$0x1FF00] =	vst v63  }
0x426: {  	_ =	swait.ge [sflag:s8], $0x2000  }
0x427: {  	[sflag:s8] =	ssyncset.done $0x0  }
0x428: {  	[sflag:s8] =	ssyncadd.s32 $0xFFFFE000  }
0x429: {  	[spmem:s13] =	stream.indirect.scatter.add.f32 [tilespmem:s3], [sflag:$0x2], $0x40, s15, s6, $0xb8;
	[tilespmem:$0x1FF00] =	vst v63  }
0x42a: {  	_ =	swait.ge [sflag:s4], $0x2000  }
0x42b: {  	[sflag:s4] =	ssyncset.done $0x0  }
0x42c: {  	[sflag:s4] =	ssyncadd.s32 $0xFFFFE000  }
0x42d: {  	[tilespmem:s3], [sflag:$0x1] =	stream.indirect.gather [spmem:s12], $0x40, s16, s6, $0xb8;
	[tilespmem:$0x1FF00] =	vst v63  }
0x42e: {  	_ =	swait.ge [sflag:s8], $0x2000  }
0x42f: {  	[sflag:s8] =	ssyncset.done $0x0  }
0x430: {  	[sflag:s8] =	ssyncadd.s32 $0xFFFFE000  }
0x431: {  	[spmem:s13] =	stream.indirect.scatter.add.f32 [tilespmem:s3], [sflag:$0x2], $0x40, s18, s6, $0xb8;
	[tilespmem:$0x1FF00] =	vst v63  }
0x432: {  	_ =	swait.ge [sflag:s4], $0x2000  }
0x433: {  	s21 =	sld [smem:$0x7D0]  }
0x434: {  	[sflag:s4] =	ssyncset.done $0x0  }
0x435: {  	[sflag:s4] =	ssyncadd.s32 $0xFFFFE000  }
0x436: {  	[tilespmem:s7], [sflag:$0x2] =	stream.linear.gather [hbm4b:s21+s7], $0x280, $0x38;
	[tilespmem:$0x1FF00] =	vst v63  }
0x437: {  	_ =	swait.ge [sflag:s4], $0x280  }
0x438: {  	s22 =	sld [smem:$0x7D1]  }
0x439: {  	[sflag:s4] =	ssyncset.done $0x0  }
0x43a: {  	[sflag:s4] =	ssyncadd.s32 $0xFFFFFD80  }
0x43b: {  	[tilespmem:s5], [sflag:$0x2] =	stream.linear.gather [hbm4b:s22+s7], $0x280, $0x38;
	[tilespmem:$0x1FF00] =	vst v63  }
0x43c: {  	_ =	swait.ge [sflag:s4], $0x280  }
0x43d: {  	[sflag:s4] =	ssyncset.done $0x0  }
0x43e: {  	[sflag:s4] =	ssyncadd.s32 $0xFFFFFD80  }
0x43f: {  	[tilespmem:s3], [sflag:$0x1] =	stream.indirect.gather [spmem:s12], $0x40, s7, s6, $0xb8;
	[tilespmem:$0x1FF00] =	vst v63  }
0x440: {  	_ =	swait.ge [sflag:s8], $0x2000  }
0x441: {  	[sflag:s8] =	ssyncset.done $0x0  }
0x442: {  	[sflag:s8] =	ssyncadd.s32 $0xFFFFE000  }
0x443: {  	[spmem:s13] =	stream.indirect.scatter.add.f32 [tilespmem:s3], [sflag:$0x2], $0x40, s5, s6, $0xb8;
	[tilespmem:$0x1FF00] =	vst v63  }
0x444: {  	_ =	swait.ge [sflag:s4], $0x2000  }
0x445: {  	[sflag:s4] =	ssyncset.done $0x0  }
0x446: {  	[sflag:s4] =	ssyncadd.s32 $0xFFFFE000  }
0x447: {  	[tilespmem:s3], [sflag:$0x1] =	stream.indirect.gather [spmem:s12], $0x40, s6, s6, $0xb8;
	[tilespmem:$0x1FF00] =	vst v63  }
0x448: {  	_ =	swait.ge [sflag:s8], $0x2000  }
0x449: {  	[sflag:s8] =	ssyncset.done $0x0  }
0x44a: {  	[sflag:s8] =	ssyncadd.s32 $0xFFFFE000  }
0x44b: {  	[spmem:s13] =	stream.indirect.scatter.add.f32 [tilespmem:s3], [sflag:$0x2], $0x40, s9, s6, $0xb8;
	[tilespmem:$0x1FF00] =	vst v63  }
0x44c: {  	_ =	swait.ge [sflag:s4], $0x2000  }
0x44d: {  	[sflag:s4] =	ssyncset.done $0x0  }
0x44e: {  	[sflag:s4] =	ssyncadd.s32 $0xFFFFE000  }
0x44f: {  	[tilespmem:s3], [sflag:$0x1] =	stream.indirect.gather [spmem:s12], $0x40, s10, s6, $0xb8;
	[tilespmem:$0x1FF00] =	vst v63  }
0x450: {  	_ =	swait.ge [sflag:s8], $0x2000  }
0x451: {  	[sflag:s8] =	ssyncset.done $0x0  }
0x452: {  	[sflag:s8] =	ssyncadd.s32 $0xFFFFE000  }
0x453: {  	[spmem:s13] =	stream.indirect.scatter.add.f32 [tilespmem:s3], [sflag:$0x2], $0x40, s11, s6, $0xb8;
	[tilespmem:$0x1FF00] =	vst v63  }
0x454: {  	_ =	swait.ge [sflag:s4], $0x2000  }
0x455: {  	[sflag:s4] =	ssyncset.done $0x0  }
0x456: {  	[sflag:s4] =	ssyncadd.s32 $0xFFFFE000  }
0x457: {  	[tilespmem:s3], [sflag:$0x1] =	stream.indirect.gather [spmem:s12], $0x40, s14, s6, $0xb8;
	[tilespmem:$0x1FF00] =	vst v63  }
0x458: {  	_ =	swait.ge [sflag:s8], $0x2000  }
0x459: {  	[sflag:s8] =	ssyncset.done $0x0  }
0x45a: {  	[sflag:s8] =	ssyncadd.s32 $0xFFFFE000  }
0x45b: {  	[spmem:s13] =	stream.indirect.scatter.add.f32 [tilespmem:s3], [sflag:$0x2], $0x40, s15, s6, $0xb8;
	[tilespmem:$0x1FF00] =	vst v63  }
0x45c: {  	_ =	swait.ge [sflag:s4], $0x2000  }
0x45d: {  	[sflag:s4] =	ssyncset.done $0x0  }
0x45e: {  	[sflag:s4] =	ssyncadd.s32 $0xFFFFE000  }
0x45f: {  	[tilespmem:s3], [sflag:$0x1] =	stream.indirect.gather [spmem:s12], $0x40, s16, s6, $0xb8;
	[tilespmem:$0x1FF00] =	vst v63  }
0x460: {  	_ =	swait.ge [sflag:s8], $0x2000  }
0x461: {  	[sflag:s8] =	ssyncset.done $0x0  }
0x462: {  	[sflag:s8] =	ssyncadd.s32 $0xFFFFE000  }
0x463: {  	[spmem:s13] =	stream.indirect.scatter.add.f32 [tilespmem:s3], [sflag:$0x2], $0x40, s18, s6, $0xb8;
	[tilespmem:$0x1FF00] =	vst v63  }
0x464: {  	_ =	swait.ge [sflag:s4], $0x2000  }
0x465: {  	s21 =	sld [smem:$0x7D2]  }
0x466: {  	[sflag:s4] =	ssyncset.done $0x0  }
0x467: {  	[sflag:s4] =	ssyncadd.s32 $0xFFFFE000  }
0x468: {  	[tilespmem:s7], [sflag:$0x2] =	stream.linear.gather [hbm4b:s21+s7], $0x280, $0x38;
	[tilespmem:$0x1FF00] =	vst v63  }
0x469: {  	_ =	swait.ge [sflag:s4], $0x280  }
0x46a: {  	s22 =	sld [smem:$0x7D3]  }
0x46b: {  	[sflag:s4] =	ssyncset.done $0x0  }
0x46c: {  	[sflag:s4] =	ssyncadd.s32 $0xFFFFFD80  }
0x46d: {  	[tilespmem:s5], [sflag:$0x2] =	stream.linear.gather [hbm4b:s22+s7], $0x280, $0x38;
	[tilespmem:$0x1FF00] =	vst v63  }
0x46e: {  	_ =	swait.ge [sflag:s4], $0x280  }
0x46f: {  	[sflag:s4] =	ssyncset.done $0x0  }
0x470: {  	[sflag:s4] =	ssyncadd.s32 $0xFFFFFD80  }
0x471: {  	[tilespmem:s3], [sflag:$0x1] =	stream.indirect.gather [spmem:s12], $0x40, s7, s6, $0xb8;
	[tilespmem:$0x1FF00] =	vst v63  }
0x472: {  	_ =	swait.ge [sflag:s8], $0x2000  }
0x473: {  	[sflag:s8] =	ssyncset.done $0x0  }
0x474: {  	[sflag:s8] =	ssyncadd.s32 $0xFFFFE000  }
0x475: {  	[spmem:s13] =	stream.indirect.scatter.add.f32 [tilespmem:s3], [sflag:$0x2], $0x40, s5, s6, $0xb8;
	[tilespmem:$0x1FF00] =	vst v63  }
0x476: {  	_ =	swait.ge [sflag:s4], $0x2000  }
0x477: {  	[sflag:s4] =	ssyncset.done $0x0  }
0x478: {  	[sflag:s4] =	ssyncadd.s32 $0xFFFFE000  }
0x479: {  	[tilespmem:s3], [sflag:$0x1] =	stream.indirect.gather [spmem:s12], $0x40, s6, s6, $0xb8;
	[tilespmem:$0x1FF00] =	vst v63  }
0x47a: {  	_ =	swait.ge [sflag:s8], $0x2000  }
0x47b: {  	[sflag:s8] =	ssyncset.done $0x0  }
0x47c: {  	[sflag:s8] =	ssyncadd.s32 $0xFFFFE000  }
0x47d: {  	[spmem:s13] =	stream.indirect.scatter.add.f32 [tilespmem:s3], [sflag:$0x2], $0x40, s9, s6, $0xb8;
	[tilespmem:$0x1FF00] =	vst v63  }
0x47e: {  	_ =	swait.ge [sflag:s4], $0x2000  }
0x47f: {  	[sflag:s4] =	ssyncset.done $0x0  }
0x480: {  	[sflag:s4] =	ssyncadd.s32 $0xFFFFE000  }
0x481: {  	[tilespmem:s3], [sflag:$0x1] =	stream.indirect.gather [spmem:s12], $0x40, s10, s6, $0xb8;
	[tilespmem:$0x1FF00] =	vst v63  }
0x482: {  	_ =	swait.ge [sflag:s8], $0x2000  }
0x483: {  	[sflag:s8] =	ssyncset.done $0x0  }
0x484: {  	[sflag:s8] =	ssyncadd.s32 $0xFFFFE000  }
0x485: {  	[spmem:s13] =	stream.indirect.scatter.add.f32 [tilespmem:s3], [sflag:$0x2], $0x40, s11, s6, $0xb8;
	[tilespmem:$0x1FF00] =	vst v63  }
0x486: {  	_ =	swait.ge [sflag:s4], $0x2000  }
0x487: {  	[sflag:s4] =	ssyncset.done $0x0  }
0x488: {  	[sflag:s4] =	ssyncadd.s32 $0xFFFFE000  }
0x489: {  	[tilespmem:s3], [sflag:$0x1] =	stream.indirect.gather [spmem:s12], $0x40, s14, s6, $0xb8;
	[tilespmem:$0x1FF00] =	vst v63  }
0x48a: {  	_ =	swait.ge [sflag:s8], $0x2000  }
0x48b: {  	[sflag:s8] =	ssyncset.done $0x0  }
0x48c: {  	[sflag:s8] =	ssyncadd.s32 $0xFFFFE000  }
0x48d: {  	[spmem:s13] =	stream.indirect.scatter.add.f32 [tilespmem:s3], [sflag:$0x2], $0x40, s15, s6, $0xb8;
	[tilespmem:$0x1FF00] =	vst v63  }
0x48e: {  	_ =	swait.ge [sflag:s4], $0x2000  }
0x48f: {  	[sflag:s4] =	ssyncset.done $0x0  }
0x490: {  	[sflag:s4] =	ssyncadd.s32 $0xFFFFE000  }
0x491: {  	[tilespmem:s3], [sflag:$0x1] =	stream.indirect.gather [spmem:s12], $0x40, s16, s6, $0xb8;
	[tilespmem:$0x1FF00] =	vst v63  }
0x492: {  	_ =	swait.ge [sflag:s8], $0x2000  }
0x493: {  	[sflag:s8] =	ssyncset.done $0x0  }
0x494: {  	[sflag:s8] =	ssyncadd.s32 $0xFFFFE000  }
0x495: {  	[spmem:s13] =	stream.indirect.scatter.add.f32 [tilespmem:s3], [sflag:$0x2], $0x40, s18, s6, $0xb8;
	[tilespmem:$0x1FF00] =	vst v63  }
0x496: {  	_ =	swait.ge [sflag:s4], $0x2000  }
0x497: {  	s21 =	sld [smem:$0x7D4]  }
0x498: {  	[sflag:s4] =	ssyncset.done $0x0  }
0x499: {  	[sflag:s4] =	ssyncadd.s32 $0xFFFFE000  }
0x49a: {  	[tilespmem:s7], [sflag:$0x2] =	stream.linear.gather [hbm4b:s21+s7], $0x280, $0x38;
	[tilespmem:$0x1FF00] =	vst v63  }
0x49b: {  	_ =	swait.ge [sflag:s4], $0x280  }
0x49c: {  	s22 =	sld [smem:$0x7D5]  }
0x49d: {  	[sflag:s4] =	ssyncset.done $0x0  }
0x49e: {  	[sflag:s4] =	ssyncadd.s32 $0xFFFFFD80  }
0x49f: {  	[tilespmem:s5], [sflag:$0x2] =	stream.linear.gather [hbm4b:s22+s7], $0x280, $0x38;
	[tilespmem:$0x1FF00] =	vst v63  }
0x4a0: {  	_ =	swait.ge [sflag:s4], $0x280  }
0x4a1: {  	[sflag:s4] =	ssyncset.done $0x0  }
0x4a2: {  	[sflag:s4] =	ssyncadd.s32 $0xFFFFFD80  }
0x4a3: {  	[tilespmem:s3], [sflag:$0x1] =	stream.indirect.gather [spmem:s12], $0x40, s7, s6, $0xb8;
	[tilespmem:$0x1FF00] =	vst v63  }
0x4a4: {  	_ =	swait.ge [sflag:s8], $0x2000  }
0x4a5: {  	[sflag:s8] =	ssyncset.done $0x0  }
0x4a6: {  	[sflag:s8] =	ssyncadd.s32 $0xFFFFE000  }
0x4a7: {  	[spmem:s13] =	stream.indirect.scatter.add.f32 [tilespmem:s3], [sflag:$0x2], $0x40, s5, s6, $0xb8;
	[tilespmem:$0x1FF00] =	vst v63  }
0x4a8: {  	_ =	swait.ge [sflag:s4], $0x2000  }
0x4a9: {  	[sflag:s4] =	ssyncset.done $0x0  }
0x4aa: {  	[sflag:s4] =	ssyncadd.s32 $0xFFFFE000  }
0x4ab: {  	[tilespmem:s3], [sflag:$0x1] =	stream.indirect.gather [spmem:s12], $0x40, s6, s6, $0xb8;
	[tilespmem:$0x1FF00] =	vst v63  }
0x4ac: {  	_ =	swait.ge [sflag:s8], $0x2000  }
0x4ad: {  	[sflag:s8] =	ssyncset.done $0x0  }
0x4ae: {  	[sflag:s8] =	ssyncadd.s32 $0xFFFFE000  }
0x4af: {  	[spmem:s13] =	stream.indirect.scatter.add.f32 [tilespmem:s3], [sflag:$0x2], $0x40, s9, s6, $0xb8;
	[tilespmem:$0x1FF00] =	vst v63  }
0x4b0: {  	_ =	swait.ge [sflag:s4], $0x2000  }
0x4b1: {  	[sflag:s4] =	ssyncset.done $0x0  }
0x4b2: {  	[sflag:s4] =	ssyncadd.s32 $0xFFFFE000  }
0x4b3: {  	[tilespmem:s3], [sflag:$0x1] =	stream.indirect.gather [spmem:s12], $0x40, s10, s6, $0xb8;
	[tilespmem:$0x1FF00] =	vst v63  }
0x4b4: {  	_ =	swait.ge [sflag:s8], $0x2000  }
0x4b5: {  	[sflag:s8] =	ssyncset.done $0x0  }
0x4b6: {  	[sflag:s8] =	ssyncadd.s32 $0xFFFFE000  }
0x4b7: {  	[spmem:s13] =	stream.indirect.scatter.add.f32 [tilespmem:s3], [sflag:$0x2], $0x40, s11, s6, $0xb8;
	[tilespmem:$0x1FF00] =	vst v63  }
0x4b8: {  	_ =	swait.ge [sflag:s4], $0x2000  }
0x4b9: {  	[sflag:s4] =	ssyncset.done $0x0  }
0x4ba: {  	[sflag:s4] =	ssyncadd.s32 $0xFFFFE000  }
0x4bb: {  	[tilespmem:s3], [sflag:$0x1] =	stream.indirect.gather [spmem:s12], $0x40, s14, s6, $0xb8;
	[tilespmem:$0x1FF00] =	vst v63  }
0x4bc: {  	_ =	swait.ge [sflag:s8], $0x2000  }
0x4bd: {  	[sflag:s8] =	ssyncset.done $0x0  }
0x4be: {  	[sflag:s8] =	ssyncadd.s32 $0xFFFFE000  }
0x4bf: {  	[spmem:s13] =	stream.indirect.scatter.add.f32 [tilespmem:s3], [sflag:$0x2], $0x40, s15, s6, $0xb8;
	[tilespmem:$0x1FF00] =	vst v63  }
0x4c0: {  	_ =	swait.ge [sflag:s4], $0x2000  }
0x4c1: {  	[sflag:s4] =	ssyncset.done $0x0  }
0x4c2: {  	[sflag:s4] =	ssyncadd.s32 $0xFFFFE000  }
0x4c3: {  	[tilespmem:s3], [sflag:$0x1] =	stream.indirect.gather [spmem:s12], $0x40, s16, s6, $0xb8;
	[tilespmem:$0x1FF00] =	vst v63  }
0x4c4: {  	_ =	swait.ge [sflag:s8], $0x2000  }
0x4c5: {  	[sflag:s8] =	ssyncset.done $0x0  }
0x4c6: {  	[sflag:s8] =	ssyncadd.s32 $0xFFFFE000  }
0x4c7: {  	[spmem:s13] =	stream.indirect.scatter.add.f32 [tilespmem:s3], [sflag:$0x2], $0x40, s18, s6, $0xb8;
	[tilespmem:$0x1FF00] =	vst v63  }
0x4c8: {  	_ =	swait.ge [sflag:s4], $0x2000  }
0x4c9: {  	s21 =	sld [smem:$0x7D6]  }
0x4ca: {  	[sflag:s4] =	ssyncset.done $0x0  }
0x4cb: {  	[sflag:s4] =	ssyncadd.s32 $0xFFFFE000  }
0x4cc: {  	[tilespmem:s7], [sflag:$0x2] =	stream.linear.gather [hbm4b:s21+s7], $0x280, $0x38;
	[tilespmem:$0x1FF00] =	vst v63  }
0x4cd: {  	_ =	swait.ge [sflag:s4], $0x280  }
0x4ce: {  	s22 =	sld [smem:$0x7D7]  }
0x4cf: {  	[sflag:s4] =	ssyncset.done $0x0  }
0x4d0: {  	[sflag:s4] =	ssyncadd.s32 $0xFFFFFD80  }
0x4d1: {  	[tilespmem:s5], [sflag:$0x2] =	stream.linear.gather [hbm4b:s22+s7], $0x280, $0x38;
	[tilespmem:$0x1FF00] =	vst v63  }
0x4d2: {  	_ =	swait.ge [sflag:s4], $0x280  }
0x4d3: {  	[sflag:s4] =	ssyncset.done $0x0  }
0x4d4: {  	[sflag:s4] =	ssyncadd.s32 $0xFFFFFD80  }
0x4d5: {  	[tilespmem:s3], [sflag:$0x1] =	stream.indirect.gather [spmem:s12], $0x40, s7, s6, $0xb8;
	[tilespmem:$0x1FF00] =	vst v63  }
0x4d6: {  	_ =	swait.ge [sflag:s8], $0x2000  }
0x4d7: {  	[sflag:s8] =	ssyncset.done $0x0  }
0x4d8: {  	[sflag:s8] =	ssyncadd.s32 $0xFFFFE000  }
0x4d9: {  	[spmem:s13] =	stream.indirect.scatter.add.f32 [tilespmem:s3], [sflag:$0x2], $0x40, s5, s6, $0xb8;
	[tilespmem:$0x1FF00] =	vst v63  }
0x4da: {  	_ =	swait.ge [sflag:s4], $0x2000  }
0x4db: {  	[sflag:s4] =	ssyncset.done $0x0  }
0x4dc: {  	[sflag:s4] =	ssyncadd.s32 $0xFFFFE000  }
0x4dd: {  	[tilespmem:s3], [sflag:$0x1] =	stream.indirect.gather [spmem:s12], $0x40, s6, s6, $0xb8;
	[tilespmem:$0x1FF00] =	vst v63  }
0x4de: {  	_ =	swait.ge [sflag:s8], $0x2000  }
0x4df: {  	[sflag:s8] =	ssyncset.done $0x0  }
0x4e0: {  	[sflag:s8] =	ssyncadd.s32 $0xFFFFE000  }
0x4e1: {  	[spmem:s13] =	stream.indirect.scatter.add.f32 [tilespmem:s3], [sflag:$0x2], $0x40, s9, s6, $0xb8;
	[tilespmem:$0x1FF00] =	vst v63  }
0x4e2: {  	_ =	swait.ge [sflag:s4], $0x2000  }
0x4e3: {  	[sflag:s4] =	ssyncset.done $0x0  }
0x4e4: {  	[sflag:s4] =	ssyncadd.s32 $0xFFFFE000  }
0x4e5: {  	[tilespmem:s3], [sflag:$0x1] =	stream.indirect.gather [spmem:s12], $0x40, s10, s6, $0xb8;
	[tilespmem:$0x1FF00] =	vst v63  }
0x4e6: {  	_ =	swait.ge [sflag:s8], $0x2000  }
0x4e7: {  	[sflag:s8] =	ssyncset.done $0x0  }
0x4e8: {  	[sflag:s8] =	ssyncadd.s32 $0xFFFFE000  }
0x4e9: {  	[spmem:s13] =	stream.indirect.scatter.add.f32 [tilespmem:s3], [sflag:$0x2], $0x40, s11, s6, $0xb8;
	[tilespmem:$0x1FF00] =	vst v63  }
0x4ea: {  	_ =	swait.ge [sflag:s4], $0x2000  }
0x4eb: {  	[sflag:s4] =	ssyncset.done $0x0  }
0x4ec: {  	[sflag:s4] =	ssyncadd.s32 $0xFFFFE000  }
0x4ed: {  	[tilespmem:s3], [sflag:$0x1] =	stream.indirect.gather [spmem:s12], $0x40, s14, s6, $0xb8;
	[tilespmem:$0x1FF00] =	vst v63  }
0x4ee: {  	_ =	swait.ge [sflag:s8], $0x2000  }
0x4ef: {  	[sflag:s8] =	ssyncset.done $0x0  }
0x4f0: {  	[sflag:s8] =	ssyncadd.s32 $0xFFFFE000  }
0x4f1: {  	[spmem:s13] =	stream.indirect.scatter.add.f32 [tilespmem:s3], [sflag:$0x2], $0x40, s15, s6, $0xb8;
	[tilespmem:$0x1FF00] =	vst v63  }
0x4f2: {  	_ =	swait.ge [sflag:s4], $0x2000  }
0x4f3: {  	[sflag:s4] =	ssyncset.done $0x0  }
0x4f4: {  	[sflag:s4] =	ssyncadd.s32 $0xFFFFE000  }
0x4f5: {  	[tilespmem:s3], [sflag:$0x1] =	stream.indirect.gather [spmem:s12], $0x40, s16, s6, $0xb8;
	[tilespmem:$0x1FF00] =	vst v63  }
0x4f6: {  	_ =	swait.ge [sflag:s8], $0x2000  }
0x4f7: {  	[sflag:s8] =	ssyncset.done $0x0  }
0x4f8: {  	[sflag:s8] =	ssyncadd.s32 $0xFFFFE000  }
0x4f9: {  	[spmem:s13] =	stream.indirect.scatter.add.f32 [tilespmem:s3], [sflag:$0x2], $0x40, s18, s6, $0xb8;
	[tilespmem:$0x1FF00] =	vst v63  }
0x4fa: {  	_ =	swait.ge [sflag:s4], $0x2000  }
0x4fb: {  	s21 =	sld [smem:$0x7D8]  }
0x4fc: {  	[sflag:s4] =	ssyncset.done $0x0  }
0x4fd: {  	[sflag:s4] =	ssyncadd.s32 $0xFFFFE000  }
0x4fe: {  	[tilespmem:s7], [sflag:$0x2] =	stream.linear.gather [hbm4b:s21+s7], $0x280, $0x38;
	[tilespmem:$0x1FF00] =	vst v63  }
0x4ff: {  	_ =	swait.ge [sflag:s4], $0x280  }
0x500: {  	s22 =	sld [smem:$0x7D9]  }
0x501: {  	[sflag:s4] =	ssyncset.done $0x0  }
0x502: {  	[sflag:s4] =	ssyncadd.s32 $0xFFFFFD80  }
0x503: {  	[tilespmem:s5], [sflag:$0x2] =	stream.linear.gather [hbm4b:s22+s7], $0x280, $0x38;
	[tilespmem:$0x1FF00] =	vst v63  }
0x504: {  	_ =	swait.ge [sflag:s4], $0x280  }
0x505: {  	[sflag:s4] =	ssyncset.done $0x0  }
0x506: {  	[sflag:s4] =	ssyncadd.s32 $0xFFFFFD80  }
0x507: {  	[tilespmem:s3], [sflag:$0x1] =	stream.indirect.gather [spmem:s12], $0x40, s7, s6, $0xb8;
	[tilespmem:$0x1FF00] =	vst v63  }
0x508: {  	_ =	swait.ge [sflag:s8], $0x2000  }
0x509: {  	[sflag:s8] =	ssyncset.done $0x0  }
0x50a: {  	[sflag:s8] =	ssyncadd.s32 $0xFFFFE000  }
0x50b: {  	[spmem:s13] =	stream.indirect.scatter.add.f32 [tilespmem:s3], [sflag:$0x2], $0x40, s5, s6, $0xb8;
	[tilespmem:$0x1FF00] =	vst v63  }
0x50c: {  	_ =	swait.ge [sflag:s4], $0x2000  }
0x50d: {  	[sflag:s4] =	ssyncset.done $0x0  }
0x50e: {  	[sflag:s4] =	ssyncadd.s32 $0xFFFFE000  }
0x50f: {  	[tilespmem:s3], [sflag:$0x1] =	stream.indirect.gather [spmem:s12], $0x40, s6, s6, $0xb8;
	[tilespmem:$0x1FF00] =	vst v63  }
0x510: {  	_ =	swait.ge [sflag:s8], $0x2000  }
0x511: {  	[sflag:s8] =	ssyncset.done $0x0  }
0x512: {  	[sflag:s8] =	ssyncadd.s32 $0xFFFFE000  }
0x513: {  	[spmem:s13] =	stream.indirect.scatter.add.f32 [tilespmem:s3], [sflag:$0x2], $0x40, s9, s6, $0xb8;
	[tilespmem:$0x1FF00] =	vst v63  }
0x514: {  	_ =	swait.ge [sflag:s4], $0x2000  }
0x515: {  	[sflag:s4] =	ssyncset.done $0x0  }
0x516: {  	[sflag:s4] =	ssyncadd.s32 $0xFFFFE000  }
0x517: {  	[tilespmem:s3], [sflag:$0x1] =	stream.indirect.gather [spmem:s12], $0x40, s10, s6, $0xb8;
	[tilespmem:$0x1FF00] =	vst v63  }
0x518: {  	_ =	swait.ge [sflag:s8], $0x2000  }
0x519: {  	[sflag:s8] =	ssyncset.done $0x0  }
0x51a: {  	[sflag:s8] =	ssyncadd.s32 $0xFFFFE000  }
0x51b: {  	[spmem:s13] =	stream.indirect.scatter.add.f32 [tilespmem:s3], [sflag:$0x2], $0x40, s11, s6, $0xb8;
	[tilespmem:$0x1FF00] =	vst v63  }
0x51c: {  	_ =	swait.ge [sflag:s4], $0x2000  }
0x51d: {  	[sflag:s4] =	ssyncset.done $0x0  }
0x51e: {  	[sflag:s4] =	ssyncadd.s32 $0xFFFFE000  }
0x51f: {  	[tilespmem:s3], [sflag:$0x1] =	stream.indirect.gather [spmem:s12], $0x40, s14, s6, $0xb8;
	[tilespmem:$0x1FF00] =	vst v63  }
0x520: {  	_ =	swait.ge [sflag:s8], $0x2000  }
0x521: {  	[sflag:s8] =	ssyncset.done $0x0  }
0x522: {  	[sflag:s8] =	ssyncadd.s32 $0xFFFFE000  }
0x523: {  	[spmem:s13] =	stream.indirect.scatter.add.f32 [tilespmem:s3], [sflag:$0x2], $0x40, s15, s6, $0xb8;
	[tilespmem:$0x1FF00] =	vst v63  }
0x524: {  	_ =	swait.ge [sflag:s4], $0x2000  }
0x525: {  	[sflag:s4] =	ssyncset.done $0x0  }
0x526: {  	[sflag:s4] =	ssyncadd.s32 $0xFFFFE000  }
0x527: {  	[tilespmem:s3], [sflag:$0x1] =	stream.indirect.gather [spmem:s12], $0x40, s16, s6, $0xb8;
	[tilespmem:$0x1FF00] =	vst v63  }
0x528: {  	_ =	swait.ge [sflag:s8], $0x2000  }
0x529: {  	[sflag:s8] =	ssyncset.done $0x0  }
0x52a: {  	[sflag:s8] =	ssyncadd.s32 $0xFFFFE000  }
0x52b: {  	[spmem:s13] =	stream.indirect.scatter.add.f32 [tilespmem:s3], [sflag:$0x2], $0x40, s18, s6, $0xb8;
	[tilespmem:$0x1FF00] =	vst v63  }
0x52c: {  	_ =	swait.ge [sflag:s4], $0x2000  }
0x52d: {  	s21 =	sld [smem:$0x7DA]  }
0x52e: {  	[sflag:s4] =	ssyncset.done $0x0  }
0x52f: {  	[sflag:s4] =	ssyncadd.s32 $0xFFFFE000  }
0x530: {  	[tilespmem:s7], [sflag:$0x2] =	stream.linear.gather [hbm4b:s21+s7], $0x280, $0x38;
	[tilespmem:$0x1FF00] =	vst v63  }
0x531: {  	_ =	swait.ge [sflag:s4], $0x280  }
0x532: {  	s22 =	sld [smem:$0x7DB]  }
0x533: {  	[sflag:s4] =	ssyncset.done $0x0  }
0x534: {  	[sflag:s4] =	ssyncadd.s32 $0xFFFFFD80  }
0x535: {  	[tilespmem:s5], [sflag:$0x2] =	stream.linear.gather [hbm4b:s22+s7], $0x280, $0x38;
	[tilespmem:$0x1FF00] =	vst v63  }
0x536: {  	_ =	swait.ge [sflag:s4], $0x280  }
0x537: {  	[sflag:s4] =	ssyncset.done $0x0  }
0x538: {  	[sflag:s4] =	ssyncadd.s32 $0xFFFFFD80  }
0x539: {  	[tilespmem:s3], [sflag:$0x1] =	stream.indirect.gather [spmem:s12], $0x40, s7, s6, $0xb8;
	[tilespmem:$0x1FF00] =	vst v63  }
0x53a: {  	_ =	swait.ge [sflag:s8], $0x2000  }
0x53b: {  	[sflag:s8] =	ssyncset.done $0x0  }
0x53c: {  	[sflag:s8] =	ssyncadd.s32 $0xFFFFE000  }
0x53d: {  	[spmem:s13] =	stream.indirect.scatter.add.f32 [tilespmem:s3], [sflag:$0x2], $0x40, s5, s6, $0xb8;
	[tilespmem:$0x1FF00] =	vst v63  }
0x53e: {  	_ =	swait.ge [sflag:s4], $0x2000  }
0x53f: {  	[sflag:s4] =	ssyncset.done $0x0  }
0x540: {  	[sflag:s4] =	ssyncadd.s32 $0xFFFFE000  }
0x541: {  	[tilespmem:s3], [sflag:$0x1] =	stream.indirect.gather [spmem:s12], $0x40, s6, s6, $0xb8;
	[tilespmem:$0x1FF00] =	vst v63  }
0x542: {  	_ =	swait.ge [sflag:s8], $0x2000  }
0x543: {  	[sflag:s8] =	ssyncset.done $0x0  }
0x544: {  	[sflag:s8] =	ssyncadd.s32 $0xFFFFE000  }
0x545: {  	[spmem:s13] =	stream.indirect.scatter.add.f32 [tilespmem:s3], [sflag:$0x2], $0x40, s9, s6, $0xb8;
	[tilespmem:$0x1FF00] =	vst v63  }
0x546: {  	_ =	swait.ge [sflag:s4], $0x2000  }
0x547: {  	[sflag:s4] =	ssyncset.done $0x0  }
0x548: {  	[sflag:s4] =	ssyncadd.s32 $0xFFFFE000  }
0x549: {  	[tilespmem:s3], [sflag:$0x1] =	stream.indirect.gather [spmem:s12], $0x40, s10, s6, $0xb8;
	[tilespmem:$0x1FF00] =	vst v63  }
0x54a: {  	_ =	swait.ge [sflag:s8], $0x2000  }
0x54b: {  	[sflag:s8] =	ssyncset.done $0x0  }
0x54c: {  	[sflag:s8] =	ssyncadd.s32 $0xFFFFE000  }
0x54d: {  	[spmem:s13] =	stream.indirect.scatter.add.f32 [tilespmem:s3], [sflag:$0x2], $0x40, s11, s6, $0xb8;
	[tilespmem:$0x1FF00] =	vst v63  }
0x54e: {  	_ =	swait.ge [sflag:s4], $0x2000  }
0x54f: {  	[sflag:s4] =	ssyncset.done $0x0  }
0x550: {  	[sflag:s4] =	ssyncadd.s32 $0xFFFFE000  }
0x551: {  	[tilespmem:s3], [sflag:$0x1] =	stream.indirect.gather [spmem:s12], $0x40, s14, s6, $0xb8;
	[tilespmem:$0x1FF00] =	vst v63  }
0x552: {  	_ =	swait.ge [sflag:s8], $0x2000  }
0x553: {  	[sflag:s8] =	ssyncset.done $0x0  }
0x554: {  	[sflag:s8] =	ssyncadd.s32 $0xFFFFE000  }
0x555: {  	[spmem:s13] =	stream.indirect.scatter.add.f32 [tilespmem:s3], [sflag:$0x2], $0x40, s15, s6, $0xb8;
	[tilespmem:$0x1FF00] =	vst v63  }
0x556: {  	_ =	swait.ge [sflag:s4], $0x2000  }
0x557: {  	[sflag:s4] =	ssyncset.done $0x0  }
0x558: {  	[sflag:s4] =	ssyncadd.s32 $0xFFFFE000  }
0x559: {  	[tilespmem:s3], [sflag:$0x1] =	stream.indirect.gather [spmem:s12], $0x40, s16, s6, $0xb8;
	[tilespmem:$0x1FF00] =	vst v63  }
0x55a: {  	_ =	swait.ge [sflag:s8], $0x2000  }
0x55b: {  	[sflag:s8] =	ssyncset.done $0x0  }
0x55c: {  	[sflag:s8] =	ssyncadd.s32 $0xFFFFE000  }
0x55d: {  	[spmem:s13] =	stream.indirect.scatter.add.f32 [tilespmem:s3], [sflag:$0x2], $0x40, s18, s6, $0xb8;
	[tilespmem:$0x1FF00] =	vst v63  }
0x55e: {  	_ =	swait.ge [sflag:s4], $0x2000  }
0x55f: {  	s21 =	sld [smem:$0x7DC]  }
0x560: {  	[sflag:s4] =	ssyncset.done $0x0  }
0x561: {  	[sflag:s4] =	ssyncadd.s32 $0xFFFFE000  }
0x562: {  	[tilespmem:s7], [sflag:$0x2] =	stream.linear.gather [hbm4b:s21+s7], $0x280, $0x38;
	[tilespmem:$0x1FF00] =	vst v63  }
0x563: {  	_ =	swait.ge [sflag:s4], $0x280  }
0x564: {  	s22 =	sld [smem:$0x7DD]  }
0x565: {  	[sflag:s4] =	ssyncset.done $0x0  }
0x566: {  	[sflag:s4] =	ssyncadd.s32 $0xFFFFFD80  }
0x567: {  	[tilespmem:s5], [sflag:$0x2] =	stream.linear.gather [hbm4b:s22+s7], $0x280, $0x38;
	[tilespmem:$0x1FF00] =	vst v63  }
0x568: {  	_ =	swait.ge [sflag:s4], $0x280  }
0x569: {  	[sflag:s4] =	ssyncset.done $0x0  }
0x56a: {  	[sflag:s4] =	ssyncadd.s32 $0xFFFFFD80  }
0x56b: {  	[tilespmem:s3], [sflag:$0x1] =	stream.indirect.gather [spmem:s12], $0x40, s7, s6, $0xb8;
	[tilespmem:$0x1FF00] =	vst v63  }
0x56c: {  	_ =	swait.ge [sflag:s8], $0x2000  }
0x56d: {  	[sflag:s8] =	ssyncset.done $0x0  }
0x56e: {  	[sflag:s8] =	ssyncadd.s32 $0xFFFFE000  }
0x56f: {  	[spmem:s13] =	stream.indirect.scatter.add.f32 [tilespmem:s3], [sflag:$0x2], $0x40, s5, s6, $0xb8;
	[tilespmem:$0x1FF00] =	vst v63  }
0x570: {  	_ =	swait.ge [sflag:s4], $0x2000  }
0x571: {  	[sflag:s4] =	ssyncset.done $0x0  }
0x572: {  	[sflag:s4] =	ssyncadd.s32 $0xFFFFE000  }
0x573: {  	[tilespmem:s3], [sflag:$0x1] =	stream.indirect.gather [spmem:s12], $0x40, s6, s6, $0xb8;
	[tilespmem:$0x1FF00] =	vst v63  }
0x574: {  	_ =	swait.ge [sflag:s8], $0x2000  }
0x575: {  	[sflag:s8] =	ssyncset.done $0x0  }
0x576: {  	[sflag:s8] =	ssyncadd.s32 $0xFFFFE000  }
0x577: {  	[spmem:s13] =	stream.indirect.scatter.add.f32 [tilespmem:s3], [sflag:$0x2], $0x40, s9, s6, $0xb8;
	[tilespmem:$0x1FF00] =	vst v63  }
0x578: {  	_ =	swait.ge [sflag:s4], $0x2000  }
0x579: {  	[sflag:s4] =	ssyncset.done $0x0  }
0x57a: {  	[sflag:s4] =	ssyncadd.s32 $0xFFFFE000  }
0x57b: {  	[tilespmem:s3], [sflag:$0x1] =	stream.indirect.gather [spmem:s12], $0x40, s10, s6, $0xb8;
	[tilespmem:$0x1FF00] =	vst v63  }
0x57c: {  	_ =	swait.ge [sflag:s8], $0x2000  }
0x57d: {  	[sflag:s8] =	ssyncset.done $0x0  }
0x57e: {  	[sflag:s8] =	ssyncadd.s32 $0xFFFFE000  }
0x57f: {  	[spmem:s13] =	stream.indirect.scatter.add.f32 [tilespmem:s3], [sflag:$0x2], $0x40, s11, s6, $0xb8;
	[tilespmem:$0x1FF00] =	vst v63  }
0x580: {  	_ =	swait.ge [sflag:s4], $0x2000  }
0x581: {  	[sflag:s4] =	ssyncset.done $0x0  }
0x582: {  	[sflag:s4] =	ssyncadd.s32 $0xFFFFE000  }
0x583: {  	[tilespmem:s3], [sflag:$0x1] =	stream.indirect.gather [spmem:s12], $0x40, s14, s6, $0xb8;
	[tilespmem:$0x1FF00] =	vst v63  }
0x584: {  	_ =	swait.ge [sflag:s8], $0x2000  }
0x585: {  	[sflag:s8] =	ssyncset.done $0x0  }
0x586: {  	[sflag:s8] =	ssyncadd.s32 $0xFFFFE000  }
0x587: {  	[spmem:s13] =	stream.indirect.scatter.add.f32 [tilespmem:s3], [sflag:$0x2], $0x40, s15, s6, $0xb8;
	[tilespmem:$0x1FF00] =	vst v63  }
0x588: {  	_ =	swait.ge [sflag:s4], $0x2000  }
0x589: {  	[sflag:s4] =	ssyncset.done $0x0  }
0x58a: {  	[sflag:s4] =	ssyncadd.s32 $0xFFFFE000  }
0x58b: {  	[tilespmem:s3], [sflag:$0x1] =	stream.indirect.gather [spmem:s12], $0x40, s16, s6, $0xb8;
	[tilespmem:$0x1FF00] =	vst v63  }
0x58c: {  	_ =	swait.ge [sflag:s8], $0x2000  }
0x58d: {  	[sflag:s8] =	ssyncset.done $0x0  }
0x58e: {  	[sflag:s8] =	ssyncadd.s32 $0xFFFFE000  }
0x58f: {  	[spmem:s13] =	stream.indirect.scatter.add.f32 [tilespmem:s3], [sflag:$0x2], $0x40, s18, s6, $0xb8;
	[tilespmem:$0x1FF00] =	vst v63  }
0x590: {  	_ =	swait.ge [sflag:s4], $0x2000  }
0x591: {  	s21 =	sld [smem:$0x7DE]  }
0x592: {  	[sflag:s4] =	ssyncset.done $0x0  }
0x593: {  	[sflag:s4] =	ssyncadd.s32 $0xFFFFE000  }
0x594: {  	[tilespmem:s7], [sflag:$0x2] =	stream.linear.gather [hbm4b:s21+s7], $0x280, $0x38;
	[tilespmem:$0x1FF00] =	vst v63  }
0x595: {  	_ =	swait.ge [sflag:s4], $0x280  }
0x596: {  	s22 =	sld [smem:$0x7DF]  }
0x597: {  	[sflag:s4] =	ssyncset.done $0x0  }
0x598: {  	[sflag:s4] =	ssyncadd.s32 $0xFFFFFD80  }
0x599: {  	[tilespmem:s5], [sflag:$0x2] =	stream.linear.gather [hbm4b:s22+s7], $0x280, $0x38;
	[tilespmem:$0x1FF00] =	vst v63  }
0x59a: {  	_ =	swait.ge [sflag:s4], $0x280  }
0x59b: {  	[sflag:s4] =	ssyncset.done $0x0  }
0x59c: {  	[sflag:s4] =	ssyncadd.s32 $0xFFFFFD80  }
0x59d: {  	[tilespmem:s3], [sflag:$0x1] =	stream.indirect.gather [spmem:s12], $0x40, s7, s6, $0xb8;
	[tilespmem:$0x1FF00] =	vst v63  }
0x59e: {  	_ =	swait.ge [sflag:s8], $0x2000  }
0x59f: {  	[sflag:s8] =	ssyncset.done $0x0  }
0x5a0: {  	[sflag:s8] =	ssyncadd.s32 $0xFFFFE000  }
0x5a1: {  	[spmem:s13] =	stream.indirect.scatter.add.f32 [tilespmem:s3], [sflag:$0x2], $0x40, s5, s6, $0xb8;
	[tilespmem:$0x1FF00] =	vst v63  }
0x5a2: {  	_ =	swait.ge [sflag:s4], $0x2000  }
0x5a3: {  	[sflag:s4] =	ssyncset.done $0x0  }
0x5a4: {  	[sflag:s4] =	ssyncadd.s32 $0xFFFFE000  }
0x5a5: {  	[tilespmem:s3], [sflag:$0x1] =	stream.indirect.gather [spmem:s12], $0x40, s6, s6, $0xb8;
	[tilespmem:$0x1FF00] =	vst v63  }
0x5a6: {  	_ =	swait.ge [sflag:s8], $0x2000  }
0x5a7: {  	[sflag:s8] =	ssyncset.done $0x0  }
0x5a8: {  	[sflag:s8] =	ssyncadd.s32 $0xFFFFE000  }
0x5a9: {  	[spmem:s13] =	stream.indirect.scatter.add.f32 [tilespmem:s3], [sflag:$0x2], $0x40, s9, s6, $0xb8;
	[tilespmem:$0x1FF00] =	vst v63  }
0x5aa: {  	_ =	swait.ge [sflag:s4], $0x2000  }
0x5ab: {  	[sflag:s4] =	ssyncset.done $0x0  }
0x5ac: {  	[sflag:s4] =	ssyncadd.s32 $0xFFFFE000  }
0x5ad: {  	[tilespmem:s3], [sflag:$0x1] =	stream.indirect.gather [spmem:s12], $0x40, s10, s6, $0xb8;
	[tilespmem:$0x1FF00] =	vst v63  }
0x5ae: {  	_ =	swait.ge [sflag:s8], $0x2000  }
0x5af: {  	[sflag:s8] =	ssyncset.done $0x0  }
0x5b0: {  	[sflag:s8] =	ssyncadd.s32 $0xFFFFE000  }
0x5b1: {  	[spmem:s13] =	stream.indirect.scatter.add.f32 [tilespmem:s3], [sflag:$0x2], $0x40, s11, s6, $0xb8;
	[tilespmem:$0x1FF00] =	vst v63  }
0x5b2: {  	_ =	swait.ge [sflag:s4], $0x2000  }
0x5b3: {  	[sflag:s4] =	ssyncset.done $0x0  }
0x5b4: {  	[sflag:s4] =	ssyncadd.s32 $0xFFFFE000  }
0x5b5: {  	[tilespmem:s3], [sflag:$0x1] =	stream.indirect.gather [spmem:s12], $0x40, s14, s6, $0xb8;
	[tilespmem:$0x1FF00] =	vst v63  }
0x5b6: {  	_ =	swait.ge [sflag:s8], $0x2000  }
0x5b7: {  	[sflag:s8] =	ssyncset.done $0x0  }
0x5b8: {  	[sflag:s8] =	ssyncadd.s32 $0xFFFFE000  }
0x5b9: {  	[spmem:s13] =	stream.indirect.scatter.add.f32 [tilespmem:s3], [sflag:$0x2], $0x40, s15, s6, $0xb8;
	[tilespmem:$0x1FF00] =	vst v63  }
0x5ba: {  	_ =	swait.ge [sflag:s4], $0x2000  }
0x5bb: {  	[sflag:s4] =	ssyncset.done $0x0  }
0x5bc: {  	[sflag:s4] =	ssyncadd.s32 $0xFFFFE000  }
0x5bd: {  	[tilespmem:s3], [sflag:$0x1] =	stream.indirect.gather [spmem:s12], $0x40, s16, s6, $0xb8;
	[tilespmem:$0x1FF00] =	vst v63  }
0x5be: {  	_ =	swait.ge [sflag:s8], $0x2000  }
0x5bf: {  	[sflag:s8] =	ssyncset.done $0x0  }
0x5c0: {  	[sflag:s8] =	ssyncadd.s32 $0xFFFFE000  }
0x5c1: {  	[spmem:s13] =	stream.indirect.scatter.add.f32 [tilespmem:s3], [sflag:$0x2], $0x40, s18, s6, $0xb8;
	[tilespmem:$0x1FF00] =	vst v63  }
0x5c2: {  	_ =	swait.ge [sflag:s4], $0x2000  }
0x5c3: {  	s21 =	sld [smem:$0x7E0]  }
0x5c4: {  	[sflag:s4] =	ssyncset.done $0x0  }
0x5c5: {  	[sflag:s4] =	ssyncadd.s32 $0xFFFFE000  }
0x5c6: {  	[tilespmem:s7], [sflag:$0x2] =	stream.linear.gather [hbm4b:s21+s7], $0x280, $0x38;
	[tilespmem:$0x1FF00] =	vst v63  }
0x5c7: {  	_ =	swait.ge [sflag:s4], $0x280  }
0x5c8: {  	s22 =	sld [smem:$0x7E1]  }
0x5c9: {  	[sflag:s4] =	ssyncset.done $0x0  }
0x5ca: {  	[sflag:s4] =	ssyncadd.s32 $0xFFFFFD80  }
0x5cb: {  	[tilespmem:s5], [sflag:$0x2] =	stream.linear.gather [hbm4b:s22+s7], $0x280, $0x38;
	[tilespmem:$0x1FF00] =	vst v63  }
0x5cc: {  	_ =	swait.ge [sflag:s4], $0x280  }
0x5cd: {  	[sflag:s4] =	ssyncset.done $0x0  }
0x5ce: {  	[sflag:s4] =	ssyncadd.s32 $0xFFFFFD80  }
0x5cf: {  	[tilespmem:s3], [sflag:$0x1] =	stream.indirect.gather [spmem:s12], $0x40, s7, s6, $0xb8;
	[tilespmem:$0x1FF00] =	vst v63  }
0x5d0: {  	_ =	swait.ge [sflag:s8], $0x2000  }
0x5d1: {  	[sflag:s8] =	ssyncset.done $0x0  }
0x5d2: {  	[sflag:s8] =	ssyncadd.s32 $0xFFFFE000  }
0x5d3: {  	[spmem:s13] =	stream.indirect.scatter.add.f32 [tilespmem:s3], [sflag:$0x2], $0x40, s5, s6, $0xb8;
	[tilespmem:$0x1FF00] =	vst v63  }
0x5d4: {  	_ =	swait.ge [sflag:s4], $0x2000  }
0x5d5: {  	[sflag:s4] =	ssyncset.done $0x0  }
0x5d6: {  	[sflag:s4] =	ssyncadd.s32 $0xFFFFE000  }
0x5d7: {  	[tilespmem:s3], [sflag:$0x1] =	stream.indirect.gather [spmem:s12], $0x40, s6, s6, $0xb8;
	[tilespmem:$0x1FF00] =	vst v63  }
0x5d8: {  	_ =	swait.ge [sflag:s8], $0x2000  }
0x5d9: {  	[sflag:s8] =	ssyncset.done $0x0  }
0x5da: {  	[sflag:s8] =	ssyncadd.s32 $0xFFFFE000  }
0x5db: {  	[spmem:s13] =	stream.indirect.scatter.add.f32 [tilespmem:s3], [sflag:$0x2], $0x40, s9, s6, $0xb8;
	[tilespmem:$0x1FF00] =	vst v63  }
0x5dc: {  	_ =	swait.ge [sflag:s4], $0x2000  }
0x5dd: {  	[sflag:s4] =	ssyncset.done $0x0  }
0x5de: {  	[sflag:s4] =	ssyncadd.s32 $0xFFFFE000  }
0x5df: {  	[tilespmem:s3], [sflag:$0x1] =	stream.indirect.gather [spmem:s12], $0x40, s10, s6, $0xb8;
	[tilespmem:$0x1FF00] =	vst v63  }
0x5e0: {  	_ =	swait.ge [sflag:s8], $0x2000  }
0x5e1: {  	[sflag:s8] =	ssyncset.done $0x0  }
0x5e2: {  	[sflag:s8] =	ssyncadd.s32 $0xFFFFE000  }
0x5e3: {  	[spmem:s13] =	stream.indirect.scatter.add.f32 [tilespmem:s3], [sflag:$0x2], $0x40, s11, s6, $0xb8;
	[tilespmem:$0x1FF00] =	vst v63  }
0x5e4: {  	_ =	swait.ge [sflag:s4], $0x2000  }
0x5e5: {  	[sflag:s4] =	ssyncset.done $0x0  }
0x5e6: {  	[sflag:s4] =	ssyncadd.s32 $0xFFFFE000  }
0x5e7: {  	[tilespmem:s3], [sflag:$0x1] =	stream.indirect.gather [spmem:s12], $0x40, s14, s6, $0xb8;
	[tilespmem:$0x1FF00] =	vst v63  }
0x5e8: {  	_ =	swait.ge [sflag:s8], $0x2000  }
0x5e9: {  	[sflag:s8] =	ssyncset.done $0x0  }
0x5ea: {  	[sflag:s8] =	ssyncadd.s32 $0xFFFFE000  }
0x5eb: {  	[spmem:s13] =	stream.indirect.scatter.add.f32 [tilespmem:s3], [sflag:$0x2], $0x40, s15, s6, $0xb8;
	[tilespmem:$0x1FF00] =	vst v63  }
0x5ec: {  	_ =	swait.ge [sflag:s4], $0x2000  }
0x5ed: {  	[sflag:s4] =	ssyncset.done $0x0  }
0x5ee: {  	[sflag:s4] =	ssyncadd.s32 $0xFFFFE000  }
0x5ef: {  	[tilespmem:s3], [sflag:$0x1] =	stream.indirect.gather [spmem:s12], $0x40, s16, s6, $0xb8;
	[tilespmem:$0x1FF00] =	vst v63  }
0x5f0: {  	_ =	swait.ge [sflag:s8], $0x2000  }
0x5f1: {  	[sflag:s8] =	ssyncset.done $0x0  }
0x5f2: {  	[sflag:s8] =	ssyncadd.s32 $0xFFFFE000  }
0x5f3: {  	[spmem:s13] =	stream.indirect.scatter.add.f32 [tilespmem:s3], [sflag:$0x2], $0x40, s18, s6, $0xb8;
	[tilespmem:$0x1FF00] =	vst v63  }
0x5f4: {  	_ =	swait.ge [sflag:s4], $0x2000  }
0x5f5: {  	s21 =	sld [smem:$0x7E2]  }
0x5f6: {  	[sflag:s4] =	ssyncset.done $0x0  }
0x5f7: {  	[sflag:s4] =	ssyncadd.s32 $0xFFFFE000  }
0x5f8: {  	[tilespmem:s7], [sflag:$0x2] =	stream.linear.gather [hbm4b:s21+s7], $0x280, $0x38;
	[tilespmem:$0x1FF00] =	vst v63  }
0x5f9: {  	_ =	swait.ge [sflag:s4], $0x280  }
0x5fa: {  	s22 =	sld [smem:$0x7E3]  }
0x5fb: {  	[sflag:s4] =	ssyncset.done $0x0  }
0x5fc: {  	[sflag:s4] =	ssyncadd.s32 $0xFFFFFD80  }
0x5fd: {  	[tilespmem:s5], [sflag:$0x2] =	stream.linear.gather [hbm4b:s22+s7], $0x280, $0x38;
	[tilespmem:$0x1FF00] =	vst v63  }
0x5fe: {  	_ =	swait.ge [sflag:s4], $0x280  }
0x5ff: {  	[sflag:s4] =	ssyncset.done $0x0  }
0x600: {  	[sflag:s4] =	ssyncadd.s32 $0xFFFFFD80  }
0x601: {  	[tilespmem:s3], [sflag:$0x1] =	stream.indirect.gather [spmem:s12], $0x40, s7, s6, $0xb8;
	[tilespmem:$0x1FF00] =	vst v63  }
0x602: {  	_ =	swait.ge [sflag:s8], $0x2000  }
0x603: {  	[sflag:s8] =	ssyncset.done $0x0  }
0x604: {  	[sflag:s8] =	ssyncadd.s32 $0xFFFFE000  }
0x605: {  	[spmem:s13] =	stream.indirect.scatter.add.f32 [tilespmem:s3], [sflag:$0x2], $0x40, s5, s6, $0xb8;
	[tilespmem:$0x1FF00] =	vst v63  }
0x606: {  	_ =	swait.ge [sflag:s4], $0x2000  }
0x607: {  	[sflag:s4] =	ssyncset.done $0x0  }
0x608: {  	[sflag:s4] =	ssyncadd.s32 $0xFFFFE000  }
0x609: {  	[tilespmem:s3], [sflag:$0x1] =	stream.indirect.gather [spmem:s12], $0x40, s6, s6, $0xb8;
	[tilespmem:$0x1FF00] =	vst v63  }
0x60a: {  	_ =	swait.ge [sflag:s8], $0x2000  }
0x60b: {  	[sflag:s8] =	ssyncset.done $0x0  }
0x60c: {  	[sflag:s8] =	ssyncadd.s32 $0xFFFFE000  }
0x60d: {  	[spmem:s13] =	stream.indirect.scatter.add.f32 [tilespmem:s3], [sflag:$0x2], $0x40, s9, s6, $0xb8;
	[tilespmem:$0x1FF00] =	vst v63  }
0x60e: {  	_ =	swait.ge [sflag:s4], $0x2000  }
0x60f: {  	[sflag:s4] =	ssyncset.done $0x0  }
0x610: {  	[sflag:s4] =	ssyncadd.s32 $0xFFFFE000  }
0x611: {  	[tilespmem:s3], [sflag:$0x1] =	stream.indirect.gather [spmem:s12], $0x40, s10, s6, $0xb8;
	[tilespmem:$0x1FF00] =	vst v63  }
0x612: {  	_ =	swait.ge [sflag:s8], $0x2000  }
0x613: {  	[sflag:s8] =	ssyncset.done $0x0  }
0x614: {  	[sflag:s8] =	ssyncadd.s32 $0xFFFFE000  }
0x615: {  	[spmem:s13] =	stream.indirect.scatter.add.f32 [tilespmem:s3], [sflag:$0x2], $0x40, s11, s6, $0xb8;
	[tilespmem:$0x1FF00] =	vst v63  }
0x616: {  	_ =	swait.ge [sflag:s4], $0x2000  }
0x617: {  	[sflag:s4] =	ssyncset.done $0x0  }
0x618: {  	[sflag:s4] =	ssyncadd.s32 $0xFFFFE000  }
0x619: {  	[tilespmem:s3], [sflag:$0x1] =	stream.indirect.gather [spmem:s12], $0x40, s14, s6, $0xb8;
	[tilespmem:$0x1FF00] =	vst v63  }
0x61a: {  	_ =	swait.ge [sflag:s8], $0x2000  }
0x61b: {  	[sflag:s8] =	ssyncset.done $0x0  }
0x61c: {  	[sflag:s8] =	ssyncadd.s32 $0xFFFFE000  }
0x61d: {  	[spmem:s13] =	stream.indirect.scatter.add.f32 [tilespmem:s3], [sflag:$0x2], $0x40, s15, s6, $0xb8;
	[tilespmem:$0x1FF00] =	vst v63  }
0x61e: {  	_ =	swait.ge [sflag:s4], $0x2000  }
0x61f: {  	[sflag:s4] =	ssyncset.done $0x0  }
0x620: {  	[sflag:s4] =	ssyncadd.s32 $0xFFFFE000  }
0x621: {  	[tilespmem:s3], [sflag:$0x1] =	stream.indirect.gather [spmem:s12], $0x40, s16, s6, $0xb8;
	[tilespmem:$0x1FF00] =	vst v63  }
0x622: {  	_ =	swait.ge [sflag:s8], $0x2000  }
0x623: {  	[sflag:s8] =	ssyncset.done $0x0  }
0x624: {  	[sflag:s8] =	ssyncadd.s32 $0xFFFFE000  }
0x625: {  	[spmem:s13] =	stream.indirect.scatter.add.f32 [tilespmem:s3], [sflag:$0x2], $0x40, s18, s6, $0xb8;
	[tilespmem:$0x1FF00] =	vst v63  }
0x626: {  	_ =	swait.ge [sflag:s4], $0x2000  }
0x627: {  	s21 =	sld [smem:$0x7E4]  }
0x628: {  	[sflag:s4] =	ssyncset.done $0x0  }
0x629: {  	[sflag:s4] =	ssyncadd.s32 $0xFFFFE000  }
0x62a: {  	[tilespmem:s7], [sflag:$0x2] =	stream.linear.gather [hbm4b:s21+s7], $0x280, $0x38;
	[tilespmem:$0x1FF00] =	vst v63  }
0x62b: {  	_ =	swait.ge [sflag:s4], $0x280  }
0x62c: {  	s22 =	sld [smem:$0x7E5]  }
0x62d: {  	[sflag:s4] =	ssyncset.done $0x0  }
0x62e: {  	[sflag:s4] =	ssyncadd.s32 $0xFFFFFD80  }
0x62f: {  	[tilespmem:s5], [sflag:$0x2] =	stream.linear.gather [hbm4b:s22+s7], $0x280, $0x38;
	[tilespmem:$0x1FF00] =	vst v63  }
0x630: {  	_ =	swait.ge [sflag:s4], $0x280  }
0x631: {  	[sflag:s4] =	ssyncset.done $0x0  }
0x632: {  	[sflag:s4] =	ssyncadd.s32 $0xFFFFFD80  }
0x633: {  	[tilespmem:s3], [sflag:$0x1] =	stream.indirect.gather [spmem:s12], $0x40, s7, s6, $0xb8;
	[tilespmem:$0x1FF00] =	vst v63  }
0x634: {  	_ =	swait.ge [sflag:s8], $0x2000  }
0x635: {  	[sflag:s8] =	ssyncset.done $0x0  }
0x636: {  	[sflag:s8] =	ssyncadd.s32 $0xFFFFE000  }
0x637: {  	[spmem:s13] =	stream.indirect.scatter.add.f32 [tilespmem:s3], [sflag:$0x2], $0x40, s5, s6, $0xb8;
	[tilespmem:$0x1FF00] =	vst v63  }
0x638: {  	_ =	swait.ge [sflag:s4], $0x2000  }
0x639: {  	[sflag:s4] =	ssyncset.done $0x0  }
0x63a: {  	[sflag:s4] =	ssyncadd.s32 $0xFFFFE000  }
0x63b: {  	[tilespmem:s3], [sflag:$0x1] =	stream.indirect.gather [spmem:s12], $0x40, s6, s6, $0xb8;
	[tilespmem:$0x1FF00] =	vst v63  }
0x63c: {  	_ =	swait.ge [sflag:s8], $0x2000  }
0x63d: {  	[sflag:s8] =	ssyncset.done $0x0  }
0x63e: {  	[sflag:s8] =	ssyncadd.s32 $0xFFFFE000  }
0x63f: {  	[spmem:s13] =	stream.indirect.scatter.add.f32 [tilespmem:s3], [sflag:$0x2], $0x40, s9, s6, $0xb8;
	[tilespmem:$0x1FF00] =	vst v63  }
0x640: {  	_ =	swait.ge [sflag:s4], $0x2000  }
0x641: {  	[sflag:s4] =	ssyncset.done $0x0  }
0x642: {  	[sflag:s4] =	ssyncadd.s32 $0xFFFFE000  }
0x643: {  	[tilespmem:s3], [sflag:$0x1] =	stream.indirect.gather [spmem:s12], $0x40, s10, s6, $0xb8;
	[tilespmem:$0x1FF00] =	vst v63  }
0x644: {  	_ =	swait.ge [sflag:s8], $0x2000  }
0x645: {  	[sflag:s8] =	ssyncset.done $0x0  }
0x646: {  	[sflag:s8] =	ssyncadd.s32 $0xFFFFE000  }
0x647: {  	[spmem:s13] =	stream.indirect.scatter.add.f32 [tilespmem:s3], [sflag:$0x2], $0x40, s11, s6, $0xb8;
	[tilespmem:$0x1FF00] =	vst v63  }
0x648: {  	_ =	swait.ge [sflag:s4], $0x2000  }
0x649: {  	[sflag:s4] =	ssyncset.done $0x0  }
0x64a: {  	[sflag:s4] =	ssyncadd.s32 $0xFFFFE000  }
0x64b: {  	[tilespmem:s3], [sflag:$0x1] =	stream.indirect.gather [spmem:s12], $0x40, s14, s6, $0xb8;
	[tilespmem:$0x1FF00] =	vst v63  }
0x64c: {  	_ =	swait.ge [sflag:s8], $0x2000  }
0x64d: {  	[sflag:s8] =	ssyncset.done $0x0  }
0x64e: {  	[sflag:s8] =	ssyncadd.s32 $0xFFFFE000  }
0x64f: {  	[spmem:s13] =	stream.indirect.scatter.add.f32 [tilespmem:s3], [sflag:$0x2], $0x40, s15, s6, $0xb8;
	[tilespmem:$0x1FF00] =	vst v63  }
0x650: {  	_ =	swait.ge [sflag:s4], $0x2000  }
0x651: {  	[sflag:s4] =	ssyncset.done $0x0  }
0x652: {  	[sflag:s4] =	ssyncadd.s32 $0xFFFFE000  }
0x653: {  	[tilespmem:s3], [sflag:$0x1] =	stream.indirect.gather [spmem:s12], $0x40, s16, s6, $0xb8;
	[tilespmem:$0x1FF00] =	vst v63  }
0x654: {  	_ =	swait.ge [sflag:s8], $0x2000  }
0x655: {  	[sflag:s8] =	ssyncset.done $0x0  }
0x656: {  	[sflag:s8] =	ssyncadd.s32 $0xFFFFE000  }
0x657: {  	[spmem:s13] =	stream.indirect.scatter.add.f32 [tilespmem:s3], [sflag:$0x2], $0x40, s18, s6, $0xb8;
	[tilespmem:$0x1FF00] =	vst v63  }
0x658: {  	_ =	swait.ge [sflag:s4], $0x2000  }
0x659: {  	s21 =	sld [smem:$0x7E6]  }
0x65a: {  	[sflag:s4] =	ssyncset.done $0x0  }
0x65b: {  	[sflag:s4] =	ssyncadd.s32 $0xFFFFE000  }
0x65c: {  	[tilespmem:s7], [sflag:$0x2] =	stream.linear.gather [hbm4b:s21+s7], $0x280, $0x38;
	[tilespmem:$0x1FF00] =	vst v63  }
0x65d: {  	_ =	swait.ge [sflag:s4], $0x280  }
0x65e: {  	s22 =	sld [smem:$0x7E7]  }
0x65f: {  	[sflag:s4] =	ssyncset.done $0x0  }
0x660: {  	[sflag:s4] =	ssyncadd.s32 $0xFFFFFD80  }
0x661: {  	[tilespmem:s5], [sflag:$0x2] =	stream.linear.gather [hbm4b:s22+s7], $0x280, $0x38;
	[tilespmem:$0x1FF00] =	vst v63  }
0x662: {  	_ =	swait.ge [sflag:s4], $0x280  }
0x663: {  	[sflag:s4] =	ssyncset.done $0x0  }
0x664: {  	[sflag:s4] =	ssyncadd.s32 $0xFFFFFD80  }
0x665: {  	[tilespmem:s3], [sflag:$0x1] =	stream.indirect.gather [spmem:s12], $0x40, s7, s6, $0xb8;
	[tilespmem:$0x1FF00] =	vst v63  }
0x666: {  	_ =	swait.ge [sflag:s8], $0x2000  }
0x667: {  	[sflag:s8] =	ssyncset.done $0x0  }
0x668: {  	[sflag:s8] =	ssyncadd.s32 $0xFFFFE000  }
0x669: {  	[spmem:s13] =	stream.indirect.scatter.add.f32 [tilespmem:s3], [sflag:$0x2], $0x40, s5, s6, $0xb8;
	[tilespmem:$0x1FF00] =	vst v63  }
0x66a: {  	_ =	swait.ge [sflag:s4], $0x2000  }
0x66b: {  	[sflag:s4] =	ssyncset.done $0x0  }
0x66c: {  	[sflag:s4] =	ssyncadd.s32 $0xFFFFE000  }
0x66d: {  	[tilespmem:s3], [sflag:$0x1] =	stream.indirect.gather [spmem:s12], $0x40, s6, s6, $0xb8;
	[tilespmem:$0x1FF00] =	vst v63  }
0x66e: {  	_ =	swait.ge [sflag:s8], $0x2000  }
0x66f: {  	[sflag:s8] =	ssyncset.done $0x0  }
0x670: {  	[sflag:s8] =	ssyncadd.s32 $0xFFFFE000  }
0x671: {  	[spmem:s13] =	stream.indirect.scatter.add.f32 [tilespmem:s3], [sflag:$0x2], $0x40, s9, s6, $0xb8;
	[tilespmem:$0x1FF00] =	vst v63  }
0x672: {  	_ =	swait.ge [sflag:s4], $0x2000  }
0x673: {  	[sflag:s4] =	ssyncset.done $0x0  }
0x674: {  	[sflag:s4] =	ssyncadd.s32 $0xFFFFE000  }
0x675: {  	[tilespmem:s3], [sflag:$0x1] =	stream.indirect.gather [spmem:s12], $0x40, s10, s6, $0xb8;
	[tilespmem:$0x1FF00] =	vst v63  }
0x676: {  	_ =	swait.ge [sflag:s8], $0x2000  }
0x677: {  	[sflag:s8] =	ssyncset.done $0x0  }
0x678: {  	[sflag:s8] =	ssyncadd.s32 $0xFFFFE000  }
0x679: {  	[spmem:s13] =	stream.indirect.scatter.add.f32 [tilespmem:s3], [sflag:$0x2], $0x40, s11, s6, $0xb8;
	[tilespmem:$0x1FF00] =	vst v63  }
0x67a: {  	_ =	swait.ge [sflag:s4], $0x2000  }
0x67b: {  	[sflag:s4] =	ssyncset.done $0x0  }
0x67c: {  	[sflag:s4] =	ssyncadd.s32 $0xFFFFE000  }
0x67d: {  	[tilespmem:s3], [sflag:$0x1] =	stream.indirect.gather [spmem:s12], $0x40, s14, s6, $0xb8;
	[tilespmem:$0x1FF00] =	vst v63  }
0x67e: {  	_ =	swait.ge [sflag:s8], $0x2000  }
0x67f: {  	[sflag:s8] =	ssyncset.done $0x0  }
0x680: {  	[sflag:s8] =	ssyncadd.s32 $0xFFFFE000  }
0x681: {  	[spmem:s13] =	stream.indirect.scatter.add.f32 [tilespmem:s3], [sflag:$0x2], $0x40, s15, s6, $0xb8;
	[tilespmem:$0x1FF00] =	vst v63  }
0x682: {  	_ =	swait.ge [sflag:s4], $0x2000  }
0x683: {  	[sflag:s4] =	ssyncset.done $0x0  }
0x684: {  	[sflag:s4] =	ssyncadd.s32 $0xFFFFE000  }
0x685: {  	[tilespmem:s3], [sflag:$0x1] =	stream.indirect.gather [spmem:s12], $0x40, s16, s6, $0xb8;
	[tilespmem:$0x1FF00] =	vst v63  }
0x686: {  	_ =	swait.ge [sflag:s8], $0x2000  }
0x687: {  	[sflag:s8] =	ssyncset.done $0x0  }
0x688: {  	[sflag:s8] =	ssyncadd.s32 $0xFFFFE000  }
0x689: {  	[spmem:s13] =	stream.indirect.scatter.add.f32 [tilespmem:s3], [sflag:$0x2], $0x40, s18, s6, $0xb8;
	[tilespmem:$0x1FF00] =	vst v63  }
0x68a: {  	_ =	swait.ge [sflag:s4], $0x2000  }
0x68b: {  	s21 =	sld [smem:$0x7EA]  }
0x68c: {  	[sflag:s4] =	ssyncset.done $0x0  }
0x68d: {  	[sflag:s4] =	ssyncadd.s32 $0xFFFFE000  }
0x68e: {  	[tilespmem:s7], [sflag:$0x2] =	stream.linear.gather [hbm4b:s21+s7], $0x280, $0x38;
	[tilespmem:$0x1FF00] =	vst v63  }
0x68f: {  	_ =	swait.ge [sflag:s4], $0x280  }
0x690: {  	s22 =	sld [smem:$0x7EB]  }
0x691: {  	[sflag:s4] =	ssyncset.done $0x0  }
0x692: {  	[sflag:s4] =	ssyncadd.s32 $0xFFFFFD80  }
0x693: {  	[tilespmem:s5], [sflag:$0x2] =	stream.linear.gather [hbm4b:s22+s7], $0x280, $0x38;
	[tilespmem:$0x1FF00] =	vst v63  }
0x694: {  	_ =	swait.ge [sflag:s4], $0x280  }
0x695: {  	[sflag:s4] =	ssyncset.done $0x0  }
0x696: {  	[sflag:s4] =	ssyncadd.s32 $0xFFFFFD80  }
0x697: {  	[tilespmem:s3], [sflag:$0x1] =	stream.indirect.gather [spmem:s12], $0x40, s7, s6, $0xb8;
	[tilespmem:$0x1FF00] =	vst v63  }
0x698: {  	_ =	swait.ge [sflag:s8], $0x2000  }
0x699: {  	[sflag:s8] =	ssyncset.done $0x0  }
0x69a: {  	[sflag:s8] =	ssyncadd.s32 $0xFFFFE000  }
0x69b: {  	[spmem:s13] =	stream.indirect.scatter.add.f32 [tilespmem:s3], [sflag:$0x2], $0x40, s5, s6, $0xb8;
	[tilespmem:$0x1FF00] =	vst v63  }
0x69c: {  	_ =	swait.ge [sflag:s4], $0x2000  }
0x69d: {  	[sflag:s4] =	ssyncset.done $0x0  }
0x69e: {  	[sflag:s4] =	ssyncadd.s32 $0xFFFFE000  }
0x69f: {  	[tilespmem:s3], [sflag:$0x1] =	stream.indirect.gather [spmem:s12], $0x40, s6, s6, $0xb8;
	[tilespmem:$0x1FF00] =	vst v63  }
0x6a0: {  	_ =	swait.ge [sflag:s8], $0x2000  }
0x6a1: {  	[sflag:s8] =	ssyncset.done $0x0  }
0x6a2: {  	[sflag:s8] =	ssyncadd.s32 $0xFFFFE000  }
0x6a3: {  	[spmem:s13] =	stream.indirect.scatter.add.f32 [tilespmem:s3], [sflag:$0x2], $0x40, s9, s6, $0xb8;
	[tilespmem:$0x1FF00] =	vst v63  }
0x6a4: {  	_ =	swait.ge [sflag:s4], $0x2000  }
0x6a5: {  	[sflag:s4] =	ssyncset.done $0x0  }
0x6a6: {  	[sflag:s4] =	ssyncadd.s32 $0xFFFFE000  }
0x6a7: {  	[tilespmem:s3], [sflag:$0x1] =	stream.indirect.gather [spmem:s12], $0x40, s10, s6, $0xb8;
	[tilespmem:$0x1FF00] =	vst v63  }
0x6a8: {  	_ =	swait.ge [sflag:s8], $0x2000  }
0x6a9: {  	[sflag:s8] =	ssyncset.done $0x0  }
0x6aa: {  	[sflag:s8] =	ssyncadd.s32 $0xFFFFE000  }
0x6ab: {  	[spmem:s13] =	stream.indirect.scatter.add.f32 [tilespmem:s3], [sflag:$0x2], $0x40, s11, s6, $0xb8;
	[tilespmem:$0x1FF00] =	vst v63  }
0x6ac: {  	_ =	swait.ge [sflag:s4], $0x2000  }
0x6ad: {  	[sflag:s4] =	ssyncset.done $0x0  }
0x6ae: {  	[sflag:s4] =	ssyncadd.s32 $0xFFFFE000  }
0x6af: {  	[tilespmem:s3], [sflag:$0x1] =	stream.indirect.gather [spmem:s12], $0x40, s14, s6, $0xb8;
	[tilespmem:$0x1FF00] =	vst v63  }
0x6b0: {  	_ =	swait.ge [sflag:s8], $0x2000  }
0x6b1: {  	[sflag:s8] =	ssyncset.done $0x0  }
0x6b2: {  	[sflag:s8] =	ssyncadd.s32 $0xFFFFE000  }
0x6b3: {  	[spmem:s13] =	stream.indirect.scatter.add.f32 [tilespmem:s3], [sflag:$0x2], $0x40, s15, s6, $0xb8;
	[tilespmem:$0x1FF00] =	vst v63  }
0x6b4: {  	_ =	swait.ge [sflag:s4], $0x2000  }
0x6b5: {  	[sflag:s4] =	ssyncset.done $0x0  }
0x6b6: {  	[sflag:s4] =	ssyncadd.s32 $0xFFFFE000  }
0x6b7: {  	[tilespmem:s3], [sflag:$0x1] =	stream.indirect.gather [spmem:s12], $0x40, s16, s6, $0xb8;
	[tilespmem:$0x1FF00] =	vst v63  }
0x6b8: {  	_ =	swait.ge [sflag:s8], $0x2000  }
0x6b9: {  	[sflag:s8] =	ssyncset.done $0x0  }
0x6ba: {  	[sflag:s8] =	ssyncadd.s32 $0xFFFFE000  }
0x6bb: {  	[spmem:s13] =	stream.indirect.scatter.add.f32 [tilespmem:s3], [sflag:$0x2], $0x40, s18, s6, $0xb8;
	[tilespmem:$0x1FF00] =	vst v63  }
0x6bc: {  	_ =	swait.ge [sflag:s4], $0x2000  }
0x6bd: {  	s21 =	sld [smem:$0x7EC]  }
0x6be: {  	[sflag:s4] =	ssyncset.done $0x0  }
0x6bf: {  	[sflag:s4] =	ssyncadd.s32 $0xFFFFE000  }
0x6c0: {  	[tilespmem:s7], [sflag:$0x2] =	stream.linear.gather [hbm4b:s21+s7], $0x280, $0x38;
	[tilespmem:$0x1FF00] =	vst v63  }
0x6c1: {  	_ =	swait.ge [sflag:s4], $0x280  }
0x6c2: {  	s22 =	sld [smem:$0x7ED]  }
0x6c3: {  	[sflag:s4] =	ssyncset.done $0x0  }
0x6c4: {  	[sflag:s4] =	ssyncadd.s32 $0xFFFFFD80  }
0x6c5: {  	[tilespmem:s5], [sflag:$0x2] =	stream.linear.gather [hbm4b:s22+s7], $0x280, $0x38;
	[tilespmem:$0x1FF00] =	vst v63  }
0x6c6: {  	_ =	swait.ge [sflag:s4], $0x280  }
0x6c7: {  	[sflag:s4] =	ssyncset.done $0x0  }
0x6c8: {  	[sflag:s4] =	ssyncadd.s32 $0xFFFFFD80  }
0x6c9: {  	[tilespmem:s3], [sflag:$0x1] =	stream.indirect.gather [spmem:s12], $0x40, s7, s6, $0xb8;
	[tilespmem:$0x1FF00] =	vst v63  }
0x6ca: {  	_ =	swait.ge [sflag:s8], $0x2000  }
0x6cb: {  	[sflag:s8] =	ssyncset.done $0x0  }
0x6cc: {  	[sflag:s8] =	ssyncadd.s32 $0xFFFFE000  }
0x6cd: {  	[spmem:s13] =	stream.indirect.scatter.add.f32 [tilespmem:s3], [sflag:$0x2], $0x40, s5, s6, $0xb8;
	[tilespmem:$0x1FF00] =	vst v63  }
0x6ce: {  	_ =	swait.ge [sflag:s4], $0x2000  }
0x6cf: {  	[sflag:s4] =	ssyncset.done $0x0  }
0x6d0: {  	[sflag:s4] =	ssyncadd.s32 $0xFFFFE000  }
0x6d1: {  	[tilespmem:s3], [sflag:$0x1] =	stream.indirect.gather [spmem:s12], $0x40, s6, s6, $0xb8;
	[tilespmem:$0x1FF00] =	vst v63  }
0x6d2: {  	_ =	swait.ge [sflag:s8], $0x2000  }
0x6d3: {  	[sflag:s8] =	ssyncset.done $0x0  }
0x6d4: {  	[sflag:s8] =	ssyncadd.s32 $0xFFFFE000  }
0x6d5: {  	[spmem:s13] =	stream.indirect.scatter.add.f32 [tilespmem:s3], [sflag:$0x2], $0x40, s9, s6, $0xb8;
	[tilespmem:$0x1FF00] =	vst v63  }
0x6d6: {  	_ =	swait.ge [sflag:s4], $0x2000  }
0x6d7: {  	[sflag:s4] =	ssyncset.done $0x0  }
0x6d8: {  	[sflag:s4] =	ssyncadd.s32 $0xFFFFE000  }
0x6d9: {  	[tilespmem:s3], [sflag:$0x1] =	stream.indirect.gather [spmem:s12], $0x40, s10, s6, $0xb8;
	[tilespmem:$0x1FF00] =	vst v63  }
0x6da: {  	_ =	swait.ge [sflag:s8], $0x2000  }
0x6db: {  	[sflag:s8] =	ssyncset.done $0x0  }
0x6dc: {  	[sflag:s8] =	ssyncadd.s32 $0xFFFFE000  }
0x6dd: {  	[spmem:s13] =	stream.indirect.scatter.add.f32 [tilespmem:s3], [sflag:$0x2], $0x40, s11, s6, $0xb8;
	[tilespmem:$0x1FF00] =	vst v63  }
0x6de: {  	_ =	swait.ge [sflag:s4], $0x2000  }
0x6df: {  	[sflag:s4] =	ssyncset.done $0x0  }
0x6e0: {  	[sflag:s4] =	ssyncadd.s32 $0xFFFFE000  }
0x6e1: {  	[tilespmem:s3], [sflag:$0x1] =	stream.indirect.gather [spmem:s12], $0x40, s14, s6, $0xb8;
	[tilespmem:$0x1FF00] =	vst v63  }
0x6e2: {  	_ =	swait.ge [sflag:s8], $0x2000  }
0x6e3: {  	[sflag:s8] =	ssyncset.done $0x0  }
0x6e4: {  	[sflag:s8] =	ssyncadd.s32 $0xFFFFE000  }
0x6e5: {  	[spmem:s13] =	stream.indirect.scatter.add.f32 [tilespmem:s3], [sflag:$0x2], $0x40, s15, s6, $0xb8;
	[tilespmem:$0x1FF00] =	vst v63  }
0x6e6: {  	_ =	swait.ge [sflag:s4], $0x2000  }
0x6e7: {  	[sflag:s4] =	ssyncset.done $0x0  }
0x6e8: {  	[sflag:s4] =	ssyncadd.s32 $0xFFFFE000  }
0x6e9: {  	[tilespmem:s3], [sflag:$0x1] =	stream.indirect.gather [spmem:s12], $0x40, s16, s6, $0xb8;
	[tilespmem:$0x1FF00] =	vst v63  }
0x6ea: {  	_ =	swait.ge [sflag:s8], $0x2000  }
0x6eb: {  	[sflag:s8] =	ssyncset.done $0x0  }
0x6ec: {  	[sflag:s8] =	ssyncadd.s32 $0xFFFFE000  }
0x6ed: {  	[spmem:s13] =	stream.indirect.scatter.add.f32 [tilespmem:s3], [sflag:$0x2], $0x40, s18, s6, $0xb8;
	[tilespmem:$0x1FF00] =	vst v63  }
0x6ee: {  	_ =	swait.ge [sflag:s4], $0x2000  }
0x6ef: {  	[sflag:s4] =	ssyncset.done $0x0  }
0x6f0: {  	[sflag:s4] =	ssyncadd.s32 $0xFFFFE000  }
0x6f1: {  	s21 =	stileid.u32;
	[bflag:$0x0] =	sbarrier.arrive $0xFFFF  }
0x6f2: {  	s20 =	sshll.u32 s21, $0x6;
	s21 =	sld [smem:$0x7F3];
	_ =	sdelay $0x1  }
0x6f3: {  	s20 =	sor.u32 $0x1C02, s20  }
0x6f4: {  	[hbm:s21], [sflag:s20] =	dma.local [spmem:s26], $0x800  }
0x6f5: {  	_ =	swait.ge [sflag:s4], $0x800  }
0x6f6: {  	s22 =	sld [smem:$0x7F4]  }
0x6f7: {  	[sflag:s4] =	ssyncset.done $0x0  }
0x6f8: {  	s21 =	sshrl.u32 s23, $0x3;
	[sflag:s4] =	ssyncadd.s32 $0xFFFFF800  }
0x6f9: {  	[hbm:s22], [sflag:s20] =	dma.local [spmem:s21], $0x800  }
0x6fa: {  	_ =	swait.ge [sflag:s4], $0x800  }
0x6fb: {  	s22 =	sld [smem:$0x7F5]  }
0x6fc: {  	[sflag:s4] =	ssyncset.done $0x0  }
0x6fd: {  	s21 =	sshrl.u32 s24, $0x3;
	[sflag:s4] =	ssyncadd.s32 $0xFFFFF800  }
0x6fe: {  	[hbm:s22], [sflag:s20] =	dma.local [spmem:s21], $0x800  }
0x6ff: {  	_ =	swait.ge [sflag:s4], $0x800  }
0x700: {  	s22 =	sld [smem:$0x7F6]  }
0x701: {  	[sflag:s4] =	ssyncset.done $0x0  }
0x702: {  	s21 =	sshrl.u32 s25, $0x3;
	[sflag:s4] =	ssyncadd.s32 $0xFFFFF800  }
0x703: {  	[hbm:s22], [sflag:s20] =	dma.local [spmem:s21], $0x800  }
0x704: {  	_ =	swait.ge [sflag:s4], $0x800  }
0x705: {  	s22 =	sld [smem:$0x7F7]  }
0x706: {  	[sflag:s4] =	ssyncset.done $0x0  }
0x707: {  	[sflag:s4] =	ssyncadd.s32 $0xFFFFF800  }
0x708: {  	[hbm:s22], [sflag:s20] =	dma.local [spmem:s28], $0x800  }
0x709: {  	_ =	swait.ge [sflag:s4], $0x800  }
0x70a: {  	s22 =	sld [smem:$0x7F8];
	_ =	sdelay $0x1  }
0x70b: {  	s19 =	sadd.s32 $0x1, s19  }
0x70c: {  	p0 =	sne.s32 s19, s22  }
.Ltmp1:
0x70d: {  	_ = 	snop;
	(pc) =	sbr.rel @p0 .LBB2_1-.Ltmp1, $3  }
0x70e: {  	_ =	sdelay $0x1  }
0x70f: {  	[sflag:s4] =	ssyncset.done $0x0  }
0x710: {  	[sflag:s4] =	ssyncadd.s32 $0xFFFFF800  }
0x711: {  	_ =	sfence.sel $0x180000  }
0x712: {  	[bflag:$0x0] =	sbarrier.arrive $0xFFFF  }
0x713: {  	_ =	strace $0x90000047  }
0x714: {  	s0 =	stileid.u32;
	[bflag:$0x2] =	sbarrier.arrive $0xFFFF  }
0x715: {  	p0 =	sne.s32 s0, $0x0;
	s0 =	rddreg [dreg:$0x4]  }
0x716: {  	s0 =	sadd.s32 @!p0 $0x100000, s0  }
0x717: {  	[sflag:s0] =	ssyncadd.tile.s32 @!p0 $0x1;
	_ =	shalt  }
.Lfunc_end2:
_tile_overlayer_lowered:
.L_overlay_start_2:
0x718: {  	(tag) =	ssettag $0x2  }
0x719: {  	s0 =	rddreg [dreg:$0x0];
	s2 =	stileid.u32  }
0x71a: {  	s1 =	rddreg [dreg:$0x1];
	p0 =	sne.s32 s2, $0x0  }
0x71b: {  	s3 =	rddreg [dreg:$0x2];
	[bflag:$0x3] =	sbarrier.arrive $0xFFFF;
	s2 =	simm.s32 @!p0 $0x1C02  }
0x71c: {  	[timem:s3], [sflag:s2] =	dma.local @!p0 [hbm:s0], s1  }
0x71d: {  	s0 =	simm.s32 @!p0 $0x2  }
0x71e: {  	_ =	swait.ge @!p0 [sflag:s0], s1  }
0x71f: {  	s1 =	ssub.s32 @!p0 $0x0, s1;
	[sflag:s0] =	ssyncset.done @!p0 $0x0  }
0x720: {  	[sflag:s0] =	ssyncadd.s32 @!p0 s1  }
0x721: {  	[bflag:$0x3] =	sbarrier.arrive $0xFFFF  }
0x722: {  	_ =	shalt  }

</sc_bundles>
